<compile_context>
chip_gen: v7x
topology: tpu7x:2x2x1
jax: 0.10.2.dev20260603
libtpu: 0.0.44.dev20260713+nightly
codegen_flags: <defaults>
</compile_context>

<pallas_src>
import functools

import jax
import jax.numpy as jnp
from jax import lax
from jax.experimental import pallas as pl
from jax.experimental.pallas import tpu as pltpu
from jax.experimental.pallas import tpu_sc as plsc

_L = 16


def _corner_order():
    return [(dz, dy, dx) for dz in (0, 1) for dy in (0, 1) for dx in (0, 1)]


@functools.lru_cache(maxsize=None)
def _make_sc_sampler(P, C, S, NC, NS):
    NW = NC * NS
    PW = P // NW
    K = 32
    NB = PW // K
    NG = (8 * K) // 128
    R = 8 * K
    corners = _corner_order()
    offs = [((dz * S + dy) * S + dx) for (dz, dy, dx) in corners]

    mesh = plsc.VectorSubcoreMesh(core_axis_name="c", subcore_axis_name="s")

    @functools.partial(
        pl.kernel,
        out_type=jax.ShapeDtypeStruct((P, C), jnp.float32),
        mesh=mesh,
        compiler_params=pltpu.CompilerParams(needs_layout_passes=False),
        scratch_types=[
            pltpu.VMEM((PW,), jnp.float32),
            pltpu.VMEM((PW,), jnp.float32),
            pltpu.VMEM((PW,), jnp.float32),
            pltpu.VMEM((2 * NG, 128), jnp.int32),
            pltpu.VMEM((2 * K, _L), jnp.float32),
            pltpu.VMEM((2 * R, C), jnp.float32),
            pltpu.VMEM((2 * K, C), jnp.float32),
            pltpu.SemaphoreType.DMA,
            pltpu.SemaphoreType.DMA,
            pltpu.SemaphoreType.DMA,
            pltpu.SemaphoreType.DMA,
        ],
    )
    def sampler(px_hbm, py_hbm, pz_hbm, table_hbm, out_hbm,
                px_v, py_v, pz_v, idx_v, w_v, rows_v, out_v,
                sem_g0, sem_g1, sem_o0, sem_o1):
        sem_g = (sem_g0, sem_g1)
        sem_o = (sem_o0, sem_o1)
        wid = lax.axis_index("s") * NC + lax.axis_index("c")
        base = wid * PW
        pltpu.sync_copy(px_hbm.at[pl.ds(base, PW)], px_v)
        pltpu.sync_copy(py_hbm.at[pl.ds(base, PW)], py_v)
        pltpu.sync_copy(pz_hbm.at[pl.ds(base, PW)], pz_v)

        def coord(g):
            x = ((g + 1.0) * S - 1.0) * 0.5
            x = jnp.minimum(jnp.maximum(x, 0.0), S - 1.0)
            xi = jnp.minimum(x.astype(jnp.int32), S - 2)
            return xi, x - xi.astype(jnp.float32)

        def prep(b, d):
            off = b * K
            for s in range(0, K, _L):
                pvec = s + lax.iota(jnp.int32, _L)
                gx = px_v[pl.ds(off + s, _L)]
                gy = py_v[pl.ds(off + s, _L)]
                gz = pz_v[pl.ds(off + s, _L)]
                xi, tx = coord(gx)
                yi, ty = coord(gy)
                zi, tz = coord(gz)
                lin = (zi * S + yi) * S + xi
                wx = (1.0 - tx, tx)
                wy = (1.0 - ty, ty)
                wz = (1.0 - tz, tz)
                for j, (dz, dy, dx) in enumerate(corners):
                    q = j * K + s
                    idx_v[d * NG + q // 128, pl.ds(q % 128, _L)] = lin + offs[j]
                    plsc.store_scatter(
                        w_v, [d * K + pvec, jnp.full((_L,), j, jnp.int32)],
                        wz[dz] * wy[dy] * wx[dx])

        def gather_copies(d):
            return [
                pltpu.make_async_copy(
                    table_hbm.at[idx_v.at[d * NG + g]],
                    rows_v.at[pl.ds(d * R + g * 128, 128)], sem_g[d])
                for g in range(NG)
            ]

        def fire_gather(d):
            for cp in gather_copies(d):
                cp.start()

        def wait_gather(d):
            for cp in gather_copies(d):
                cp.wait()

        def out_copy(b, d):
            return pltpu.make_async_copy(
                out_v.at[pl.ds(d * K, K)],
                out_hbm.at[pl.ds(base + b * K, K)], sem_o[d])

        def combine(d):
            @plsc.parallel_loop(0, K, step=1, unroll=2)
            def _combine(p):
                w16 = w_v[d * K + p, :]
                wj = [
                    jnp.take_along_axis(
                        w16, jnp.full((_L,), j, jnp.int32), axis=0,
                        mode="promise_in_bounds")
                    for j in range(8)
                ]
                for cc in range(0, C, _L):
                    acc = wj[0] * rows_v[d * R + p, pl.ds(cc, _L)]
                    for j in range(1, 8):
                        acc = acc + wj[j] * rows_v[d * R + j * K + p,
                                                   pl.ds(cc, _L)]
                    out_v[d * K + p, pl.ds(cc, _L)] = acc

        prep(0, 0)
        fire_gather(0)

        def body(i, carry):
            for d in (0, 1):
                b = 2 * i + d
                nb = b + 1

                @pl.when(nb < NB)
                def _():
                    prep(nb, 1 - d)
                    fire_gather(1 - d)

                wait_gather(d)

                @pl.when(b >= 2)
                def _():
                    out_copy(b - 2, d).wait()

                combine(d)
                out_copy(b, d).start()
            return carry

        lax.fori_loop(0, NB // 2, body, 0)
        out_copy(NB - 2, 0).wait()
        out_copy(NB - 1, 1).wait()

    return sampler


def kernel(points, emb, x_scale, y_scale, z_scale):
    b, n, _ = points.shape
    c, s = emb.shape[1], emb.shape[2]
    xyz_scale = jnp.asarray([x_scale, y_scale, z_scale], dtype=points.dtype)
    pts = (points * xyz_scale).reshape(b * n, 3)
    px = pts[:, 0]
    py = pts[:, 1]
    pz = pts[:, 2]
    table = emb[0].reshape(c, s * s * s).T
    info = plsc.get_sparse_core_info()
    sampler = _make_sc_sampler(b * n, c, s, info.num_cores, info.num_subcores)
    out = sampler(px, py, pz, table)
    return out.reshape(b, n, c)

# --- scband reference (transcript-rebuilt; emitter-appended) ---
"""Pipeline reference for scband-embedding3-d-34445637714471 (READ-ONLY COPY).

The authoritative reference and input builder live on the scoring server;
editing this copy changes nothing except your own understanding.
"""

import jax, jax.numpy as jnp
import numpy as np

B, N, C, S = 8, 32768, 128, 64


def _grid_sample_3d_border(emb, pts):
    # emb: (b, C, D, H, W); pts: (b, n, 3) with xyz in normalized coords
    b, c, D, H, W = emb.shape
    gx = pts[..., 0]
    gy = pts[..., 1]
    gz = pts[..., 2]
    # unnormalize, align_corners=False
    x = ((gx + 1.0) * W - 1.0) / 2.0
    y = ((gy + 1.0) * H - 1.0) / 2.0
    z = ((gz + 1.0) * D - 1.0) / 2.0
    # padding_mode='border': clip coordinates before interpolation
    x = jnp.clip(x, 0.0, W - 1.0)
    y = jnp.clip(y, 0.0, H - 1.0)
    z = jnp.clip(z, 0.0, D - 1.0)
    x0 = jnp.floor(x)
    y0 = jnp.floor(y)
    z0 = jnp.floor(z)
    wx = (x - x0)[:, None, :]
    wy = (y - y0)[:, None, :]
    wz = (z - z0)[:, None, :]
    x0i = jnp.clip(x0.astype(jnp.int32), 0, W - 1)
    y0i = jnp.clip(y0.astype(jnp.int32), 0, H - 1)
    z0i = jnp.clip(z0.astype(jnp.int32), 0, D - 1)
    x1i = jnp.clip(x0i + 1, 0, W - 1)
    y1i = jnp.clip(y0i + 1, 0, H - 1)
    z1i = jnp.clip(z0i + 1, 0, D - 1)
    ef = emb.reshape(b, c, D * H * W)

    def gather(zi, yi, xi):
        lin = (zi * H + yi) * W + xi  # (b, n)
        return jnp.take_along_axis(ef, lin[:, None, :], axis=2)  # (b, c, n)

    c000 = gather(z0i, y0i, x0i)
    c001 = gather(z0i, y0i, x1i)
    c010 = gather(z0i, y1i, x0i)
    c011 = gather(z0i, y1i, x1i)
    c100 = gather(z1i, y0i, x0i)
    c101 = gather(z1i, y0i, x1i)
    c110 = gather(z1i, y1i, x0i)
    c111 = gather(z1i, y1i, x1i)
    out = (c000 * (1 - wz) * (1 - wy) * (1 - wx)
           + c001 * (1 - wz) * (1 - wy) * wx
           + c010 * (1 - wz) * wy * (1 - wx)
           + c011 * (1 - wz) * wy * wx
           + c100 * wz * (1 - wy) * (1 - wx)
           + c101 * wz * (1 - wy) * wx
           + c110 * wz * wy * (1 - wx)
           + c111 * wz * wy * wx)
    return out  # (b, c, n)


def setup_inputs(seed: int = 0) -> dict:
    key = jax.random.key(seed)
    k1, k2 = jax.random.split(key)
    points = jax.random.normal(k1, (B, N, 3), dtype=jnp.float32)
    emb = jax.random.normal(k2, (1, C, S, S, S), dtype=jnp.float32)
    return {"points": points, "emb": emb, "x_scale": 1, "y_scale": 1, "z_scale": 1}


def reference(points, emb, x_scale, y_scale, z_scale):
    b = points.shape[0]
    embb = jnp.broadcast_to(emb, (b,) + emb.shape[1:])
    xyz_scale = jnp.asarray([x_scale, y_scale, z_scale], dtype=points.dtype)
    pts = points * xyz_scale
    out = _grid_sample_3d_border(embb, pts)  # (b, C, n)
    return jnp.transpose(out, (0, 2, 1))  # (b, n, C)

if __name__ == "__main__":
    import jax
    _d = setup_inputs()
    print(jax.jit(kernel)(*tuple(_d.values())))

</pallas_src>

<mosaic_0001>
#map = affine_map<(d0, d1) -> (0)>
#map1 = affine_map<(d0, d1) -> (0, 0)>
module attributes {stable_mosaic.version = 14 : i64} {
  func.func @sampler(%arg0: i32, %arg1: i32, %arg2: memref<262144xf32, #tpu.memory_space<hbm>>, %arg3: memref<262144xf32, #tpu.memory_space<hbm>>, %arg4: memref<262144xf32, #tpu.memory_space<hbm>>, %arg5: memref<262144x128xf32, #tpu.memory_space<hbm>>, %arg6: memref<262144x128xf32, #tpu.memory_space<hbm>>, %arg7: memref<8192xf32, #tpu.memory_space<vmem>>, %arg8: memref<8192xf32, #tpu.memory_space<vmem>>, %arg9: memref<8192xf32, #tpu.memory_space<vmem>>, %arg10: memref<4x128xi32, #tpu.memory_space<vmem>>, %arg11: memref<64x16xf32, #tpu.memory_space<vmem>>, %arg12: memref<512x128xf32, #tpu.memory_space<vmem>>, %arg13: memref<64x128xf32, #tpu.memory_space<vmem>>, %arg14: memref<!tpu.dma_semaphore, #tpu.memory_space<semaphore_mem>>, %arg15: memref<!tpu.dma_semaphore, #tpu.memory_space<semaphore_mem>>, %arg16: memref<!tpu.dma_semaphore, #tpu.memory_space<semaphore_mem>>, %arg17: memref<!tpu.dma_semaphore, #tpu.memory_space<semaphore_mem>>) attributes {dimension_semantics = [#tpu.dimension_semantics<core_parallel>, #tpu.dimension_semantics<subcore_parallel>], iteration_bounds = array<i64: 2, 16>, scalar_prefetch = 0 : i64, scratch_operands = 11 : i64, tpu.core_type = #tpu.core_type<sc_vector_subcore>, window_params = [{transform_indices = #map}, {transform_indices = #map}, {transform_indices = #map}, {transform_indices = #map1}, {transform_indices = #map1}]} {
    %mul3A = arith.constant 2 : i32
    %mul3A_0 = arith.muli %arg1, %mul3A : i32
    %add3A = arith.addi %mul3A_0, %arg0 : i32
    %mul3A_1 = arith.constant 8192 : i32
    %mul3A_2 = arith.muli %add3A, %mul3A_1 : i32
    "tpu.region"() ({
      %run_scoped3A = tpu.sem_alloc : memref<!tpu.dma_semaphore, #tpu.memory_space<semaphore_mem>>
      %dma_start3A_464 = tpu.memref_slice %arg2[%mul3A_2] : memref<262144xf32, #tpu.memory_space<hbm>> -> memref<8192xf32, #tpu.memory_space<hbm>>
      %dma_start3A_465 = tpu.memref_slice %arg2[%mul3A_2] : memref<262144xf32, #tpu.memory_space<hbm>> -> memref<8192xf32, #tpu.memory_space<hbm>>
      tpu.enqueue_dma source(%dma_start3A_465 : memref<8192xf32, #tpu.memory_space<hbm>>) target(%arg7 : memref<8192xf32, #tpu.memory_space<vmem>>) target_semaphore(%run_scoped3A : memref<!tpu.dma_semaphore, #tpu.memory_space<semaphore_mem>>)
      %dma_wait3A_466 = tpu.memref_slice %arg2[%mul3A_2] : memref<262144xf32, #tpu.memory_space<hbm>> -> memref<8192xf32, #tpu.memory_space<hbm>>
      %dma_wait3A_467 = tpu.memref_slice %arg2[%mul3A_2] : memref<262144xf32, #tpu.memory_space<hbm>> -> memref<8192xf32, #tpu.memory_space<hbm>>
      tpu.wait_dma2 semaphore(%run_scoped3A : memref<!tpu.dma_semaphore, #tpu.memory_space<semaphore_mem>>) src(%dma_wait3A_467 : memref<8192xf32, #tpu.memory_space<hbm>>) dst(%arg7 : memref<8192xf32, #tpu.memory_space<vmem>>)
      tpu.yield
    }) : () -> ()
    "tpu.region"() ({
      %run_scoped3A = tpu.sem_alloc : memref<!tpu.dma_semaphore, #tpu.memory_space<semaphore_mem>>
      %dma_start3A_464 = tpu.memref_slice %arg3[%mul3A_2] : memref<262144xf32, #tpu.memory_space<hbm>> -> memref<8192xf32, #tpu.memory_space<hbm>>
      %dma_start3A_465 = tpu.memref_slice %arg3[%mul3A_2] : memref<262144xf32, #tpu.memory_space<hbm>> -> memref<8192xf32, #tpu.memory_space<hbm>>
      tpu.enqueue_dma source(%dma_start3A_465 : memref<8192xf32, #tpu.memory_space<hbm>>) target(%arg8 : memref<8192xf32, #tpu.memory_space<vmem>>) target_semaphore(%run_scoped3A : memref<!tpu.dma_semaphore, #tpu.memory_space<semaphore_mem>>)
      %dma_wait3A_466 = tpu.memref_slice %arg3[%mul3A_2] : memref<262144xf32, #tpu.memory_space<hbm>> -> memref<8192xf32, #tpu.memory_space<hbm>>
      %dma_wait3A_467 = tpu.memref_slice %arg3[%mul3A_2] : memref<262144xf32, #tpu.memory_space<hbm>> -> memref<8192xf32, #tpu.memory_space<hbm>>
      tpu.wait_dma2 semaphore(%run_scoped3A : memref<!tpu.dma_semaphore, #tpu.memory_space<semaphore_mem>>) src(%dma_wait3A_467 : memref<8192xf32, #tpu.memory_space<hbm>>) dst(%arg8 : memref<8192xf32, #tpu.memory_space<vmem>>)
      tpu.yield
    }) : () -> ()
    "tpu.region"() ({
      %run_scoped3A = tpu.sem_alloc : memref<!tpu.dma_semaphore, #tpu.memory_space<semaphore_mem>>
      %dma_start3A_464 = tpu.memref_slice %arg4[%mul3A_2] : memref<262144xf32, #tpu.memory_space<hbm>> -> memref<8192xf32, #tpu.memory_space<hbm>>
      %dma_start3A_465 = tpu.memref_slice %arg4[%mul3A_2] : memref<262144xf32, #tpu.memory_space<hbm>> -> memref<8192xf32, #tpu.memory_space<hbm>>
      tpu.enqueue_dma source(%dma_start3A_465 : memref<8192xf32, #tpu.memory_space<hbm>>) target(%arg9 : memref<8192xf32, #tpu.memory_space<vmem>>) target_semaphore(%run_scoped3A : memref<!tpu.dma_semaphore, #tpu.memory_space<semaphore_mem>>)
      %dma_wait3A_466 = tpu.memref_slice %arg4[%mul3A_2] : memref<262144xf32, #tpu.memory_space<hbm>> -> memref<8192xf32, #tpu.memory_space<hbm>>
      %dma_wait3A_467 = tpu.memref_slice %arg4[%mul3A_2] : memref<262144xf32, #tpu.memory_space<hbm>> -> memref<8192xf32, #tpu.memory_space<hbm>>
      tpu.wait_dma2 semaphore(%run_scoped3A : memref<!tpu.dma_semaphore, #tpu.memory_space<semaphore_mem>>) src(%dma_wait3A_467 : memref<8192xf32, #tpu.memory_space<hbm>>) dst(%arg9 : memref<8192xf32, #tpu.memory_space<vmem>>)
      tpu.yield
    }) : () -> ()
    %iota3A = tpu.iota {dimensions = array<i32: 0>} : vector<16xi32>
    %add3A_3 = arith.constant 0 : i32
    %add3A_4 = vector.broadcast %add3A_3 : i32 to vector<16xi32>
    %add3A_5 = arith.addi %add3A_4, %iota3A : vector<16xi32>
    %get3A = arith.constant 0 : index
    %get3A_6 = tpu.vector_load %arg7[%get3A] {strides = array<i32>} : memref<8192xf32, #tpu.memory_space<vmem>>, vector<16xf32>,
    %get3A_7 = arith.constant 0 : index
    %get3A_8 = tpu.vector_load %arg8[%get3A_7] {strides = array<i32>} : memref<8192xf32, #tpu.memory_space<vmem>>, vector<16xf32>,
    %get3A_9 = arith.constant 0 : index
    %get3A_10 = tpu.vector_load %arg9[%get3A_9] {strides = array<i32>} : memref<8192xf32, #tpu.memory_space<vmem>>, vector<16xf32>,
    %add3A_11 = arith.constant 1.000000e+00 : f32
    %add3A_12 = vector.broadcast %add3A_11 : f32 to vector<16xf32>
    %add3A_13 = arith.addf %get3A_6, %add3A_12 : vector<16xf32>
    %mul3A_14 = arith.constant 6.400000e+01 : f32
    %mul3A_15 = vector.broadcast %mul3A_14 : f32 to vector<16xf32>
    %mul3A_16 = arith.mulf %add3A_13, %mul3A_15 : vector<16xf32>
    %sub3A = arith.constant 1.000000e+00 : f32
    %sub3A_17 = vector.broadcast %sub3A : f32 to vector<16xf32>
    %sub3A_18 = arith.subf %mul3A_16, %sub3A_17 : vector<16xf32>
    %mul3A_19 = arith.constant 5.000000e-01 : f32
    %mul3A_20 = vector.broadcast %mul3A_19 : f32 to vector<16xf32>
    %mul3A_21 = arith.mulf %sub3A_18, %mul3A_20 : vector<16xf32>
    %max3A = arith.constant 0.000000e+00 : f32
    %max3A_22 = vector.broadcast %max3A : f32 to vector<16xf32>
    %max3A_23 = arith.maximumf %mul3A_21, %max3A_22 : vector<16xf32>
    %min3A = arith.constant 6.300000e+01 : f32
    %min3A_24 = vector.broadcast %min3A : f32 to vector<16xf32>
    %min3A_25 = arith.minimumf %max3A_23, %min3A_24 : vector<16xf32>
    %convert_element_type3A = arith.fptosi %min3A_25 : vector<16xf32> to vector<16xi32>
    %min3A_26 = arith.constant 62 : i32
    %min3A_27 = vector.broadcast %min3A_26 : i32 to vector<16xi32>
    %min3A_28 = arith.minsi %convert_element_type3A, %min3A_27 : vector<16xi32>
    %convert_element_type3A_29 = arith.sitofp %min3A_28 : vector<16xi32> to vector<16xf32>
    %sub3A_30 = arith.subf %min3A_25, %convert_element_type3A_29 : vector<16xf32>
    %add3A_31 = arith.constant 1.000000e+00 : f32
    %add3A_32 = vector.broadcast %add3A_31 : f32 to vector<16xf32>
    %add3A_33 = arith.addf %get3A_8, %add3A_32 : vector<16xf32>
    %mul3A_34 = arith.constant 6.400000e+01 : f32
    %mul3A_35 = vector.broadcast %mul3A_34 : f32 to vector<16xf32>
    %mul3A_36 = arith.mulf %add3A_33, %mul3A_35 : vector<16xf32>
    %sub3A_37 = arith.constant 1.000000e+00 : f32
    %sub3A_38 = vector.broadcast %sub3A_37 : f32 to vector<16xf32>
    %sub3A_39 = arith.subf %mul3A_36, %sub3A_38 : vector<16xf32>
    %mul3A_40 = arith.constant 5.000000e-01 : f32
    %mul3A_41 = vector.broadcast %mul3A_40 : f32 to vector<16xf32>
    %mul3A_42 = arith.mulf %sub3A_39, %mul3A_41 : vector<16xf32>
    %max3A_43 = arith.constant 0.000000e+00 : f32
    %max3A_44 = vector.broadcast %max3A_43 : f32 to vector<16xf32>
    %max3A_45 = arith.maximumf %mul3A_42, %max3A_44 : vector<16xf32>
    %min3A_46 = arith.constant 6.300000e+01 : f32
    %min3A_47 = vector.broadcast %min3A_46 : f32 to vector<16xf32>
    %min3A_48 = arith.minimumf %max3A_45, %min3A_47 : vector<16xf32>
    %convert_element_type3A_49 = arith.fptosi %min3A_48 : vector<16xf32> to vector<16xi32>
    %min3A_50 = arith.constant 62 : i32
    %min3A_51 = vector.broadcast %min3A_50 : i32 to vector<16xi32>
    %min3A_52 = arith.minsi %convert_element_type3A_49, %min3A_51 : vector<16xi32>
    %convert_element_type3A_53 = arith.sitofp %min3A_52 : vector<16xi32> to vector<16xf32>
    %sub3A_54 = arith.subf %min3A_48, %convert_element_type3A_53 : vector<16xf32>
    %add3A_55 = arith.constant 1.000000e+00 : f32
    %add3A_56 = vector.broadcast %add3A_55 : f32 to vector<16xf32>
    %add3A_57 = arith.addf %get3A_10, %add3A_56 : vector<16xf32>
    %mul3A_58 = arith.constant 6.400000e+01 : f32
    %mul3A_59 = vector.broadcast %mul3A_58 : f32 to vector<16xf32>
    %mul3A_60 = arith.mulf %add3A_57, %mul3A_59 : vector<16xf32>
    %sub3A_61 = arith.constant 1.000000e+00 : f32
    %sub3A_62 = vector.broadcast %sub3A_61 : f32 to vector<16xf32>
    %sub3A_63 = arith.subf %mul3A_60, %sub3A_62 : vector<16xf32>
    %mul3A_64 = arith.constant 5.000000e-01 : f32
    %mul3A_65 = vector.broadcast %mul3A_64 : f32 to vector<16xf32>
    %mul3A_66 = arith.mulf %sub3A_63, %mul3A_65 : vector<16xf32>
    %max3A_67 = arith.constant 0.000000e+00 : f32
    %max3A_68 = vector.broadcast %max3A_67 : f32 to vector<16xf32>
    %max3A_69 = arith.maximumf %mul3A_66, %max3A_68 : vector<16xf32>
    %min3A_70 = arith.constant 6.300000e+01 : f32
    %min3A_71 = vector.broadcast %min3A_70 : f32 to vector<16xf32>
    %min3A_72 = arith.minimumf %max3A_69, %min3A_71 : vector<16xf32>
    %convert_element_type3A_73 = arith.fptosi %min3A_72 : vector<16xf32> to vector<16xi32>
    %min3A_74 = arith.constant 62 : i32
    %min3A_75 = vector.broadcast %min3A_74 : i32 to vector<16xi32>
    %min3A_76 = arith.minsi %convert_element_type3A_73, %min3A_75 : vector<16xi32>
    %convert_element_type3A_77 = arith.sitofp %min3A_76 : vector<16xi32> to vector<16xf32>
    %sub3A_78 = arith.subf %min3A_72, %convert_element_type3A_77 : vector<16xf32>
    %mul3A_79 = arith.constant 64 : i32
    %mul3A_80 = vector.broadcast %mul3A_79 : i32 to vector<16xi32>
    %mul3A_81 = arith.muli %min3A_76, %mul3A_80 : vector<16xi32>
    %add3A_82 = arith.addi %mul3A_81, %min3A_52 : vector<16xi32>
    %mul3A_83 = arith.constant 64 : i32
    %mul3A_84 = vector.broadcast %mul3A_83 : i32 to vector<16xi32>
    %mul3A_85 = arith.muli %add3A_82, %mul3A_84 : vector<16xi32>
    %add3A_86 = arith.addi %mul3A_85, %min3A_28 : vector<16xi32>
    %sub3A_87 = arith.constant 1.000000e+00 : f32
    %sub3A_88 = vector.broadcast %sub3A_87 : f32 to vector<16xf32>
    %sub3A_89 = arith.subf %sub3A_88, %sub3A_30 : vector<16xf32>
    %sub3A_90 = arith.constant 1.000000e+00 : f32
    %sub3A_91 = vector.broadcast %sub3A_90 : f32 to vector<16xf32>
    %sub3A_92 = arith.subf %sub3A_91, %sub3A_54 : vector<16xf32>
    %sub3A_93 = arith.constant 1.000000e+00 : f32
    %sub3A_94 = vector.broadcast %sub3A_93 : f32 to vector<16xf32>
    %sub3A_95 = arith.subf %sub3A_94, %sub3A_78 : vector<16xf32>
    %add3A_96 = arith.constant 0 : i32
    %add3A_97 = vector.broadcast %add3A_96 : i32 to vector<16xi32>
    %add3A_98 = arith.addi %add3A_86, %add3A_97 : vector<16xi32>
    %swap3A = arith.constant 0 : i32
    %swap3A_99 = arith.index_cast %swap3A : i32 to index
    %swap3A_100 = arith.constant 0 : index
    %swap3A_101 = tpu.vector_load %arg10[%swap3A_99, %swap3A_100] {strides = array<i32>} : memref<4x128xi32, #tpu.memory_space<vmem>>, vector<16xi32>,
    tpu.vector_store %arg10[%swap3A_99, %swap3A_100], %add3A_98 {strides = array<i32>} : memref<4x128xi32, #tpu.memory_space<vmem>>, vector<16xi32>,
    %add3A_102 = arith.constant 0 : i32
    %add3A_103 = vector.broadcast %add3A_102 : i32 to vector<16xi32>
    %add3A_104 = arith.addi %add3A_103, %add3A_5 : vector<16xi32>
    %broadcast_in_dim3A = arith.constant 0 : i32
    %broadcast_in_dim3A_105 = vector.broadcast %broadcast_in_dim3A : i32 to vector<16xi32>
    %mul3A_106 = arith.mulf %sub3A_95, %sub3A_92 : vector<16xf32>
    %mul3A_107 = arith.mulf %mul3A_106, %sub3A_89 : vector<16xf32>
    tpu.vector_store_idx %arg11[%add3A_104, %broadcast_in_dim3A_105], %mul3A_107 : memref<64x16xf32, #tpu.memory_space<vmem>>[vector<16xi32>, vector<16xi32>], vector<16xf32>,
    %add3A_108 = arith.constant 1 : i32
    %add3A_109 = vector.broadcast %add3A_108 : i32 to vector<16xi32>
    %add3A_110 = arith.addi %add3A_86, %add3A_109 : vector<16xi32>
    %swap3A_111 = arith.constant 0 : i32
    %swap3A_112 = arith.index_cast %swap3A_111 : i32 to index
    %swap3A_113 = arith.constant 32 : index
    %swap3A_114 = tpu.vector_load %arg10[%swap3A_112, %swap3A_113] {strides = array<i32>} : memref<4x128xi32, #tpu.memory_space<vmem>>, vector<16xi32>,
    tpu.vector_store %arg10[%swap3A_112, %swap3A_113], %add3A_110 {strides = array<i32>} : memref<4x128xi32, #tpu.memory_space<vmem>>, vector<16xi32>,
    %add3A_115 = arith.constant 0 : i32
    %add3A_116 = vector.broadcast %add3A_115 : i32 to vector<16xi32>
    %add3A_117 = arith.addi %add3A_116, %add3A_5 : vector<16xi32>
    %broadcast_in_dim3A_118 = arith.constant 1 : i32
    %broadcast_in_dim3A_119 = vector.broadcast %broadcast_in_dim3A_118 : i32 to vector<16xi32>
    %mul3A_120 = arith.mulf %sub3A_95, %sub3A_92 : vector<16xf32>
    %mul3A_121 = arith.mulf %mul3A_120, %sub3A_30 : vector<16xf32>
    tpu.vector_store_idx %arg11[%add3A_117, %broadcast_in_dim3A_119], %mul3A_121 : memref<64x16xf32, #tpu.memory_space<vmem>>[vector<16xi32>, vector<16xi32>], vector<16xf32>,
    %add3A_122 = arith.constant 64 : i32
    %add3A_123 = vector.broadcast %add3A_122 : i32 to vector<16xi32>
    %add3A_124 = arith.addi %add3A_86, %add3A_123 : vector<16xi32>
    %swap3A_125 = arith.constant 0 : i32
    %swap3A_126 = arith.index_cast %swap3A_125 : i32 to index
    %swap3A_127 = arith.constant 64 : index
    %swap3A_128 = tpu.vector_load %arg10[%swap3A_126, %swap3A_127] {strides = array<i32>} : memref<4x128xi32, #tpu.memory_space<vmem>>, vector<16xi32>,
    tpu.vector_store %arg10[%swap3A_126, %swap3A_127], %add3A_124 {strides = array<i32>} : memref<4x128xi32, #tpu.memory_space<vmem>>, vector<16xi32>,
    %add3A_129 = arith.constant 0 : i32
    %add3A_130 = vector.broadcast %add3A_129 : i32 to vector<16xi32>
    %add3A_131 = arith.addi %add3A_130, %add3A_5 : vector<16xi32>
    %broadcast_in_dim3A_132 = arith.constant 2 : i32
    %broadcast_in_dim3A_133 = vector.broadcast %broadcast_in_dim3A_132 : i32 to vector<16xi32>
    %mul3A_134 = arith.mulf %sub3A_95, %sub3A_54 : vector<16xf32>
    %mul3A_135 = arith.mulf %mul3A_134, %sub3A_89 : vector<16xf32>
    tpu.vector_store_idx %arg11[%add3A_131, %broadcast_in_dim3A_133], %mul3A_135 : memref<64x16xf32, #tpu.memory_space<vmem>>[vector<16xi32>, vector<16xi32>], vector<16xf32>,
    %add3A_136 = arith.constant 65 : i32
    %add3A_137 = vector.broadcast %add3A_136 : i32 to vector<16xi32>
    %add3A_138 = arith.addi %add3A_86, %add3A_137 : vector<16xi32>
    %swap3A_139 = arith.constant 0 : i32
    %swap3A_140 = arith.index_cast %swap3A_139 : i32 to index
    %swap3A_141 = arith.constant 96 : index
    %swap3A_142 = tpu.vector_load %arg10[%swap3A_140, %swap3A_141] {strides = array<i32>} : memref<4x128xi32, #tpu.memory_space<vmem>>, vector<16xi32>,
    tpu.vector_store %arg10[%swap3A_140, %swap3A_141], %add3A_138 {strides = array<i32>} : memref<4x128xi32, #tpu.memory_space<vmem>>, vector<16xi32>,
    %add3A_143 = arith.constant 0 : i32
    %add3A_144 = vector.broadcast %add3A_143 : i32 to vector<16xi32>
    %add3A_145 = arith.addi %add3A_144, %add3A_5 : vector<16xi32>
    %broadcast_in_dim3A_146 = arith.constant 3 : i32
    %broadcast_in_dim3A_147 = vector.broadcast %broadcast_in_dim3A_146 : i32 to vector<16xi32>
    %mul3A_148 = arith.mulf %sub3A_95, %sub3A_54 : vector<16xf32>
    %mul3A_149 = arith.mulf %mul3A_148, %sub3A_30 : vector<16xf32>
    tpu.vector_store_idx %arg11[%add3A_145, %broadcast_in_dim3A_147], %mul3A_149 : memref<64x16xf32, #tpu.memory_space<vmem>>[vector<16xi32>, vector<16xi32>], vector<16xf32>,
    %add3A_150 = arith.constant 4096 : i32
    %add3A_151 = vector.broadcast %add3A_150 : i32 to vector<16xi32>
    %add3A_152 = arith.addi %add3A_86, %add3A_151 : vector<16xi32>
    %swap3A_153 = arith.constant 1 : i32
    %swap3A_154 = arith.index_cast %swap3A_153 : i32 to index
    %swap3A_155 = arith.constant 0 : index
    %swap3A_156 = tpu.vector_load %arg10[%swap3A_154, %swap3A_155] {strides = array<i32>} : memref<4x128xi32, #tpu.memory_space<vmem>>, vector<16xi32>,
    tpu.vector_store %arg10[%swap3A_154, %swap3A_155], %add3A_152 {strides = array<i32>} : memref<4x128xi32, #tpu.memory_space<vmem>>, vector<16xi32>,
    %add3A_157 = arith.constant 0 : i32
    %add3A_158 = vector.broadcast %add3A_157 : i32 to vector<16xi32>
    %add3A_159 = arith.addi %add3A_158, %add3A_5 : vector<16xi32>
    %broadcast_in_dim3A_160 = arith.constant 4 : i32
    %broadcast_in_dim3A_161 = vector.broadcast %broadcast_in_dim3A_160 : i32 to vector<16xi32>
    %mul3A_162 = arith.mulf %sub3A_78, %sub3A_92 : vector<16xf32>
    %mul3A_163 = arith.mulf %mul3A_162, %sub3A_89 : vector<16xf32>
    tpu.vector_store_idx %arg11[%add3A_159, %broadcast_in_dim3A_161], %mul3A_163 : memref<64x16xf32, #tpu.memory_space<vmem>>[vector<16xi32>, vector<16xi32>], vector<16xf32>,
    %add3A_164 = arith.constant 4097 : i32
    %add3A_165 = vector.broadcast %add3A_164 : i32 to vector<16xi32>
    %add3A_166 = arith.addi %add3A_86, %add3A_165 : vector<16xi32>
    %swap3A_167 = arith.constant 1 : i32
    %swap3A_168 = arith.index_cast %swap3A_167 : i32 to index
    %swap3A_169 = arith.constant 32 : index
    %swap3A_170 = tpu.vector_load %arg10[%swap3A_168, %swap3A_169] {strides = array<i32>} : memref<4x128xi32, #tpu.memory_space<vmem>>, vector<16xi32>,
    tpu.vector_store %arg10[%swap3A_168, %swap3A_169], %add3A_166 {strides = array<i32>} : memref<4x128xi32, #tpu.memory_space<vmem>>, vector<16xi32>,
    %add3A_171 = arith.constant 0 : i32
    %add3A_172 = vector.broadcast %add3A_171 : i32 to vector<16xi32>
    %add3A_173 = arith.addi %add3A_172, %add3A_5 : vector<16xi32>
    %broadcast_in_dim3A_174 = arith.constant 5 : i32
    %broadcast_in_dim3A_175 = vector.broadcast %broadcast_in_dim3A_174 : i32 to vector<16xi32>
    %mul3A_176 = arith.mulf %sub3A_78, %sub3A_92 : vector<16xf32>
    %mul3A_177 = arith.mulf %mul3A_176, %sub3A_30 : vector<16xf32>
    tpu.vector_store_idx %arg11[%add3A_173, %broadcast_in_dim3A_175], %mul3A_177 : memref<64x16xf32, #tpu.memory_space<vmem>>[vector<16xi32>, vector<16xi32>], vector<16xf32>,
    %add3A_178 = arith.constant 4160 : i32
    %add3A_179 = vector.broadcast %add3A_178 : i32 to vector<16xi32>
    %add3A_180 = arith.addi %add3A_86, %add3A_179 : vector<16xi32>
    %swap3A_181 = arith.constant 1 : i32
    %swap3A_182 = arith.index_cast %swap3A_181 : i32 to index
    %swap3A_183 = arith.constant 64 : index
    %swap3A_184 = tpu.vector_load %arg10[%swap3A_182, %swap3A_183] {strides = array<i32>} : memref<4x128xi32, #tpu.memory_space<vmem>>, vector<16xi32>,
    tpu.vector_store %arg10[%swap3A_182, %swap3A_183], %add3A_180 {strides = array<i32>} : memref<4x128xi32, #tpu.memory_space<vmem>>, vector<16xi32>,
    %add3A_185 = arith.constant 0 : i32
    %add3A_186 = vector.broadcast %add3A_185 : i32 to vector<16xi32>
    %add3A_187 = arith.addi %add3A_186, %add3A_5 : vector<16xi32>
    %broadcast_in_dim3A_188 = arith.constant 6 : i32
    %broadcast_in_dim3A_189 = vector.broadcast %broadcast_in_dim3A_188 : i32 to vector<16xi32>
    %mul3A_190 = arith.mulf %sub3A_78, %sub3A_54 : vector<16xf32>
    %mul3A_191 = arith.mulf %mul3A_190, %sub3A_89 : vector<16xf32>
    tpu.vector_store_idx %arg11[%add3A_187, %broadcast_in_dim3A_189], %mul3A_191 : memref<64x16xf32, #tpu.memory_space<vmem>>[vector<16xi32>, vector<16xi32>], vector<16xf32>,
    %add3A_192 = arith.constant 4161 : i32
    %add3A_193 = vector.broadcast %add3A_192 : i32 to vector<16xi32>
    %add3A_194 = arith.addi %add3A_86, %add3A_193 : vector<16xi32>
    %swap3A_195 = arith.constant 1 : i32
    %swap3A_196 = arith.index_cast %swap3A_195 : i32 to index
    %swap3A_197 = arith.constant 96 : index
    %swap3A_198 = tpu.vector_load %arg10[%swap3A_196, %swap3A_197] {strides = array<i32>} : memref<4x128xi32, #tpu.memory_space<vmem>>, vector<16xi32>,
    tpu.vector_store %arg10[%swap3A_196, %swap3A_197], %add3A_194 {strides = array<i32>} : memref<4x128xi32, #tpu.memory_space<vmem>>, vector<16xi32>,
    %add3A_199 = arith.constant 0 : i32
    %add3A_200 = vector.broadcast %add3A_199 : i32 to vector<16xi32>
    %add3A_201 = arith.addi %add3A_200, %add3A_5 : vector<16xi32>
    %broadcast_in_dim3A_202 = arith.constant 7 : i32
    %broadcast_in_dim3A_203 = vector.broadcast %broadcast_in_dim3A_202 : i32 to vector<16xi32>
    %mul3A_204 = arith.mulf %sub3A_78, %sub3A_54 : vector<16xf32>
    %mul3A_205 = arith.mulf %mul3A_204, %sub3A_30 : vector<16xf32>
    tpu.vector_store_idx %arg11[%add3A_201, %broadcast_in_dim3A_203], %mul3A_205 : memref<64x16xf32, #tpu.memory_space<vmem>>[vector<16xi32>, vector<16xi32>], vector<16xf32>,
    %iota3A_206 = tpu.iota {dimensions = array<i32: 0>} : vector<16xi32>
    %add3A_207 = arith.constant 16 : i32
    %add3A_208 = vector.broadcast %add3A_207 : i32 to vector<16xi32>
    %add3A_209 = arith.addi %add3A_208, %iota3A_206 : vector<16xi32>
    %get3A_210 = arith.constant 16 : index
    %get3A_211 = tpu.vector_load %arg7[%get3A_210] {strides = array<i32>} : memref<8192xf32, #tpu.memory_space<vmem>>, vector<16xf32>,
    %get3A_212 = arith.constant 16 : index
    %get3A_213 = tpu.vector_load %arg8[%get3A_212] {strides = array<i32>} : memref<8192xf32, #tpu.memory_space<vmem>>, vector<16xf32>,
    %get3A_214 = arith.constant 16 : index
    %get3A_215 = tpu.vector_load %arg9[%get3A_214] {strides = array<i32>} : memref<8192xf32, #tpu.memory_space<vmem>>, vector<16xf32>,
    %add3A_216 = arith.constant 1.000000e+00 : f32
    %add3A_217 = vector.broadcast %add3A_216 : f32 to vector<16xf32>
    %add3A_218 = arith.addf %get3A_211, %add3A_217 : vector<16xf32>
    %mul3A_219 = arith.constant 6.400000e+01 : f32
    %mul3A_220 = vector.broadcast %mul3A_219 : f32 to vector<16xf32>
    %mul3A_221 = arith.mulf %add3A_218, %mul3A_220 : vector<16xf32>
    %sub3A_222 = arith.constant 1.000000e+00 : f32
    %sub3A_223 = vector.broadcast %sub3A_222 : f32 to vector<16xf32>
    %sub3A_224 = arith.subf %mul3A_221, %sub3A_223 : vector<16xf32>
    %mul3A_225 = arith.constant 5.000000e-01 : f32
    %mul3A_226 = vector.broadcast %mul3A_225 : f32 to vector<16xf32>
    %mul3A_227 = arith.mulf %sub3A_224, %mul3A_226 : vector<16xf32>
    %max3A_228 = arith.constant 0.000000e+00 : f32
    %max3A_229 = vector.broadcast %max3A_228 : f32 to vector<16xf32>
    %max3A_230 = arith.maximumf %mul3A_227, %max3A_229 : vector<16xf32>
    %min3A_231 = arith.constant 6.300000e+01 : f32
    %min3A_232 = vector.broadcast %min3A_231 : f32 to vector<16xf32>
    %min3A_233 = arith.minimumf %max3A_230, %min3A_232 : vector<16xf32>
    %convert_element_type3A_234 = arith.fptosi %min3A_233 : vector<16xf32> to vector<16xi32>
    %min3A_235 = arith.constant 62 : i32
    %min3A_236 = vector.broadcast %min3A_235 : i32 to vector<16xi32>
    %min3A_237 = arith.minsi %convert_element_type3A_234, %min3A_236 : vector<16xi32>
    %convert_element_type3A_238 = arith.sitofp %min3A_237 : vector<16xi32> to vector<16xf32>
    %sub3A_239 = arith.subf %min3A_233, %convert_element_type3A_238 : vector<16xf32>
    %add3A_240 = arith.constant 1.000000e+00 : f32
    %add3A_241 = vector.broadcast %add3A_240 : f32 to vector<16xf32>
    %add3A_242 = arith.addf %get3A_213, %add3A_241 : vector<16xf32>
    %mul3A_243 = arith.constant 6.400000e+01 : f32
    %mul3A_244 = vector.broadcast %mul3A_243 : f32 to vector<16xf32>
    %mul3A_245 = arith.mulf %add3A_242, %mul3A_244 : vector<16xf32>
    %sub3A_246 = arith.constant 1.000000e+00 : f32
    %sub3A_247 = vector.broadcast %sub3A_246 : f32 to vector<16xf32>
    %sub3A_248 = arith.subf %mul3A_245, %sub3A_247 : vector<16xf32>
    %mul3A_249 = arith.constant 5.000000e-01 : f32
    %mul3A_250 = vector.broadcast %mul3A_249 : f32 to vector<16xf32>
    %mul3A_251 = arith.mulf %sub3A_248, %mul3A_250 : vector<16xf32>
    %max3A_252 = arith.constant 0.000000e+00 : f32
    %max3A_253 = vector.broadcast %max3A_252 : f32 to vector<16xf32>
    %max3A_254 = arith.maximumf %mul3A_251, %max3A_253 : vector<16xf32>
    %min3A_255 = arith.constant 6.300000e+01 : f32
    %min3A_256 = vector.broadcast %min3A_255 : f32 to vector<16xf32>
    %min3A_257 = arith.minimumf %max3A_254, %min3A_256 : vector<16xf32>
    %convert_element_type3A_258 = arith.fptosi %min3A_257 : vector<16xf32> to vector<16xi32>
    %min3A_259 = arith.constant 62 : i32
    %min3A_260 = vector.broadcast %min3A_259 : i32 to vector<16xi32>
    %min3A_261 = arith.minsi %convert_element_type3A_258, %min3A_260 : vector<16xi32>
    %convert_element_type3A_262 = arith.sitofp %min3A_261 : vector<16xi32> to vector<16xf32>
    %sub3A_263 = arith.subf %min3A_257, %convert_element_type3A_262 : vector<16xf32>
    %add3A_264 = arith.constant 1.000000e+00 : f32
    %add3A_265 = vector.broadcast %add3A_264 : f32 to vector<16xf32>
    %add3A_266 = arith.addf %get3A_215, %add3A_265 : vector<16xf32>
    %mul3A_267 = arith.constant 6.400000e+01 : f32
    %mul3A_268 = vector.broadcast %mul3A_267 : f32 to vector<16xf32>
    %mul3A_269 = arith.mulf %add3A_266, %mul3A_268 : vector<16xf32>
    %sub3A_270 = arith.constant 1.000000e+00 : f32
    %sub3A_271 = vector.broadcast %sub3A_270 : f32 to vector<16xf32>
    %sub3A_272 = arith.subf %mul3A_269, %sub3A_271 : vector<16xf32>
    %mul3A_273 = arith.constant 5.000000e-01 : f32
    %mul3A_274 = vector.broadcast %mul3A_273 : f32 to vector<16xf32>
    %mul3A_275 = arith.mulf %sub3A_272, %mul3A_274 : vector<16xf32>
    %max3A_276 = arith.constant 0.000000e+00 : f32
    %max3A_277 = vector.broadcast %max3A_276 : f32 to vector<16xf32>
    %max3A_278 = arith.maximumf %mul3A_275, %max3A_277 : vector<16xf32>
    %min3A_279 = arith.constant 6.300000e+01 : f32
    %min3A_280 = vector.broadcast %min3A_279 : f32 to vector<16xf32>
    %min3A_281 = arith.minimumf %max3A_278, %min3A_280 : vector<16xf32>
    %convert_element_type3A_282 = arith.fptosi %min3A_281 : vector<16xf32> to vector<16xi32>
    %min3A_283 = arith.constant 62 : i32
    %min3A_284 = vector.broadcast %min3A_283 : i32 to vector<16xi32>
    %min3A_285 = arith.minsi %convert_element_type3A_282, %min3A_284 : vector<16xi32>
    %convert_element_type3A_286 = arith.sitofp %min3A_285 : vector<16xi32> to vector<16xf32>
    %sub3A_287 = arith.subf %min3A_281, %convert_element_type3A_286 : vector<16xf32>
    %mul3A_288 = arith.constant 64 : i32
    %mul3A_289 = vector.broadcast %mul3A_288 : i32 to vector<16xi32>
    %mul3A_290 = arith.muli %min3A_285, %mul3A_289 : vector<16xi32>
    %add3A_291 = arith.addi %mul3A_290, %min3A_261 : vector<16xi32>
    %mul3A_292 = arith.constant 64 : i32
    %mul3A_293 = vector.broadcast %mul3A_292 : i32 to vector<16xi32>
    %mul3A_294 = arith.muli %add3A_291, %mul3A_293 : vector<16xi32>
    %add3A_295 = arith.addi %mul3A_294, %min3A_237 : vector<16xi32>
    %sub3A_296 = arith.constant 1.000000e+00 : f32
    %sub3A_297 = vector.broadcast %sub3A_296 : f32 to vector<16xf32>
    %sub3A_298 = arith.subf %sub3A_297, %sub3A_239 : vector<16xf32>
    %sub3A_299 = arith.constant 1.000000e+00 : f32
    %sub3A_300 = vector.broadcast %sub3A_299 : f32 to vector<16xf32>
    %sub3A_301 = arith.subf %sub3A_300, %sub3A_263 : vector<16xf32>
    %sub3A_302 = arith.constant 1.000000e+00 : f32
    %sub3A_303 = vector.broadcast %sub3A_302 : f32 to vector<16xf32>
    %sub3A_304 = arith.subf %sub3A_303, %sub3A_287 : vector<16xf32>
    %add3A_305 = arith.constant 0 : i32
    %add3A_306 = vector.broadcast %add3A_305 : i32 to vector<16xi32>
    %add3A_307 = arith.addi %add3A_295, %add3A_306 : vector<16xi32>
    %swap3A_308 = arith.constant 0 : i32
    %swap3A_309 = arith.index_cast %swap3A_308 : i32 to index
    %swap3A_310 = arith.constant 16 : index
    %swap3A_311 = tpu.vector_load %arg10[%swap3A_309, %swap3A_310] {strides = array<i32>} : memref<4x128xi32, #tpu.memory_space<vmem>>, vector<16xi32>,
    tpu.vector_store %arg10[%swap3A_309, %swap3A_310], %add3A_307 {strides = array<i32>} : memref<4x128xi32, #tpu.memory_space<vmem>>, vector<16xi32>,
    %add3A_312 = arith.constant 0 : i32
    %add3A_313 = vector.broadcast %add3A_312 : i32 to vector<16xi32>
    %add3A_314 = arith.addi %add3A_313, %add3A_209 : vector<16xi32>
    %broadcast_in_dim3A_315 = arith.constant 0 : i32
    %broadcast_in_dim3A_316 = vector.broadcast %broadcast_in_dim3A_315 : i32 to vector<16xi32>
    %mul3A_317 = arith.mulf %sub3A_304, %sub3A_301 : vector<16xf32>
    %mul3A_318 = arith.mulf %mul3A_317, %sub3A_298 : vector<16xf32>
    tpu.vector_store_idx %arg11[%add3A_314, %broadcast_in_dim3A_316], %mul3A_318 : memref<64x16xf32, #tpu.memory_space<vmem>>[vector<16xi32>, vector<16xi32>], vector<16xf32>,
    %add3A_319 = arith.constant 1 : i32
    %add3A_320 = vector.broadcast %add3A_319 : i32 to vector<16xi32>
    %add3A_321 = arith.addi %add3A_295, %add3A_320 : vector<16xi32>
    %swap3A_322 = arith.constant 0 : i32
    %swap3A_323 = arith.index_cast %swap3A_322 : i32 to index
    %swap3A_324 = arith.constant 48 : index
    %swap3A_325 = tpu.vector_load %arg10[%swap3A_323, %swap3A_324] {strides = array<i32>} : memref<4x128xi32, #tpu.memory_space<vmem>>, vector<16xi32>,
    tpu.vector_store %arg10[%swap3A_323, %swap3A_324], %add3A_321 {strides = array<i32>} : memref<4x128xi32, #tpu.memory_space<vmem>>, vector<16xi32>,
    %add3A_326 = arith.constant 0 : i32
    %add3A_327 = vector.broadcast %add3A_326 : i32 to vector<16xi32>
    %add3A_328 = arith.addi %add3A_327, %add3A_209 : vector<16xi32>
    %broadcast_in_dim3A_329 = arith.constant 1 : i32
    %broadcast_in_dim3A_330 = vector.broadcast %broadcast_in_dim3A_329 : i32 to vector<16xi32>
    %mul3A_331 = arith.mulf %sub3A_304, %sub3A_301 : vector<16xf32>
    %mul3A_332 = arith.mulf %mul3A_331, %sub3A_239 : vector<16xf32>
    tpu.vector_store_idx %arg11[%add3A_328, %broadcast_in_dim3A_330], %mul3A_332 : memref<64x16xf32, #tpu.memory_space<vmem>>[vector<16xi32>, vector<16xi32>], vector<16xf32>,
    %add3A_333 = arith.constant 64 : i32
    %add3A_334 = vector.broadcast %add3A_333 : i32 to vector<16xi32>
    %add3A_335 = arith.addi %add3A_295, %add3A_334 : vector<16xi32>
    %swap3A_336 = arith.constant 0 : i32
    %swap3A_337 = arith.index_cast %swap3A_336 : i32 to index
    %swap3A_338 = arith.constant 80 : index
    %swap3A_339 = tpu.vector_load %arg10[%swap3A_337, %swap3A_338] {strides = array<i32>} : memref<4x128xi32, #tpu.memory_space<vmem>>, vector<16xi32>,
    tpu.vector_store %arg10[%swap3A_337, %swap3A_338], %add3A_335 {strides = array<i32>} : memref<4x128xi32, #tpu.memory_space<vmem>>, vector<16xi32>,
    %add3A_340 = arith.constant 0 : i32
    %add3A_341 = vector.broadcast %add3A_340 : i32 to vector<16xi32>
    %add3A_342 = arith.addi %add3A_341, %add3A_209 : vector<16xi32>
    %broadcast_in_dim3A_343 = arith.constant 2 : i32
    %broadcast_in_dim3A_344 = vector.broadcast %broadcast_in_dim3A_343 : i32 to vector<16xi32>
    %mul3A_345 = arith.mulf %sub3A_304, %sub3A_263 : vector<16xf32>
    %mul3A_346 = arith.mulf %mul3A_345, %sub3A_298 : vector<16xf32>
    tpu.vector_store_idx %arg11[%add3A_342, %broadcast_in_dim3A_344], %mul3A_346 : memref<64x16xf32, #tpu.memory_space<vmem>>[vector<16xi32>, vector<16xi32>], vector<16xf32>,
    %add3A_347 = arith.constant 65 : i32
    %add3A_348 = vector.broadcast %add3A_347 : i32 to vector<16xi32>
    %add3A_349 = arith.addi %add3A_295, %add3A_348 : vector<16xi32>
    %swap3A_350 = arith.constant 0 : i32
    %swap3A_351 = arith.index_cast %swap3A_350 : i32 to index
    %swap3A_352 = arith.constant 112 : index
    %swap3A_353 = tpu.vector_load %arg10[%swap3A_351, %swap3A_352] {strides = array<i32>} : memref<4x128xi32, #tpu.memory_space<vmem>>, vector<16xi32>,
    tpu.vector_store %arg10[%swap3A_351, %swap3A_352], %add3A_349 {strides = array<i32>} : memref<4x128xi32, #tpu.memory_space<vmem>>, vector<16xi32>,
    %add3A_354 = arith.constant 0 : i32
    %add3A_355 = vector.broadcast %add3A_354 : i32 to vector<16xi32>
    %add3A_356 = arith.addi %add3A_355, %add3A_209 : vector<16xi32>
    %broadcast_in_dim3A_357 = arith.constant 3 : i32
    %broadcast_in_dim3A_358 = vector.broadcast %broadcast_in_dim3A_357 : i32 to vector<16xi32>
    %mul3A_359 = arith.mulf %sub3A_304, %sub3A_263 : vector<16xf32>
    %mul3A_360 = arith.mulf %mul3A_359, %sub3A_239 : vector<16xf32>
    tpu.vector_store_idx %arg11[%add3A_356, %broadcast_in_dim3A_358], %mul3A_360 : memref<64x16xf32, #tpu.memory_space<vmem>>[vector<16xi32>, vector<16xi32>], vector<16xf32>,
    %add3A_361 = arith.constant 4096 : i32
    %add3A_362 = vector.broadcast %add3A_361 : i32 to vector<16xi32>
    %add3A_363 = arith.addi %add3A_295, %add3A_362 : vector<16xi32>
    %swap3A_364 = arith.constant 1 : i32
    %swap3A_365 = arith.index_cast %swap3A_364 : i32 to index
    %swap3A_366 = arith.constant 16 : index
    %swap3A_367 = tpu.vector_load %arg10[%swap3A_365, %swap3A_366] {strides = array<i32>} : memref<4x128xi32, #tpu.memory_space<vmem>>, vector<16xi32>,
    tpu.vector_store %arg10[%swap3A_365, %swap3A_366], %add3A_363 {strides = array<i32>} : memref<4x128xi32, #tpu.memory_space<vmem>>, vector<16xi32>,
    %add3A_368 = arith.constant 0 : i32
    %add3A_369 = vector.broadcast %add3A_368 : i32 to vector<16xi32>
    %add3A_370 = arith.addi %add3A_369, %add3A_209 : vector<16xi32>
    %broadcast_in_dim3A_371 = arith.constant 4 : i32
    %broadcast_in_dim3A_372 = vector.broadcast %broadcast_in_dim3A_371 : i32 to vector<16xi32>
    %mul3A_373 = arith.mulf %sub3A_287, %sub3A_301 : vector<16xf32>
    %mul3A_374 = arith.mulf %mul3A_373, %sub3A_298 : vector<16xf32>
    tpu.vector_store_idx %arg11[%add3A_370, %broadcast_in_dim3A_372], %mul3A_374 : memref<64x16xf32, #tpu.memory_space<vmem>>[vector<16xi32>, vector<16xi32>], vector<16xf32>,
    %add3A_375 = arith.constant 4097 : i32
    %add3A_376 = vector.broadcast %add3A_375 : i32 to vector<16xi32>
    %add3A_377 = arith.addi %add3A_295, %add3A_376 : vector<16xi32>
    %swap3A_378 = arith.constant 1 : i32
    %swap3A_379 = arith.index_cast %swap3A_378 : i32 to index
    %swap3A_380 = arith.constant 48 : index
    %swap3A_381 = tpu.vector_load %arg10[%swap3A_379, %swap3A_380] {strides = array<i32>} : memref<4x128xi32, #tpu.memory_space<vmem>>, vector<16xi32>,
    tpu.vector_store %arg10[%swap3A_379, %swap3A_380], %add3A_377 {strides = array<i32>} : memref<4x128xi32, #tpu.memory_space<vmem>>, vector<16xi32>,
    %add3A_382 = arith.constant 0 : i32
    %add3A_383 = vector.broadcast %add3A_382 : i32 to vector<16xi32>
    %add3A_384 = arith.addi %add3A_383, %add3A_209 : vector<16xi32>
    %broadcast_in_dim3A_385 = arith.constant 5 : i32
    %broadcast_in_dim3A_386 = vector.broadcast %broadcast_in_dim3A_385 : i32 to vector<16xi32>
    %mul3A_387 = arith.mulf %sub3A_287, %sub3A_301 : vector<16xf32>
    %mul3A_388 = arith.mulf %mul3A_387, %sub3A_239 : vector<16xf32>
    tpu.vector_store_idx %arg11[%add3A_384, %broadcast_in_dim3A_386], %mul3A_388 : memref<64x16xf32, #tpu.memory_space<vmem>>[vector<16xi32>, vector<16xi32>], vector<16xf32>,
    %add3A_389 = arith.constant 4160 : i32
    %add3A_390 = vector.broadcast %add3A_389 : i32 to vector<16xi32>
    %add3A_391 = arith.addi %add3A_295, %add3A_390 : vector<16xi32>
    %swap3A_392 = arith.constant 1 : i32
    %swap3A_393 = arith.index_cast %swap3A_392 : i32 to index
    %swap3A_394 = arith.constant 80 : index
    %swap3A_395 = tpu.vector_load %arg10[%swap3A_393, %swap3A_394] {strides = array<i32>} : memref<4x128xi32, #tpu.memory_space<vmem>>, vector<16xi32>,
    tpu.vector_store %arg10[%swap3A_393, %swap3A_394], %add3A_391 {strides = array<i32>} : memref<4x128xi32, #tpu.memory_space<vmem>>, vector<16xi32>,
    %add3A_396 = arith.constant 0 : i32
    %add3A_397 = vector.broadcast %add3A_396 : i32 to vector<16xi32>
    %add3A_398 = arith.addi %add3A_397, %add3A_209 : vector<16xi32>
    %broadcast_in_dim3A_399 = arith.constant 6 : i32
    %broadcast_in_dim3A_400 = vector.broadcast %broadcast_in_dim3A_399 : i32 to vector<16xi32>
    %mul3A_401 = arith.mulf %sub3A_287, %sub3A_263 : vector<16xf32>
    %mul3A_402 = arith.mulf %mul3A_401, %sub3A_298 : vector<16xf32>
    tpu.vector_store_idx %arg11[%add3A_398, %broadcast_in_dim3A_400], %mul3A_402 : memref<64x16xf32, #tpu.memory_space<vmem>>[vector<16xi32>, vector<16xi32>], vector<16xf32>,
    %add3A_403 = arith.constant 4161 : i32
    %add3A_404 = vector.broadcast %add3A_403 : i32 to vector<16xi32>
    %add3A_405 = arith.addi %add3A_295, %add3A_404 : vector<16xi32>
    %swap3A_406 = arith.constant 1 : i32
    %swap3A_407 = arith.index_cast %swap3A_406 : i32 to index
    %swap3A_408 = arith.constant 112 : index
    %swap3A_409 = tpu.vector_load %arg10[%swap3A_407, %swap3A_408] {strides = array<i32>} : memref<4x128xi32, #tpu.memory_space<vmem>>, vector<16xi32>,
    tpu.vector_store %arg10[%swap3A_407, %swap3A_408], %add3A_405 {strides = array<i32>} : memref<4x128xi32, #tpu.memory_space<vmem>>, vector<16xi32>,
    %add3A_410 = arith.constant 0 : i32
    %add3A_411 = vector.broadcast %add3A_410 : i32 to vector<16xi32>
    %add3A_412 = arith.addi %add3A_411, %add3A_209 : vector<16xi32>
    %broadcast_in_dim3A_413 = arith.constant 7 : i32
    %broadcast_in_dim3A_414 = vector.broadcast %broadcast_in_dim3A_413 : i32 to vector<16xi32>
    %mul3A_415 = arith.mulf %sub3A_287, %sub3A_263 : vector<16xf32>
    %mul3A_416 = arith.mulf %mul3A_415, %sub3A_239 : vector<16xf32>
    tpu.vector_store_idx %arg11[%add3A_412, %broadcast_in_dim3A_414], %mul3A_416 : memref<64x16xf32, #tpu.memory_space<vmem>>[vector<16xi32>, vector<16xi32>], vector<16xf32>,
    %dma_start3A = arith.constant 0 : i32
    %dma_start3A_417 = arith.constant 0 : i32
    %dma_start3A_418 = arith.constant 0 : i32
    %dma_start3A_419 = tpu.memref_slice %arg12[%dma_start3A_417, %dma_start3A_418] : memref<512x128xf32, #tpu.memory_space<vmem>> -> memref<128x128xf32, #tpu.memory_space<vmem>>
    %dma_start3A_420 = arith.constant 0 : i32
    %dma_start3A_421 = tpu.memref_slice %arg10[%dma_start3A, %dma_start3A_420] : memref<4x128xi32, #tpu.memory_space<vmem>> -> memref<1x128xi32, #tpu.memory_space<vmem>>
    %dma_start3A_422 = tpu.memref_squeeze %dma_start3A_421 : memref<1x128xi32, #tpu.memory_space<vmem>> -> memref<128xi32, #tpu.memory_space<vmem>>
    %dma_start3A_423 = arith.constant 0 : i32
    %dma_start3A_424 = arith.constant 0 : i32
    %dma_start3A_425 = tpu.memref_slice %arg5[%dma_start3A_423, %dma_start3A_424] : memref<262144x128xf32, #tpu.memory_space<hbm>> -> memref<262144x128xf32, #tpu.memory_space<hbm>>
    tpu.enqueue_indirect_dma source(%dma_start3A_425 : memref<262144x128xf32, #tpu.memory_space<hbm>>) target(%dma_start3A_419 : memref<128x128xf32, #tpu.memory_space<vmem>>) offsets(%dma_start3A_422 : memref<128xi32, #tpu.memory_space<vmem>>) semaphore(%arg14 : memref<!tpu.dma_semaphore, #tpu.memory_space<semaphore_mem>>)
    %dma_start3A_426 = arith.constant 1 : i32
    %dma_start3A_427 = arith.constant 128 : i32
    %dma_start3A_428 = arith.constant 0 : i32
    %dma_start3A_429 = tpu.memref_slice %arg12[%dma_start3A_427, %dma_start3A_428] : memref<512x128xf32, #tpu.memory_space<vmem>> -> memref<128x128xf32, #tpu.memory_space<vmem>>
    %dma_start3A_430 = arith.constant 0 : i32
    %dma_start3A_431 = tpu.memref_slice %arg10[%dma_start3A_426, %dma_start3A_430] : memref<4x128xi32, #tpu.memory_space<vmem>> -> memref<1x128xi32, #tpu.memory_space<vmem>>
    %dma_start3A_432 = tpu.memref_squeeze %dma_start3A_431 : memref<1x128xi32, #tpu.memory_space<vmem>> -> memref<128xi32, #tpu.memory_space<vmem>>
    %dma_start3A_433 = arith.constant 0 : i32
    %dma_start3A_434 = arith.constant 0 : i32
    %dma_start3A_435 = tpu.memref_slice %arg5[%dma_start3A_433, %dma_start3A_434] : memref<262144x128xf32, #tpu.memory_space<hbm>> -> memref<262144x128xf32, #tpu.memory_space<hbm>>
    tpu.enqueue_indirect_dma source(%dma_start3A_435 : memref<262144x128xf32, #tpu.memory_space<hbm>>) target(%dma_start3A_429 : memref<128x128xf32, #tpu.memory_space<vmem>>) offsets(%dma_start3A_432 : memref<128xi32, #tpu.memory_space<vmem>>) semaphore(%arg14 : memref<!tpu.dma_semaphore, #tpu.memory_space<semaphore_mem>>)
    %scan3A = arith.constant 0 : i32
    %scan3A_436 = arith.constant 0 : i32
    %scan3A_437 = arith.constant 128 : i32
    %scan3A_438 = arith.addi %scan3A_436, %scan3A_437 : i32
    %scan3A_439 = arith.constant 1 : i32
    scf.for %scan3A_464 = %scan3A_436 to %scan3A_438 step %scan3A_439  : i32 {
      %mul3A_465 = arith.constant 2 : i32
      %mul3A_466 = arith.muli %mul3A_465, %scan3A_464 : i32
      %add3A_467 = arith.constant 0 : i32
      %add3A_468 = arith.addi %mul3A_466, %add3A_467 : i32
      %add3A_469 = arith.constant 1 : i32
      %add3A_470 = arith.addi %add3A_468, %add3A_469 : i32
      %lt3A = arith.constant 256 : i32
      %lt3A_471 = arith.cmpi slt, %add3A_470, %lt3A : i32
      %convert_element_type3A_472 = arith.extui %lt3A_471 : i1 to i32
      %cond3A = arith.constant 0 : i32
      %cond3A_473 = arith.cmpi ne, %convert_element_type3A_472, %cond3A : i32
      scf.if %cond3A_473 {
        %mul3A_565 = arith.constant 32 : i32
        %mul3A_566 = arith.muli %add3A_470, %mul3A_565 : i32
        %iota3A_567 = tpu.iota {dimensions = array<i32: 0>} : vector<16xi32>
        %add3A_568 = arith.constant 0 : i32
        %add3A_569 = vector.broadcast %add3A_568 : i32 to vector<16xi32>
        %add3A_570 = arith.addi %add3A_569, %iota3A_567 : vector<16xi32>
        %add3A_571 = arith.constant 0 : i32
        %add3A_572 = arith.addi %mul3A_566, %add3A_571 : i32
        %get3A_573 = arith.index_cast %add3A_572 : i32 to index
        %get3A_574 = tpu.vector_load %arg7[%get3A_573] {strides = array<i32>} : memref<8192xf32, #tpu.memory_space<vmem>>, vector<16xf32>,
        %add3A_575 = arith.constant 0 : i32
        %add3A_576 = arith.addi %mul3A_566, %add3A_575 : i32
        %get3A_577 = arith.index_cast %add3A_576 : i32 to index
        %get3A_578 = tpu.vector_load %arg8[%get3A_577] {strides = array<i32>} : memref<8192xf32, #tpu.memory_space<vmem>>, vector<16xf32>,
        %add3A_579 = arith.constant 0 : i32
        %add3A_580 = arith.addi %mul3A_566, %add3A_579 : i32
        %get3A_581 = arith.index_cast %add3A_580 : i32 to index
        %get3A_582 = tpu.vector_load %arg9[%get3A_581] {strides = array<i32>} : memref<8192xf32, #tpu.memory_space<vmem>>, vector<16xf32>,
        %add3A_583 = arith.constant 1.000000e+00 : f32
        %add3A_584 = vector.broadcast %add3A_583 : f32 to vector<16xf32>
        %add3A_585 = arith.addf %get3A_574, %add3A_584 : vector<16xf32>
        %mul3A_586 = arith.constant 6.400000e+01 : f32
        %mul3A_587 = vector.broadcast %mul3A_586 : f32 to vector<16xf32>
        %mul3A_588 = arith.mulf %add3A_585, %mul3A_587 : vector<16xf32>
        %sub3A_589 = arith.constant 1.000000e+00 : f32
        %sub3A_590 = vector.broadcast %sub3A_589 : f32 to vector<16xf32>
        %sub3A_591 = arith.subf %mul3A_588, %sub3A_590 : vector<16xf32>
        %mul3A_592 = arith.constant 5.000000e-01 : f32
        %mul3A_593 = vector.broadcast %mul3A_592 : f32 to vector<16xf32>
        %mul3A_594 = arith.mulf %sub3A_591, %mul3A_593 : vector<16xf32>
        %max3A_595 = arith.constant 0.000000e+00 : f32
        %max3A_596 = vector.broadcast %max3A_595 : f32 to vector<16xf32>
        %max3A_597 = arith.maximumf %mul3A_594, %max3A_596 : vector<16xf32>
        %min3A_598 = arith.constant 6.300000e+01 : f32
        %min3A_599 = vector.broadcast %min3A_598 : f32 to vector<16xf32>
        %min3A_600 = arith.minimumf %max3A_597, %min3A_599 : vector<16xf32>
        %convert_element_type3A_601 = arith.fptosi %min3A_600 : vector<16xf32> to vector<16xi32>
        %min3A_602 = arith.constant 62 : i32
        %min3A_603 = vector.broadcast %min3A_602 : i32 to vector<16xi32>
        %min3A_604 = arith.minsi %convert_element_type3A_601, %min3A_603 : vector<16xi32>
        %convert_element_type3A_605 = arith.sitofp %min3A_604 : vector<16xi32> to vector<16xf32>
        %sub3A_606 = arith.subf %min3A_600, %convert_element_type3A_605 : vector<16xf32>
        %add3A_607 = arith.constant 1.000000e+00 : f32
        %add3A_608 = vector.broadcast %add3A_607 : f32 to vector<16xf32>
        %add3A_609 = arith.addf %get3A_578, %add3A_608 : vector<16xf32>
        %mul3A_610 = arith.constant 6.400000e+01 : f32
        %mul3A_611 = vector.broadcast %mul3A_610 : f32 to vector<16xf32>
        %mul3A_612 = arith.mulf %add3A_609, %mul3A_611 : vector<16xf32>
        %sub3A_613 = arith.constant 1.000000e+00 : f32
        %sub3A_614 = vector.broadcast %sub3A_613 : f32 to vector<16xf32>
        %sub3A_615 = arith.subf %mul3A_612, %sub3A_614 : vector<16xf32>
        %mul3A_616 = arith.constant 5.000000e-01 : f32
        %mul3A_617 = vector.broadcast %mul3A_616 : f32 to vector<16xf32>
        %mul3A_618 = arith.mulf %sub3A_615, %mul3A_617 : vector<16xf32>
        %max3A_619 = arith.constant 0.000000e+00 : f32
        %max3A_620 = vector.broadcast %max3A_619 : f32 to vector<16xf32>
        %max3A_621 = arith.maximumf %mul3A_618, %max3A_620 : vector<16xf32>
        %min3A_622 = arith.constant 6.300000e+01 : f32
        %min3A_623 = vector.broadcast %min3A_622 : f32 to vector<16xf32>
        %min3A_624 = arith.minimumf %max3A_621, %min3A_623 : vector<16xf32>
        %convert_element_type3A_625 = arith.fptosi %min3A_624 : vector<16xf32> to vector<16xi32>
        %min3A_626 = arith.constant 62 : i32
        %min3A_627 = vector.broadcast %min3A_626 : i32 to vector<16xi32>
        %min3A_628 = arith.minsi %convert_element_type3A_625, %min3A_627 : vector<16xi32>
        %convert_element_type3A_629 = arith.sitofp %min3A_628 : vector<16xi32> to vector<16xf32>
        %sub3A_630 = arith.subf %min3A_624, %convert_element_type3A_629 : vector<16xf32>
        %add3A_631 = arith.constant 1.000000e+00 : f32
        %add3A_632 = vector.broadcast %add3A_631 : f32 to vector<16xf32>
        %add3A_633 = arith.addf %get3A_582, %add3A_632 : vector<16xf32>
        %mul3A_634 = arith.constant 6.400000e+01 : f32
        %mul3A_635 = vector.broadcast %mul3A_634 : f32 to vector<16xf32>
        %mul3A_636 = arith.mulf %add3A_633, %mul3A_635 : vector<16xf32>
        %sub3A_637 = arith.constant 1.000000e+00 : f32
        %sub3A_638 = vector.broadcast %sub3A_637 : f32 to vector<16xf32>
        %sub3A_639 = arith.subf %mul3A_636, %sub3A_638 : vector<16xf32>
        %mul3A_640 = arith.constant 5.000000e-01 : f32
        %mul3A_641 = vector.broadcast %mul3A_640 : f32 to vector<16xf32>
        %mul3A_642 = arith.mulf %sub3A_639, %mul3A_641 : vector<16xf32>
        %max3A_643 = arith.constant 0.000000e+00 : f32
        %max3A_644 = vector.broadcast %max3A_643 : f32 to vector<16xf32>
        %max3A_645 = arith.maximumf %mul3A_642, %max3A_644 : vector<16xf32>
        %min3A_646 = arith.constant 6.300000e+01 : f32
        %min3A_647 = vector.broadcast %min3A_646 : f32 to vector<16xf32>
        %min3A_648 = arith.minimumf %max3A_645, %min3A_647 : vector<16xf32>
        %convert_element_type3A_649 = arith.fptosi %min3A_648 : vector<16xf32> to vector<16xi32>
        %min3A_650 = arith.constant 62 : i32
        %min3A_651 = vector.broadcast %min3A_650 : i32 to vector<16xi32>
        %min3A_652 = arith.minsi %convert_element_type3A_649, %min3A_651 : vector<16xi32>
        %convert_element_type3A_653 = arith.sitofp %min3A_652 : vector<16xi32> to vector<16xf32>
        %sub3A_654 = arith.subf %min3A_648, %convert_element_type3A_653 : vector<16xf32>
        %mul3A_655 = arith.constant 64 : i32
        %mul3A_656 = vector.broadcast %mul3A_655 : i32 to vector<16xi32>
        %mul3A_657 = arith.muli %min3A_652, %mul3A_656 : vector<16xi32>
        %add3A_658 = arith.addi %mul3A_657, %min3A_628 : vector<16xi32>
        %mul3A_659 = arith.constant 64 : i32
        %mul3A_660 = vector.broadcast %mul3A_659 : i32 to vector<16xi32>
        %mul3A_661 = arith.muli %add3A_658, %mul3A_660 : vector<16xi32>
        %add3A_662 = arith.addi %mul3A_661, %min3A_604 : vector<16xi32>
        %sub3A_663 = arith.constant 1.000000e+00 : f32
        %sub3A_664 = vector.broadcast %sub3A_663 : f32 to vector<16xf32>
        %sub3A_665 = arith.subf %sub3A_664, %sub3A_606 : vector<16xf32>
        %sub3A_666 = arith.constant 1.000000e+00 : f32
        %sub3A_667 = vector.broadcast %sub3A_666 : f32 to vector<16xf32>
        %sub3A_668 = arith.subf %sub3A_667, %sub3A_630 : vector<16xf32>
        %sub3A_669 = arith.constant 1.000000e+00 : f32
        %sub3A_670 = vector.broadcast %sub3A_669 : f32 to vector<16xf32>
        %sub3A_671 = arith.subf %sub3A_670, %sub3A_654 : vector<16xf32>
        %add3A_672 = arith.constant 0 : i32
        %add3A_673 = vector.broadcast %add3A_672 : i32 to vector<16xi32>
        %add3A_674 = arith.addi %add3A_662, %add3A_673 : vector<16xi32>
        %swap3A_675 = arith.constant 2 : i32
        %swap3A_676 = arith.index_cast %swap3A_675 : i32 to index
        %swap3A_677 = arith.constant 0 : index
        %swap3A_678 = tpu.vector_load %arg10[%swap3A_676, %swap3A_677] {strides = array<i32>} : memref<4x128xi32, #tpu.memory_space<vmem>>, vector<16xi32>,
        tpu.vector_store %arg10[%swap3A_676, %swap3A_677], %add3A_674 {strides = array<i32>} : memref<4x128xi32, #tpu.memory_space<vmem>>, vector<16xi32>,
        %add3A_679 = arith.constant 32 : i32
        %add3A_680 = vector.broadcast %add3A_679 : i32 to vector<16xi32>
        %add3A_681 = arith.addi %add3A_680, %add3A_570 : vector<16xi32>
        %broadcast_in_dim3A_682 = arith.constant 0 : i32
        %broadcast_in_dim3A_683 = vector.broadcast %broadcast_in_dim3A_682 : i32 to vector<16xi32>
        %mul3A_684 = arith.mulf %sub3A_671, %sub3A_668 : vector<16xf32>
        %mul3A_685 = arith.mulf %mul3A_684, %sub3A_665 : vector<16xf32>
        tpu.vector_store_idx %arg11[%add3A_681, %broadcast_in_dim3A_683], %mul3A_685 : memref<64x16xf32, #tpu.memory_space<vmem>>[vector<16xi32>, vector<16xi32>], vector<16xf32>,
        %add3A_686 = arith.constant 1 : i32
        %add3A_687 = vector.broadcast %add3A_686 : i32 to vector<16xi32>
        %add3A_688 = arith.addi %add3A_662, %add3A_687 : vector<16xi32>
        %swap3A_689 = arith.constant 2 : i32
        %swap3A_690 = arith.index_cast %swap3A_689 : i32 to index
        %swap3A_691 = arith.constant 32 : index
        %swap3A_692 = tpu.vector_load %arg10[%swap3A_690, %swap3A_691] {strides = array<i32>} : memref<4x128xi32, #tpu.memory_space<vmem>>, vector<16xi32>,
        tpu.vector_store %arg10[%swap3A_690, %swap3A_691], %add3A_688 {strides = array<i32>} : memref<4x128xi32, #tpu.memory_space<vmem>>, vector<16xi32>,
        %add3A_693 = arith.constant 32 : i32
        %add3A_694 = vector.broadcast %add3A_693 : i32 to vector<16xi32>
        %add3A_695 = arith.addi %add3A_694, %add3A_570 : vector<16xi32>
        %broadcast_in_dim3A_696 = arith.constant 1 : i32
        %broadcast_in_dim3A_697 = vector.broadcast %broadcast_in_dim3A_696 : i32 to vector<16xi32>
        %mul3A_698 = arith.mulf %sub3A_671, %sub3A_668 : vector<16xf32>
        %mul3A_699 = arith.mulf %mul3A_698, %sub3A_606 : vector<16xf32>
        tpu.vector_store_idx %arg11[%add3A_695, %broadcast_in_dim3A_697], %mul3A_699 : memref<64x16xf32, #tpu.memory_space<vmem>>[vector<16xi32>, vector<16xi32>], vector<16xf32>,
        %add3A_700 = arith.constant 64 : i32
        %add3A_701 = vector.broadcast %add3A_700 : i32 to vector<16xi32>
        %add3A_702 = arith.addi %add3A_662, %add3A_701 : vector<16xi32>
        %swap3A_703 = arith.constant 2 : i32
        %swap3A_704 = arith.index_cast %swap3A_703 : i32 to index
        %swap3A_705 = arith.constant 64 : index
        %swap3A_706 = tpu.vector_load %arg10[%swap3A_704, %swap3A_705] {strides = array<i32>} : memref<4x128xi32, #tpu.memory_space<vmem>>, vector<16xi32>,
        tpu.vector_store %arg10[%swap3A_704, %swap3A_705], %add3A_702 {strides = array<i32>} : memref<4x128xi32, #tpu.memory_space<vmem>>, vector<16xi32>,
        %add3A_707 = arith.constant 32 : i32
        %add3A_708 = vector.broadcast %add3A_707 : i32 to vector<16xi32>
        %add3A_709 = arith.addi %add3A_708, %add3A_570 : vector<16xi32>
        %broadcast_in_dim3A_710 = arith.constant 2 : i32
        %broadcast_in_dim3A_711 = vector.broadcast %broadcast_in_dim3A_710 : i32 to vector<16xi32>
        %mul3A_712 = arith.mulf %sub3A_671, %sub3A_630 : vector<16xf32>
        %mul3A_713 = arith.mulf %mul3A_712, %sub3A_665 : vector<16xf32>
        tpu.vector_store_idx %arg11[%add3A_709, %broadcast_in_dim3A_711], %mul3A_713 : memref<64x16xf32, #tpu.memory_space<vmem>>[vector<16xi32>, vector<16xi32>], vector<16xf32>,
        %add3A_714 = arith.constant 65 : i32
        %add3A_715 = vector.broadcast %add3A_714 : i32 to vector<16xi32>
        %add3A_716 = arith.addi %add3A_662, %add3A_715 : vector<16xi32>
        %swap3A_717 = arith.constant 2 : i32
        %swap3A_718 = arith.index_cast %swap3A_717 : i32 to index
        %swap3A_719 = arith.constant 96 : index
        %swap3A_720 = tpu.vector_load %arg10[%swap3A_718, %swap3A_719] {strides = array<i32>} : memref<4x128xi32, #tpu.memory_space<vmem>>, vector<16xi32>,
        tpu.vector_store %arg10[%swap3A_718, %swap3A_719], %add3A_716 {strides = array<i32>} : memref<4x128xi32, #tpu.memory_space<vmem>>, vector<16xi32>,
        %add3A_721 = arith.constant 32 : i32
        %add3A_722 = vector.broadcast %add3A_721 : i32 to vector<16xi32>
        %add3A_723 = arith.addi %add3A_722, %add3A_570 : vector<16xi32>
        %broadcast_in_dim3A_724 = arith.constant 3 : i32
        %broadcast_in_dim3A_725 = vector.broadcast %broadcast_in_dim3A_724 : i32 to vector<16xi32>
        %mul3A_726 = arith.mulf %sub3A_671, %sub3A_630 : vector<16xf32>
        %mul3A_727 = arith.mulf %mul3A_726, %sub3A_606 : vector<16xf32>
        tpu.vector_store_idx %arg11[%add3A_723, %broadcast_in_dim3A_725], %mul3A_727 : memref<64x16xf32, #tpu.memory_space<vmem>>[vector<16xi32>, vector<16xi32>], vector<16xf32>,
        %add3A_728 = arith.constant 4096 : i32
        %add3A_729 = vector.broadcast %add3A_728 : i32 to vector<16xi32>
        %add3A_730 = arith.addi %add3A_662, %add3A_729 : vector<16xi32>
        %swap3A_731 = arith.constant 3 : i32
        %swap3A_732 = arith.index_cast %swap3A_731 : i32 to index
        %swap3A_733 = arith.constant 0 : index
        %swap3A_734 = tpu.vector_load %arg10[%swap3A_732, %swap3A_733] {strides = array<i32>} : memref<4x128xi32, #tpu.memory_space<vmem>>, vector<16xi32>,
        tpu.vector_store %arg10[%swap3A_732, %swap3A_733], %add3A_730 {strides = array<i32>} : memref<4x128xi32, #tpu.memory_space<vmem>>, vector<16xi32>,
        %add3A_735 = arith.constant 32 : i32
        %add3A_736 = vector.broadcast %add3A_735 : i32 to vector<16xi32>
        %add3A_737 = arith.addi %add3A_736, %add3A_570 : vector<16xi32>
        %broadcast_in_dim3A_738 = arith.constant 4 : i32
        %broadcast_in_dim3A_739 = vector.broadcast %broadcast_in_dim3A_738 : i32 to vector<16xi32>
        %mul3A_740 = arith.mulf %sub3A_654, %sub3A_668 : vector<16xf32>
        %mul3A_741 = arith.mulf %mul3A_740, %sub3A_665 : vector<16xf32>
        tpu.vector_store_idx %arg11[%add3A_737, %broadcast_in_dim3A_739], %mul3A_741 : memref<64x16xf32, #tpu.memory_space<vmem>>[vector<16xi32>, vector<16xi32>], vector<16xf32>,
        %add3A_742 = arith.constant 4097 : i32
        %add3A_743 = vector.broadcast %add3A_742 : i32 to vector<16xi32>
        %add3A_744 = arith.addi %add3A_662, %add3A_743 : vector<16xi32>
        %swap3A_745 = arith.constant 3 : i32
        %swap3A_746 = arith.index_cast %swap3A_745 : i32 to index
        %swap3A_747 = arith.constant 32 : index
        %swap3A_748 = tpu.vector_load %arg10[%swap3A_746, %swap3A_747] {strides = array<i32>} : memref<4x128xi32, #tpu.memory_space<vmem>>, vector<16xi32>,
        tpu.vector_store %arg10[%swap3A_746, %swap3A_747], %add3A_744 {strides = array<i32>} : memref<4x128xi32, #tpu.memory_space<vmem>>, vector<16xi32>,
        %add3A_749 = arith.constant 32 : i32
        %add3A_750 = vector.broadcast %add3A_749 : i32 to vector<16xi32>
        %add3A_751 = arith.addi %add3A_750, %add3A_570 : vector<16xi32>
        %broadcast_in_dim3A_752 = arith.constant 5 : i32
        %broadcast_in_dim3A_753 = vector.broadcast %broadcast_in_dim3A_752 : i32 to vector<16xi32>
        %mul3A_754 = arith.mulf %sub3A_654, %sub3A_668 : vector<16xf32>
        %mul3A_755 = arith.mulf %mul3A_754, %sub3A_606 : vector<16xf32>
        tpu.vector_store_idx %arg11[%add3A_751, %broadcast_in_dim3A_753], %mul3A_755 : memref<64x16xf32, #tpu.memory_space<vmem>>[vector<16xi32>, vector<16xi32>], vector<16xf32>,
        %add3A_756 = arith.constant 4160 : i32
        %add3A_757 = vector.broadcast %add3A_756 : i32 to vector<16xi32>
        %add3A_758 = arith.addi %add3A_662, %add3A_757 : vector<16xi32>
        %swap3A_759 = arith.constant 3 : i32
        %swap3A_760 = arith.index_cast %swap3A_759 : i32 to index
        %swap3A_761 = arith.constant 64 : index
        %swap3A_762 = tpu.vector_load %arg10[%swap3A_760, %swap3A_761] {strides = array<i32>} : memref<4x128xi32, #tpu.memory_space<vmem>>, vector<16xi32>,
        tpu.vector_store %arg10[%swap3A_760, %swap3A_761], %add3A_758 {strides = array<i32>} : memref<4x128xi32, #tpu.memory_space<vmem>>, vector<16xi32>,
        %add3A_763 = arith.constant 32 : i32
        %add3A_764 = vector.broadcast %add3A_763 : i32 to vector<16xi32>
        %add3A_765 = arith.addi %add3A_764, %add3A_570 : vector<16xi32>
        %broadcast_in_dim3A_766 = arith.constant 6 : i32
        %broadcast_in_dim3A_767 = vector.broadcast %broadcast_in_dim3A_766 : i32 to vector<16xi32>
        %mul3A_768 = arith.mulf %sub3A_654, %sub3A_630 : vector<16xf32>
        %mul3A_769 = arith.mulf %mul3A_768, %sub3A_665 : vector<16xf32>
        tpu.vector_store_idx %arg11[%add3A_765, %broadcast_in_dim3A_767], %mul3A_769 : memref<64x16xf32, #tpu.memory_space<vmem>>[vector<16xi32>, vector<16xi32>], vector<16xf32>,
        %add3A_770 = arith.constant 4161 : i32
        %add3A_771 = vector.broadcast %add3A_770 : i32 to vector<16xi32>
        %add3A_772 = arith.addi %add3A_662, %add3A_771 : vector<16xi32>
        %swap3A_773 = arith.constant 3 : i32
        %swap3A_774 = arith.index_cast %swap3A_773 : i32 to index
        %swap3A_775 = arith.constant 96 : index
        %swap3A_776 = tpu.vector_load %arg10[%swap3A_774, %swap3A_775] {strides = array<i32>} : memref<4x128xi32, #tpu.memory_space<vmem>>, vector<16xi32>,
        tpu.vector_store %arg10[%swap3A_774, %swap3A_775], %add3A_772 {strides = array<i32>} : memref<4x128xi32, #tpu.memory_space<vmem>>, vector<16xi32>,
        %add3A_777 = arith.constant 32 : i32
        %add3A_778 = vector.broadcast %add3A_777 : i32 to vector<16xi32>
        %add3A_779 = arith.addi %add3A_778, %add3A_570 : vector<16xi32>
        %broadcast_in_dim3A_780 = arith.constant 7 : i32
        %broadcast_in_dim3A_781 = vector.broadcast %broadcast_in_dim3A_780 : i32 to vector<16xi32>
        %mul3A_782 = arith.mulf %sub3A_654, %sub3A_630 : vector<16xf32>
        %mul3A_783 = arith.mulf %mul3A_782, %sub3A_606 : vector<16xf32>
        tpu.vector_store_idx %arg11[%add3A_779, %broadcast_in_dim3A_781], %mul3A_783 : memref<64x16xf32, #tpu.memory_space<vmem>>[vector<16xi32>, vector<16xi32>], vector<16xf32>,
        %iota3A_784 = tpu.iota {dimensions = array<i32: 0>} : vector<16xi32>
        %add3A_785 = arith.constant 16 : i32
        %add3A_786 = vector.broadcast %add3A_785 : i32 to vector<16xi32>
        %add3A_787 = arith.addi %add3A_786, %iota3A_784 : vector<16xi32>
        %add3A_788 = arith.constant 16 : i32
        %add3A_789 = arith.addi %mul3A_566, %add3A_788 : i32
        %get3A_790 = arith.index_cast %add3A_789 : i32 to index
        %get3A_791 = tpu.vector_load %arg7[%get3A_790] {strides = array<i32>} : memref<8192xf32, #tpu.memory_space<vmem>>, vector<16xf32>,
        %add3A_792 = arith.constant 16 : i32
        %add3A_793 = arith.addi %mul3A_566, %add3A_792 : i32
        %get3A_794 = arith.index_cast %add3A_793 : i32 to index
        %get3A_795 = tpu.vector_load %arg8[%get3A_794] {strides = array<i32>} : memref<8192xf32, #tpu.memory_space<vmem>>, vector<16xf32>,
        %add3A_796 = arith.constant 16 : i32
        %add3A_797 = arith.addi %mul3A_566, %add3A_796 : i32
        %get3A_798 = arith.index_cast %add3A_797 : i32 to index
        %get3A_799 = tpu.vector_load %arg9[%get3A_798] {strides = array<i32>} : memref<8192xf32, #tpu.memory_space<vmem>>, vector<16xf32>,
        %add3A_800 = arith.constant 1.000000e+00 : f32
        %add3A_801 = vector.broadcast %add3A_800 : f32 to vector<16xf32>
        %add3A_802 = arith.addf %get3A_791, %add3A_801 : vector<16xf32>
        %mul3A_803 = arith.constant 6.400000e+01 : f32
        %mul3A_804 = vector.broadcast %mul3A_803 : f32 to vector<16xf32>
        %mul3A_805 = arith.mulf %add3A_802, %mul3A_804 : vector<16xf32>
        %sub3A_806 = arith.constant 1.000000e+00 : f32
        %sub3A_807 = vector.broadcast %sub3A_806 : f32 to vector<16xf32>
        %sub3A_808 = arith.subf %mul3A_805, %sub3A_807 : vector<16xf32>
        %mul3A_809 = arith.constant 5.000000e-01 : f32
        %mul3A_810 = vector.broadcast %mul3A_809 : f32 to vector<16xf32>
        %mul3A_811 = arith.mulf %sub3A_808, %mul3A_810 : vector<16xf32>
        %max3A_812 = arith.constant 0.000000e+00 : f32
        %max3A_813 = vector.broadcast %max3A_812 : f32 to vector<16xf32>
        %max3A_814 = arith.maximumf %mul3A_811, %max3A_813 : vector<16xf32>
        %min3A_815 = arith.constant 6.300000e+01 : f32
        %min3A_816 = vector.broadcast %min3A_815 : f32 to vector<16xf32>
        %min3A_817 = arith.minimumf %max3A_814, %min3A_816 : vector<16xf32>
        %convert_element_type3A_818 = arith.fptosi %min3A_817 : vector<16xf32> to vector<16xi32>
        %min3A_819 = arith.constant 62 : i32
        %min3A_820 = vector.broadcast %min3A_819 : i32 to vector<16xi32>
        %min3A_821 = arith.minsi %convert_element_type3A_818, %min3A_820 : vector<16xi32>
        %convert_element_type3A_822 = arith.sitofp %min3A_821 : vector<16xi32> to vector<16xf32>
        %sub3A_823 = arith.subf %min3A_817, %convert_element_type3A_822 : vector<16xf32>
        %add3A_824 = arith.constant 1.000000e+00 : f32
        %add3A_825 = vector.broadcast %add3A_824 : f32 to vector<16xf32>
        %add3A_826 = arith.addf %get3A_795, %add3A_825 : vector<16xf32>
        %mul3A_827 = arith.constant 6.400000e+01 : f32
        %mul3A_828 = vector.broadcast %mul3A_827 : f32 to vector<16xf32>
        %mul3A_829 = arith.mulf %add3A_826, %mul3A_828 : vector<16xf32>
        %sub3A_830 = arith.constant 1.000000e+00 : f32
        %sub3A_831 = vector.broadcast %sub3A_830 : f32 to vector<16xf32>
        %sub3A_832 = arith.subf %mul3A_829, %sub3A_831 : vector<16xf32>
        %mul3A_833 = arith.constant 5.000000e-01 : f32
        %mul3A_834 = vector.broadcast %mul3A_833 : f32 to vector<16xf32>
        %mul3A_835 = arith.mulf %sub3A_832, %mul3A_834 : vector<16xf32>
        %max3A_836 = arith.constant 0.000000e+00 : f32
        %max3A_837 = vector.broadcast %max3A_836 : f32 to vector<16xf32>
        %max3A_838 = arith.maximumf %mul3A_835, %max3A_837 : vector<16xf32>
        %min3A_839 = arith.constant 6.300000e+01 : f32
        %min3A_840 = vector.broadcast %min3A_839 : f32 to vector<16xf32>
        %min3A_841 = arith.minimumf %max3A_838, %min3A_840 : vector<16xf32>
        %convert_element_type3A_842 = arith.fptosi %min3A_841 : vector<16xf32> to vector<16xi32>
        %min3A_843 = arith.constant 62 : i32
        %min3A_844 = vector.broadcast %min3A_843 : i32 to vector<16xi32>
        %min3A_845 = arith.minsi %convert_element_type3A_842, %min3A_844 : vector<16xi32>
        %convert_element_type3A_846 = arith.sitofp %min3A_845 : vector<16xi32> to vector<16xf32>
        %sub3A_847 = arith.subf %min3A_841, %convert_element_type3A_846 : vector<16xf32>
        %add3A_848 = arith.constant 1.000000e+00 : f32
        %add3A_849 = vector.broadcast %add3A_848 : f32 to vector<16xf32>
        %add3A_850 = arith.addf %get3A_799, %add3A_849 : vector<16xf32>
        %mul3A_851 = arith.constant 6.400000e+01 : f32
        %mul3A_852 = vector.broadcast %mul3A_851 : f32 to vector<16xf32>
        %mul3A_853 = arith.mulf %add3A_850, %mul3A_852 : vector<16xf32>
        %sub3A_854 = arith.constant 1.000000e+00 : f32
        %sub3A_855 = vector.broadcast %sub3A_854 : f32 to vector<16xf32>
        %sub3A_856 = arith.subf %mul3A_853, %sub3A_855 : vector<16xf32>
        %mul3A_857 = arith.constant 5.000000e-01 : f32
        %mul3A_858 = vector.broadcast %mul3A_857 : f32 to vector<16xf32>
        %mul3A_859 = arith.mulf %sub3A_856, %mul3A_858 : vector<16xf32>
        %max3A_860 = arith.constant 0.000000e+00 : f32
        %max3A_861 = vector.broadcast %max3A_860 : f32 to vector<16xf32>
        %max3A_862 = arith.maximumf %mul3A_859, %max3A_861 : vector<16xf32>
        %min3A_863 = arith.constant 6.300000e+01 : f32
        %min3A_864 = vector.broadcast %min3A_863 : f32 to vector<16xf32>
        %min3A_865 = arith.minimumf %max3A_862, %min3A_864 : vector<16xf32>
        %convert_element_type3A_866 = arith.fptosi %min3A_865 : vector<16xf32> to vector<16xi32>
        %min3A_867 = arith.constant 62 : i32
        %min3A_868 = vector.broadcast %min3A_867 : i32 to vector<16xi32>
        %min3A_869 = arith.minsi %convert_element_type3A_866, %min3A_868 : vector<16xi32>
        %convert_element_type3A_870 = arith.sitofp %min3A_869 : vector<16xi32> to vector<16xf32>
        %sub3A_871 = arith.subf %min3A_865, %convert_element_type3A_870 : vector<16xf32>
        %mul3A_872 = arith.constant 64 : i32
        %mul3A_873 = vector.broadcast %mul3A_872 : i32 to vector<16xi32>
        %mul3A_874 = arith.muli %min3A_869, %mul3A_873 : vector<16xi32>
        %add3A_875 = arith.addi %mul3A_874, %min3A_845 : vector<16xi32>
        %mul3A_876 = arith.constant 64 : i32
        %mul3A_877 = vector.broadcast %mul3A_876 : i32 to vector<16xi32>
        %mul3A_878 = arith.muli %add3A_875, %mul3A_877 : vector<16xi32>
        %add3A_879 = arith.addi %mul3A_878, %min3A_821 : vector<16xi32>
        %sub3A_880 = arith.constant 1.000000e+00 : f32
        %sub3A_881 = vector.broadcast %sub3A_880 : f32 to vector<16xf32>
        %sub3A_882 = arith.subf %sub3A_881, %sub3A_823 : vector<16xf32>
        %sub3A_883 = arith.constant 1.000000e+00 : f32
        %sub3A_884 = vector.broadcast %sub3A_883 : f32 to vector<16xf32>
        %sub3A_885 = arith.subf %sub3A_884, %sub3A_847 : vector<16xf32>
        %sub3A_886 = arith.constant 1.000000e+00 : f32
        %sub3A_887 = vector.broadcast %sub3A_886 : f32 to vector<16xf32>
        %sub3A_888 = arith.subf %sub3A_887, %sub3A_871 : vector<16xf32>
        %add3A_889 = arith.constant 0 : i32
        %add3A_890 = vector.broadcast %add3A_889 : i32 to vector<16xi32>
        %add3A_891 = arith.addi %add3A_879, %add3A_890 : vector<16xi32>
        %swap3A_892 = arith.constant 2 : i32
        %swap3A_893 = arith.index_cast %swap3A_892 : i32 to index
        %swap3A_894 = arith.constant 16 : index
        %swap3A_895 = tpu.vector_load %arg10[%swap3A_893, %swap3A_894] {strides = array<i32>} : memref<4x128xi32, #tpu.memory_space<vmem>>, vector<16xi32>,
        tpu.vector_store %arg10[%swap3A_893, %swap3A_894], %add3A_891 {strides = array<i32>} : memref<4x128xi32, #tpu.memory_space<vmem>>, vector<16xi32>,
        %add3A_896 = arith.constant 32 : i32
        %add3A_897 = vector.broadcast %add3A_896 : i32 to vector<16xi32>
        %add3A_898 = arith.addi %add3A_897, %add3A_787 : vector<16xi32>
        %broadcast_in_dim3A_899 = arith.constant 0 : i32
        %broadcast_in_dim3A_900 = vector.broadcast %broadcast_in_dim3A_899 : i32 to vector<16xi32>
        %mul3A_901 = arith.mulf %sub3A_888, %sub3A_885 : vector<16xf32>
        %mul3A_902 = arith.mulf %mul3A_901, %sub3A_882 : vector<16xf32>
        tpu.vector_store_idx %arg11[%add3A_898, %broadcast_in_dim3A_900], %mul3A_902 : memref<64x16xf32, #tpu.memory_space<vmem>>[vector<16xi32>, vector<16xi32>], vector<16xf32>,
        %add3A_903 = arith.constant 1 : i32
        %add3A_904 = vector.broadcast %add3A_903 : i32 to vector<16xi32>
        %add3A_905 = arith.addi %add3A_879, %add3A_904 : vector<16xi32>
        %swap3A_906 = arith.constant 2 : i32
        %swap3A_907 = arith.index_cast %swap3A_906 : i32 to index
        %swap3A_908 = arith.constant 48 : index
        %swap3A_909 = tpu.vector_load %arg10[%swap3A_907, %swap3A_908] {strides = array<i32>} : memref<4x128xi32, #tpu.memory_space<vmem>>, vector<16xi32>,
        tpu.vector_store %arg10[%swap3A_907, %swap3A_908], %add3A_905 {strides = array<i32>} : memref<4x128xi32, #tpu.memory_space<vmem>>, vector<16xi32>,
        %add3A_910 = arith.constant 32 : i32
        %add3A_911 = vector.broadcast %add3A_910 : i32 to vector<16xi32>
        %add3A_912 = arith.addi %add3A_911, %add3A_787 : vector<16xi32>
        %broadcast_in_dim3A_913 = arith.constant 1 : i32
        %broadcast_in_dim3A_914 = vector.broadcast %broadcast_in_dim3A_913 : i32 to vector<16xi32>
        %mul3A_915 = arith.mulf %sub3A_888, %sub3A_885 : vector<16xf32>
        %mul3A_916 = arith.mulf %mul3A_915, %sub3A_823 : vector<16xf32>
        tpu.vector_store_idx %arg11[%add3A_912, %broadcast_in_dim3A_914], %mul3A_916 : memref<64x16xf32, #tpu.memory_space<vmem>>[vector<16xi32>, vector<16xi32>], vector<16xf32>,
        %add3A_917 = arith.constant 64 : i32
        %add3A_918 = vector.broadcast %add3A_917 : i32 to vector<16xi32>
        %add3A_919 = arith.addi %add3A_879, %add3A_918 : vector<16xi32>
        %swap3A_920 = arith.constant 2 : i32
        %swap3A_921 = arith.index_cast %swap3A_920 : i32 to index
        %swap3A_922 = arith.constant 80 : index
        %swap3A_923 = tpu.vector_load %arg10[%swap3A_921, %swap3A_922] {strides = array<i32>} : memref<4x128xi32, #tpu.memory_space<vmem>>, vector<16xi32>,
        tpu.vector_store %arg10[%swap3A_921, %swap3A_922], %add3A_919 {strides = array<i32>} : memref<4x128xi32, #tpu.memory_space<vmem>>, vector<16xi32>,
        %add3A_924 = arith.constant 32 : i32
        %add3A_925 = vector.broadcast %add3A_924 : i32 to vector<16xi32>
        %add3A_926 = arith.addi %add3A_925, %add3A_787 : vector<16xi32>
        %broadcast_in_dim3A_927 = arith.constant 2 : i32
        %broadcast_in_dim3A_928 = vector.broadcast %broadcast_in_dim3A_927 : i32 to vector<16xi32>
        %mul3A_929 = arith.mulf %sub3A_888, %sub3A_847 : vector<16xf32>
        %mul3A_930 = arith.mulf %mul3A_929, %sub3A_882 : vector<16xf32>
        tpu.vector_store_idx %arg11[%add3A_926, %broadcast_in_dim3A_928], %mul3A_930 : memref<64x16xf32, #tpu.memory_space<vmem>>[vector<16xi32>, vector<16xi32>], vector<16xf32>,
        %add3A_931 = arith.constant 65 : i32
        %add3A_932 = vector.broadcast %add3A_931 : i32 to vector<16xi32>
        %add3A_933 = arith.addi %add3A_879, %add3A_932 : vector<16xi32>
        %swap3A_934 = arith.constant 2 : i32
        %swap3A_935 = arith.index_cast %swap3A_934 : i32 to index
        %swap3A_936 = arith.constant 112 : index
        %swap3A_937 = tpu.vector_load %arg10[%swap3A_935, %swap3A_936] {strides = array<i32>} : memref<4x128xi32, #tpu.memory_space<vmem>>, vector<16xi32>,
        tpu.vector_store %arg10[%swap3A_935, %swap3A_936], %add3A_933 {strides = array<i32>} : memref<4x128xi32, #tpu.memory_space<vmem>>, vector<16xi32>,
        %add3A_938 = arith.constant 32 : i32
        %add3A_939 = vector.broadcast %add3A_938 : i32 to vector<16xi32>
        %add3A_940 = arith.addi %add3A_939, %add3A_787 : vector<16xi32>
        %broadcast_in_dim3A_941 = arith.constant 3 : i32
        %broadcast_in_dim3A_942 = vector.broadcast %broadcast_in_dim3A_941 : i32 to vector<16xi32>
        %mul3A_943 = arith.mulf %sub3A_888, %sub3A_847 : vector<16xf32>
        %mul3A_944 = arith.mulf %mul3A_943, %sub3A_823 : vector<16xf32>
        tpu.vector_store_idx %arg11[%add3A_940, %broadcast_in_dim3A_942], %mul3A_944 : memref<64x16xf32, #tpu.memory_space<vmem>>[vector<16xi32>, vector<16xi32>], vector<16xf32>,
        %add3A_945 = arith.constant 4096 : i32
        %add3A_946 = vector.broadcast %add3A_945 : i32 to vector<16xi32>
        %add3A_947 = arith.addi %add3A_879, %add3A_946 : vector<16xi32>
        %swap3A_948 = arith.constant 3 : i32
        %swap3A_949 = arith.index_cast %swap3A_948 : i32 to index
        %swap3A_950 = arith.constant 16 : index
        %swap3A_951 = tpu.vector_load %arg10[%swap3A_949, %swap3A_950] {strides = array<i32>} : memref<4x128xi32, #tpu.memory_space<vmem>>, vector<16xi32>,
        tpu.vector_store %arg10[%swap3A_949, %swap3A_950], %add3A_947 {strides = array<i32>} : memref<4x128xi32, #tpu.memory_space<vmem>>, vector<16xi32>,
        %add3A_952 = arith.constant 32 : i32
        %add3A_953 = vector.broadcast %add3A_952 : i32 to vector<16xi32>
        %add3A_954 = arith.addi %add3A_953, %add3A_787 : vector<16xi32>
        %broadcast_in_dim3A_955 = arith.constant 4 : i32
        %broadcast_in_dim3A_956 = vector.broadcast %broadcast_in_dim3A_955 : i32 to vector<16xi32>
        %mul3A_957 = arith.mulf %sub3A_871, %sub3A_885 : vector<16xf32>
        %mul3A_958 = arith.mulf %mul3A_957, %sub3A_882 : vector<16xf32>
        tpu.vector_store_idx %arg11[%add3A_954, %broadcast_in_dim3A_956], %mul3A_958 : memref<64x16xf32, #tpu.memory_space<vmem>>[vector<16xi32>, vector<16xi32>], vector<16xf32>,
        %add3A_959 = arith.constant 4097 : i32
        %add3A_960 = vector.broadcast %add3A_959 : i32 to vector<16xi32>
        %add3A_961 = arith.addi %add3A_879, %add3A_960 : vector<16xi32>
        %swap3A_962 = arith.constant 3 : i32
        %swap3A_963 = arith.index_cast %swap3A_962 : i32 to index
        %swap3A_964 = arith.constant 48 : index
        %swap3A_965 = tpu.vector_load %arg10[%swap3A_963, %swap3A_964] {strides = array<i32>} : memref<4x128xi32, #tpu.memory_space<vmem>>, vector<16xi32>,
        tpu.vector_store %arg10[%swap3A_963, %swap3A_964], %add3A_961 {strides = array<i32>} : memref<4x128xi32, #tpu.memory_space<vmem>>, vector<16xi32>,
        %add3A_966 = arith.constant 32 : i32
        %add3A_967 = vector.broadcast %add3A_966 : i32 to vector<16xi32>
        %add3A_968 = arith.addi %add3A_967, %add3A_787 : vector<16xi32>
        %broadcast_in_dim3A_969 = arith.constant 5 : i32
        %broadcast_in_dim3A_970 = vector.broadcast %broadcast_in_dim3A_969 : i32 to vector<16xi32>
        %mul3A_971 = arith.mulf %sub3A_871, %sub3A_885 : vector<16xf32>
        %mul3A_972 = arith.mulf %mul3A_971, %sub3A_823 : vector<16xf32>
        tpu.vector_store_idx %arg11[%add3A_968, %broadcast_in_dim3A_970], %mul3A_972 : memref<64x16xf32, #tpu.memory_space<vmem>>[vector<16xi32>, vector<16xi32>], vector<16xf32>,
        %add3A_973 = arith.constant 4160 : i32
        %add3A_974 = vector.broadcast %add3A_973 : i32 to vector<16xi32>
        %add3A_975 = arith.addi %add3A_879, %add3A_974 : vector<16xi32>
        %swap3A_976 = arith.constant 3 : i32
        %swap3A_977 = arith.index_cast %swap3A_976 : i32 to index
        %swap3A_978 = arith.constant 80 : index
        %swap3A_979 = tpu.vector_load %arg10[%swap3A_977, %swap3A_978] {strides = array<i32>} : memref<4x128xi32, #tpu.memory_space<vmem>>, vector<16xi32>,
        tpu.vector_store %arg10[%swap3A_977, %swap3A_978], %add3A_975 {strides = array<i32>} : memref<4x128xi32, #tpu.memory_space<vmem>>, vector<16xi32>,
        %add3A_980 = arith.constant 32 : i32
        %add3A_981 = vector.broadcast %add3A_980 : i32 to vector<16xi32>
        %add3A_982 = arith.addi %add3A_981, %add3A_787 : vector<16xi32>
        %broadcast_in_dim3A_983 = arith.constant 6 : i32
        %broadcast_in_dim3A_984 = vector.broadcast %broadcast_in_dim3A_983 : i32 to vector<16xi32>
        %mul3A_985 = arith.mulf %sub3A_871, %sub3A_847 : vector<16xf32>
        %mul3A_986 = arith.mulf %mul3A_985, %sub3A_882 : vector<16xf32>
        tpu.vector_store_idx %arg11[%add3A_982, %broadcast_in_dim3A_984], %mul3A_986 : memref<64x16xf32, #tpu.memory_space<vmem>>[vector<16xi32>, vector<16xi32>], vector<16xf32>,
        %add3A_987 = arith.constant 4161 : i32
        %add3A_988 = vector.broadcast %add3A_987 : i32 to vector<16xi32>
        %add3A_989 = arith.addi %add3A_879, %add3A_988 : vector<16xi32>
        %swap3A_990 = arith.constant 3 : i32
        %swap3A_991 = arith.index_cast %swap3A_990 : i32 to index
        %swap3A_992 = arith.constant 112 : index
        %swap3A_993 = tpu.vector_load %arg10[%swap3A_991, %swap3A_992] {strides = array<i32>} : memref<4x128xi32, #tpu.memory_space<vmem>>, vector<16xi32>,
        tpu.vector_store %arg10[%swap3A_991, %swap3A_992], %add3A_989 {strides = array<i32>} : memref<4x128xi32, #tpu.memory_space<vmem>>, vector<16xi32>,
        %add3A_994 = arith.constant 32 : i32
        %add3A_995 = vector.broadcast %add3A_994 : i32 to vector<16xi32>
        %add3A_996 = arith.addi %add3A_995, %add3A_787 : vector<16xi32>
        %broadcast_in_dim3A_997 = arith.constant 7 : i32
        %broadcast_in_dim3A_998 = vector.broadcast %broadcast_in_dim3A_997 : i32 to vector<16xi32>
        %mul3A_999 = arith.mulf %sub3A_871, %sub3A_847 : vector<16xf32>
        %mul3A_1000 = arith.mulf %mul3A_999, %sub3A_823 : vector<16xf32>
        tpu.vector_store_idx %arg11[%add3A_996, %broadcast_in_dim3A_998], %mul3A_1000 : memref<64x16xf32, #tpu.memory_space<vmem>>[vector<16xi32>, vector<16xi32>], vector<16xf32>,
        %dma_start3A_1001 = arith.constant 2 : i32
        %dma_start3A_1002 = arith.constant 256 : i32
        %dma_start3A_1003 = arith.constant 0 : i32
        %dma_start3A_1004 = tpu.memref_slice %arg12[%dma_start3A_1002, %dma_start3A_1003] : memref<512x128xf32, #tpu.memory_space<vmem>> -> memref<128x128xf32, #tpu.memory_space<vmem>>
        %dma_start3A_1005 = arith.constant 0 : i32
        %dma_start3A_1006 = tpu.memref_slice %arg10[%dma_start3A_1001, %dma_start3A_1005] : memref<4x128xi32, #tpu.memory_space<vmem>> -> memref<1x128xi32, #tpu.memory_space<vmem>>
        %dma_start3A_1007 = tpu.memref_squeeze %dma_start3A_1006 : memref<1x128xi32, #tpu.memory_space<vmem>> -> memref<128xi32, #tpu.memory_space<vmem>>
        %dma_start3A_1008 = arith.constant 0 : i32
        %dma_start3A_1009 = arith.constant 0 : i32
        %dma_start3A_1010 = tpu.memref_slice %arg5[%dma_start3A_1008, %dma_start3A_1009] : memref<262144x128xf32, #tpu.memory_space<hbm>> -> memref<262144x128xf32, #tpu.memory_space<hbm>>
        tpu.enqueue_indirect_dma source(%dma_start3A_1010 : memref<262144x128xf32, #tpu.memory_space<hbm>>) target(%dma_start3A_1004 : memref<128x128xf32, #tpu.memory_space<vmem>>) offsets(%dma_start3A_1007 : memref<128xi32, #tpu.memory_space<vmem>>) semaphore(%arg15 : memref<!tpu.dma_semaphore, #tpu.memory_space<semaphore_mem>>)
        %dma_start3A_1011 = arith.constant 3 : i32
        %dma_start3A_1012 = arith.constant 384 : i32
        %dma_start3A_1013 = arith.constant 0 : i32
        %dma_start3A_1014 = tpu.memref_slice %arg12[%dma_start3A_1012, %dma_start3A_1013] : memref<512x128xf32, #tpu.memory_space<vmem>> -> memref<128x128xf32, #tpu.memory_space<vmem>>
        %dma_start3A_1015 = arith.constant 0 : i32
        %dma_start3A_1016 = tpu.memref_slice %arg10[%dma_start3A_1011, %dma_start3A_1015] : memref<4x128xi32, #tpu.memory_space<vmem>> -> memref<1x128xi32, #tpu.memory_space<vmem>>
        %dma_start3A_1017 = tpu.memref_squeeze %dma_start3A_1016 : memref<1x128xi32, #tpu.memory_space<vmem>> -> memref<128xi32, #tpu.memory_space<vmem>>
        %dma_start3A_1018 = arith.constant 0 : i32
        %dma_start3A_1019 = arith.constant 0 : i32
        %dma_start3A_1020 = tpu.memref_slice %arg5[%dma_start3A_1018, %dma_start3A_1019] : memref<262144x128xf32, #tpu.memory_space<hbm>> -> memref<262144x128xf32, #tpu.memory_space<hbm>>
        tpu.enqueue_indirect_dma source(%dma_start3A_1020 : memref<262144x128xf32, #tpu.memory_space<hbm>>) target(%dma_start3A_1014 : memref<128x128xf32, #tpu.memory_space<vmem>>) offsets(%dma_start3A_1017 : memref<128xi32, #tpu.memory_space<vmem>>) semaphore(%arg15 : memref<!tpu.dma_semaphore, #tpu.memory_space<semaphore_mem>>)
      } else {
      }
      %dma_wait3A_474 = arith.constant 0 : i32
      %dma_wait3A_475 = arith.constant 0 : i32
      %dma_wait3A_476 = arith.constant 0 : i32
      %dma_wait3A_477 = tpu.memref_slice %arg12[%dma_wait3A_475, %dma_wait3A_476] : memref<512x128xf32, #tpu.memory_space<vmem>> -> memref<128x128xf32, #tpu.memory_space<vmem>>
      %dma_wait3A_478 = arith.constant 0 : i32
      %dma_wait3A_479 = tpu.memref_slice %arg10[%dma_wait3A_474, %dma_wait3A_478] : memref<4x128xi32, #tpu.memory_space<vmem>> -> memref<1x128xi32, #tpu.memory_space<vmem>>
      %dma_wait3A_480 = tpu.memref_squeeze %dma_wait3A_479 : memref<1x128xi32, #tpu.memory_space<vmem>> -> memref<128xi32, #tpu.memory_space<vmem>>
      %dma_wait3A_481 = arith.constant 0 : i32
      %dma_wait3A_482 = arith.constant 0 : i32
      %dma_wait3A_483 = tpu.memref_slice %arg5[%dma_wait3A_481, %dma_wait3A_482] : memref<262144x128xf32, #tpu.memory_space<hbm>> -> memref<262144x128xf32, #tpu.memory_space<hbm>>
      tpu.wait_indirect_dma semaphore(%arg14 : memref<!tpu.dma_semaphore, #tpu.memory_space<semaphore_mem>>) src(%dma_wait3A_483 : memref<262144x128xf32, #tpu.memory_space<hbm>>) dst(%dma_wait3A_477 : memref<128x128xf32, #tpu.memory_space<vmem>>)
      %dma_wait3A_484 = arith.constant 1 : i32
      %dma_wait3A_485 = arith.constant 128 : i32
      %dma_wait3A_486 = arith.constant 0 : i32
      %dma_wait3A_487 = tpu.memref_slice %arg12[%dma_wait3A_485, %dma_wait3A_486] : memref<512x128xf32, #tpu.memory_space<vmem>> -> memref<128x128xf32, #tpu.memory_space<vmem>>
      %dma_wait3A_488 = arith.constant 0 : i32
      %dma_wait3A_489 = tpu.memref_slice %arg10[%dma_wait3A_484, %dma_wait3A_488] : memref<4x128xi32, #tpu.memory_space<vmem>> -> memref<1x128xi32, #tpu.memory_space<vmem>>
      %dma_wait3A_490 = tpu.memref_squeeze %dma_wait3A_489 : memref<1x128xi32, #tpu.memory_space<vmem>> -> memref<128xi32, #tpu.memory_space<vmem>>
      %dma_wait3A_491 = arith.constant 0 : i32
      %dma_wait3A_492 = arith.constant 0 : i32
      %dma_wait3A_493 = tpu.memref_slice %arg5[%dma_wait3A_491, %dma_wait3A_492] : memref<262144x128xf32, #tpu.memory_space<hbm>> -> memref<262144x128xf32, #tpu.memory_space<hbm>>
      tpu.wait_indirect_dma semaphore(%arg14 : memref<!tpu.dma_semaphore, #tpu.memory_space<semaphore_mem>>) src(%dma_wait3A_493 : memref<262144x128xf32, #tpu.memory_space<hbm>>) dst(%dma_wait3A_487 : memref<128x128xf32, #tpu.memory_space<vmem>>)
      %ge3A = arith.constant 2 : i32
      %ge3A_494 = arith.cmpi sge, %add3A_468, %ge3A : i32
      %convert_element_type3A_495 = arith.extui %ge3A_494 : i1 to i32
      %cond3A_496 = arith.constant 0 : i32
      %cond3A_497 = arith.cmpi ne, %convert_element_type3A_495, %cond3A_496 : i32
      scf.if %cond3A_497 {
        %sub3A_565 = arith.constant 2 : i32
        %sub3A_566 = arith.subi %add3A_468, %sub3A_565 : i32
        %mul3A_567 = arith.constant 32 : i32
        %mul3A_568 = arith.muli %sub3A_566, %mul3A_567 : i32
        %add3A_569 = arith.addi %mul3A_2, %mul3A_568 : i32
        %dma_wait3A_570 = arith.constant 0 : i32
        %dma_wait3A_571 = arith.constant 0 : i32
        %dma_wait3A_572 = tpu.memref_slice %arg13[%dma_wait3A_570, %dma_wait3A_571] : memref<64x128xf32, #tpu.memory_space<vmem>> -> memref<32x128xf32, #tpu.memory_space<vmem>>
        %dma_wait3A_573 = arith.constant 0 : i32
        %dma_wait3A_574 = tpu.memref_slice %arg6[%add3A_569, %dma_wait3A_573] : memref<262144x128xf32, #tpu.memory_space<hbm>> -> memref<32x128xf32, #tpu.memory_space<hbm>>
        %dma_wait3A_575 = arith.constant 0 : i32
        %dma_wait3A_576 = tpu.memref_slice %arg6[%add3A_569, %dma_wait3A_575] : memref<262144x128xf32, #tpu.memory_space<hbm>> -> memref<32x128xf32, #tpu.memory_space<hbm>>
        %dma_wait3A_577 = arith.constant 0 : i32
        %dma_wait3A_578 = arith.constant 0 : i32
        %dma_wait3A_579 = tpu.memref_slice %arg13[%dma_wait3A_577, %dma_wait3A_578] : memref<64x128xf32, #tpu.memory_space<vmem>> -> memref<32x128xf32, #tpu.memory_space<vmem>>
        tpu.wait_dma2 semaphore(%arg16 : memref<!tpu.dma_semaphore, #tpu.memory_space<semaphore_mem>>) src(%dma_wait3A_579 : memref<32x128xf32, #tpu.memory_space<vmem>>) dst(%dma_wait3A_576 : memref<32x128xf32, #tpu.memory_space<hbm>>)
      } else {
      }
      %parallel_loop3A = arith.constant 0 : i32
      %parallel_loop3A_498 = arith.constant 32 : i32
      %parallel_loop3A_499 = arith.constant 1 : i32
      scf.for %parallel_loop3A_565 = %parallel_loop3A to %parallel_loop3A_498 step %parallel_loop3A_499  : i32 {
        %parallel_loop3A_566 = arith.constant 0 : i32
        %parallel_loop3A_567 = arith.addi %parallel_loop3A_566, %parallel_loop3A_565 : i32
        %parallel_loop3A_568 = arith.index_cast %parallel_loop3A_567 : i32 to index
        %parallel_loop3A_569 = arith.constant 0 : index
        %parallel_loop3A_570 = tpu.vector_load %arg11[%parallel_loop3A_568, %parallel_loop3A_569] {strides = array<i32>} : memref<64x16xf32, #tpu.memory_space<vmem>>, vector<16xf32>,
        %parallel_loop3A_571 = arith.constant 0 : i32
        %parallel_loop3A_572 = vector.broadcast %parallel_loop3A_571 : i32 to vector<16xi32>
        %parallel_loop3A_573 = vector.shape_cast %parallel_loop3A_572 : vector<16xi32> to vector<16x1xi32>
        %parallel_loop3A_574 = vector.shape_cast %parallel_loop3A_573 : vector<16x1xi32> to vector<16xi32>
        %parallel_loop3A_575 = tpu.dynamic_gather %parallel_loop3A_570[%parallel_loop3A_574] in [0] : vector<16xf32>, vector<16xi32> -> vector<16xf32>
        %parallel_loop3A_576 = arith.constant 1 : i32
        %parallel_loop3A_577 = vector.broadcast %parallel_loop3A_576 : i32 to vector<16xi32>
        %parallel_loop3A_578 = vector.shape_cast %parallel_loop3A_577 : vector<16xi32> to vector<16x1xi32>
        %parallel_loop3A_579 = vector.shape_cast %parallel_loop3A_578 : vector<16x1xi32> to vector<16xi32>
        %parallel_loop3A_580 = tpu.dynamic_gather %parallel_loop3A_570[%parallel_loop3A_579] in [0] : vector<16xf32>, vector<16xi32> -> vector<16xf32>
        %parallel_loop3A_581 = arith.constant 2 : i32
        %parallel_loop3A_582 = vector.broadcast %parallel_loop3A_581 : i32 to vector<16xi32>
        %parallel_loop3A_583 = vector.shape_cast %parallel_loop3A_582 : vector<16xi32> to vector<16x1xi32>
        %parallel_loop3A_584 = vector.shape_cast %parallel_loop3A_583 : vector<16x1xi32> to vector<16xi32>
        %parallel_loop3A_585 = tpu.dynamic_gather %parallel_loop3A_570[%parallel_loop3A_584] in [0] : vector<16xf32>, vector<16xi32> -> vector<16xf32>
        %parallel_loop3A_586 = arith.constant 3 : i32
        %parallel_loop3A_587 = vector.broadcast %parallel_loop3A_586 : i32 to vector<16xi32>
        %parallel_loop3A_588 = vector.shape_cast %parallel_loop3A_587 : vector<16xi32> to vector<16x1xi32>
        %parallel_loop3A_589 = vector.shape_cast %parallel_loop3A_588 : vector<16x1xi32> to vector<16xi32>
        %parallel_loop3A_590 = tpu.dynamic_gather %parallel_loop3A_570[%parallel_loop3A_589] in [0] : vector<16xf32>, vector<16xi32> -> vector<16xf32>
        %parallel_loop3A_591 = arith.constant 4 : i32
        %parallel_loop3A_592 = vector.broadcast %parallel_loop3A_591 : i32 to vector<16xi32>
        %parallel_loop3A_593 = vector.shape_cast %parallel_loop3A_592 : vector<16xi32> to vector<16x1xi32>
        %parallel_loop3A_594 = vector.shape_cast %parallel_loop3A_593 : vector<16x1xi32> to vector<16xi32>
        %parallel_loop3A_595 = tpu.dynamic_gather %parallel_loop3A_570[%parallel_loop3A_594] in [0] : vector<16xf32>, vector<16xi32> -> vector<16xf32>
        %parallel_loop3A_596 = arith.constant 5 : i32
        %parallel_loop3A_597 = vector.broadcast %parallel_loop3A_596 : i32 to vector<16xi32>
        %parallel_loop3A_598 = vector.shape_cast %parallel_loop3A_597 : vector<16xi32> to vector<16x1xi32>
        %parallel_loop3A_599 = vector.shape_cast %parallel_loop3A_598 : vector<16x1xi32> to vector<16xi32>
        %parallel_loop3A_600 = tpu.dynamic_gather %parallel_loop3A_570[%parallel_loop3A_599] in [0] : vector<16xf32>, vector<16xi32> -> vector<16xf32>
        %parallel_loop3A_601 = arith.constant 6 : i32
        %parallel_loop3A_602 = vector.broadcast %parallel_loop3A_601 : i32 to vector<16xi32>
        %parallel_loop3A_603 = vector.shape_cast %parallel_loop3A_602 : vector<16xi32> to vector<16x1xi32>
        %parallel_loop3A_604 = vector.shape_cast %parallel_loop3A_603 : vector<16x1xi32> to vector<16xi32>
        %parallel_loop3A_605 = tpu.dynamic_gather %parallel_loop3A_570[%parallel_loop3A_604] in [0] : vector<16xf32>, vector<16xi32> -> vector<16xf32>
        %parallel_loop3A_606 = arith.constant 7 : i32
        %parallel_loop3A_607 = vector.broadcast %parallel_loop3A_606 : i32 to vector<16xi32>
        %parallel_loop3A_608 = vector.shape_cast %parallel_loop3A_607 : vector<16xi32> to vector<16x1xi32>
        %parallel_loop3A_609 = vector.shape_cast %parallel_loop3A_608 : vector<16x1xi32> to vector<16xi32>
        %parallel_loop3A_610 = tpu.dynamic_gather %parallel_loop3A_570[%parallel_loop3A_609] in [0] : vector<16xf32>, vector<16xi32> -> vector<16xf32>
        %parallel_loop3A_611 = arith.constant 0 : i32
        %parallel_loop3A_612 = arith.addi %parallel_loop3A_611, %parallel_loop3A_565 : i32
        %parallel_loop3A_613 = arith.index_cast %parallel_loop3A_612 : i32 to index
        %parallel_loop3A_614 = arith.constant 0 : index
        %parallel_loop3A_615 = tpu.vector_load %arg12[%parallel_loop3A_613, %parallel_loop3A_614] {strides = array<i32>} : memref<512x128xf32, #tpu.memory_space<vmem>>, vector<16xf32>,
        %parallel_loop3A_616 = arith.mulf %parallel_loop3A_575, %parallel_loop3A_615 : vector<16xf32>
        %parallel_loop3A_617 = arith.constant 32 : i32
        %parallel_loop3A_618 = arith.addi %parallel_loop3A_617, %parallel_loop3A_565 : i32
        %parallel_loop3A_619 = arith.index_cast %parallel_loop3A_618 : i32 to index
        %parallel_loop3A_620 = arith.constant 0 : index
        %parallel_loop3A_621 = tpu.vector_load %arg12[%parallel_loop3A_619, %parallel_loop3A_620] {strides = array<i32>} : memref<512x128xf32, #tpu.memory_space<vmem>>, vector<16xf32>,
        %parallel_loop3A_622 = arith.mulf %parallel_loop3A_580, %parallel_loop3A_621 : vector<16xf32>
        %parallel_loop3A_623 = arith.addf %parallel_loop3A_616, %parallel_loop3A_622 : vector<16xf32>
        %parallel_loop3A_624 = arith.constant 64 : i32
        %parallel_loop3A_625 = arith.addi %parallel_loop3A_624, %parallel_loop3A_565 : i32
        %parallel_loop3A_626 = arith.index_cast %parallel_loop3A_625 : i32 to index
        %parallel_loop3A_627 = arith.constant 0 : index
        %parallel_loop3A_628 = tpu.vector_load %arg12[%parallel_loop3A_626, %parallel_loop3A_627] {strides = array<i32>} : memref<512x128xf32, #tpu.memory_space<vmem>>, vector<16xf32>,
        %parallel_loop3A_629 = arith.mulf %parallel_loop3A_585, %parallel_loop3A_628 : vector<16xf32>
        %parallel_loop3A_630 = arith.addf %parallel_loop3A_623, %parallel_loop3A_629 : vector<16xf32>
        %parallel_loop3A_631 = arith.constant 96 : i32
        %parallel_loop3A_632 = arith.addi %parallel_loop3A_631, %parallel_loop3A_565 : i32
        %parallel_loop3A_633 = arith.index_cast %parallel_loop3A_632 : i32 to index
        %parallel_loop3A_634 = arith.constant 0 : index
        %parallel_loop3A_635 = tpu.vector_load %arg12[%parallel_loop3A_633, %parallel_loop3A_634] {strides = array<i32>} : memref<512x128xf32, #tpu.memory_space<vmem>>, vector<16xf32>,
        %parallel_loop3A_636 = arith.mulf %parallel_loop3A_590, %parallel_loop3A_635 : vector<16xf32>
        %parallel_loop3A_637 = arith.addf %parallel_loop3A_630, %parallel_loop3A_636 : vector<16xf32>
        %parallel_loop3A_638 = arith.constant 128 : i32
        %parallel_loop3A_639 = arith.addi %parallel_loop3A_638, %parallel_loop3A_565 : i32
        %parallel_loop3A_640 = arith.index_cast %parallel_loop3A_639 : i32 to index
        %parallel_loop3A_641 = arith.constant 0 : index
        %parallel_loop3A_642 = tpu.vector_load %arg12[%parallel_loop3A_640, %parallel_loop3A_641] {strides = array<i32>} : memref<512x128xf32, #tpu.memory_space<vmem>>, vector<16xf32>,
        %parallel_loop3A_643 = arith.mulf %parallel_loop3A_595, %parallel_loop3A_642 : vector<16xf32>
        %parallel_loop3A_644 = arith.addf %parallel_loop3A_637, %parallel_loop3A_643 : vector<16xf32>
        %parallel_loop3A_645 = arith.constant 160 : i32
        %parallel_loop3A_646 = arith.addi %parallel_loop3A_645, %parallel_loop3A_565 : i32
        %parallel_loop3A_647 = arith.index_cast %parallel_loop3A_646 : i32 to index
        %parallel_loop3A_648 = arith.constant 0 : index
        %parallel_loop3A_649 = tpu.vector_load %arg12[%parallel_loop3A_647, %parallel_loop3A_648] {strides = array<i32>} : memref<512x128xf32, #tpu.memory_space<vmem>>, vector<16xf32>,
        %parallel_loop3A_650 = arith.mulf %parallel_loop3A_600, %parallel_loop3A_649 : vector<16xf32>
        %parallel_loop3A_651 = arith.addf %parallel_loop3A_644, %parallel_loop3A_650 : vector<16xf32>
        %parallel_loop3A_652 = arith.constant 192 : i32
        %parallel_loop3A_653 = arith.addi %parallel_loop3A_652, %parallel_loop3A_565 : i32
        %parallel_loop3A_654 = arith.index_cast %parallel_loop3A_653 : i32 to index
        %parallel_loop3A_655 = arith.constant 0 : index
        %parallel_loop3A_656 = tpu.vector_load %arg12[%parallel_loop3A_654, %parallel_loop3A_655] {strides = array<i32>} : memref<512x128xf32, #tpu.memory_space<vmem>>, vector<16xf32>,
        %parallel_loop3A_657 = arith.mulf %parallel_loop3A_605, %parallel_loop3A_656 : vector<16xf32>
        %parallel_loop3A_658 = arith.addf %parallel_loop3A_651, %parallel_loop3A_657 : vector<16xf32>
        %parallel_loop3A_659 = arith.constant 224 : i32
        %parallel_loop3A_660 = arith.addi %parallel_loop3A_659, %parallel_loop3A_565 : i32
        %parallel_loop3A_661 = arith.index_cast %parallel_loop3A_660 : i32 to index
        %parallel_loop3A_662 = arith.constant 0 : index
        %parallel_loop3A_663 = tpu.vector_load %arg12[%parallel_loop3A_661, %parallel_loop3A_662] {strides = array<i32>} : memref<512x128xf32, #tpu.memory_space<vmem>>, vector<16xf32>,
        %parallel_loop3A_664 = arith.mulf %parallel_loop3A_610, %parallel_loop3A_663 : vector<16xf32>
        %parallel_loop3A_665 = arith.addf %parallel_loop3A_658, %parallel_loop3A_664 : vector<16xf32>
        %parallel_loop3A_666 = arith.constant 0 : i32
        %parallel_loop3A_667 = arith.addi %parallel_loop3A_666, %parallel_loop3A_565 : i32
        %parallel_loop3A_668 = arith.index_cast %parallel_loop3A_667 : i32 to index
        %parallel_loop3A_669 = arith.constant 0 : index
        %parallel_loop3A_670 = tpu.vector_load %arg13[%parallel_loop3A_668, %parallel_loop3A_669] {strides = array<i32>} : memref<64x128xf32, #tpu.memory_space<vmem>>, vector<16xf32>,
        tpu.vector_store %arg13[%parallel_loop3A_668, %parallel_loop3A_669], %parallel_loop3A_665 {strides = array<i32>} : memref<64x128xf32, #tpu.memory_space<vmem>>, vector<16xf32>,
        %parallel_loop3A_671 = arith.constant 0 : i32
        %parallel_loop3A_672 = arith.addi %parallel_loop3A_671, %parallel_loop3A_565 : i32
        %parallel_loop3A_673 = arith.index_cast %parallel_loop3A_672 : i32 to index
        %parallel_loop3A_674 = arith.constant 16 : index
        %parallel_loop3A_675 = tpu.vector_load %arg12[%parallel_loop3A_673, %parallel_loop3A_674] {strides = array<i32>} : memref<512x128xf32, #tpu.memory_space<vmem>>, vector<16xf32>,
        %parallel_loop3A_676 = arith.mulf %parallel_loop3A_575, %parallel_loop3A_675 : vector<16xf32>
        %parallel_loop3A_677 = arith.constant 32 : i32
        %parallel_loop3A_678 = arith.addi %parallel_loop3A_677, %parallel_loop3A_565 : i32
        %parallel_loop3A_679 = arith.index_cast %parallel_loop3A_678 : i32 to index
        %parallel_loop3A_680 = arith.constant 16 : index
        %parallel_loop3A_681 = tpu.vector_load %arg12[%parallel_loop3A_679, %parallel_loop3A_680] {strides = array<i32>} : memref<512x128xf32, #tpu.memory_space<vmem>>, vector<16xf32>,
        %parallel_loop3A_682 = arith.mulf %parallel_loop3A_580, %parallel_loop3A_681 : vector<16xf32>
        %parallel_loop3A_683 = arith.addf %parallel_loop3A_676, %parallel_loop3A_682 : vector<16xf32>
        %parallel_loop3A_684 = arith.constant 64 : i32
        %parallel_loop3A_685 = arith.addi %parallel_loop3A_684, %parallel_loop3A_565 : i32
        %parallel_loop3A_686 = arith.index_cast %parallel_loop3A_685 : i32 to index
        %parallel_loop3A_687 = arith.constant 16 : index
        %parallel_loop3A_688 = tpu.vector_load %arg12[%parallel_loop3A_686, %parallel_loop3A_687] {strides = array<i32>} : memref<512x128xf32, #tpu.memory_space<vmem>>, vector<16xf32>,
        %parallel_loop3A_689 = arith.mulf %parallel_loop3A_585, %parallel_loop3A_688 : vector<16xf32>
        %parallel_loop3A_690 = arith.addf %parallel_loop3A_683, %parallel_loop3A_689 : vector<16xf32>
        %parallel_loop3A_691 = arith.constant 96 : i32
        %parallel_loop3A_692 = arith.addi %parallel_loop3A_691, %parallel_loop3A_565 : i32
        %parallel_loop3A_693 = arith.index_cast %parallel_loop3A_692 : i32 to index
        %parallel_loop3A_694 = arith.constant 16 : index
        %parallel_loop3A_695 = tpu.vector_load %arg12[%parallel_loop3A_693, %parallel_loop3A_694] {strides = array<i32>} : memref<512x128xf32, #tpu.memory_space<vmem>>, vector<16xf32>,
        %parallel_loop3A_696 = arith.mulf %parallel_loop3A_590, %parallel_loop3A_695 : vector<16xf32>
        %parallel_loop3A_697 = arith.addf %parallel_loop3A_690, %parallel_loop3A_696 : vector<16xf32>
        %parallel_loop3A_698 = arith.constant 128 : i32
        %parallel_loop3A_699 = arith.addi %parallel_loop3A_698, %parallel_loop3A_565 : i32
        %parallel_loop3A_700 = arith.index_cast %parallel_loop3A_699 : i32 to index
        %parallel_loop3A_701 = arith.constant 16 : index
        %parallel_loop3A_702 = tpu.vector_load %arg12[%parallel_loop3A_700, %parallel_loop3A_701] {strides = array<i32>} : memref<512x128xf32, #tpu.memory_space<vmem>>, vector<16xf32>,
        %parallel_loop3A_703 = arith.mulf %parallel_loop3A_595, %parallel_loop3A_702 : vector<16xf32>
        %parallel_loop3A_704 = arith.addf %parallel_loop3A_697, %parallel_loop3A_703 : vector<16xf32>
        %parallel_loop3A_705 = arith.constant 160 : i32
        %parallel_loop3A_706 = arith.addi %parallel_loop3A_705, %parallel_loop3A_565 : i32
        %parallel_loop3A_707 = arith.index_cast %parallel_loop3A_706 : i32 to index
        %parallel_loop3A_708 = arith.constant 16 : index
        %parallel_loop3A_709 = tpu.vector_load %arg12[%parallel_loop3A_707, %parallel_loop3A_708] {strides = array<i32>} : memref<512x128xf32, #tpu.memory_space<vmem>>, vector<16xf32>,
        %parallel_loop3A_710 = arith.mulf %parallel_loop3A_600, %parallel_loop3A_709 : vector<16xf32>
        %parallel_loop3A_711 = arith.addf %parallel_loop3A_704, %parallel_loop3A_710 : vector<16xf32>
        %parallel_loop3A_712 = arith.constant 192 : i32
        %parallel_loop3A_713 = arith.addi %parallel_loop3A_712, %parallel_loop3A_565 : i32
        %parallel_loop3A_714 = arith.index_cast %parallel_loop3A_713 : i32 to index
        %parallel_loop3A_715 = arith.constant 16 : index
        %parallel_loop3A_716 = tpu.vector_load %arg12[%parallel_loop3A_714, %parallel_loop3A_715] {strides = array<i32>} : memref<512x128xf32, #tpu.memory_space<vmem>>, vector<16xf32>,
        %parallel_loop3A_717 = arith.mulf %parallel_loop3A_605, %parallel_loop3A_716 : vector<16xf32>
        %parallel_loop3A_718 = arith.addf %parallel_loop3A_711, %parallel_loop3A_717 : vector<16xf32>
        %parallel_loop3A_719 = arith.constant 224 : i32
        %parallel_loop3A_720 = arith.addi %parallel_loop3A_719, %parallel_loop3A_565 : i32
        %parallel_loop3A_721 = arith.index_cast %parallel_loop3A_720 : i32 to index
        %parallel_loop3A_722 = arith.constant 16 : index
        %parallel_loop3A_723 = tpu.vector_load %arg12[%parallel_loop3A_721, %parallel_loop3A_722] {strides = array<i32>} : memref<512x128xf32, #tpu.memory_space<vmem>>, vector<16xf32>,
        %parallel_loop3A_724 = arith.mulf %parallel_loop3A_610, %parallel_loop3A_723 : vector<16xf32>
        %parallel_loop3A_725 = arith.addf %parallel_loop3A_718, %parallel_loop3A_724 : vector<16xf32>
        %parallel_loop3A_726 = arith.constant 0 : i32
        %parallel_loop3A_727 = arith.addi %parallel_loop3A_726, %parallel_loop3A_565 : i32
        %parallel_loop3A_728 = arith.index_cast %parallel_loop3A_727 : i32 to index
        %parallel_loop3A_729 = arith.constant 16 : index
        %parallel_loop3A_730 = tpu.vector_load %arg13[%parallel_loop3A_728, %parallel_loop3A_729] {strides = array<i32>} : memref<64x128xf32, #tpu.memory_space<vmem>>, vector<16xf32>,
        tpu.vector_store %arg13[%parallel_loop3A_728, %parallel_loop3A_729], %parallel_loop3A_725 {strides = array<i32>} : memref<64x128xf32, #tpu.memory_space<vmem>>, vector<16xf32>,
        %parallel_loop3A_731 = arith.constant 0 : i32
        %parallel_loop3A_732 = arith.addi %parallel_loop3A_731, %parallel_loop3A_565 : i32
        %parallel_loop3A_733 = arith.index_cast %parallel_loop3A_732 : i32 to index
        %parallel_loop3A_734 = arith.constant 32 : index
        %parallel_loop3A_735 = tpu.vector_load %arg12[%parallel_loop3A_733, %parallel_loop3A_734] {strides = array<i32>} : memref<512x128xf32, #tpu.memory_space<vmem>>, vector<16xf32>,
        %parallel_loop3A_736 = arith.mulf %parallel_loop3A_575, %parallel_loop3A_735 : vector<16xf32>
        %parallel_loop3A_737 = arith.constant 32 : i32
        %parallel_loop3A_738 = arith.addi %parallel_loop3A_737, %parallel_loop3A_565 : i32
        %parallel_loop3A_739 = arith.index_cast %parallel_loop3A_738 : i32 to index
        %parallel_loop3A_740 = arith.constant 32 : index
        %parallel_loop3A_741 = tpu.vector_load %arg12[%parallel_loop3A_739, %parallel_loop3A_740] {strides = array<i32>} : memref<512x128xf32, #tpu.memory_space<vmem>>, vector<16xf32>,
        %parallel_loop3A_742 = arith.mulf %parallel_loop3A_580, %parallel_loop3A_741 : vector<16xf32>
        %parallel_loop3A_743 = arith.addf %parallel_loop3A_736, %parallel_loop3A_742 : vector<16xf32>
        %parallel_loop3A_744 = arith.constant 64 : i32
        %parallel_loop3A_745 = arith.addi %parallel_loop3A_744, %parallel_loop3A_565 : i32
        %parallel_loop3A_746 = arith.index_cast %parallel_loop3A_745 : i32 to index
        %parallel_loop3A_747 = arith.constant 32 : index
        %parallel_loop3A_748 = tpu.vector_load %arg12[%parallel_loop3A_746, %parallel_loop3A_747] {strides = array<i32>} : memref<512x128xf32, #tpu.memory_space<vmem>>, vector<16xf32>,
        %parallel_loop3A_749 = arith.mulf %parallel_loop3A_585, %parallel_loop3A_748 : vector<16xf32>
        %parallel_loop3A_750 = arith.addf %parallel_loop3A_743, %parallel_loop3A_749 : vector<16xf32>
        %parallel_loop3A_751 = arith.constant 96 : i32
        %parallel_loop3A_752 = arith.addi %parallel_loop3A_751, %parallel_loop3A_565 : i32
        %parallel_loop3A_753 = arith.index_cast %parallel_loop3A_752 : i32 to index
        %parallel_loop3A_754 = arith.constant 32 : index
        %parallel_loop3A_755 = tpu.vector_load %arg12[%parallel_loop3A_753, %parallel_loop3A_754] {strides = array<i32>} : memref<512x128xf32, #tpu.memory_space<vmem>>, vector<16xf32>,
        %parallel_loop3A_756 = arith.mulf %parallel_loop3A_590, %parallel_loop3A_755 : vector<16xf32>
        %parallel_loop3A_757 = arith.addf %parallel_loop3A_750, %parallel_loop3A_756 : vector<16xf32>
        %parallel_loop3A_758 = arith.constant 128 : i32
        %parallel_loop3A_759 = arith.addi %parallel_loop3A_758, %parallel_loop3A_565 : i32
        %parallel_loop3A_760 = arith.index_cast %parallel_loop3A_759 : i32 to index
        %parallel_loop3A_761 = arith.constant 32 : index
        %parallel_loop3A_762 = tpu.vector_load %arg12[%parallel_loop3A_760, %parallel_loop3A_761] {strides = array<i32>} : memref<512x128xf32, #tpu.memory_space<vmem>>, vector<16xf32>,
        %parallel_loop3A_763 = arith.mulf %parallel_loop3A_595, %parallel_loop3A_762 : vector<16xf32>
        %parallel_loop3A_764 = arith.addf %parallel_loop3A_757, %parallel_loop3A_763 : vector<16xf32>
        %parallel_loop3A_765 = arith.constant 160 : i32
        %parallel_loop3A_766 = arith.addi %parallel_loop3A_765, %parallel_loop3A_565 : i32
        %parallel_loop3A_767 = arith.index_cast %parallel_loop3A_766 : i32 to index
        %parallel_loop3A_768 = arith.constant 32 : index
        %parallel_loop3A_769 = tpu.vector_load %arg12[%parallel_loop3A_767, %parallel_loop3A_768] {strides = array<i32>} : memref<512x128xf32, #tpu.memory_space<vmem>>, vector<16xf32>,
        %parallel_loop3A_770 = arith.mulf %parallel_loop3A_600, %parallel_loop3A_769 : vector<16xf32>
        %parallel_loop3A_771 = arith.addf %parallel_loop3A_764, %parallel_loop3A_770 : vector<16xf32>
        %parallel_loop3A_772 = arith.constant 192 : i32
        %parallel_loop3A_773 = arith.addi %parallel_loop3A_772, %parallel_loop3A_565 : i32
        %parallel_loop3A_774 = arith.index_cast %parallel_loop3A_773 : i32 to index
        %parallel_loop3A_775 = arith.constant 32 : index
        %parallel_loop3A_776 = tpu.vector_load %arg12[%parallel_loop3A_774, %parallel_loop3A_775] {strides = array<i32>} : memref<512x128xf32, #tpu.memory_space<vmem>>, vector<16xf32>,
        %parallel_loop3A_777 = arith.mulf %parallel_loop3A_605, %parallel_loop3A_776 : vector<16xf32>
        %parallel_loop3A_778 = arith.addf %parallel_loop3A_771, %parallel_loop3A_777 : vector<16xf32>
        %parallel_loop3A_779 = arith.constant 224 : i32
        %parallel_loop3A_780 = arith.addi %parallel_loop3A_779, %parallel_loop3A_565 : i32
        %parallel_loop3A_781 = arith.index_cast %parallel_loop3A_780 : i32 to index
        %parallel_loop3A_782 = arith.constant 32 : index
        %parallel_loop3A_783 = tpu.vector_load %arg12[%parallel_loop3A_781, %parallel_loop3A_782] {strides = array<i32>} : memref<512x128xf32, #tpu.memory_space<vmem>>, vector<16xf32>,
        %parallel_loop3A_784 = arith.mulf %parallel_loop3A_610, %parallel_loop3A_783 : vector<16xf32>
        %parallel_loop3A_785 = arith.addf %parallel_loop3A_778, %parallel_loop3A_784 : vector<16xf32>
        %parallel_loop3A_786 = arith.constant 0 : i32
        %parallel_loop3A_787 = arith.addi %parallel_loop3A_786, %parallel_loop3A_565 : i32
        %parallel_loop3A_788 = arith.index_cast %parallel_loop3A_787 : i32 to index
        %parallel_loop3A_789 = arith.constant 32 : index
        %parallel_loop3A_790 = tpu.vector_load %arg13[%parallel_loop3A_788, %parallel_loop3A_789] {strides = array<i32>} : memref<64x128xf32, #tpu.memory_space<vmem>>, vector<16xf32>,
        tpu.vector_store %arg13[%parallel_loop3A_788, %parallel_loop3A_789], %parallel_loop3A_785 {strides = array<i32>} : memref<64x128xf32, #tpu.memory_space<vmem>>, vector<16xf32>,
        %parallel_loop3A_791 = arith.constant 0 : i32
        %parallel_loop3A_792 = arith.addi %parallel_loop3A_791, %parallel_loop3A_565 : i32
        %parallel_loop3A_793 = arith.index_cast %parallel_loop3A_792 : i32 to index
        %parallel_loop3A_794 = arith.constant 48 : index
        %parallel_loop3A_795 = tpu.vector_load %arg12[%parallel_loop3A_793, %parallel_loop3A_794] {strides = array<i32>} : memref<512x128xf32, #tpu.memory_space<vmem>>, vector<16xf32>,
        %parallel_loop3A_796 = arith.mulf %parallel_loop3A_575, %parallel_loop3A_795 : vector<16xf32>
        %parallel_loop3A_797 = arith.constant 32 : i32
        %parallel_loop3A_798 = arith.addi %parallel_loop3A_797, %parallel_loop3A_565 : i32
        %parallel_loop3A_799 = arith.index_cast %parallel_loop3A_798 : i32 to index
        %parallel_loop3A_800 = arith.constant 48 : index
        %parallel_loop3A_801 = tpu.vector_load %arg12[%parallel_loop3A_799, %parallel_loop3A_800] {strides = array<i32>} : memref<512x128xf32, #tpu.memory_space<vmem>>, vector<16xf32>,
        %parallel_loop3A_802 = arith.mulf %parallel_loop3A_580, %parallel_loop3A_801 : vector<16xf32>
        %parallel_loop3A_803 = arith.addf %parallel_loop3A_796, %parallel_loop3A_802 : vector<16xf32>
        %parallel_loop3A_804 = arith.constant 64 : i32
        %parallel_loop3A_805 = arith.addi %parallel_loop3A_804, %parallel_loop3A_565 : i32
        %parallel_loop3A_806 = arith.index_cast %parallel_loop3A_805 : i32 to index
        %parallel_loop3A_807 = arith.constant 48 : index
        %parallel_loop3A_808 = tpu.vector_load %arg12[%parallel_loop3A_806, %parallel_loop3A_807] {strides = array<i32>} : memref<512x128xf32, #tpu.memory_space<vmem>>, vector<16xf32>,
        %parallel_loop3A_809 = arith.mulf %parallel_loop3A_585, %parallel_loop3A_808 : vector<16xf32>
        %parallel_loop3A_810 = arith.addf %parallel_loop3A_803, %parallel_loop3A_809 : vector<16xf32>
        %parallel_loop3A_811 = arith.constant 96 : i32
        %parallel_loop3A_812 = arith.addi %parallel_loop3A_811, %parallel_loop3A_565 : i32
        %parallel_loop3A_813 = arith.index_cast %parallel_loop3A_812 : i32 to index
        %parallel_loop3A_814 = arith.constant 48 : index
        %parallel_loop3A_815 = tpu.vector_load %arg12[%parallel_loop3A_813, %parallel_loop3A_814] {strides = array<i32>} : memref<512x128xf32, #tpu.memory_space<vmem>>, vector<16xf32>,
        %parallel_loop3A_816 = arith.mulf %parallel_loop3A_590, %parallel_loop3A_815 : vector<16xf32>
        %parallel_loop3A_817 = arith.addf %parallel_loop3A_810, %parallel_loop3A_816 : vector<16xf32>
        %parallel_loop3A_818 = arith.constant 128 : i32
        %parallel_loop3A_819 = arith.addi %parallel_loop3A_818, %parallel_loop3A_565 : i32
        %parallel_loop3A_820 = arith.index_cast %parallel_loop3A_819 : i32 to index
        %parallel_loop3A_821 = arith.constant 48 : index
        %parallel_loop3A_822 = tpu.vector_load %arg12[%parallel_loop3A_820, %parallel_loop3A_821] {strides = array<i32>} : memref<512x128xf32, #tpu.memory_space<vmem>>, vector<16xf32>,
        %parallel_loop3A_823 = arith.mulf %parallel_loop3A_595, %parallel_loop3A_822 : vector<16xf32>
        %parallel_loop3A_824 = arith.addf %parallel_loop3A_817, %parallel_loop3A_823 : vector<16xf32>
        %parallel_loop3A_825 = arith.constant 160 : i32
        %parallel_loop3A_826 = arith.addi %parallel_loop3A_825, %parallel_loop3A_565 : i32
        %parallel_loop3A_827 = arith.index_cast %parallel_loop3A_826 : i32 to index
        %parallel_loop3A_828 = arith.constant 48 : index
        %parallel_loop3A_829 = tpu.vector_load %arg12[%parallel_loop3A_827, %parallel_loop3A_828] {strides = array<i32>} : memref<512x128xf32, #tpu.memory_space<vmem>>, vector<16xf32>,
        %parallel_loop3A_830 = arith.mulf %parallel_loop3A_600, %parallel_loop3A_829 : vector<16xf32>
        %parallel_loop3A_831 = arith.addf %parallel_loop3A_824, %parallel_loop3A_830 : vector<16xf32>
        %parallel_loop3A_832 = arith.constant 192 : i32
        %parallel_loop3A_833 = arith.addi %parallel_loop3A_832, %parallel_loop3A_565 : i32
        %parallel_loop3A_834 = arith.index_cast %parallel_loop3A_833 : i32 to index
        %parallel_loop3A_835 = arith.constant 48 : index
        %parallel_loop3A_836 = tpu.vector_load %arg12[%parallel_loop3A_834, %parallel_loop3A_835] {strides = array<i32>} : memref<512x128xf32, #tpu.memory_space<vmem>>, vector<16xf32>,
        %parallel_loop3A_837 = arith.mulf %parallel_loop3A_605, %parallel_loop3A_836 : vector<16xf32>
        %parallel_loop3A_838 = arith.addf %parallel_loop3A_831, %parallel_loop3A_837 : vector<16xf32>
        %parallel_loop3A_839 = arith.constant 224 : i32
        %parallel_loop3A_840 = arith.addi %parallel_loop3A_839, %parallel_loop3A_565 : i32
        %parallel_loop3A_841 = arith.index_cast %parallel_loop3A_840 : i32 to index
        %parallel_loop3A_842 = arith.constant 48 : index
        %parallel_loop3A_843 = tpu.vector_load %arg12[%parallel_loop3A_841, %parallel_loop3A_842] {strides = array<i32>} : memref<512x128xf32, #tpu.memory_space<vmem>>, vector<16xf32>,
        %parallel_loop3A_844 = arith.mulf %parallel_loop3A_610, %parallel_loop3A_843 : vector<16xf32>
        %parallel_loop3A_845 = arith.addf %parallel_loop3A_838, %parallel_loop3A_844 : vector<16xf32>
        %parallel_loop3A_846 = arith.constant 0 : i32
        %parallel_loop3A_847 = arith.addi %parallel_loop3A_846, %parallel_loop3A_565 : i32
        %parallel_loop3A_848 = arith.index_cast %parallel_loop3A_847 : i32 to index
        %parallel_loop3A_849 = arith.constant 48 : index
        %parallel_loop3A_850 = tpu.vector_load %arg13[%parallel_loop3A_848, %parallel_loop3A_849] {strides = array<i32>} : memref<64x128xf32, #tpu.memory_space<vmem>>, vector<16xf32>,
        tpu.vector_store %arg13[%parallel_loop3A_848, %parallel_loop3A_849], %parallel_loop3A_845 {strides = array<i32>} : memref<64x128xf32, #tpu.memory_space<vmem>>, vector<16xf32>,
        %parallel_loop3A_851 = arith.constant 0 : i32
        %parallel_loop3A_852 = arith.addi %parallel_loop3A_851, %parallel_loop3A_565 : i32
        %parallel_loop3A_853 = arith.index_cast %parallel_loop3A_852 : i32 to index
        %parallel_loop3A_854 = arith.constant 64 : index
        %parallel_loop3A_855 = tpu.vector_load %arg12[%parallel_loop3A_853, %parallel_loop3A_854] {strides = array<i32>} : memref<512x128xf32, #tpu.memory_space<vmem>>, vector<16xf32>,
        %parallel_loop3A_856 = arith.mulf %parallel_loop3A_575, %parallel_loop3A_855 : vector<16xf32>
        %parallel_loop3A_857 = arith.constant 32 : i32
        %parallel_loop3A_858 = arith.addi %parallel_loop3A_857, %parallel_loop3A_565 : i32
        %parallel_loop3A_859 = arith.index_cast %parallel_loop3A_858 : i32 to index
        %parallel_loop3A_860 = arith.constant 64 : index
        %parallel_loop3A_861 = tpu.vector_load %arg12[%parallel_loop3A_859, %parallel_loop3A_860] {strides = array<i32>} : memref<512x128xf32, #tpu.memory_space<vmem>>, vector<16xf32>,
        %parallel_loop3A_862 = arith.mulf %parallel_loop3A_580, %parallel_loop3A_861 : vector<16xf32>
        %parallel_loop3A_863 = arith.addf %parallel_loop3A_856, %parallel_loop3A_862 : vector<16xf32>
        %parallel_loop3A_864 = arith.constant 64 : i32
        %parallel_loop3A_865 = arith.addi %parallel_loop3A_864, %parallel_loop3A_565 : i32
        %parallel_loop3A_866 = arith.index_cast %parallel_loop3A_865 : i32 to index
        %parallel_loop3A_867 = arith.constant 64 : index
        %parallel_loop3A_868 = tpu.vector_load %arg12[%parallel_loop3A_866, %parallel_loop3A_867] {strides = array<i32>} : memref<512x128xf32, #tpu.memory_space<vmem>>, vector<16xf32>,
        %parallel_loop3A_869 = arith.mulf %parallel_loop3A_585, %parallel_loop3A_868 : vector<16xf32>
        %parallel_loop3A_870 = arith.addf %parallel_loop3A_863, %parallel_loop3A_869 : vector<16xf32>
        %parallel_loop3A_871 = arith.constant 96 : i32
        %parallel_loop3A_872 = arith.addi %parallel_loop3A_871, %parallel_loop3A_565 : i32
        %parallel_loop3A_873 = arith.index_cast %parallel_loop3A_872 : i32 to index
        %parallel_loop3A_874 = arith.constant 64 : index
        %parallel_loop3A_875 = tpu.vector_load %arg12[%parallel_loop3A_873, %parallel_loop3A_874] {strides = array<i32>} : memref<512x128xf32, #tpu.memory_space<vmem>>, vector<16xf32>,
        %parallel_loop3A_876 = arith.mulf %parallel_loop3A_590, %parallel_loop3A_875 : vector<16xf32>
        %parallel_loop3A_877 = arith.addf %parallel_loop3A_870, %parallel_loop3A_876 : vector<16xf32>
        %parallel_loop3A_878 = arith.constant 128 : i32
        %parallel_loop3A_879 = arith.addi %parallel_loop3A_878, %parallel_loop3A_565 : i32
        %parallel_loop3A_880 = arith.index_cast %parallel_loop3A_879 : i32 to index
        %parallel_loop3A_881 = arith.constant 64 : index
        %parallel_loop3A_882 = tpu.vector_load %arg12[%parallel_loop3A_880, %parallel_loop3A_881] {strides = array<i32>} : memref<512x128xf32, #tpu.memory_space<vmem>>, vector<16xf32>,
        %parallel_loop3A_883 = arith.mulf %parallel_loop3A_595, %parallel_loop3A_882 : vector<16xf32>
        %parallel_loop3A_884 = arith.addf %parallel_loop3A_877, %parallel_loop3A_883 : vector<16xf32>
        %parallel_loop3A_885 = arith.constant 160 : i32
        %parallel_loop3A_886 = arith.addi %parallel_loop3A_885, %parallel_loop3A_565 : i32
        %parallel_loop3A_887 = arith.index_cast %parallel_loop3A_886 : i32 to index
        %parallel_loop3A_888 = arith.constant 64 : index
        %parallel_loop3A_889 = tpu.vector_load %arg12[%parallel_loop3A_887, %parallel_loop3A_888] {strides = array<i32>} : memref<512x128xf32, #tpu.memory_space<vmem>>, vector<16xf32>,
        %parallel_loop3A_890 = arith.mulf %parallel_loop3A_600, %parallel_loop3A_889 : vector<16xf32>
        %parallel_loop3A_891 = arith.addf %parallel_loop3A_884, %parallel_loop3A_890 : vector<16xf32>
        %parallel_loop3A_892 = arith.constant 192 : i32
        %parallel_loop3A_893 = arith.addi %parallel_loop3A_892, %parallel_loop3A_565 : i32
        %parallel_loop3A_894 = arith.index_cast %parallel_loop3A_893 : i32 to index
        %parallel_loop3A_895 = arith.constant 64 : index
        %parallel_loop3A_896 = tpu.vector_load %arg12[%parallel_loop3A_894, %parallel_loop3A_895] {strides = array<i32>} : memref<512x128xf32, #tpu.memory_space<vmem>>, vector<16xf32>,
        %parallel_loop3A_897 = arith.mulf %parallel_loop3A_605, %parallel_loop3A_896 : vector<16xf32>
        %parallel_loop3A_898 = arith.addf %parallel_loop3A_891, %parallel_loop3A_897 : vector<16xf32>
        %parallel_loop3A_899 = arith.constant 224 : i32
        %parallel_loop3A_900 = arith.addi %parallel_loop3A_899, %parallel_loop3A_565 : i32
        %parallel_loop3A_901 = arith.index_cast %parallel_loop3A_900 : i32 to index
        %parallel_loop3A_902 = arith.constant 64 : index
        %parallel_loop3A_903 = tpu.vector_load %arg12[%parallel_loop3A_901, %parallel_loop3A_902] {strides = array<i32>} : memref<512x128xf32, #tpu.memory_space<vmem>>, vector<16xf32>,
        %parallel_loop3A_904 = arith.mulf %parallel_loop3A_610, %parallel_loop3A_903 : vector<16xf32>
        %parallel_loop3A_905 = arith.addf %parallel_loop3A_898, %parallel_loop3A_904 : vector<16xf32>
        %parallel_loop3A_906 = arith.constant 0 : i32
        %parallel_loop3A_907 = arith.addi %parallel_loop3A_906, %parallel_loop3A_565 : i32
        %parallel_loop3A_908 = arith.index_cast %parallel_loop3A_907 : i32 to index
        %parallel_loop3A_909 = arith.constant 64 : index
        %parallel_loop3A_910 = tpu.vector_load %arg13[%parallel_loop3A_908, %parallel_loop3A_909] {strides = array<i32>} : memref<64x128xf32, #tpu.memory_space<vmem>>, vector<16xf32>,
        tpu.vector_store %arg13[%parallel_loop3A_908, %parallel_loop3A_909], %parallel_loop3A_905 {strides = array<i32>} : memref<64x128xf32, #tpu.memory_space<vmem>>, vector<16xf32>,
        %parallel_loop3A_911 = arith.constant 0 : i32
        %parallel_loop3A_912 = arith.addi %parallel_loop3A_911, %parallel_loop3A_565 : i32
        %parallel_loop3A_913 = arith.index_cast %parallel_loop3A_912 : i32 to index
        %parallel_loop3A_914 = arith.constant 80 : index
        %parallel_loop3A_915 = tpu.vector_load %arg12[%parallel_loop3A_913, %parallel_loop3A_914] {strides = array<i32>} : memref<512x128xf32, #tpu.memory_space<vmem>>, vector<16xf32>,
        %parallel_loop3A_916 = arith.mulf %parallel_loop3A_575, %parallel_loop3A_915 : vector<16xf32>
        %parallel_loop3A_917 = arith.constant 32 : i32
        %parallel_loop3A_918 = arith.addi %parallel_loop3A_917, %parallel_loop3A_565 : i32
        %parallel_loop3A_919 = arith.index_cast %parallel_loop3A_918 : i32 to index
        %parallel_loop3A_920 = arith.constant 80 : index
        %parallel_loop3A_921 = tpu.vector_load %arg12[%parallel_loop3A_919, %parallel_loop3A_920] {strides = array<i32>} : memref<512x128xf32, #tpu.memory_space<vmem>>, vector<16xf32>,
        %parallel_loop3A_922 = arith.mulf %parallel_loop3A_580, %parallel_loop3A_921 : vector<16xf32>
        %parallel_loop3A_923 = arith.addf %parallel_loop3A_916, %parallel_loop3A_922 : vector<16xf32>
        %parallel_loop3A_924 = arith.constant 64 : i32
        %parallel_loop3A_925 = arith.addi %parallel_loop3A_924, %parallel_loop3A_565 : i32
        %parallel_loop3A_926 = arith.index_cast %parallel_loop3A_925 : i32 to index
        %parallel_loop3A_927 = arith.constant 80 : index
        %parallel_loop3A_928 = tpu.vector_load %arg12[%parallel_loop3A_926, %parallel_loop3A_927] {strides = array<i32>} : memref<512x128xf32, #tpu.memory_space<vmem>>, vector<16xf32>,
        %parallel_loop3A_929 = arith.mulf %parallel_loop3A_585, %parallel_loop3A_928 : vector<16xf32>
        %parallel_loop3A_930 = arith.addf %parallel_loop3A_923, %parallel_loop3A_929 : vector<16xf32>
        %parallel_loop3A_931 = arith.constant 96 : i32
        %parallel_loop3A_932 = arith.addi %parallel_loop3A_931, %parallel_loop3A_565 : i32
        %parallel_loop3A_933 = arith.index_cast %parallel_loop3A_932 : i32 to index
        %parallel_loop3A_934 = arith.constant 80 : index
        %parallel_loop3A_935 = tpu.vector_load %arg12[%parallel_loop3A_933, %parallel_loop3A_934] {strides = array<i32>} : memref<512x128xf32, #tpu.memory_space<vmem>>, vector<16xf32>,
        %parallel_loop3A_936 = arith.mulf %parallel_loop3A_590, %parallel_loop3A_935 : vector<16xf32>
        %parallel_loop3A_937 = arith.addf %parallel_loop3A_930, %parallel_loop3A_936 : vector<16xf32>
        %parallel_loop3A_938 = arith.constant 128 : i32
        %parallel_loop3A_939 = arith.addi %parallel_loop3A_938, %parallel_loop3A_565 : i32
        %parallel_loop3A_940 = arith.index_cast %parallel_loop3A_939 : i32 to index
        %parallel_loop3A_941 = arith.constant 80 : index
        %parallel_loop3A_942 = tpu.vector_load %arg12[%parallel_loop3A_940, %parallel_loop3A_941] {strides = array<i32>} : memref<512x128xf32, #tpu.memory_space<vmem>>, vector<16xf32>,
        %parallel_loop3A_943 = arith.mulf %parallel_loop3A_595, %parallel_loop3A_942 : vector<16xf32>
        %parallel_loop3A_944 = arith.addf %parallel_loop3A_937, %parallel_loop3A_943 : vector<16xf32>
        %parallel_loop3A_945 = arith.constant 160 : i32
        %parallel_loop3A_946 = arith.addi %parallel_loop3A_945, %parallel_loop3A_565 : i32
        %parallel_loop3A_947 = arith.index_cast %parallel_loop3A_946 : i32 to index
        %parallel_loop3A_948 = arith.constant 80 : index
        %parallel_loop3A_949 = tpu.vector_load %arg12[%parallel_loop3A_947, %parallel_loop3A_948] {strides = array<i32>} : memref<512x128xf32, #tpu.memory_space<vmem>>, vector<16xf32>,
        %parallel_loop3A_950 = arith.mulf %parallel_loop3A_600, %parallel_loop3A_949 : vector<16xf32>
        %parallel_loop3A_951 = arith.addf %parallel_loop3A_944, %parallel_loop3A_950 : vector<16xf32>
        %parallel_loop3A_952 = arith.constant 192 : i32
        %parallel_loop3A_953 = arith.addi %parallel_loop3A_952, %parallel_loop3A_565 : i32
        %parallel_loop3A_954 = arith.index_cast %parallel_loop3A_953 : i32 to index
        %parallel_loop3A_955 = arith.constant 80 : index
        %parallel_loop3A_956 = tpu.vector_load %arg12[%parallel_loop3A_954, %parallel_loop3A_955] {strides = array<i32>} : memref<512x128xf32, #tpu.memory_space<vmem>>, vector<16xf32>,
        %parallel_loop3A_957 = arith.mulf %parallel_loop3A_605, %parallel_loop3A_956 : vector<16xf32>
        %parallel_loop3A_958 = arith.addf %parallel_loop3A_951, %parallel_loop3A_957 : vector<16xf32>
        %parallel_loop3A_959 = arith.constant 224 : i32
        %parallel_loop3A_960 = arith.addi %parallel_loop3A_959, %parallel_loop3A_565 : i32
        %parallel_loop3A_961 = arith.index_cast %parallel_loop3A_960 : i32 to index
        %parallel_loop3A_962 = arith.constant 80 : index
        %parallel_loop3A_963 = tpu.vector_load %arg12[%parallel_loop3A_961, %parallel_loop3A_962] {strides = array<i32>} : memref<512x128xf32, #tpu.memory_space<vmem>>, vector<16xf32>,
        %parallel_loop3A_964 = arith.mulf %parallel_loop3A_610, %parallel_loop3A_963 : vector<16xf32>
        %parallel_loop3A_965 = arith.addf %parallel_loop3A_958, %parallel_loop3A_964 : vector<16xf32>
        %parallel_loop3A_966 = arith.constant 0 : i32
        %parallel_loop3A_967 = arith.addi %parallel_loop3A_966, %parallel_loop3A_565 : i32
        %parallel_loop3A_968 = arith.index_cast %parallel_loop3A_967 : i32 to index
        %parallel_loop3A_969 = arith.constant 80 : index
        %parallel_loop3A_970 = tpu.vector_load %arg13[%parallel_loop3A_968, %parallel_loop3A_969] {strides = array<i32>} : memref<64x128xf32, #tpu.memory_space<vmem>>, vector<16xf32>,
        tpu.vector_store %arg13[%parallel_loop3A_968, %parallel_loop3A_969], %parallel_loop3A_965 {strides = array<i32>} : memref<64x128xf32, #tpu.memory_space<vmem>>, vector<16xf32>,
        %parallel_loop3A_971 = arith.constant 0 : i32
        %parallel_loop3A_972 = arith.addi %parallel_loop3A_971, %parallel_loop3A_565 : i32
        %parallel_loop3A_973 = arith.index_cast %parallel_loop3A_972 : i32 to index
        %parallel_loop3A_974 = arith.constant 96 : index
        %parallel_loop3A_975 = tpu.vector_load %arg12[%parallel_loop3A_973, %parallel_loop3A_974] {strides = array<i32>} : memref<512x128xf32, #tpu.memory_space<vmem>>, vector<16xf32>,
        %parallel_loop3A_976 = arith.mulf %parallel_loop3A_575, %parallel_loop3A_975 : vector<16xf32>
        %parallel_loop3A_977 = arith.constant 32 : i32
        %parallel_loop3A_978 = arith.addi %parallel_loop3A_977, %parallel_loop3A_565 : i32
        %parallel_loop3A_979 = arith.index_cast %parallel_loop3A_978 : i32 to index
        %parallel_loop3A_980 = arith.constant 96 : index
        %parallel_loop3A_981 = tpu.vector_load %arg12[%parallel_loop3A_979, %parallel_loop3A_980] {strides = array<i32>} : memref<512x128xf32, #tpu.memory_space<vmem>>, vector<16xf32>,
        %parallel_loop3A_982 = arith.mulf %parallel_loop3A_580, %parallel_loop3A_981 : vector<16xf32>
        %parallel_loop3A_983 = arith.addf %parallel_loop3A_976, %parallel_loop3A_982 : vector<16xf32>
        %parallel_loop3A_984 = arith.constant 64 : i32
        %parallel_loop3A_985 = arith.addi %parallel_loop3A_984, %parallel_loop3A_565 : i32
        %parallel_loop3A_986 = arith.index_cast %parallel_loop3A_985 : i32 to index
        %parallel_loop3A_987 = arith.constant 96 : index
        %parallel_loop3A_988 = tpu.vector_load %arg12[%parallel_loop3A_986, %parallel_loop3A_987] {strides = array<i32>} : memref<512x128xf32, #tpu.memory_space<vmem>>, vector<16xf32>,
        %parallel_loop3A_989 = arith.mulf %parallel_loop3A_585, %parallel_loop3A_988 : vector<16xf32>
        %parallel_loop3A_990 = arith.addf %parallel_loop3A_983, %parallel_loop3A_989 : vector<16xf32>
        %parallel_loop3A_991 = arith.constant 96 : i32
        %parallel_loop3A_992 = arith.addi %parallel_loop3A_991, %parallel_loop3A_565 : i32
        %parallel_loop3A_993 = arith.index_cast %parallel_loop3A_992 : i32 to index
        %parallel_loop3A_994 = arith.constant 96 : index
        %parallel_loop3A_995 = tpu.vector_load %arg12[%parallel_loop3A_993, %parallel_loop3A_994] {strides = array<i32>} : memref<512x128xf32, #tpu.memory_space<vmem>>, vector<16xf32>,
        %parallel_loop3A_996 = arith.mulf %parallel_loop3A_590, %parallel_loop3A_995 : vector<16xf32>
        %parallel_loop3A_997 = arith.addf %parallel_loop3A_990, %parallel_loop3A_996 : vector<16xf32>
        %parallel_loop3A_998 = arith.constant 128 : i32
        %parallel_loop3A_999 = arith.addi %parallel_loop3A_998, %parallel_loop3A_565 : i32
        %parallel_loop3A_1000 = arith.index_cast %parallel_loop3A_999 : i32 to index
        %parallel_loop3A_1001 = arith.constant 96 : index
        %parallel_loop3A_1002 = tpu.vector_load %arg12[%parallel_loop3A_1000, %parallel_loop3A_1001] {strides = array<i32>} : memref<512x128xf32, #tpu.memory_space<vmem>>, vector<16xf32>,
        %parallel_loop3A_1003 = arith.mulf %parallel_loop3A_595, %parallel_loop3A_1002 : vector<16xf32>
        %parallel_loop3A_1004 = arith.addf %parallel_loop3A_997, %parallel_loop3A_1003 : vector<16xf32>
        %parallel_loop3A_1005 = arith.constant 160 : i32
        %parallel_loop3A_1006 = arith.addi %parallel_loop3A_1005, %parallel_loop3A_565 : i32
        %parallel_loop3A_1007 = arith.index_cast %parallel_loop3A_1006 : i32 to index
        %parallel_loop3A_1008 = arith.constant 96 : index
        %parallel_loop3A_1009 = tpu.vector_load %arg12[%parallel_loop3A_1007, %parallel_loop3A_1008] {strides = array<i32>} : memref<512x128xf32, #tpu.memory_space<vmem>>, vector<16xf32>,
        %parallel_loop3A_1010 = arith.mulf %parallel_loop3A_600, %parallel_loop3A_1009 : vector<16xf32>
        %parallel_loop3A_1011 = arith.addf %parallel_loop3A_1004, %parallel_loop3A_1010 : vector<16xf32>
        %parallel_loop3A_1012 = arith.constant 192 : i32
        %parallel_loop3A_1013 = arith.addi %parallel_loop3A_1012, %parallel_loop3A_565 : i32
        %parallel_loop3A_1014 = arith.index_cast %parallel_loop3A_1013 : i32 to index
        %parallel_loop3A_1015 = arith.constant 96 : index
        %parallel_loop3A_1016 = tpu.vector_load %arg12[%parallel_loop3A_1014, %parallel_loop3A_1015] {strides = array<i32>} : memref<512x128xf32, #tpu.memory_space<vmem>>, vector<16xf32>,
        %parallel_loop3A_1017 = arith.mulf %parallel_loop3A_605, %parallel_loop3A_1016 : vector<16xf32>
        %parallel_loop3A_1018 = arith.addf %parallel_loop3A_1011, %parallel_loop3A_1017 : vector<16xf32>
        %parallel_loop3A_1019 = arith.constant 224 : i32
        %parallel_loop3A_1020 = arith.addi %parallel_loop3A_1019, %parallel_loop3A_565 : i32
        %parallel_loop3A_1021 = arith.index_cast %parallel_loop3A_1020 : i32 to index
        %parallel_loop3A_1022 = arith.constant 96 : index
        %parallel_loop3A_1023 = tpu.vector_load %arg12[%parallel_loop3A_1021, %parallel_loop3A_1022] {strides = array<i32>} : memref<512x128xf32, #tpu.memory_space<vmem>>, vector<16xf32>,
        %parallel_loop3A_1024 = arith.mulf %parallel_loop3A_610, %parallel_loop3A_1023 : vector<16xf32>
        %parallel_loop3A_1025 = arith.addf %parallel_loop3A_1018, %parallel_loop3A_1024 : vector<16xf32>
        %parallel_loop3A_1026 = arith.constant 0 : i32
        %parallel_loop3A_1027 = arith.addi %parallel_loop3A_1026, %parallel_loop3A_565 : i32
        %parallel_loop3A_1028 = arith.index_cast %parallel_loop3A_1027 : i32 to index
        %parallel_loop3A_1029 = arith.constant 96 : index
        %parallel_loop3A_1030 = tpu.vector_load %arg13[%parallel_loop3A_1028, %parallel_loop3A_1029] {strides = array<i32>} : memref<64x128xf32, #tpu.memory_space<vmem>>, vector<16xf32>,
        tpu.vector_store %arg13[%parallel_loop3A_1028, %parallel_loop3A_1029], %parallel_loop3A_1025 {strides = array<i32>} : memref<64x128xf32, #tpu.memory_space<vmem>>, vector<16xf32>,
        %parallel_loop3A_1031 = arith.constant 0 : i32
        %parallel_loop3A_1032 = arith.addi %parallel_loop3A_1031, %parallel_loop3A_565 : i32
        %parallel_loop3A_1033 = arith.index_cast %parallel_loop3A_1032 : i32 to index
        %parallel_loop3A_1034 = arith.constant 112 : index
        %parallel_loop3A_1035 = tpu.vector_load %arg12[%parallel_loop3A_1033, %parallel_loop3A_1034] {strides = array<i32>} : memref<512x128xf32, #tpu.memory_space<vmem>>, vector<16xf32>,
        %parallel_loop3A_1036 = arith.mulf %parallel_loop3A_575, %parallel_loop3A_1035 : vector<16xf32>
        %parallel_loop3A_1037 = arith.constant 32 : i32
        %parallel_loop3A_1038 = arith.addi %parallel_loop3A_1037, %parallel_loop3A_565 : i32
        %parallel_loop3A_1039 = arith.index_cast %parallel_loop3A_1038 : i32 to index
        %parallel_loop3A_1040 = arith.constant 112 : index
        %parallel_loop3A_1041 = tpu.vector_load %arg12[%parallel_loop3A_1039, %parallel_loop3A_1040] {strides = array<i32>} : memref<512x128xf32, #tpu.memory_space<vmem>>, vector<16xf32>,
        %parallel_loop3A_1042 = arith.mulf %parallel_loop3A_580, %parallel_loop3A_1041 : vector<16xf32>
        %parallel_loop3A_1043 = arith.addf %parallel_loop3A_1036, %parallel_loop3A_1042 : vector<16xf32>
        %parallel_loop3A_1044 = arith.constant 64 : i32
        %parallel_loop3A_1045 = arith.addi %parallel_loop3A_1044, %parallel_loop3A_565 : i32
        %parallel_loop3A_1046 = arith.index_cast %parallel_loop3A_1045 : i32 to index
        %parallel_loop3A_1047 = arith.constant 112 : index
        %parallel_loop3A_1048 = tpu.vector_load %arg12[%parallel_loop3A_1046, %parallel_loop3A_1047] {strides = array<i32>} : memref<512x128xf32, #tpu.memory_space<vmem>>, vector<16xf32>,
        %parallel_loop3A_1049 = arith.mulf %parallel_loop3A_585, %parallel_loop3A_1048 : vector<16xf32>
        %parallel_loop3A_1050 = arith.addf %parallel_loop3A_1043, %parallel_loop3A_1049 : vector<16xf32>
        %parallel_loop3A_1051 = arith.constant 96 : i32
        %parallel_loop3A_1052 = arith.addi %parallel_loop3A_1051, %parallel_loop3A_565 : i32
        %parallel_loop3A_1053 = arith.index_cast %parallel_loop3A_1052 : i32 to index
        %parallel_loop3A_1054 = arith.constant 112 : index
        %parallel_loop3A_1055 = tpu.vector_load %arg12[%parallel_loop3A_1053, %parallel_loop3A_1054] {strides = array<i32>} : memref<512x128xf32, #tpu.memory_space<vmem>>, vector<16xf32>,
        %parallel_loop3A_1056 = arith.mulf %parallel_loop3A_590, %parallel_loop3A_1055 : vector<16xf32>
        %parallel_loop3A_1057 = arith.addf %parallel_loop3A_1050, %parallel_loop3A_1056 : vector<16xf32>
        %parallel_loop3A_1058 = arith.constant 128 : i32
        %parallel_loop3A_1059 = arith.addi %parallel_loop3A_1058, %parallel_loop3A_565 : i32
        %parallel_loop3A_1060 = arith.index_cast %parallel_loop3A_1059 : i32 to index
        %parallel_loop3A_1061 = arith.constant 112 : index
        %parallel_loop3A_1062 = tpu.vector_load %arg12[%parallel_loop3A_1060, %parallel_loop3A_1061] {strides = array<i32>} : memref<512x128xf32, #tpu.memory_space<vmem>>, vector<16xf32>,
        %parallel_loop3A_1063 = arith.mulf %parallel_loop3A_595, %parallel_loop3A_1062 : vector<16xf32>
        %parallel_loop3A_1064 = arith.addf %parallel_loop3A_1057, %parallel_loop3A_1063 : vector<16xf32>
        %parallel_loop3A_1065 = arith.constant 160 : i32
        %parallel_loop3A_1066 = arith.addi %parallel_loop3A_1065, %parallel_loop3A_565 : i32
        %parallel_loop3A_1067 = arith.index_cast %parallel_loop3A_1066 : i32 to index
        %parallel_loop3A_1068 = arith.constant 112 : index
        %parallel_loop3A_1069 = tpu.vector_load %arg12[%parallel_loop3A_1067, %parallel_loop3A_1068] {strides = array<i32>} : memref<512x128xf32, #tpu.memory_space<vmem>>, vector<16xf32>,
        %parallel_loop3A_1070 = arith.mulf %parallel_loop3A_600, %parallel_loop3A_1069 : vector<16xf32>
        %parallel_loop3A_1071 = arith.addf %parallel_loop3A_1064, %parallel_loop3A_1070 : vector<16xf32>
        %parallel_loop3A_1072 = arith.constant 192 : i32
        %parallel_loop3A_1073 = arith.addi %parallel_loop3A_1072, %parallel_loop3A_565 : i32
        %parallel_loop3A_1074 = arith.index_cast %parallel_loop3A_1073 : i32 to index
        %parallel_loop3A_1075 = arith.constant 112 : index
        %parallel_loop3A_1076 = tpu.vector_load %arg12[%parallel_loop3A_1074, %parallel_loop3A_1075] {strides = array<i32>} : memref<512x128xf32, #tpu.memory_space<vmem>>, vector<16xf32>,
        %parallel_loop3A_1077 = arith.mulf %parallel_loop3A_605, %parallel_loop3A_1076 : vector<16xf32>
        %parallel_loop3A_1078 = arith.addf %parallel_loop3A_1071, %parallel_loop3A_1077 : vector<16xf32>
        %parallel_loop3A_1079 = arith.constant 224 : i32
        %parallel_loop3A_1080 = arith.addi %parallel_loop3A_1079, %parallel_loop3A_565 : i32
        %parallel_loop3A_1081 = arith.index_cast %parallel_loop3A_1080 : i32 to index
        %parallel_loop3A_1082 = arith.constant 112 : index
        %parallel_loop3A_1083 = tpu.vector_load %arg12[%parallel_loop3A_1081, %parallel_loop3A_1082] {strides = array<i32>} : memref<512x128xf32, #tpu.memory_space<vmem>>, vector<16xf32>,
        %parallel_loop3A_1084 = arith.mulf %parallel_loop3A_610, %parallel_loop3A_1083 : vector<16xf32>
        %parallel_loop3A_1085 = arith.addf %parallel_loop3A_1078, %parallel_loop3A_1084 : vector<16xf32>
        %parallel_loop3A_1086 = arith.constant 0 : i32
        %parallel_loop3A_1087 = arith.addi %parallel_loop3A_1086, %parallel_loop3A_565 : i32
        %parallel_loop3A_1088 = arith.index_cast %parallel_loop3A_1087 : i32 to index
        %parallel_loop3A_1089 = arith.constant 112 : index
        %parallel_loop3A_1090 = tpu.vector_load %arg13[%parallel_loop3A_1088, %parallel_loop3A_1089] {strides = array<i32>} : memref<64x128xf32, #tpu.memory_space<vmem>>, vector<16xf32>,
        tpu.vector_store %arg13[%parallel_loop3A_1088, %parallel_loop3A_1089], %parallel_loop3A_1085 {strides = array<i32>} : memref<64x128xf32, #tpu.memory_space<vmem>>, vector<16xf32>,
      } {sc.loop_unroll_factor = 2 : i64, sc.parallel_access}
      %mul3A_500 = arith.constant 32 : i32
      %mul3A_501 = arith.muli %add3A_468, %mul3A_500 : i32
      %add3A_502 = arith.addi %mul3A_2, %mul3A_501 : i32
      %dma_start3A_503 = arith.constant 0 : i32
      %dma_start3A_504 = arith.constant 0 : i32
      %dma_start3A_505 = tpu.memref_slice %arg13[%dma_start3A_503, %dma_start3A_504] : memref<64x128xf32, #tpu.memory_space<vmem>> -> memref<32x128xf32, #tpu.memory_space<vmem>>
      %dma_start3A_506 = arith.constant 0 : i32
      %dma_start3A_507 = tpu.memref_slice %arg6[%add3A_502, %dma_start3A_506] : memref<262144x128xf32, #tpu.memory_space<hbm>> -> memref<32x128xf32, #tpu.memory_space<hbm>>
      %dma_start3A_508 = arith.constant 0 : i32
      %dma_start3A_509 = tpu.memref_slice %arg6[%add3A_502, %dma_start3A_508] : memref<262144x128xf32, #tpu.memory_space<hbm>> -> memref<32x128xf32, #tpu.memory_space<hbm>>
      %dma_start3A_510 = arith.constant 0 : i32
      %dma_start3A_511 = arith.constant 0 : i32
      %dma_start3A_512 = tpu.memref_slice %arg13[%dma_start3A_510, %dma_start3A_511] : memref<64x128xf32, #tpu.memory_space<vmem>> -> memref<32x128xf32, #tpu.memory_space<vmem>>
      tpu.enqueue_dma source(%dma_start3A_512 : memref<32x128xf32, #tpu.memory_space<vmem>>) target(%dma_start3A_509 : memref<32x128xf32, #tpu.memory_space<hbm>>) target_semaphore(%arg16 : memref<!tpu.dma_semaphore, #tpu.memory_space<semaphore_mem>>)
      %mul3A_513 = arith.constant 2 : i32
      %mul3A_514 = arith.muli %mul3A_513, %scan3A_464 : i32
      %add3A_515 = arith.constant 1 : i32
      %add3A_516 = arith.addi %mul3A_514, %add3A_515 : i32
      %add3A_517 = arith.constant 1 : i32
      %add3A_518 = arith.addi %add3A_516, %add3A_517 : i32
      %lt3A_519 = arith.constant 256 : i32
      %lt3A_520 = arith.cmpi slt, %add3A_518, %lt3A_519 : i32
      %convert_element_type3A_521 = arith.extui %lt3A_520 : i1 to i32
      %cond3A_522 = arith.constant 0 : i32
      %cond3A_523 = arith.cmpi ne, %convert_element_type3A_521, %cond3A_522 : i32
      scf.if %cond3A_523 {
        %mul3A_565 = arith.constant 32 : i32
        %mul3A_566 = arith.muli %add3A_518, %mul3A_565 : i32
        %iota3A_567 = tpu.iota {dimensions = array<i32: 0>} : vector<16xi32>
        %add3A_568 = arith.constant 0 : i32
        %add3A_569 = vector.broadcast %add3A_568 : i32 to vector<16xi32>
        %add3A_570 = arith.addi %add3A_569, %iota3A_567 : vector<16xi32>
        %add3A_571 = arith.constant 0 : i32
        %add3A_572 = arith.addi %mul3A_566, %add3A_571 : i32
        %get3A_573 = arith.index_cast %add3A_572 : i32 to index
        %get3A_574 = tpu.vector_load %arg7[%get3A_573] {strides = array<i32>} : memref<8192xf32, #tpu.memory_space<vmem>>, vector<16xf32>,
        %add3A_575 = arith.constant 0 : i32
        %add3A_576 = arith.addi %mul3A_566, %add3A_575 : i32
        %get3A_577 = arith.index_cast %add3A_576 : i32 to index
        %get3A_578 = tpu.vector_load %arg8[%get3A_577] {strides = array<i32>} : memref<8192xf32, #tpu.memory_space<vmem>>, vector<16xf32>,
        %add3A_579 = arith.constant 0 : i32
        %add3A_580 = arith.addi %mul3A_566, %add3A_579 : i32
        %get3A_581 = arith.index_cast %add3A_580 : i32 to index
        %get3A_582 = tpu.vector_load %arg9[%get3A_581] {strides = array<i32>} : memref<8192xf32, #tpu.memory_space<vmem>>, vector<16xf32>,
        %add3A_583 = arith.constant 1.000000e+00 : f32
        %add3A_584 = vector.broadcast %add3A_583 : f32 to vector<16xf32>
        %add3A_585 = arith.addf %get3A_574, %add3A_584 : vector<16xf32>
        %mul3A_586 = arith.constant 6.400000e+01 : f32
        %mul3A_587 = vector.broadcast %mul3A_586 : f32 to vector<16xf32>
        %mul3A_588 = arith.mulf %add3A_585, %mul3A_587 : vector<16xf32>
        %sub3A_589 = arith.constant 1.000000e+00 : f32
        %sub3A_590 = vector.broadcast %sub3A_589 : f32 to vector<16xf32>
        %sub3A_591 = arith.subf %mul3A_588, %sub3A_590 : vector<16xf32>
        %mul3A_592 = arith.constant 5.000000e-01 : f32
        %mul3A_593 = vector.broadcast %mul3A_592 : f32 to vector<16xf32>
        %mul3A_594 = arith.mulf %sub3A_591, %mul3A_593 : vector<16xf32>
        %max3A_595 = arith.constant 0.000000e+00 : f32
        %max3A_596 = vector.broadcast %max3A_595 : f32 to vector<16xf32>
        %max3A_597 = arith.maximumf %mul3A_594, %max3A_596 : vector<16xf32>
        %min3A_598 = arith.constant 6.300000e+01 : f32
        %min3A_599 = vector.broadcast %min3A_598 : f32 to vector<16xf32>
        %min3A_600 = arith.minimumf %max3A_597, %min3A_599 : vector<16xf32>
        %convert_element_type3A_601 = arith.fptosi %min3A_600 : vector<16xf32> to vector<16xi32>
        %min3A_602 = arith.constant 62 : i32
        %min3A_603 = vector.broadcast %min3A_602 : i32 to vector<16xi32>
        %min3A_604 = arith.minsi %convert_element_type3A_601, %min3A_603 : vector<16xi32>
        %convert_element_type3A_605 = arith.sitofp %min3A_604 : vector<16xi32> to vector<16xf32>
        %sub3A_606 = arith.subf %min3A_600, %convert_element_type3A_605 : vector<16xf32>
        %add3A_607 = arith.constant 1.000000e+00 : f32
        %add3A_608 = vector.broadcast %add3A_607 : f32 to vector<16xf32>
        %add3A_609 = arith.addf %get3A_578, %add3A_608 : vector<16xf32>
        %mul3A_610 = arith.constant 6.400000e+01 : f32
        %mul3A_611 = vector.broadcast %mul3A_610 : f32 to vector<16xf32>
        %mul3A_612 = arith.mulf %add3A_609, %mul3A_611 : vector<16xf32>
        %sub3A_613 = arith.constant 1.000000e+00 : f32
        %sub3A_614 = vector.broadcast %sub3A_613 : f32 to vector<16xf32>
        %sub3A_615 = arith.subf %mul3A_612, %sub3A_614 : vector<16xf32>
        %mul3A_616 = arith.constant 5.000000e-01 : f32
        %mul3A_617 = vector.broadcast %mul3A_616 : f32 to vector<16xf32>
        %mul3A_618 = arith.mulf %sub3A_615, %mul3A_617 : vector<16xf32>
        %max3A_619 = arith.constant 0.000000e+00 : f32
        %max3A_620 = vector.broadcast %max3A_619 : f32 to vector<16xf32>
        %max3A_621 = arith.maximumf %mul3A_618, %max3A_620 : vector<16xf32>
        %min3A_622 = arith.constant 6.300000e+01 : f32
        %min3A_623 = vector.broadcast %min3A_622 : f32 to vector<16xf32>
        %min3A_624 = arith.minimumf %max3A_621, %min3A_623 : vector<16xf32>
        %convert_element_type3A_625 = arith.fptosi %min3A_624 : vector<16xf32> to vector<16xi32>
        %min3A_626 = arith.constant 62 : i32
        %min3A_627 = vector.broadcast %min3A_626 : i32 to vector<16xi32>
        %min3A_628 = arith.minsi %convert_element_type3A_625, %min3A_627 : vector<16xi32>
        %convert_element_type3A_629 = arith.sitofp %min3A_628 : vector<16xi32> to vector<16xf32>
        %sub3A_630 = arith.subf %min3A_624, %convert_element_type3A_629 : vector<16xf32>
        %add3A_631 = arith.constant 1.000000e+00 : f32
        %add3A_632 = vector.broadcast %add3A_631 : f32 to vector<16xf32>
        %add3A_633 = arith.addf %get3A_582, %add3A_632 : vector<16xf32>
        %mul3A_634 = arith.constant 6.400000e+01 : f32
        %mul3A_635 = vector.broadcast %mul3A_634 : f32 to vector<16xf32>
        %mul3A_636 = arith.mulf %add3A_633, %mul3A_635 : vector<16xf32>
        %sub3A_637 = arith.constant 1.000000e+00 : f32
        %sub3A_638 = vector.broadcast %sub3A_637 : f32 to vector<16xf32>
        %sub3A_639 = arith.subf %mul3A_636, %sub3A_638 : vector<16xf32>
        %mul3A_640 = arith.constant 5.000000e-01 : f32
        %mul3A_641 = vector.broadcast %mul3A_640 : f32 to vector<16xf32>
        %mul3A_642 = arith.mulf %sub3A_639, %mul3A_641 : vector<16xf32>
        %max3A_643 = arith.constant 0.000000e+00 : f32
        %max3A_644 = vector.broadcast %max3A_643 : f32 to vector<16xf32>
        %max3A_645 = arith.maximumf %mul3A_642, %max3A_644 : vector<16xf32>
        %min3A_646 = arith.constant 6.300000e+01 : f32
        %min3A_647 = vector.broadcast %min3A_646 : f32 to vector<16xf32>
        %min3A_648 = arith.minimumf %max3A_645, %min3A_647 : vector<16xf32>
        %convert_element_type3A_649 = arith.fptosi %min3A_648 : vector<16xf32> to vector<16xi32>
        %min3A_650 = arith.constant 62 : i32
        %min3A_651 = vector.broadcast %min3A_650 : i32 to vector<16xi32>
        %min3A_652 = arith.minsi %convert_element_type3A_649, %min3A_651 : vector<16xi32>
        %convert_element_type3A_653 = arith.sitofp %min3A_652 : vector<16xi32> to vector<16xf32>
        %sub3A_654 = arith.subf %min3A_648, %convert_element_type3A_653 : vector<16xf32>
        %mul3A_655 = arith.constant 64 : i32
        %mul3A_656 = vector.broadcast %mul3A_655 : i32 to vector<16xi32>
        %mul3A_657 = arith.muli %min3A_652, %mul3A_656 : vector<16xi32>
        %add3A_658 = arith.addi %mul3A_657, %min3A_628 : vector<16xi32>
        %mul3A_659 = arith.constant 64 : i32
        %mul3A_660 = vector.broadcast %mul3A_659 : i32 to vector<16xi32>
        %mul3A_661 = arith.muli %add3A_658, %mul3A_660 : vector<16xi32>
        %add3A_662 = arith.addi %mul3A_661, %min3A_604 : vector<16xi32>
        %sub3A_663 = arith.constant 1.000000e+00 : f32
        %sub3A_664 = vector.broadcast %sub3A_663 : f32 to vector<16xf32>
        %sub3A_665 = arith.subf %sub3A_664, %sub3A_606 : vector<16xf32>
        %sub3A_666 = arith.constant 1.000000e+00 : f32
        %sub3A_667 = vector.broadcast %sub3A_666 : f32 to vector<16xf32>
        %sub3A_668 = arith.subf %sub3A_667, %sub3A_630 : vector<16xf32>
        %sub3A_669 = arith.constant 1.000000e+00 : f32
        %sub3A_670 = vector.broadcast %sub3A_669 : f32 to vector<16xf32>
        %sub3A_671 = arith.subf %sub3A_670, %sub3A_654 : vector<16xf32>
        %add3A_672 = arith.constant 0 : i32
        %add3A_673 = vector.broadcast %add3A_672 : i32 to vector<16xi32>
        %add3A_674 = arith.addi %add3A_662, %add3A_673 : vector<16xi32>
        %swap3A_675 = arith.constant 0 : i32
        %swap3A_676 = arith.index_cast %swap3A_675 : i32 to index
        %swap3A_677 = arith.constant 0 : index
        %swap3A_678 = tpu.vector_load %arg10[%swap3A_676, %swap3A_677] {strides = array<i32>} : memref<4x128xi32, #tpu.memory_space<vmem>>, vector<16xi32>,
        tpu.vector_store %arg10[%swap3A_676, %swap3A_677], %add3A_674 {strides = array<i32>} : memref<4x128xi32, #tpu.memory_space<vmem>>, vector<16xi32>,
        %add3A_679 = arith.constant 0 : i32
        %add3A_680 = vector.broadcast %add3A_679 : i32 to vector<16xi32>
        %add3A_681 = arith.addi %add3A_680, %add3A_570 : vector<16xi32>
        %broadcast_in_dim3A_682 = arith.constant 0 : i32
        %broadcast_in_dim3A_683 = vector.broadcast %broadcast_in_dim3A_682 : i32 to vector<16xi32>
        %mul3A_684 = arith.mulf %sub3A_671, %sub3A_668 : vector<16xf32>
        %mul3A_685 = arith.mulf %mul3A_684, %sub3A_665 : vector<16xf32>
        tpu.vector_store_idx %arg11[%add3A_681, %broadcast_in_dim3A_683], %mul3A_685 : memref<64x16xf32, #tpu.memory_space<vmem>>[vector<16xi32>, vector<16xi32>], vector<16xf32>,
        %add3A_686 = arith.constant 1 : i32
        %add3A_687 = vector.broadcast %add3A_686 : i32 to vector<16xi32>
        %add3A_688 = arith.addi %add3A_662, %add3A_687 : vector<16xi32>
        %swap3A_689 = arith.constant 0 : i32
        %swap3A_690 = arith.index_cast %swap3A_689 : i32 to index
        %swap3A_691 = arith.constant 32 : index
        %swap3A_692 = tpu.vector_load %arg10[%swap3A_690, %swap3A_691] {strides = array<i32>} : memref<4x128xi32, #tpu.memory_space<vmem>>, vector<16xi32>,
        tpu.vector_store %arg10[%swap3A_690, %swap3A_691], %add3A_688 {strides = array<i32>} : memref<4x128xi32, #tpu.memory_space<vmem>>, vector<16xi32>,
        %add3A_693 = arith.constant 0 : i32
        %add3A_694 = vector.broadcast %add3A_693 : i32 to vector<16xi32>
        %add3A_695 = arith.addi %add3A_694, %add3A_570 : vector<16xi32>
        %broadcast_in_dim3A_696 = arith.constant 1 : i32
        %broadcast_in_dim3A_697 = vector.broadcast %broadcast_in_dim3A_696 : i32 to vector<16xi32>
        %mul3A_698 = arith.mulf %sub3A_671, %sub3A_668 : vector<16xf32>
        %mul3A_699 = arith.mulf %mul3A_698, %sub3A_606 : vector<16xf32>
        tpu.vector_store_idx %arg11[%add3A_695, %broadcast_in_dim3A_697], %mul3A_699 : memref<64x16xf32, #tpu.memory_space<vmem>>[vector<16xi32>, vector<16xi32>], vector<16xf32>,
        %add3A_700 = arith.constant 64 : i32
        %add3A_701 = vector.broadcast %add3A_700 : i32 to vector<16xi32>
        %add3A_702 = arith.addi %add3A_662, %add3A_701 : vector<16xi32>
        %swap3A_703 = arith.constant 0 : i32
        %swap3A_704 = arith.index_cast %swap3A_703 : i32 to index
        %swap3A_705 = arith.constant 64 : index
        %swap3A_706 = tpu.vector_load %arg10[%swap3A_704, %swap3A_705] {strides = array<i32>} : memref<4x128xi32, #tpu.memory_space<vmem>>, vector<16xi32>,
        tpu.vector_store %arg10[%swap3A_704, %swap3A_705], %add3A_702 {strides = array<i32>} : memref<4x128xi32, #tpu.memory_space<vmem>>, vector<16xi32>,
        %add3A_707 = arith.constant 0 : i32
        %add3A_708 = vector.broadcast %add3A_707 : i32 to vector<16xi32>
        %add3A_709 = arith.addi %add3A_708, %add3A_570 : vector<16xi32>
        %broadcast_in_dim3A_710 = arith.constant 2 : i32
        %broadcast_in_dim3A_711 = vector.broadcast %broadcast_in_dim3A_710 : i32 to vector<16xi32>
        %mul3A_712 = arith.mulf %sub3A_671, %sub3A_630 : vector<16xf32>
        %mul3A_713 = arith.mulf %mul3A_712, %sub3A_665 : vector<16xf32>
        tpu.vector_store_idx %arg11[%add3A_709, %broadcast_in_dim3A_711], %mul3A_713 : memref<64x16xf32, #tpu.memory_space<vmem>>[vector<16xi32>, vector<16xi32>], vector<16xf32>,
        %add3A_714 = arith.constant 65 : i32
        %add3A_715 = vector.broadcast %add3A_714 : i32 to vector<16xi32>
        %add3A_716 = arith.addi %add3A_662, %add3A_715 : vector<16xi32>
        %swap3A_717 = arith.constant 0 : i32
        %swap3A_718 = arith.index_cast %swap3A_717 : i32 to index
        %swap3A_719 = arith.constant 96 : index
        %swap3A_720 = tpu.vector_load %arg10[%swap3A_718, %swap3A_719] {strides = array<i32>} : memref<4x128xi32, #tpu.memory_space<vmem>>, vector<16xi32>,
        tpu.vector_store %arg10[%swap3A_718, %swap3A_719], %add3A_716 {strides = array<i32>} : memref<4x128xi32, #tpu.memory_space<vmem>>, vector<16xi32>,
        %add3A_721 = arith.constant 0 : i32
        %add3A_722 = vector.broadcast %add3A_721 : i32 to vector<16xi32>
        %add3A_723 = arith.addi %add3A_722, %add3A_570 : vector<16xi32>
        %broadcast_in_dim3A_724 = arith.constant 3 : i32
        %broadcast_in_dim3A_725 = vector.broadcast %broadcast_in_dim3A_724 : i32 to vector<16xi32>
        %mul3A_726 = arith.mulf %sub3A_671, %sub3A_630 : vector<16xf32>
        %mul3A_727 = arith.mulf %mul3A_726, %sub3A_606 : vector<16xf32>
        tpu.vector_store_idx %arg11[%add3A_723, %broadcast_in_dim3A_725], %mul3A_727 : memref<64x16xf32, #tpu.memory_space<vmem>>[vector<16xi32>, vector<16xi32>], vector<16xf32>,
        %add3A_728 = arith.constant 4096 : i32
        %add3A_729 = vector.broadcast %add3A_728 : i32 to vector<16xi32>
        %add3A_730 = arith.addi %add3A_662, %add3A_729 : vector<16xi32>
        %swap3A_731 = arith.constant 1 : i32
        %swap3A_732 = arith.index_cast %swap3A_731 : i32 to index
        %swap3A_733 = arith.constant 0 : index
        %swap3A_734 = tpu.vector_load %arg10[%swap3A_732, %swap3A_733] {strides = array<i32>} : memref<4x128xi32, #tpu.memory_space<vmem>>, vector<16xi32>,
        tpu.vector_store %arg10[%swap3A_732, %swap3A_733], %add3A_730 {strides = array<i32>} : memref<4x128xi32, #tpu.memory_space<vmem>>, vector<16xi32>,
        %add3A_735 = arith.constant 0 : i32
        %add3A_736 = vector.broadcast %add3A_735 : i32 to vector<16xi32>
        %add3A_737 = arith.addi %add3A_736, %add3A_570 : vector<16xi32>
        %broadcast_in_dim3A_738 = arith.constant 4 : i32
        %broadcast_in_dim3A_739 = vector.broadcast %broadcast_in_dim3A_738 : i32 to vector<16xi32>
        %mul3A_740 = arith.mulf %sub3A_654, %sub3A_668 : vector<16xf32>
        %mul3A_741 = arith.mulf %mul3A_740, %sub3A_665 : vector<16xf32>
        tpu.vector_store_idx %arg11[%add3A_737, %broadcast_in_dim3A_739], %mul3A_741 : memref<64x16xf32, #tpu.memory_space<vmem>>[vector<16xi32>, vector<16xi32>], vector<16xf32>,
        %add3A_742 = arith.constant 4097 : i32
        %add3A_743 = vector.broadcast %add3A_742 : i32 to vector<16xi32>
        %add3A_744 = arith.addi %add3A_662, %add3A_743 : vector<16xi32>
        %swap3A_745 = arith.constant 1 : i32
        %swap3A_746 = arith.index_cast %swap3A_745 : i32 to index
        %swap3A_747 = arith.constant 32 : index
        %swap3A_748 = tpu.vector_load %arg10[%swap3A_746, %swap3A_747] {strides = array<i32>} : memref<4x128xi32, #tpu.memory_space<vmem>>, vector<16xi32>,
        tpu.vector_store %arg10[%swap3A_746, %swap3A_747], %add3A_744 {strides = array<i32>} : memref<4x128xi32, #tpu.memory_space<vmem>>, vector<16xi32>,
        %add3A_749 = arith.constant 0 : i32
        %add3A_750 = vector.broadcast %add3A_749 : i32 to vector<16xi32>
        %add3A_751 = arith.addi %add3A_750, %add3A_570 : vector<16xi32>
        %broadcast_in_dim3A_752 = arith.constant 5 : i32
        %broadcast_in_dim3A_753 = vector.broadcast %broadcast_in_dim3A_752 : i32 to vector<16xi32>
        %mul3A_754 = arith.mulf %sub3A_654, %sub3A_668 : vector<16xf32>
        %mul3A_755 = arith.mulf %mul3A_754, %sub3A_606 : vector<16xf32>
        tpu.vector_store_idx %arg11[%add3A_751, %broadcast_in_dim3A_753], %mul3A_755 : memref<64x16xf32, #tpu.memory_space<vmem>>[vector<16xi32>, vector<16xi32>], vector<16xf32>,
        %add3A_756 = arith.constant 4160 : i32
        %add3A_757 = vector.broadcast %add3A_756 : i32 to vector<16xi32>
        %add3A_758 = arith.addi %add3A_662, %add3A_757 : vector<16xi32>
        %swap3A_759 = arith.constant 1 : i32
        %swap3A_760 = arith.index_cast %swap3A_759 : i32 to index
        %swap3A_761 = arith.constant 64 : index
        %swap3A_762 = tpu.vector_load %arg10[%swap3A_760, %swap3A_761] {strides = array<i32>} : memref<4x128xi32, #tpu.memory_space<vmem>>, vector<16xi32>,
        tpu.vector_store %arg10[%swap3A_760, %swap3A_761], %add3A_758 {strides = array<i32>} : memref<4x128xi32, #tpu.memory_space<vmem>>, vector<16xi32>,
        %add3A_763 = arith.constant 0 : i32
        %add3A_764 = vector.broadcast %add3A_763 : i32 to vector<16xi32>
        %add3A_765 = arith.addi %add3A_764, %add3A_570 : vector<16xi32>
        %broadcast_in_dim3A_766 = arith.constant 6 : i32
        %broadcast_in_dim3A_767 = vector.broadcast %broadcast_in_dim3A_766 : i32 to vector<16xi32>
        %mul3A_768 = arith.mulf %sub3A_654, %sub3A_630 : vector<16xf32>
        %mul3A_769 = arith.mulf %mul3A_768, %sub3A_665 : vector<16xf32>
        tpu.vector_store_idx %arg11[%add3A_765, %broadcast_in_dim3A_767], %mul3A_769 : memref<64x16xf32, #tpu.memory_space<vmem>>[vector<16xi32>, vector<16xi32>], vector<16xf32>,
        %add3A_770 = arith.constant 4161 : i32
        %add3A_771 = vector.broadcast %add3A_770 : i32 to vector<16xi32>
        %add3A_772 = arith.addi %add3A_662, %add3A_771 : vector<16xi32>
        %swap3A_773 = arith.constant 1 : i32
        %swap3A_774 = arith.index_cast %swap3A_773 : i32 to index
        %swap3A_775 = arith.constant 96 : index
        %swap3A_776 = tpu.vector_load %arg10[%swap3A_774, %swap3A_775] {strides = array<i32>} : memref<4x128xi32, #tpu.memory_space<vmem>>, vector<16xi32>,
        tpu.vector_store %arg10[%swap3A_774, %swap3A_775], %add3A_772 {strides = array<i32>} : memref<4x128xi32, #tpu.memory_space<vmem>>, vector<16xi32>,
        %add3A_777 = arith.constant 0 : i32
        %add3A_778 = vector.broadcast %add3A_777 : i32 to vector<16xi32>
        %add3A_779 = arith.addi %add3A_778, %add3A_570 : vector<16xi32>
        %broadcast_in_dim3A_780 = arith.constant 7 : i32
        %broadcast_in_dim3A_781 = vector.broadcast %broadcast_in_dim3A_780 : i32 to vector<16xi32>
        %mul3A_782 = arith.mulf %sub3A_654, %sub3A_630 : vector<16xf32>
        %mul3A_783 = arith.mulf %mul3A_782, %sub3A_606 : vector<16xf32>
        tpu.vector_store_idx %arg11[%add3A_779, %broadcast_in_dim3A_781], %mul3A_783 : memref<64x16xf32, #tpu.memory_space<vmem>>[vector<16xi32>, vector<16xi32>], vector<16xf32>,
        %iota3A_784 = tpu.iota {dimensions = array<i32: 0>} : vector<16xi32>
        %add3A_785 = arith.constant 16 : i32
        %add3A_786 = vector.broadcast %add3A_785 : i32 to vector<16xi32>
        %add3A_787 = arith.addi %add3A_786, %iota3A_784 : vector<16xi32>
        %add3A_788 = arith.constant 16 : i32
        %add3A_789 = arith.addi %mul3A_566, %add3A_788 : i32
        %get3A_790 = arith.index_cast %add3A_789 : i32 to index
        %get3A_791 = tpu.vector_load %arg7[%get3A_790] {strides = array<i32>} : memref<8192xf32, #tpu.memory_space<vmem>>, vector<16xf32>,
        %add3A_792 = arith.constant 16 : i32
        %add3A_793 = arith.addi %mul3A_566, %add3A_792 : i32
        %get3A_794 = arith.index_cast %add3A_793 : i32 to index
        %get3A_795 = tpu.vector_load %arg8[%get3A_794] {strides = array<i32>} : memref<8192xf32, #tpu.memory_space<vmem>>, vector<16xf32>,
        %add3A_796 = arith.constant 16 : i32
        %add3A_797 = arith.addi %mul3A_566, %add3A_796 : i32
        %get3A_798 = arith.index_cast %add3A_797 : i32 to index
        %get3A_799 = tpu.vector_load %arg9[%get3A_798] {strides = array<i32>} : memref<8192xf32, #tpu.memory_space<vmem>>, vector<16xf32>,
        %add3A_800 = arith.constant 1.000000e+00 : f32
        %add3A_801 = vector.broadcast %add3A_800 : f32 to vector<16xf32>
        %add3A_802 = arith.addf %get3A_791, %add3A_801 : vector<16xf32>
        %mul3A_803 = arith.constant 6.400000e+01 : f32
        %mul3A_804 = vector.broadcast %mul3A_803 : f32 to vector<16xf32>
        %mul3A_805 = arith.mulf %add3A_802, %mul3A_804 : vector<16xf32>
        %sub3A_806 = arith.constant 1.000000e+00 : f32
        %sub3A_807 = vector.broadcast %sub3A_806 : f32 to vector<16xf32>
        %sub3A_808 = arith.subf %mul3A_805, %sub3A_807 : vector<16xf32>
        %mul3A_809 = arith.constant 5.000000e-01 : f32
        %mul3A_810 = vector.broadcast %mul3A_809 : f32 to vector<16xf32>
        %mul3A_811 = arith.mulf %sub3A_808, %mul3A_810 : vector<16xf32>
        %max3A_812 = arith.constant 0.000000e+00 : f32
        %max3A_813 = vector.broadcast %max3A_812 : f32 to vector<16xf32>
        %max3A_814 = arith.maximumf %mul3A_811, %max3A_813 : vector<16xf32>
        %min3A_815 = arith.constant 6.300000e+01 : f32
        %min3A_816 = vector.broadcast %min3A_815 : f32 to vector<16xf32>
        %min3A_817 = arith.minimumf %max3A_814, %min3A_816 : vector<16xf32>
        %convert_element_type3A_818 = arith.fptosi %min3A_817 : vector<16xf32> to vector<16xi32>
        %min3A_819 = arith.constant 62 : i32
        %min3A_820 = vector.broadcast %min3A_819 : i32 to vector<16xi32>
        %min3A_821 = arith.minsi %convert_element_type3A_818, %min3A_820 : vector<16xi32>
        %convert_element_type3A_822 = arith.sitofp %min3A_821 : vector<16xi32> to vector<16xf32>
        %sub3A_823 = arith.subf %min3A_817, %convert_element_type3A_822 : vector<16xf32>
        %add3A_824 = arith.constant 1.000000e+00 : f32
        %add3A_825 = vector.broadcast %add3A_824 : f32 to vector<16xf32>
        %add3A_826 = arith.addf %get3A_795, %add3A_825 : vector<16xf32>
        %mul3A_827 = arith.constant 6.400000e+01 : f32
        %mul3A_828 = vector.broadcast %mul3A_827 : f32 to vector<16xf32>
        %mul3A_829 = arith.mulf %add3A_826, %mul3A_828 : vector<16xf32>
        %sub3A_830 = arith.constant 1.000000e+00 : f32
        %sub3A_831 = vector.broadcast %sub3A_830 : f32 to vector<16xf32>
        %sub3A_832 = arith.subf %mul3A_829, %sub3A_831 : vector<16xf32>
        %mul3A_833 = arith.constant 5.000000e-01 : f32
        %mul3A_834 = vector.broadcast %mul3A_833 : f32 to vector<16xf32>
        %mul3A_835 = arith.mulf %sub3A_832, %mul3A_834 : vector<16xf32>
        %max3A_836 = arith.constant 0.000000e+00 : f32
        %max3A_837 = vector.broadcast %max3A_836 : f32 to vector<16xf32>
        %max3A_838 = arith.maximumf %mul3A_835, %max3A_837 : vector<16xf32>
        %min3A_839 = arith.constant 6.300000e+01 : f32
        %min3A_840 = vector.broadcast %min3A_839 : f32 to vector<16xf32>
        %min3A_841 = arith.minimumf %max3A_838, %min3A_840 : vector<16xf32>
        %convert_element_type3A_842 = arith.fptosi %min3A_841 : vector<16xf32> to vector<16xi32>
        %min3A_843 = arith.constant 62 : i32
        %min3A_844 = vector.broadcast %min3A_843 : i32 to vector<16xi32>
        %min3A_845 = arith.minsi %convert_element_type3A_842, %min3A_844 : vector<16xi32>
        %convert_element_type3A_846 = arith.sitofp %min3A_845 : vector<16xi32> to vector<16xf32>
        %sub3A_847 = arith.subf %min3A_841, %convert_element_type3A_846 : vector<16xf32>
        %add3A_848 = arith.constant 1.000000e+00 : f32
        %add3A_849 = vector.broadcast %add3A_848 : f32 to vector<16xf32>
        %add3A_850 = arith.addf %get3A_799, %add3A_849 : vector<16xf32>
        %mul3A_851 = arith.constant 6.400000e+01 : f32
        %mul3A_852 = vector.broadcast %mul3A_851 : f32 to vector<16xf32>
        %mul3A_853 = arith.mulf %add3A_850, %mul3A_852 : vector<16xf32>
        %sub3A_854 = arith.constant 1.000000e+00 : f32
        %sub3A_855 = vector.broadcast %sub3A_854 : f32 to vector<16xf32>
        %sub3A_856 = arith.subf %mul3A_853, %sub3A_855 : vector<16xf32>
        %mul3A_857 = arith.constant 5.000000e-01 : f32
        %mul3A_858 = vector.broadcast %mul3A_857 : f32 to vector<16xf32>
        %mul3A_859 = arith.mulf %sub3A_856, %mul3A_858 : vector<16xf32>
        %max3A_860 = arith.constant 0.000000e+00 : f32
        %max3A_861 = vector.broadcast %max3A_860 : f32 to vector<16xf32>
        %max3A_862 = arith.maximumf %mul3A_859, %max3A_861 : vector<16xf32>
        %min3A_863 = arith.constant 6.300000e+01 : f32
        %min3A_864 = vector.broadcast %min3A_863 : f32 to vector<16xf32>
        %min3A_865 = arith.minimumf %max3A_862, %min3A_864 : vector<16xf32>
        %convert_element_type3A_866 = arith.fptosi %min3A_865 : vector<16xf32> to vector<16xi32>
        %min3A_867 = arith.constant 62 : i32
        %min3A_868 = vector.broadcast %min3A_867 : i32 to vector<16xi32>
        %min3A_869 = arith.minsi %convert_element_type3A_866, %min3A_868 : vector<16xi32>
        %convert_element_type3A_870 = arith.sitofp %min3A_869 : vector<16xi32> to vector<16xf32>
        %sub3A_871 = arith.subf %min3A_865, %convert_element_type3A_870 : vector<16xf32>
        %mul3A_872 = arith.constant 64 : i32
        %mul3A_873 = vector.broadcast %mul3A_872 : i32 to vector<16xi32>
        %mul3A_874 = arith.muli %min3A_869, %mul3A_873 : vector<16xi32>
        %add3A_875 = arith.addi %mul3A_874, %min3A_845 : vector<16xi32>
        %mul3A_876 = arith.constant 64 : i32
        %mul3A_877 = vector.broadcast %mul3A_876 : i32 to vector<16xi32>
        %mul3A_878 = arith.muli %add3A_875, %mul3A_877 : vector<16xi32>
        %add3A_879 = arith.addi %mul3A_878, %min3A_821 : vector<16xi32>
        %sub3A_880 = arith.constant 1.000000e+00 : f32
        %sub3A_881 = vector.broadcast %sub3A_880 : f32 to vector<16xf32>
        %sub3A_882 = arith.subf %sub3A_881, %sub3A_823 : vector<16xf32>
        %sub3A_883 = arith.constant 1.000000e+00 : f32
        %sub3A_884 = vector.broadcast %sub3A_883 : f32 to vector<16xf32>
        %sub3A_885 = arith.subf %sub3A_884, %sub3A_847 : vector<16xf32>
        %sub3A_886 = arith.constant 1.000000e+00 : f32
        %sub3A_887 = vector.broadcast %sub3A_886 : f32 to vector<16xf32>
        %sub3A_888 = arith.subf %sub3A_887, %sub3A_871 : vector<16xf32>
        %add3A_889 = arith.constant 0 : i32
        %add3A_890 = vector.broadcast %add3A_889 : i32 to vector<16xi32>
        %add3A_891 = arith.addi %add3A_879, %add3A_890 : vector<16xi32>
        %swap3A_892 = arith.constant 0 : i32
        %swap3A_893 = arith.index_cast %swap3A_892 : i32 to index
        %swap3A_894 = arith.constant 16 : index
        %swap3A_895 = tpu.vector_load %arg10[%swap3A_893, %swap3A_894] {strides = array<i32>} : memref<4x128xi32, #tpu.memory_space<vmem>>, vector<16xi32>,
        tpu.vector_store %arg10[%swap3A_893, %swap3A_894], %add3A_891 {strides = array<i32>} : memref<4x128xi32, #tpu.memory_space<vmem>>, vector<16xi32>,
        %add3A_896 = arith.constant 0 : i32
        %add3A_897 = vector.broadcast %add3A_896 : i32 to vector<16xi32>
        %add3A_898 = arith.addi %add3A_897, %add3A_787 : vector<16xi32>
        %broadcast_in_dim3A_899 = arith.constant 0 : i32
        %broadcast_in_dim3A_900 = vector.broadcast %broadcast_in_dim3A_899 : i32 to vector<16xi32>
        %mul3A_901 = arith.mulf %sub3A_888, %sub3A_885 : vector<16xf32>
        %mul3A_902 = arith.mulf %mul3A_901, %sub3A_882 : vector<16xf32>
        tpu.vector_store_idx %arg11[%add3A_898, %broadcast_in_dim3A_900], %mul3A_902 : memref<64x16xf32, #tpu.memory_space<vmem>>[vector<16xi32>, vector<16xi32>], vector<16xf32>,
        %add3A_903 = arith.constant 1 : i32
        %add3A_904 = vector.broadcast %add3A_903 : i32 to vector<16xi32>
        %add3A_905 = arith.addi %add3A_879, %add3A_904 : vector<16xi32>
        %swap3A_906 = arith.constant 0 : i32
        %swap3A_907 = arith.index_cast %swap3A_906 : i32 to index
        %swap3A_908 = arith.constant 48 : index
        %swap3A_909 = tpu.vector_load %arg10[%swap3A_907, %swap3A_908] {strides = array<i32>} : memref<4x128xi32, #tpu.memory_space<vmem>>, vector<16xi32>,
        tpu.vector_store %arg10[%swap3A_907, %swap3A_908], %add3A_905 {strides = array<i32>} : memref<4x128xi32, #tpu.memory_space<vmem>>, vector<16xi32>,
        %add3A_910 = arith.constant 0 : i32
        %add3A_911 = vector.broadcast %add3A_910 : i32 to vector<16xi32>
        %add3A_912 = arith.addi %add3A_911, %add3A_787 : vector<16xi32>
        %broadcast_in_dim3A_913 = arith.constant 1 : i32
        %broadcast_in_dim3A_914 = vector.broadcast %broadcast_in_dim3A_913 : i32 to vector<16xi32>
        %mul3A_915 = arith.mulf %sub3A_888, %sub3A_885 : vector<16xf32>
        %mul3A_916 = arith.mulf %mul3A_915, %sub3A_823 : vector<16xf32>
        tpu.vector_store_idx %arg11[%add3A_912, %broadcast_in_dim3A_914], %mul3A_916 : memref<64x16xf32, #tpu.memory_space<vmem>>[vector<16xi32>, vector<16xi32>], vector<16xf32>,
        %add3A_917 = arith.constant 64 : i32
        %add3A_918 = vector.broadcast %add3A_917 : i32 to vector<16xi32>
        %add3A_919 = arith.addi %add3A_879, %add3A_918 : vector<16xi32>
        %swap3A_920 = arith.constant 0 : i32
        %swap3A_921 = arith.index_cast %swap3A_920 : i32 to index
        %swap3A_922 = arith.constant 80 : index
        %swap3A_923 = tpu.vector_load %arg10[%swap3A_921, %swap3A_922] {strides = array<i32>} : memref<4x128xi32, #tpu.memory_space<vmem>>, vector<16xi32>,
        tpu.vector_store %arg10[%swap3A_921, %swap3A_922], %add3A_919 {strides = array<i32>} : memref<4x128xi32, #tpu.memory_space<vmem>>, vector<16xi32>,
        %add3A_924 = arith.constant 0 : i32
        %add3A_925 = vector.broadcast %add3A_924 : i32 to vector<16xi32>
        %add3A_926 = arith.addi %add3A_925, %add3A_787 : vector<16xi32>
        %broadcast_in_dim3A_927 = arith.constant 2 : i32
        %broadcast_in_dim3A_928 = vector.broadcast %broadcast_in_dim3A_927 : i32 to vector<16xi32>
        %mul3A_929 = arith.mulf %sub3A_888, %sub3A_847 : vector<16xf32>
        %mul3A_930 = arith.mulf %mul3A_929, %sub3A_882 : vector<16xf32>
        tpu.vector_store_idx %arg11[%add3A_926, %broadcast_in_dim3A_928], %mul3A_930 : memref<64x16xf32, #tpu.memory_space<vmem>>[vector<16xi32>, vector<16xi32>], vector<16xf32>,
        %add3A_931 = arith.constant 65 : i32
        %add3A_932 = vector.broadcast %add3A_931 : i32 to vector<16xi32>
        %add3A_933 = arith.addi %add3A_879, %add3A_932 : vector<16xi32>
        %swap3A_934 = arith.constant 0 : i32
        %swap3A_935 = arith.index_cast %swap3A_934 : i32 to index
        %swap3A_936 = arith.constant 112 : index
        %swap3A_937 = tpu.vector_load %arg10[%swap3A_935, %swap3A_936] {strides = array<i32>} : memref<4x128xi32, #tpu.memory_space<vmem>>, vector<16xi32>,
        tpu.vector_store %arg10[%swap3A_935, %swap3A_936], %add3A_933 {strides = array<i32>} : memref<4x128xi32, #tpu.memory_space<vmem>>, vector<16xi32>,
        %add3A_938 = arith.constant 0 : i32
        %add3A_939 = vector.broadcast %add3A_938 : i32 to vector<16xi32>
        %add3A_940 = arith.addi %add3A_939, %add3A_787 : vector<16xi32>
        %broadcast_in_dim3A_941 = arith.constant 3 : i32
        %broadcast_in_dim3A_942 = vector.broadcast %broadcast_in_dim3A_941 : i32 to vector<16xi32>
        %mul3A_943 = arith.mulf %sub3A_888, %sub3A_847 : vector<16xf32>
        %mul3A_944 = arith.mulf %mul3A_943, %sub3A_823 : vector<16xf32>
        tpu.vector_store_idx %arg11[%add3A_940, %broadcast_in_dim3A_942], %mul3A_944 : memref<64x16xf32, #tpu.memory_space<vmem>>[vector<16xi32>, vector<16xi32>], vector<16xf32>,
        %add3A_945 = arith.constant 4096 : i32
        %add3A_946 = vector.broadcast %add3A_945 : i32 to vector<16xi32>
        %add3A_947 = arith.addi %add3A_879, %add3A_946 : vector<16xi32>
        %swap3A_948 = arith.constant 1 : i32
        %swap3A_949 = arith.index_cast %swap3A_948 : i32 to index
        %swap3A_950 = arith.constant 16 : index
        %swap3A_951 = tpu.vector_load %arg10[%swap3A_949, %swap3A_950] {strides = array<i32>} : memref<4x128xi32, #tpu.memory_space<vmem>>, vector<16xi32>,
        tpu.vector_store %arg10[%swap3A_949, %swap3A_950], %add3A_947 {strides = array<i32>} : memref<4x128xi32, #tpu.memory_space<vmem>>, vector<16xi32>,
        %add3A_952 = arith.constant 0 : i32
        %add3A_953 = vector.broadcast %add3A_952 : i32 to vector<16xi32>
        %add3A_954 = arith.addi %add3A_953, %add3A_787 : vector<16xi32>
        %broadcast_in_dim3A_955 = arith.constant 4 : i32
        %broadcast_in_dim3A_956 = vector.broadcast %broadcast_in_dim3A_955 : i32 to vector<16xi32>
        %mul3A_957 = arith.mulf %sub3A_871, %sub3A_885 : vector<16xf32>
        %mul3A_958 = arith.mulf %mul3A_957, %sub3A_882 : vector<16xf32>
        tpu.vector_store_idx %arg11[%add3A_954, %broadcast_in_dim3A_956], %mul3A_958 : memref<64x16xf32, #tpu.memory_space<vmem>>[vector<16xi32>, vector<16xi32>], vector<16xf32>,
        %add3A_959 = arith.constant 4097 : i32
        %add3A_960 = vector.broadcast %add3A_959 : i32 to vector<16xi32>
        %add3A_961 = arith.addi %add3A_879, %add3A_960 : vector<16xi32>
        %swap3A_962 = arith.constant 1 : i32
        %swap3A_963 = arith.index_cast %swap3A_962 : i32 to index
        %swap3A_964 = arith.constant 48 : index
        %swap3A_965 = tpu.vector_load %arg10[%swap3A_963, %swap3A_964] {strides = array<i32>} : memref<4x128xi32, #tpu.memory_space<vmem>>, vector<16xi32>,
        tpu.vector_store %arg10[%swap3A_963, %swap3A_964], %add3A_961 {strides = array<i32>} : memref<4x128xi32, #tpu.memory_space<vmem>>, vector<16xi32>,
        %add3A_966 = arith.constant 0 : i32
        %add3A_967 = vector.broadcast %add3A_966 : i32 to vector<16xi32>
        %add3A_968 = arith.addi %add3A_967, %add3A_787 : vector<16xi32>
        %broadcast_in_dim3A_969 = arith.constant 5 : i32
        %broadcast_in_dim3A_970 = vector.broadcast %broadcast_in_dim3A_969 : i32 to vector<16xi32>
        %mul3A_971 = arith.mulf %sub3A_871, %sub3A_885 : vector<16xf32>
        %mul3A_972 = arith.mulf %mul3A_971, %sub3A_823 : vector<16xf32>
        tpu.vector_store_idx %arg11[%add3A_968, %broadcast_in_dim3A_970], %mul3A_972 : memref<64x16xf32, #tpu.memory_space<vmem>>[vector<16xi32>, vector<16xi32>], vector<16xf32>,
        %add3A_973 = arith.constant 4160 : i32
        %add3A_974 = vector.broadcast %add3A_973 : i32 to vector<16xi32>
        %add3A_975 = arith.addi %add3A_879, %add3A_974 : vector<16xi32>
        %swap3A_976 = arith.constant 1 : i32
        %swap3A_977 = arith.index_cast %swap3A_976 : i32 to index
        %swap3A_978 = arith.constant 80 : index
        %swap3A_979 = tpu.vector_load %arg10[%swap3A_977, %swap3A_978] {strides = array<i32>} : memref<4x128xi32, #tpu.memory_space<vmem>>, vector<16xi32>,
        tpu.vector_store %arg10[%swap3A_977, %swap3A_978], %add3A_975 {strides = array<i32>} : memref<4x128xi32, #tpu.memory_space<vmem>>, vector<16xi32>,
        %add3A_980 = arith.constant 0 : i32
        %add3A_981 = vector.broadcast %add3A_980 : i32 to vector<16xi32>
        %add3A_982 = arith.addi %add3A_981, %add3A_787 : vector<16xi32>
        %broadcast_in_dim3A_983 = arith.constant 6 : i32
        %broadcast_in_dim3A_984 = vector.broadcast %broadcast_in_dim3A_983 : i32 to vector<16xi32>
        %mul3A_985 = arith.mulf %sub3A_871, %sub3A_847 : vector<16xf32>
        %mul3A_986 = arith.mulf %mul3A_985, %sub3A_882 : vector<16xf32>
        tpu.vector_store_idx %arg11[%add3A_982, %broadcast_in_dim3A_984], %mul3A_986 : memref<64x16xf32, #tpu.memory_space<vmem>>[vector<16xi32>, vector<16xi32>], vector<16xf32>,
        %add3A_987 = arith.constant 4161 : i32
        %add3A_988 = vector.broadcast %add3A_987 : i32 to vector<16xi32>
        %add3A_989 = arith.addi %add3A_879, %add3A_988 : vector<16xi32>
        %swap3A_990 = arith.constant 1 : i32
        %swap3A_991 = arith.index_cast %swap3A_990 : i32 to index
        %swap3A_992 = arith.constant 112 : index
        %swap3A_993 = tpu.vector_load %arg10[%swap3A_991, %swap3A_992] {strides = array<i32>} : memref<4x128xi32, #tpu.memory_space<vmem>>, vector<16xi32>,
        tpu.vector_store %arg10[%swap3A_991, %swap3A_992], %add3A_989 {strides = array<i32>} : memref<4x128xi32, #tpu.memory_space<vmem>>, vector<16xi32>,
        %add3A_994 = arith.constant 0 : i32
        %add3A_995 = vector.broadcast %add3A_994 : i32 to vector<16xi32>
        %add3A_996 = arith.addi %add3A_995, %add3A_787 : vector<16xi32>
        %broadcast_in_dim3A_997 = arith.constant 7 : i32
        %broadcast_in_dim3A_998 = vector.broadcast %broadcast_in_dim3A_997 : i32 to vector<16xi32>
        %mul3A_999 = arith.mulf %sub3A_871, %sub3A_847 : vector<16xf32>
        %mul3A_1000 = arith.mulf %mul3A_999, %sub3A_823 : vector<16xf32>
        tpu.vector_store_idx %arg11[%add3A_996, %broadcast_in_dim3A_998], %mul3A_1000 : memref<64x16xf32, #tpu.memory_space<vmem>>[vector<16xi32>, vector<16xi32>], vector<16xf32>,
        %dma_start3A_1001 = arith.constant 0 : i32
        %dma_start3A_1002 = arith.constant 0 : i32
        %dma_start3A_1003 = arith.constant 0 : i32
        %dma_start3A_1004 = tpu.memref_slice %arg12[%dma_start3A_1002, %dma_start3A_1003] : memref<512x128xf32, #tpu.memory_space<vmem>> -> memref<128x128xf32, #tpu.memory_space<vmem>>
        %dma_start3A_1005 = arith.constant 0 : i32
        %dma_start3A_1006 = tpu.memref_slice %arg10[%dma_start3A_1001, %dma_start3A_1005] : memref<4x128xi32, #tpu.memory_space<vmem>> -> memref<1x128xi32, #tpu.memory_space<vmem>>
        %dma_start3A_1007 = tpu.memref_squeeze %dma_start3A_1006 : memref<1x128xi32, #tpu.memory_space<vmem>> -> memref<128xi32, #tpu.memory_space<vmem>>
        %dma_start3A_1008 = arith.constant 0 : i32
        %dma_start3A_1009 = arith.constant 0 : i32
        %dma_start3A_1010 = tpu.memref_slice %arg5[%dma_start3A_1008, %dma_start3A_1009] : memref<262144x128xf32, #tpu.memory_space<hbm>> -> memref<262144x128xf32, #tpu.memory_space<hbm>>
        tpu.enqueue_indirect_dma source(%dma_start3A_1010 : memref<262144x128xf32, #tpu.memory_space<hbm>>) target(%dma_start3A_1004 : memref<128x128xf32, #tpu.memory_space<vmem>>) offsets(%dma_start3A_1007 : memref<128xi32, #tpu.memory_space<vmem>>) semaphore(%arg14 : memref<!tpu.dma_semaphore, #tpu.memory_space<semaphore_mem>>)
        %dma_start3A_1011 = arith.constant 1 : i32
        %dma_start3A_1012 = arith.constant 128 : i32
        %dma_start3A_1013 = arith.constant 0 : i32
        %dma_start3A_1014 = tpu.memref_slice %arg12[%dma_start3A_1012, %dma_start3A_1013] : memref<512x128xf32, #tpu.memory_space<vmem>> -> memref<128x128xf32, #tpu.memory_space<vmem>>
        %dma_start3A_1015 = arith.constant 0 : i32
        %dma_start3A_1016 = tpu.memref_slice %arg10[%dma_start3A_1011, %dma_start3A_1015] : memref<4x128xi32, #tpu.memory_space<vmem>> -> memref<1x128xi32, #tpu.memory_space<vmem>>
        %dma_start3A_1017 = tpu.memref_squeeze %dma_start3A_1016 : memref<1x128xi32, #tpu.memory_space<vmem>> -> memref<128xi32, #tpu.memory_space<vmem>>
        %dma_start3A_1018 = arith.constant 0 : i32
        %dma_start3A_1019 = arith.constant 0 : i32
        %dma_start3A_1020 = tpu.memref_slice %arg5[%dma_start3A_1018, %dma_start3A_1019] : memref<262144x128xf32, #tpu.memory_space<hbm>> -> memref<262144x128xf32, #tpu.memory_space<hbm>>
        tpu.enqueue_indirect_dma source(%dma_start3A_1020 : memref<262144x128xf32, #tpu.memory_space<hbm>>) target(%dma_start3A_1014 : memref<128x128xf32, #tpu.memory_space<vmem>>) offsets(%dma_start3A_1017 : memref<128xi32, #tpu.memory_space<vmem>>) semaphore(%arg14 : memref<!tpu.dma_semaphore, #tpu.memory_space<semaphore_mem>>)
      } else {
      }
      %dma_wait3A_524 = arith.constant 2 : i32
      %dma_wait3A_525 = arith.constant 256 : i32
      %dma_wait3A_526 = arith.constant 0 : i32
      %dma_wait3A_527 = tpu.memref_slice %arg12[%dma_wait3A_525, %dma_wait3A_526] : memref<512x128xf32, #tpu.memory_space<vmem>> -> memref<128x128xf32, #tpu.memory_space<vmem>>
      %dma_wait3A_528 = arith.constant 0 : i32
      %dma_wait3A_529 = tpu.memref_slice %arg10[%dma_wait3A_524, %dma_wait3A_528] : memref<4x128xi32, #tpu.memory_space<vmem>> -> memref<1x128xi32, #tpu.memory_space<vmem>>
      %dma_wait3A_530 = tpu.memref_squeeze %dma_wait3A_529 : memref<1x128xi32, #tpu.memory_space<vmem>> -> memref<128xi32, #tpu.memory_space<vmem>>
      %dma_wait3A_531 = arith.constant 0 : i32
      %dma_wait3A_532 = arith.constant 0 : i32
      %dma_wait3A_533 = tpu.memref_slice %arg5[%dma_wait3A_531, %dma_wait3A_532] : memref<262144x128xf32, #tpu.memory_space<hbm>> -> memref<262144x128xf32, #tpu.memory_space<hbm>>
      tpu.wait_indirect_dma semaphore(%arg15 : memref<!tpu.dma_semaphore, #tpu.memory_space<semaphore_mem>>) src(%dma_wait3A_533 : memref<262144x128xf32, #tpu.memory_space<hbm>>) dst(%dma_wait3A_527 : memref<128x128xf32, #tpu.memory_space<vmem>>)
      %dma_wait3A_534 = arith.constant 3 : i32
      %dma_wait3A_535 = arith.constant 384 : i32
      %dma_wait3A_536 = arith.constant 0 : i32
      %dma_wait3A_537 = tpu.memref_slice %arg12[%dma_wait3A_535, %dma_wait3A_536] : memref<512x128xf32, #tpu.memory_space<vmem>> -> memref<128x128xf32, #tpu.memory_space<vmem>>
      %dma_wait3A_538 = arith.constant 0 : i32
      %dma_wait3A_539 = tpu.memref_slice %arg10[%dma_wait3A_534, %dma_wait3A_538] : memref<4x128xi32, #tpu.memory_space<vmem>> -> memref<1x128xi32, #tpu.memory_space<vmem>>
      %dma_wait3A_540 = tpu.memref_squeeze %dma_wait3A_539 : memref<1x128xi32, #tpu.memory_space<vmem>> -> memref<128xi32, #tpu.memory_space<vmem>>
      %dma_wait3A_541 = arith.constant 0 : i32
      %dma_wait3A_542 = arith.constant 0 : i32
      %dma_wait3A_543 = tpu.memref_slice %arg5[%dma_wait3A_541, %dma_wait3A_542] : memref<262144x128xf32, #tpu.memory_space<hbm>> -> memref<262144x128xf32, #tpu.memory_space<hbm>>
      tpu.wait_indirect_dma semaphore(%arg15 : memref<!tpu.dma_semaphore, #tpu.memory_space<semaphore_mem>>) src(%dma_wait3A_543 : memref<262144x128xf32, #tpu.memory_space<hbm>>) dst(%dma_wait3A_537 : memref<128x128xf32, #tpu.memory_space<vmem>>)
      %ge3A_544 = arith.constant 2 : i32
      %ge3A_545 = arith.cmpi sge, %add3A_516, %ge3A_544 : i32
      %convert_element_type3A_546 = arith.extui %ge3A_545 : i1 to i32
      %cond3A_547 = arith.constant 0 : i32
      %cond3A_548 = arith.cmpi ne, %convert_element_type3A_546, %cond3A_547 : i32
      scf.if %cond3A_548 {
        %sub3A_565 = arith.constant 2 : i32
        %sub3A_566 = arith.subi %add3A_516, %sub3A_565 : i32
        %mul3A_567 = arith.constant 32 : i32
        %mul3A_568 = arith.muli %sub3A_566, %mul3A_567 : i32
        %add3A_569 = arith.addi %mul3A_2, %mul3A_568 : i32
        %dma_wait3A_570 = arith.constant 32 : i32
        %dma_wait3A_571 = arith.constant 0 : i32
        %dma_wait3A_572 = tpu.memref_slice %arg13[%dma_wait3A_570, %dma_wait3A_571] : memref<64x128xf32, #tpu.memory_space<vmem>> -> memref<32x128xf32, #tpu.memory_space<vmem>>
        %dma_wait3A_573 = arith.constant 0 : i32
        %dma_wait3A_574 = tpu.memref_slice %arg6[%add3A_569, %dma_wait3A_573] : memref<262144x128xf32, #tpu.memory_space<hbm>> -> memref<32x128xf32, #tpu.memory_space<hbm>>
        %dma_wait3A_575 = arith.constant 0 : i32
        %dma_wait3A_576 = tpu.memref_slice %arg6[%add3A_569, %dma_wait3A_575] : memref<262144x128xf32, #tpu.memory_space<hbm>> -> memref<32x128xf32, #tpu.memory_space<hbm>>
        %dma_wait3A_577 = arith.constant 32 : i32
        %dma_wait3A_578 = arith.constant 0 : i32
        %dma_wait3A_579 = tpu.memref_slice %arg13[%dma_wait3A_577, %dma_wait3A_578] : memref<64x128xf32, #tpu.memory_space<vmem>> -> memref<32x128xf32, #tpu.memory_space<vmem>>
        tpu.wait_dma2 semaphore(%arg17 : memref<!tpu.dma_semaphore, #tpu.memory_space<semaphore_mem>>) src(%dma_wait3A_579 : memref<32x128xf32, #tpu.memory_space<vmem>>) dst(%dma_wait3A_576 : memref<32x128xf32, #tpu.memory_space<hbm>>)
      } else {
      }
      %parallel_loop3A_549 = arith.constant 0 : i32
      %parallel_loop3A_550 = arith.constant 32 : i32
      %parallel_loop3A_551 = arith.constant 1 : i32
      scf.for %parallel_loop3A_565 = %parallel_loop3A_549 to %parallel_loop3A_550 step %parallel_loop3A_551  : i32 {
        %parallel_loop3A_566 = arith.constant 32 : i32
        %parallel_loop3A_567 = arith.addi %parallel_loop3A_566, %parallel_loop3A_565 : i32
        %parallel_loop3A_568 = arith.index_cast %parallel_loop3A_567 : i32 to index
        %parallel_loop3A_569 = arith.constant 0 : index
        %parallel_loop3A_570 = tpu.vector_load %arg11[%parallel_loop3A_568, %parallel_loop3A_569] {strides = array<i32>} : memref<64x16xf32, #tpu.memory_space<vmem>>, vector<16xf32>,
        %parallel_loop3A_571 = arith.constant 0 : i32
        %parallel_loop3A_572 = vector.broadcast %parallel_loop3A_571 : i32 to vector<16xi32>
        %parallel_loop3A_573 = vector.shape_cast %parallel_loop3A_572 : vector<16xi32> to vector<16x1xi32>
        %parallel_loop3A_574 = vector.shape_cast %parallel_loop3A_573 : vector<16x1xi32> to vector<16xi32>
        %parallel_loop3A_575 = tpu.dynamic_gather %parallel_loop3A_570[%parallel_loop3A_574] in [0] : vector<16xf32>, vector<16xi32> -> vector<16xf32>
        %parallel_loop3A_576 = arith.constant 1 : i32
        %parallel_loop3A_577 = vector.broadcast %parallel_loop3A_576 : i32 to vector<16xi32>
        %parallel_loop3A_578 = vector.shape_cast %parallel_loop3A_577 : vector<16xi32> to vector<16x1xi32>
        %parallel_loop3A_579 = vector.shape_cast %parallel_loop3A_578 : vector<16x1xi32> to vector<16xi32>
        %parallel_loop3A_580 = tpu.dynamic_gather %parallel_loop3A_570[%parallel_loop3A_579] in [0] : vector<16xf32>, vector<16xi32> -> vector<16xf32>
        %parallel_loop3A_581 = arith.constant 2 : i32
        %parallel_loop3A_582 = vector.broadcast %parallel_loop3A_581 : i32 to vector<16xi32>
        %parallel_loop3A_583 = vector.shape_cast %parallel_loop3A_582 : vector<16xi32> to vector<16x1xi32>
        %parallel_loop3A_584 = vector.shape_cast %parallel_loop3A_583 : vector<16x1xi32> to vector<16xi32>
        %parallel_loop3A_585 = tpu.dynamic_gather %parallel_loop3A_570[%parallel_loop3A_584] in [0] : vector<16xf32>, vector<16xi32> -> vector<16xf32>
        %parallel_loop3A_586 = arith.constant 3 : i32
        %parallel_loop3A_587 = vector.broadcast %parallel_loop3A_586 : i32 to vector<16xi32>
        %parallel_loop3A_588 = vector.shape_cast %parallel_loop3A_587 : vector<16xi32> to vector<16x1xi32>
        %parallel_loop3A_589 = vector.shape_cast %parallel_loop3A_588 : vector<16x1xi32> to vector<16xi32>
        %parallel_loop3A_590 = tpu.dynamic_gather %parallel_loop3A_570[%parallel_loop3A_589] in [0] : vector<16xf32>, vector<16xi32> -> vector<16xf32>
        %parallel_loop3A_591 = arith.constant 4 : i32
        %parallel_loop3A_592 = vector.broadcast %parallel_loop3A_591 : i32 to vector<16xi32>
        %parallel_loop3A_593 = vector.shape_cast %parallel_loop3A_592 : vector<16xi32> to vector<16x1xi32>
        %parallel_loop3A_594 = vector.shape_cast %parallel_loop3A_593 : vector<16x1xi32> to vector<16xi32>
        %parallel_loop3A_595 = tpu.dynamic_gather %parallel_loop3A_570[%parallel_loop3A_594] in [0] : vector<16xf32>, vector<16xi32> -> vector<16xf32>
        %parallel_loop3A_596 = arith.constant 5 : i32
        %parallel_loop3A_597 = vector.broadcast %parallel_loop3A_596 : i32 to vector<16xi32>
        %parallel_loop3A_598 = vector.shape_cast %parallel_loop3A_597 : vector<16xi32> to vector<16x1xi32>
        %parallel_loop3A_599 = vector.shape_cast %parallel_loop3A_598 : vector<16x1xi32> to vector<16xi32>
        %parallel_loop3A_600 = tpu.dynamic_gather %parallel_loop3A_570[%parallel_loop3A_599] in [0] : vector<16xf32>, vector<16xi32> -> vector<16xf32>
        %parallel_loop3A_601 = arith.constant 6 : i32
        %parallel_loop3A_602 = vector.broadcast %parallel_loop3A_601 : i32 to vector<16xi32>
        %parallel_loop3A_603 = vector.shape_cast %parallel_loop3A_602 : vector<16xi32> to vector<16x1xi32>
        %parallel_loop3A_604 = vector.shape_cast %parallel_loop3A_603 : vector<16x1xi32> to vector<16xi32>
        %parallel_loop3A_605 = tpu.dynamic_gather %parallel_loop3A_570[%parallel_loop3A_604] in [0] : vector<16xf32>, vector<16xi32> -> vector<16xf32>
        %parallel_loop3A_606 = arith.constant 7 : i32
        %parallel_loop3A_607 = vector.broadcast %parallel_loop3A_606 : i32 to vector<16xi32>
        %parallel_loop3A_608 = vector.shape_cast %parallel_loop3A_607 : vector<16xi32> to vector<16x1xi32>
        %parallel_loop3A_609 = vector.shape_cast %parallel_loop3A_608 : vector<16x1xi32> to vector<16xi32>
        %parallel_loop3A_610 = tpu.dynamic_gather %parallel_loop3A_570[%parallel_loop3A_609] in [0] : vector<16xf32>, vector<16xi32> -> vector<16xf32>
        %parallel_loop3A_611 = arith.constant 256 : i32
        %parallel_loop3A_612 = arith.addi %parallel_loop3A_611, %parallel_loop3A_565 : i32
        %parallel_loop3A_613 = arith.index_cast %parallel_loop3A_612 : i32 to index
        %parallel_loop3A_614 = arith.constant 0 : index
        %parallel_loop3A_615 = tpu.vector_load %arg12[%parallel_loop3A_613, %parallel_loop3A_614] {strides = array<i32>} : memref<512x128xf32, #tpu.memory_space<vmem>>, vector<16xf32>,
        %parallel_loop3A_616 = arith.mulf %parallel_loop3A_575, %parallel_loop3A_615 : vector<16xf32>
        %parallel_loop3A_617 = arith.constant 288 : i32
        %parallel_loop3A_618 = arith.addi %parallel_loop3A_617, %parallel_loop3A_565 : i32
        %parallel_loop3A_619 = arith.index_cast %parallel_loop3A_618 : i32 to index
        %parallel_loop3A_620 = arith.constant 0 : index
        %parallel_loop3A_621 = tpu.vector_load %arg12[%parallel_loop3A_619, %parallel_loop3A_620] {strides = array<i32>} : memref<512x128xf32, #tpu.memory_space<vmem>>, vector<16xf32>,
        %parallel_loop3A_622 = arith.mulf %parallel_loop3A_580, %parallel_loop3A_621 : vector<16xf32>
        %parallel_loop3A_623 = arith.addf %parallel_loop3A_616, %parallel_loop3A_622 : vector<16xf32>
        %parallel_loop3A_624 = arith.constant 320 : i32
        %parallel_loop3A_625 = arith.addi %parallel_loop3A_624, %parallel_loop3A_565 : i32
        %parallel_loop3A_626 = arith.index_cast %parallel_loop3A_625 : i32 to index
        %parallel_loop3A_627 = arith.constant 0 : index
        %parallel_loop3A_628 = tpu.vector_load %arg12[%parallel_loop3A_626, %parallel_loop3A_627] {strides = array<i32>} : memref<512x128xf32, #tpu.memory_space<vmem>>, vector<16xf32>,
        %parallel_loop3A_629 = arith.mulf %parallel_loop3A_585, %parallel_loop3A_628 : vector<16xf32>
        %parallel_loop3A_630 = arith.addf %parallel_loop3A_623, %parallel_loop3A_629 : vector<16xf32>
        %parallel_loop3A_631 = arith.constant 352 : i32
        %parallel_loop3A_632 = arith.addi %parallel_loop3A_631, %parallel_loop3A_565 : i32
        %parallel_loop3A_633 = arith.index_cast %parallel_loop3A_632 : i32 to index
        %parallel_loop3A_634 = arith.constant 0 : index
        %parallel_loop3A_635 = tpu.vector_load %arg12[%parallel_loop3A_633, %parallel_loop3A_634] {strides = array<i32>} : memref<512x128xf32, #tpu.memory_space<vmem>>, vector<16xf32>,
        %parallel_loop3A_636 = arith.mulf %parallel_loop3A_590, %parallel_loop3A_635 : vector<16xf32>
        %parallel_loop3A_637 = arith.addf %parallel_loop3A_630, %parallel_loop3A_636 : vector<16xf32>
        %parallel_loop3A_638 = arith.constant 384 : i32
        %parallel_loop3A_639 = arith.addi %parallel_loop3A_638, %parallel_loop3A_565 : i32
        %parallel_loop3A_640 = arith.index_cast %parallel_loop3A_639 : i32 to index
        %parallel_loop3A_641 = arith.constant 0 : index
        %parallel_loop3A_642 = tpu.vector_load %arg12[%parallel_loop3A_640, %parallel_loop3A_641] {strides = array<i32>} : memref<512x128xf32, #tpu.memory_space<vmem>>, vector<16xf32>,
        %parallel_loop3A_643 = arith.mulf %parallel_loop3A_595, %parallel_loop3A_642 : vector<16xf32>
        %parallel_loop3A_644 = arith.addf %parallel_loop3A_637, %parallel_loop3A_643 : vector<16xf32>
        %parallel_loop3A_645 = arith.constant 416 : i32
        %parallel_loop3A_646 = arith.addi %parallel_loop3A_645, %parallel_loop3A_565 : i32
        %parallel_loop3A_647 = arith.index_cast %parallel_loop3A_646 : i32 to index
        %parallel_loop3A_648 = arith.constant 0 : index
        %parallel_loop3A_649 = tpu.vector_load %arg12[%parallel_loop3A_647, %parallel_loop3A_648] {strides = array<i32>} : memref<512x128xf32, #tpu.memory_space<vmem>>, vector<16xf32>,
        %parallel_loop3A_650 = arith.mulf %parallel_loop3A_600, %parallel_loop3A_649 : vector<16xf32>
        %parallel_loop3A_651 = arith.addf %parallel_loop3A_644, %parallel_loop3A_650 : vector<16xf32>
        %parallel_loop3A_652 = arith.constant 448 : i32
        %parallel_loop3A_653 = arith.addi %parallel_loop3A_652, %parallel_loop3A_565 : i32
        %parallel_loop3A_654 = arith.index_cast %parallel_loop3A_653 : i32 to index
        %parallel_loop3A_655 = arith.constant 0 : index
        %parallel_loop3A_656 = tpu.vector_load %arg12[%parallel_loop3A_654, %parallel_loop3A_655] {strides = array<i32>} : memref<512x128xf32, #tpu.memory_space<vmem>>, vector<16xf32>,
        %parallel_loop3A_657 = arith.mulf %parallel_loop3A_605, %parallel_loop3A_656 : vector<16xf32>
        %parallel_loop3A_658 = arith.addf %parallel_loop3A_651, %parallel_loop3A_657 : vector<16xf32>
        %parallel_loop3A_659 = arith.constant 480 : i32
        %parallel_loop3A_660 = arith.addi %parallel_loop3A_659, %parallel_loop3A_565 : i32
        %parallel_loop3A_661 = arith.index_cast %parallel_loop3A_660 : i32 to index
        %parallel_loop3A_662 = arith.constant 0 : index
        %parallel_loop3A_663 = tpu.vector_load %arg12[%parallel_loop3A_661, %parallel_loop3A_662] {strides = array<i32>} : memref<512x128xf32, #tpu.memory_space<vmem>>, vector<16xf32>,
        %parallel_loop3A_664 = arith.mulf %parallel_loop3A_610, %parallel_loop3A_663 : vector<16xf32>
        %parallel_loop3A_665 = arith.addf %parallel_loop3A_658, %parallel_loop3A_664 : vector<16xf32>
        %parallel_loop3A_666 = arith.constant 32 : i32
        %parallel_loop3A_667 = arith.addi %parallel_loop3A_666, %parallel_loop3A_565 : i32
        %parallel_loop3A_668 = arith.index_cast %parallel_loop3A_667 : i32 to index
        %parallel_loop3A_669 = arith.constant 0 : index
        %parallel_loop3A_670 = tpu.vector_load %arg13[%parallel_loop3A_668, %parallel_loop3A_669] {strides = array<i32>} : memref<64x128xf32, #tpu.memory_space<vmem>>, vector<16xf32>,
        tpu.vector_store %arg13[%parallel_loop3A_668, %parallel_loop3A_669], %parallel_loop3A_665 {strides = array<i32>} : memref<64x128xf32, #tpu.memory_space<vmem>>, vector<16xf32>,
        %parallel_loop3A_671 = arith.constant 256 : i32
        %parallel_loop3A_672 = arith.addi %parallel_loop3A_671, %parallel_loop3A_565 : i32
        %parallel_loop3A_673 = arith.index_cast %parallel_loop3A_672 : i32 to index
        %parallel_loop3A_674 = arith.constant 16 : index
        %parallel_loop3A_675 = tpu.vector_load %arg12[%parallel_loop3A_673, %parallel_loop3A_674] {strides = array<i32>} : memref<512x128xf32, #tpu.memory_space<vmem>>, vector<16xf32>,
        %parallel_loop3A_676 = arith.mulf %parallel_loop3A_575, %parallel_loop3A_675 : vector<16xf32>
        %parallel_loop3A_677 = arith.constant 288 : i32
        %parallel_loop3A_678 = arith.addi %parallel_loop3A_677, %parallel_loop3A_565 : i32
        %parallel_loop3A_679 = arith.index_cast %parallel_loop3A_678 : i32 to index
        %parallel_loop3A_680 = arith.constant 16 : index
        %parallel_loop3A_681 = tpu.vector_load %arg12[%parallel_loop3A_679, %parallel_loop3A_680] {strides = array<i32>} : memref<512x128xf32, #tpu.memory_space<vmem>>, vector<16xf32>,
        %parallel_loop3A_682 = arith.mulf %parallel_loop3A_580, %parallel_loop3A_681 : vector<16xf32>
        %parallel_loop3A_683 = arith.addf %parallel_loop3A_676, %parallel_loop3A_682 : vector<16xf32>
        %parallel_loop3A_684 = arith.constant 320 : i32
        %parallel_loop3A_685 = arith.addi %parallel_loop3A_684, %parallel_loop3A_565 : i32
        %parallel_loop3A_686 = arith.index_cast %parallel_loop3A_685 : i32 to index
        %parallel_loop3A_687 = arith.constant 16 : index
        %parallel_loop3A_688 = tpu.vector_load %arg12[%parallel_loop3A_686, %parallel_loop3A_687] {strides = array<i32>} : memref<512x128xf32, #tpu.memory_space<vmem>>, vector<16xf32>,
        %parallel_loop3A_689 = arith.mulf %parallel_loop3A_585, %parallel_loop3A_688 : vector<16xf32>
        %parallel_loop3A_690 = arith.addf %parallel_loop3A_683, %parallel_loop3A_689 : vector<16xf32>
        %parallel_loop3A_691 = arith.constant 352 : i32
        %parallel_loop3A_692 = arith.addi %parallel_loop3A_691, %parallel_loop3A_565 : i32
        %parallel_loop3A_693 = arith.index_cast %parallel_loop3A_692 : i32 to index
        %parallel_loop3A_694 = arith.constant 16 : index
        %parallel_loop3A_695 = tpu.vector_load %arg12[%parallel_loop3A_693, %parallel_loop3A_694] {strides = array<i32>} : memref<512x128xf32, #tpu.memory_space<vmem>>, vector<16xf32>,
        %parallel_loop3A_696 = arith.mulf %parallel_loop3A_590, %parallel_loop3A_695 : vector<16xf32>
        %parallel_loop3A_697 = arith.addf %parallel_loop3A_690, %parallel_loop3A_696 : vector<16xf32>
        %parallel_loop3A_698 = arith.constant 384 : i32
        %parallel_loop3A_699 = arith.addi %parallel_loop3A_698, %parallel_loop3A_565 : i32
        %parallel_loop3A_700 = arith.index_cast %parallel_loop3A_699 : i32 to index
        %parallel_loop3A_701 = arith.constant 16 : index
        %parallel_loop3A_702 = tpu.vector_load %arg12[%parallel_loop3A_700, %parallel_loop3A_701] {strides = array<i32>} : memref<512x128xf32, #tpu.memory_space<vmem>>, vector<16xf32>,
        %parallel_loop3A_703 = arith.mulf %parallel_loop3A_595, %parallel_loop3A_702 : vector<16xf32>
        %parallel_loop3A_704 = arith.addf %parallel_loop3A_697, %parallel_loop3A_703 : vector<16xf32>
        %parallel_loop3A_705 = arith.constant 416 : i32
        %parallel_loop3A_706 = arith.addi %parallel_loop3A_705, %parallel_loop3A_565 : i32
        %parallel_loop3A_707 = arith.index_cast %parallel_loop3A_706 : i32 to index
        %parallel_loop3A_708 = arith.constant 16 : index
        %parallel_loop3A_709 = tpu.vector_load %arg12[%parallel_loop3A_707, %parallel_loop3A_708] {strides = array<i32>} : memref<512x128xf32, #tpu.memory_space<vmem>>, vector<16xf32>,
        %parallel_loop3A_710 = arith.mulf %parallel_loop3A_600, %parallel_loop3A_709 : vector<16xf32>
        %parallel_loop3A_711 = arith.addf %parallel_loop3A_704, %parallel_loop3A_710 : vector<16xf32>
        %parallel_loop3A_712 = arith.constant 448 : i32
        %parallel_loop3A_713 = arith.addi %parallel_loop3A_712, %parallel_loop3A_565 : i32
        %parallel_loop3A_714 = arith.index_cast %parallel_loop3A_713 : i32 to index
        %parallel_loop3A_715 = arith.constant 16 : index
        %parallel_loop3A_716 = tpu.vector_load %arg12[%parallel_loop3A_714, %parallel_loop3A_715] {strides = array<i32>} : memref<512x128xf32, #tpu.memory_space<vmem>>, vector<16xf32>,
        %parallel_loop3A_717 = arith.mulf %parallel_loop3A_605, %parallel_loop3A_716 : vector<16xf32>
        %parallel_loop3A_718 = arith.addf %parallel_loop3A_711, %parallel_loop3A_717 : vector<16xf32>
        %parallel_loop3A_719 = arith.constant 480 : i32
        %parallel_loop3A_720 = arith.addi %parallel_loop3A_719, %parallel_loop3A_565 : i32
        %parallel_loop3A_721 = arith.index_cast %parallel_loop3A_720 : i32 to index
        %parallel_loop3A_722 = arith.constant 16 : index
        %parallel_loop3A_723 = tpu.vector_load %arg12[%parallel_loop3A_721, %parallel_loop3A_722] {strides = array<i32>} : memref<512x128xf32, #tpu.memory_space<vmem>>, vector<16xf32>,
        %parallel_loop3A_724 = arith.mulf %parallel_loop3A_610, %parallel_loop3A_723 : vector<16xf32>
        %parallel_loop3A_725 = arith.addf %parallel_loop3A_718, %parallel_loop3A_724 : vector<16xf32>
        %parallel_loop3A_726 = arith.constant 32 : i32
        %parallel_loop3A_727 = arith.addi %parallel_loop3A_726, %parallel_loop3A_565 : i32
        %parallel_loop3A_728 = arith.index_cast %parallel_loop3A_727 : i32 to index
        %parallel_loop3A_729 = arith.constant 16 : index
        %parallel_loop3A_730 = tpu.vector_load %arg13[%parallel_loop3A_728, %parallel_loop3A_729] {strides = array<i32>} : memref<64x128xf32, #tpu.memory_space<vmem>>, vector<16xf32>,
        tpu.vector_store %arg13[%parallel_loop3A_728, %parallel_loop3A_729], %parallel_loop3A_725 {strides = array<i32>} : memref<64x128xf32, #tpu.memory_space<vmem>>, vector<16xf32>,
        %parallel_loop3A_731 = arith.constant 256 : i32
        %parallel_loop3A_732 = arith.addi %parallel_loop3A_731, %parallel_loop3A_565 : i32
        %parallel_loop3A_733 = arith.index_cast %parallel_loop3A_732 : i32 to index
        %parallel_loop3A_734 = arith.constant 32 : index
        %parallel_loop3A_735 = tpu.vector_load %arg12[%parallel_loop3A_733, %parallel_loop3A_734] {strides = array<i32>} : memref<512x128xf32, #tpu.memory_space<vmem>>, vector<16xf32>,
        %parallel_loop3A_736 = arith.mulf %parallel_loop3A_575, %parallel_loop3A_735 : vector<16xf32>
        %parallel_loop3A_737 = arith.constant 288 : i32
        %parallel_loop3A_738 = arith.addi %parallel_loop3A_737, %parallel_loop3A_565 : i32
        %parallel_loop3A_739 = arith.index_cast %parallel_loop3A_738 : i32 to index
        %parallel_loop3A_740 = arith.constant 32 : index
        %parallel_loop3A_741 = tpu.vector_load %arg12[%parallel_loop3A_739, %parallel_loop3A_740] {strides = array<i32>} : memref<512x128xf32, #tpu.memory_space<vmem>>, vector<16xf32>,
        %parallel_loop3A_742 = arith.mulf %parallel_loop3A_580, %parallel_loop3A_741 : vector<16xf32>
        %parallel_loop3A_743 = arith.addf %parallel_loop3A_736, %parallel_loop3A_742 : vector<16xf32>
        %parallel_loop3A_744 = arith.constant 320 : i32
        %parallel_loop3A_745 = arith.addi %parallel_loop3A_744, %parallel_loop3A_565 : i32
        %parallel_loop3A_746 = arith.index_cast %parallel_loop3A_745 : i32 to index
        %parallel_loop3A_747 = arith.constant 32 : index
        %parallel_loop3A_748 = tpu.vector_load %arg12[%parallel_loop3A_746, %parallel_loop3A_747] {strides = array<i32>} : memref<512x128xf32, #tpu.memory_space<vmem>>, vector<16xf32>,
        %parallel_loop3A_749 = arith.mulf %parallel_loop3A_585, %parallel_loop3A_748 : vector<16xf32>
        %parallel_loop3A_750 = arith.addf %parallel_loop3A_743, %parallel_loop3A_749 : vector<16xf32>
        %parallel_loop3A_751 = arith.constant 352 : i32
        %parallel_loop3A_752 = arith.addi %parallel_loop3A_751, %parallel_loop3A_565 : i32
        %parallel_loop3A_753 = arith.index_cast %parallel_loop3A_752 : i32 to index
        %parallel_loop3A_754 = arith.constant 32 : index
        %parallel_loop3A_755 = tpu.vector_load %arg12[%parallel_loop3A_753, %parallel_loop3A_754] {strides = array<i32>} : memref<512x128xf32, #tpu.memory_space<vmem>>, vector<16xf32>,
        %parallel_loop3A_756 = arith.mulf %parallel_loop3A_590, %parallel_loop3A_755 : vector<16xf32>
        %parallel_loop3A_757 = arith.addf %parallel_loop3A_750, %parallel_loop3A_756 : vector<16xf32>
        %parallel_loop3A_758 = arith.constant 384 : i32
        %parallel_loop3A_759 = arith.addi %parallel_loop3A_758, %parallel_loop3A_565 : i32
        %parallel_loop3A_760 = arith.index_cast %parallel_loop3A_759 : i32 to index
        %parallel_loop3A_761 = arith.constant 32 : index
        %parallel_loop3A_762 = tpu.vector_load %arg12[%parallel_loop3A_760, %parallel_loop3A_761] {strides = array<i32>} : memref<512x128xf32, #tpu.memory_space<vmem>>, vector<16xf32>,
        %parallel_loop3A_763 = arith.mulf %parallel_loop3A_595, %parallel_loop3A_762 : vector<16xf32>
        %parallel_loop3A_764 = arith.addf %parallel_loop3A_757, %parallel_loop3A_763 : vector<16xf32>
        %parallel_loop3A_765 = arith.constant 416 : i32
        %parallel_loop3A_766 = arith.addi %parallel_loop3A_765, %parallel_loop3A_565 : i32
        %parallel_loop3A_767 = arith.index_cast %parallel_loop3A_766 : i32 to index
        %parallel_loop3A_768 = arith.constant 32 : index
        %parallel_loop3A_769 = tpu.vector_load %arg12[%parallel_loop3A_767, %parallel_loop3A_768] {strides = array<i32>} : memref<512x128xf32, #tpu.memory_space<vmem>>, vector<16xf32>,
        %parallel_loop3A_770 = arith.mulf %parallel_loop3A_600, %parallel_loop3A_769 : vector<16xf32>
        %parallel_loop3A_771 = arith.addf %parallel_loop3A_764, %parallel_loop3A_770 : vector<16xf32>
        %parallel_loop3A_772 = arith.constant 448 : i32
        %parallel_loop3A_773 = arith.addi %parallel_loop3A_772, %parallel_loop3A_565 : i32
        %parallel_loop3A_774 = arith.index_cast %parallel_loop3A_773 : i32 to index
        %parallel_loop3A_775 = arith.constant 32 : index
        %parallel_loop3A_776 = tpu.vector_load %arg12[%parallel_loop3A_774, %parallel_loop3A_775] {strides = array<i32>} : memref<512x128xf32, #tpu.memory_space<vmem>>, vector<16xf32>,
        %parallel_loop3A_777 = arith.mulf %parallel_loop3A_605, %parallel_loop3A_776 : vector<16xf32>
        %parallel_loop3A_778 = arith.addf %parallel_loop3A_771, %parallel_loop3A_777 : vector<16xf32>
        %parallel_loop3A_779 = arith.constant 480 : i32
        %parallel_loop3A_780 = arith.addi %parallel_loop3A_779, %parallel_loop3A_565 : i32
        %parallel_loop3A_781 = arith.index_cast %parallel_loop3A_780 : i32 to index
        %parallel_loop3A_782 = arith.constant 32 : index
        %parallel_loop3A_783 = tpu.vector_load %arg12[%parallel_loop3A_781, %parallel_loop3A_782] {strides = array<i32>} : memref<512x128xf32, #tpu.memory_space<vmem>>, vector<16xf32>,
        %parallel_loop3A_784 = arith.mulf %parallel_loop3A_610, %parallel_loop3A_783 : vector<16xf32>
        %parallel_loop3A_785 = arith.addf %parallel_loop3A_778, %parallel_loop3A_784 : vector<16xf32>
        %parallel_loop3A_786 = arith.constant 32 : i32
        %parallel_loop3A_787 = arith.addi %parallel_loop3A_786, %parallel_loop3A_565 : i32
        %parallel_loop3A_788 = arith.index_cast %parallel_loop3A_787 : i32 to index
        %parallel_loop3A_789 = arith.constant 32 : index
        %parallel_loop3A_790 = tpu.vector_load %arg13[%parallel_loop3A_788, %parallel_loop3A_789] {strides = array<i32>} : memref<64x128xf32, #tpu.memory_space<vmem>>, vector<16xf32>,
        tpu.vector_store %arg13[%parallel_loop3A_788, %parallel_loop3A_789], %parallel_loop3A_785 {strides = array<i32>} : memref<64x128xf32, #tpu.memory_space<vmem>>, vector<16xf32>,
        %parallel_loop3A_791 = arith.constant 256 : i32
        %parallel_loop3A_792 = arith.addi %parallel_loop3A_791, %parallel_loop3A_565 : i32
        %parallel_loop3A_793 = arith.index_cast %parallel_loop3A_792 : i32 to index
        %parallel_loop3A_794 = arith.constant 48 : index
        %parallel_loop3A_795 = tpu.vector_load %arg12[%parallel_loop3A_793, %parallel_loop3A_794] {strides = array<i32>} : memref<512x128xf32, #tpu.memory_space<vmem>>, vector<16xf32>,
        %parallel_loop3A_796 = arith.mulf %parallel_loop3A_575, %parallel_loop3A_795 : vector<16xf32>
        %parallel_loop3A_797 = arith.constant 288 : i32
        %parallel_loop3A_798 = arith.addi %parallel_loop3A_797, %parallel_loop3A_565 : i32
        %parallel_loop3A_799 = arith.index_cast %parallel_loop3A_798 : i32 to index
        %parallel_loop3A_800 = arith.constant 48 : index
        %parallel_loop3A_801 = tpu.vector_load %arg12[%parallel_loop3A_799, %parallel_loop3A_800] {strides = array<i32>} : memref<512x128xf32, #tpu.memory_space<vmem>>, vector<16xf32>,
        %parallel_loop3A_802 = arith.mulf %parallel_loop3A_580, %parallel_loop3A_801 : vector<16xf32>
        %parallel_loop3A_803 = arith.addf %parallel_loop3A_796, %parallel_loop3A_802 : vector<16xf32>
        %parallel_loop3A_804 = arith.constant 320 : i32
        %parallel_loop3A_805 = arith.addi %parallel_loop3A_804, %parallel_loop3A_565 : i32
        %parallel_loop3A_806 = arith.index_cast %parallel_loop3A_805 : i32 to index
        %parallel_loop3A_807 = arith.constant 48 : index
        %parallel_loop3A_808 = tpu.vector_load %arg12[%parallel_loop3A_806, %parallel_loop3A_807] {strides = array<i32>} : memref<512x128xf32, #tpu.memory_space<vmem>>, vector<16xf32>,
        %parallel_loop3A_809 = arith.mulf %parallel_loop3A_585, %parallel_loop3A_808 : vector<16xf32>
        %parallel_loop3A_810 = arith.addf %parallel_loop3A_803, %parallel_loop3A_809 : vector<16xf32>
        %parallel_loop3A_811 = arith.constant 352 : i32
        %parallel_loop3A_812 = arith.addi %parallel_loop3A_811, %parallel_loop3A_565 : i32
        %parallel_loop3A_813 = arith.index_cast %parallel_loop3A_812 : i32 to index
        %parallel_loop3A_814 = arith.constant 48 : index
        %parallel_loop3A_815 = tpu.vector_load %arg12[%parallel_loop3A_813, %parallel_loop3A_814] {strides = array<i32>} : memref<512x128xf32, #tpu.memory_space<vmem>>, vector<16xf32>,
        %parallel_loop3A_816 = arith.mulf %parallel_loop3A_590, %parallel_loop3A_815 : vector<16xf32>
        %parallel_loop3A_817 = arith.addf %parallel_loop3A_810, %parallel_loop3A_816 : vector<16xf32>
        %parallel_loop3A_818 = arith.constant 384 : i32
        %parallel_loop3A_819 = arith.addi %parallel_loop3A_818, %parallel_loop3A_565 : i32
        %parallel_loop3A_820 = arith.index_cast %parallel_loop3A_819 : i32 to index
        %parallel_loop3A_821 = arith.constant 48 : index
        %parallel_loop3A_822 = tpu.vector_load %arg12[%parallel_loop3A_820, %parallel_loop3A_821] {strides = array<i32>} : memref<512x128xf32, #tpu.memory_space<vmem>>, vector<16xf32>,
        %parallel_loop3A_823 = arith.mulf %parallel_loop3A_595, %parallel_loop3A_822 : vector<16xf32>
        %parallel_loop3A_824 = arith.addf %parallel_loop3A_817, %parallel_loop3A_823 : vector<16xf32>
        %parallel_loop3A_825 = arith.constant 416 : i32
        %parallel_loop3A_826 = arith.addi %parallel_loop3A_825, %parallel_loop3A_565 : i32
        %parallel_loop3A_827 = arith.index_cast %parallel_loop3A_826 : i32 to index
        %parallel_loop3A_828 = arith.constant 48 : index
        %parallel_loop3A_829 = tpu.vector_load %arg12[%parallel_loop3A_827, %parallel_loop3A_828] {strides = array<i32>} : memref<512x128xf32, #tpu.memory_space<vmem>>, vector<16xf32>,
        %parallel_loop3A_830 = arith.mulf %parallel_loop3A_600, %parallel_loop3A_829 : vector<16xf32>
        %parallel_loop3A_831 = arith.addf %parallel_loop3A_824, %parallel_loop3A_830 : vector<16xf32>
        %parallel_loop3A_832 = arith.constant 448 : i32
        %parallel_loop3A_833 = arith.addi %parallel_loop3A_832, %parallel_loop3A_565 : i32
        %parallel_loop3A_834 = arith.index_cast %parallel_loop3A_833 : i32 to index
        %parallel_loop3A_835 = arith.constant 48 : index
        %parallel_loop3A_836 = tpu.vector_load %arg12[%parallel_loop3A_834, %parallel_loop3A_835] {strides = array<i32>} : memref<512x128xf32, #tpu.memory_space<vmem>>, vector<16xf32>,
        %parallel_loop3A_837 = arith.mulf %parallel_loop3A_605, %parallel_loop3A_836 : vector<16xf32>
        %parallel_loop3A_838 = arith.addf %parallel_loop3A_831, %parallel_loop3A_837 : vector<16xf32>
        %parallel_loop3A_839 = arith.constant 480 : i32
        %parallel_loop3A_840 = arith.addi %parallel_loop3A_839, %parallel_loop3A_565 : i32
        %parallel_loop3A_841 = arith.index_cast %parallel_loop3A_840 : i32 to index
        %parallel_loop3A_842 = arith.constant 48 : index
        %parallel_loop3A_843 = tpu.vector_load %arg12[%parallel_loop3A_841, %parallel_loop3A_842] {strides = array<i32>} : memref<512x128xf32, #tpu.memory_space<vmem>>, vector<16xf32>,
        %parallel_loop3A_844 = arith.mulf %parallel_loop3A_610, %parallel_loop3A_843 : vector<16xf32>
        %parallel_loop3A_845 = arith.addf %parallel_loop3A_838, %parallel_loop3A_844 : vector<16xf32>
        %parallel_loop3A_846 = arith.constant 32 : i32
        %parallel_loop3A_847 = arith.addi %parallel_loop3A_846, %parallel_loop3A_565 : i32
        %parallel_loop3A_848 = arith.index_cast %parallel_loop3A_847 : i32 to index
        %parallel_loop3A_849 = arith.constant 48 : index
        %parallel_loop3A_850 = tpu.vector_load %arg13[%parallel_loop3A_848, %parallel_loop3A_849] {strides = array<i32>} : memref<64x128xf32, #tpu.memory_space<vmem>>, vector<16xf32>,
        tpu.vector_store %arg13[%parallel_loop3A_848, %parallel_loop3A_849], %parallel_loop3A_845 {strides = array<i32>} : memref<64x128xf32, #tpu.memory_space<vmem>>, vector<16xf32>,
        %parallel_loop3A_851 = arith.constant 256 : i32
        %parallel_loop3A_852 = arith.addi %parallel_loop3A_851, %parallel_loop3A_565 : i32
        %parallel_loop3A_853 = arith.index_cast %parallel_loop3A_852 : i32 to index
        %parallel_loop3A_854 = arith.constant 64 : index
        %parallel_loop3A_855 = tpu.vector_load %arg12[%parallel_loop3A_853, %parallel_loop3A_854] {strides = array<i32>} : memref<512x128xf32, #tpu.memory_space<vmem>>, vector<16xf32>,
        %parallel_loop3A_856 = arith.mulf %parallel_loop3A_575, %parallel_loop3A_855 : vector<16xf32>
        %parallel_loop3A_857 = arith.constant 288 : i32
        %parallel_loop3A_858 = arith.addi %parallel_loop3A_857, %parallel_loop3A_565 : i32
        %parallel_loop3A_859 = arith.index_cast %parallel_loop3A_858 : i32 to index
        %parallel_loop3A_860 = arith.constant 64 : index
        %parallel_loop3A_861 = tpu.vector_load %arg12[%parallel_loop3A_859, %parallel_loop3A_860] {strides = array<i32>} : memref<512x128xf32, #tpu.memory_space<vmem>>, vector<16xf32>,
        %parallel_loop3A_862 = arith.mulf %parallel_loop3A_580, %parallel_loop3A_861 : vector<16xf32>
        %parallel_loop3A_863 = arith.addf %parallel_loop3A_856, %parallel_loop3A_862 : vector<16xf32>
        %parallel_loop3A_864 = arith.constant 320 : i32
        %parallel_loop3A_865 = arith.addi %parallel_loop3A_864, %parallel_loop3A_565 : i32
        %parallel_loop3A_866 = arith.index_cast %parallel_loop3A_865 : i32 to index
        %parallel_loop3A_867 = arith.constant 64 : index
        %parallel_loop3A_868 = tpu.vector_load %arg12[%parallel_loop3A_866, %parallel_loop3A_867] {strides = array<i32>} : memref<512x128xf32, #tpu.memory_space<vmem>>, vector<16xf32>,
        %parallel_loop3A_869 = arith.mulf %parallel_loop3A_585, %parallel_loop3A_868 : vector<16xf32>
        %parallel_loop3A_870 = arith.addf %parallel_loop3A_863, %parallel_loop3A_869 : vector<16xf32>
        %parallel_loop3A_871 = arith.constant 352 : i32
        %parallel_loop3A_872 = arith.addi %parallel_loop3A_871, %parallel_loop3A_565 : i32
        %parallel_loop3A_873 = arith.index_cast %parallel_loop3A_872 : i32 to index
        %parallel_loop3A_874 = arith.constant 64 : index
        %parallel_loop3A_875 = tpu.vector_load %arg12[%parallel_loop3A_873, %parallel_loop3A_874] {strides = array<i32>} : memref<512x128xf32, #tpu.memory_space<vmem>>, vector<16xf32>,
        %parallel_loop3A_876 = arith.mulf %parallel_loop3A_590, %parallel_loop3A_875 : vector<16xf32>
        %parallel_loop3A_877 = arith.addf %parallel_loop3A_870, %parallel_loop3A_876 : vector<16xf32>
        %parallel_loop3A_878 = arith.constant 384 : i32
        %parallel_loop3A_879 = arith.addi %parallel_loop3A_878, %parallel_loop3A_565 : i32
        %parallel_loop3A_880 = arith.index_cast %parallel_loop3A_879 : i32 to index
        %parallel_loop3A_881 = arith.constant 64 : index
        %parallel_loop3A_882 = tpu.vector_load %arg12[%parallel_loop3A_880, %parallel_loop3A_881] {strides = array<i32>} : memref<512x128xf32, #tpu.memory_space<vmem>>, vector<16xf32>,
        %parallel_loop3A_883 = arith.mulf %parallel_loop3A_595, %parallel_loop3A_882 : vector<16xf32>
        %parallel_loop3A_884 = arith.addf %parallel_loop3A_877, %parallel_loop3A_883 : vector<16xf32>
        %parallel_loop3A_885 = arith.constant 416 : i32
        %parallel_loop3A_886 = arith.addi %parallel_loop3A_885, %parallel_loop3A_565 : i32
        %parallel_loop3A_887 = arith.index_cast %parallel_loop3A_886 : i32 to index
        %parallel_loop3A_888 = arith.constant 64 : index
        %parallel_loop3A_889 = tpu.vector_load %arg12[%parallel_loop3A_887, %parallel_loop3A_888] {strides = array<i32>} : memref<512x128xf32, #tpu.memory_space<vmem>>, vector<16xf32>,
        %parallel_loop3A_890 = arith.mulf %parallel_loop3A_600, %parallel_loop3A_889 : vector<16xf32>
        %parallel_loop3A_891 = arith.addf %parallel_loop3A_884, %parallel_loop3A_890 : vector<16xf32>
        %parallel_loop3A_892 = arith.constant 448 : i32
        %parallel_loop3A_893 = arith.addi %parallel_loop3A_892, %parallel_loop3A_565 : i32
        %parallel_loop3A_894 = arith.index_cast %parallel_loop3A_893 : i32 to index
        %parallel_loop3A_895 = arith.constant 64 : index
        %parallel_loop3A_896 = tpu.vector_load %arg12[%parallel_loop3A_894, %parallel_loop3A_895] {strides = array<i32>} : memref<512x128xf32, #tpu.memory_space<vmem>>, vector<16xf32>,
        %parallel_loop3A_897 = arith.mulf %parallel_loop3A_605, %parallel_loop3A_896 : vector<16xf32>
        %parallel_loop3A_898 = arith.addf %parallel_loop3A_891, %parallel_loop3A_897 : vector<16xf32>
        %parallel_loop3A_899 = arith.constant 480 : i32
        %parallel_loop3A_900 = arith.addi %parallel_loop3A_899, %parallel_loop3A_565 : i32
        %parallel_loop3A_901 = arith.index_cast %parallel_loop3A_900 : i32 to index
        %parallel_loop3A_902 = arith.constant 64 : index
        %parallel_loop3A_903 = tpu.vector_load %arg12[%parallel_loop3A_901, %parallel_loop3A_902] {strides = array<i32>} : memref<512x128xf32, #tpu.memory_space<vmem>>, vector<16xf32>,
        %parallel_loop3A_904 = arith.mulf %parallel_loop3A_610, %parallel_loop3A_903 : vector<16xf32>
        %parallel_loop3A_905 = arith.addf %parallel_loop3A_898, %parallel_loop3A_904 : vector<16xf32>
        %parallel_loop3A_906 = arith.constant 32 : i32
        %parallel_loop3A_907 = arith.addi %parallel_loop3A_906, %parallel_loop3A_565 : i32
        %parallel_loop3A_908 = arith.index_cast %parallel_loop3A_907 : i32 to index
        %parallel_loop3A_909 = arith.constant 64 : index
        %parallel_loop3A_910 = tpu.vector_load %arg13[%parallel_loop3A_908, %parallel_loop3A_909] {strides = array<i32>} : memref<64x128xf32, #tpu.memory_space<vmem>>, vector<16xf32>,
        tpu.vector_store %arg13[%parallel_loop3A_908, %parallel_loop3A_909], %parallel_loop3A_905 {strides = array<i32>} : memref<64x128xf32, #tpu.memory_space<vmem>>, vector<16xf32>,
        %parallel_loop3A_911 = arith.constant 256 : i32
        %parallel_loop3A_912 = arith.addi %parallel_loop3A_911, %parallel_loop3A_565 : i32
        %parallel_loop3A_913 = arith.index_cast %parallel_loop3A_912 : i32 to index
        %parallel_loop3A_914 = arith.constant 80 : index
        %parallel_loop3A_915 = tpu.vector_load %arg12[%parallel_loop3A_913, %parallel_loop3A_914] {strides = array<i32>} : memref<512x128xf32, #tpu.memory_space<vmem>>, vector<16xf32>,
        %parallel_loop3A_916 = arith.mulf %parallel_loop3A_575, %parallel_loop3A_915 : vector<16xf32>
        %parallel_loop3A_917 = arith.constant 288 : i32
        %parallel_loop3A_918 = arith.addi %parallel_loop3A_917, %parallel_loop3A_565 : i32
        %parallel_loop3A_919 = arith.index_cast %parallel_loop3A_918 : i32 to index
        %parallel_loop3A_920 = arith.constant 80 : index
        %parallel_loop3A_921 = tpu.vector_load %arg12[%parallel_loop3A_919, %parallel_loop3A_920] {strides = array<i32>} : memref<512x128xf32, #tpu.memory_space<vmem>>, vector<16xf32>,
        %parallel_loop3A_922 = arith.mulf %parallel_loop3A_580, %parallel_loop3A_921 : vector<16xf32>
        %parallel_loop3A_923 = arith.addf %parallel_loop3A_916, %parallel_loop3A_922 : vector<16xf32>
        %parallel_loop3A_924 = arith.constant 320 : i32
        %parallel_loop3A_925 = arith.addi %parallel_loop3A_924, %parallel_loop3A_565 : i32
        %parallel_loop3A_926 = arith.index_cast %parallel_loop3A_925 : i32 to index
        %parallel_loop3A_927 = arith.constant 80 : index
        %parallel_loop3A_928 = tpu.vector_load %arg12[%parallel_loop3A_926, %parallel_loop3A_927] {strides = array<i32>} : memref<512x128xf32, #tpu.memory_space<vmem>>, vector<16xf32>,
        %parallel_loop3A_929 = arith.mulf %parallel_loop3A_585, %parallel_loop3A_928 : vector<16xf32>
        %parallel_loop3A_930 = arith.addf %parallel_loop3A_923, %parallel_loop3A_929 : vector<16xf32>
        %parallel_loop3A_931 = arith.constant 352 : i32
        %parallel_loop3A_932 = arith.addi %parallel_loop3A_931, %parallel_loop3A_565 : i32
        %parallel_loop3A_933 = arith.index_cast %parallel_loop3A_932 : i32 to index
        %parallel_loop3A_934 = arith.constant 80 : index
        %parallel_loop3A_935 = tpu.vector_load %arg12[%parallel_loop3A_933, %parallel_loop3A_934] {strides = array<i32>} : memref<512x128xf32, #tpu.memory_space<vmem>>, vector<16xf32>,
        %parallel_loop3A_936 = arith.mulf %parallel_loop3A_590, %parallel_loop3A_935 : vector<16xf32>
        %parallel_loop3A_937 = arith.addf %parallel_loop3A_930, %parallel_loop3A_936 : vector<16xf32>
        %parallel_loop3A_938 = arith.constant 384 : i32
        %parallel_loop3A_939 = arith.addi %parallel_loop3A_938, %parallel_loop3A_565 : i32
        %parallel_loop3A_940 = arith.index_cast %parallel_loop3A_939 : i32 to index
        %parallel_loop3A_941 = arith.constant 80 : index
        %parallel_loop3A_942 = tpu.vector_load %arg12[%parallel_loop3A_940, %parallel_loop3A_941] {strides = array<i32>} : memref<512x128xf32, #tpu.memory_space<vmem>>, vector<16xf32>,
        %parallel_loop3A_943 = arith.mulf %parallel_loop3A_595, %parallel_loop3A_942 : vector<16xf32>
        %parallel_loop3A_944 = arith.addf %parallel_loop3A_937, %parallel_loop3A_943 : vector<16xf32>
        %parallel_loop3A_945 = arith.constant 416 : i32
        %parallel_loop3A_946 = arith.addi %parallel_loop3A_945, %parallel_loop3A_565 : i32
        %parallel_loop3A_947 = arith.index_cast %parallel_loop3A_946 : i32 to index
        %parallel_loop3A_948 = arith.constant 80 : index
        %parallel_loop3A_949 = tpu.vector_load %arg12[%parallel_loop3A_947, %parallel_loop3A_948] {strides = array<i32>} : memref<512x128xf32, #tpu.memory_space<vmem>>, vector<16xf32>,
        %parallel_loop3A_950 = arith.mulf %parallel_loop3A_600, %parallel_loop3A_949 : vector<16xf32>
        %parallel_loop3A_951 = arith.addf %parallel_loop3A_944, %parallel_loop3A_950 : vector<16xf32>
        %parallel_loop3A_952 = arith.constant 448 : i32
        %parallel_loop3A_953 = arith.addi %parallel_loop3A_952, %parallel_loop3A_565 : i32
        %parallel_loop3A_954 = arith.index_cast %parallel_loop3A_953 : i32 to index
        %parallel_loop3A_955 = arith.constant 80 : index
        %parallel_loop3A_956 = tpu.vector_load %arg12[%parallel_loop3A_954, %parallel_loop3A_955] {strides = array<i32>} : memref<512x128xf32, #tpu.memory_space<vmem>>, vector<16xf32>,
        %parallel_loop3A_957 = arith.mulf %parallel_loop3A_605, %parallel_loop3A_956 : vector<16xf32>
        %parallel_loop3A_958 = arith.addf %parallel_loop3A_951, %parallel_loop3A_957 : vector<16xf32>
        %parallel_loop3A_959 = arith.constant 480 : i32
        %parallel_loop3A_960 = arith.addi %parallel_loop3A_959, %parallel_loop3A_565 : i32
        %parallel_loop3A_961 = arith.index_cast %parallel_loop3A_960 : i32 to index
        %parallel_loop3A_962 = arith.constant 80 : index
        %parallel_loop3A_963 = tpu.vector_load %arg12[%parallel_loop3A_961, %parallel_loop3A_962] {strides = array<i32>} : memref<512x128xf32, #tpu.memory_space<vmem>>, vector<16xf32>,
        %parallel_loop3A_964 = arith.mulf %parallel_loop3A_610, %parallel_loop3A_963 : vector<16xf32>
        %parallel_loop3A_965 = arith.addf %parallel_loop3A_958, %parallel_loop3A_964 : vector<16xf32>
        %parallel_loop3A_966 = arith.constant 32 : i32
        %parallel_loop3A_967 = arith.addi %parallel_loop3A_966, %parallel_loop3A_565 : i32
        %parallel_loop3A_968 = arith.index_cast %parallel_loop3A_967 : i32 to index
        %parallel_loop3A_969 = arith.constant 80 : index
        %parallel_loop3A_970 = tpu.vector_load %arg13[%parallel_loop3A_968, %parallel_loop3A_969] {strides = array<i32>} : memref<64x128xf32, #tpu.memory_space<vmem>>, vector<16xf32>,
        tpu.vector_store %arg13[%parallel_loop3A_968, %parallel_loop3A_969], %parallel_loop3A_965 {strides = array<i32>} : memref<64x128xf32, #tpu.memory_space<vmem>>, vector<16xf32>,
        %parallel_loop3A_971 = arith.constant 256 : i32
        %parallel_loop3A_972 = arith.addi %parallel_loop3A_971, %parallel_loop3A_565 : i32
        %parallel_loop3A_973 = arith.index_cast %parallel_loop3A_972 : i32 to index
        %parallel_loop3A_974 = arith.constant 96 : index
        %parallel_loop3A_975 = tpu.vector_load %arg12[%parallel_loop3A_973, %parallel_loop3A_974] {strides = array<i32>} : memref<512x128xf32, #tpu.memory_space<vmem>>, vector<16xf32>,
        %parallel_loop3A_976 = arith.mulf %parallel_loop3A_575, %parallel_loop3A_975 : vector<16xf32>
        %parallel_loop3A_977 = arith.constant 288 : i32
        %parallel_loop3A_978 = arith.addi %parallel_loop3A_977, %parallel_loop3A_565 : i32
        %parallel_loop3A_979 = arith.index_cast %parallel_loop3A_978 : i32 to index
        %parallel_loop3A_980 = arith.constant 96 : index
        %parallel_loop3A_981 = tpu.vector_load %arg12[%parallel_loop3A_979, %parallel_loop3A_980] {strides = array<i32>} : memref<512x128xf32, #tpu.memory_space<vmem>>, vector<16xf32>,
        %parallel_loop3A_982 = arith.mulf %parallel_loop3A_580, %parallel_loop3A_981 : vector<16xf32>
        %parallel_loop3A_983 = arith.addf %parallel_loop3A_976, %parallel_loop3A_982 : vector<16xf32>
        %parallel_loop3A_984 = arith.constant 320 : i32
        %parallel_loop3A_985 = arith.addi %parallel_loop3A_984, %parallel_loop3A_565 : i32
        %parallel_loop3A_986 = arith.index_cast %parallel_loop3A_985 : i32 to index
        %parallel_loop3A_987 = arith.constant 96 : index
        %parallel_loop3A_988 = tpu.vector_load %arg12[%parallel_loop3A_986, %parallel_loop3A_987] {strides = array<i32>} : memref<512x128xf32, #tpu.memory_space<vmem>>, vector<16xf32>,
        %parallel_loop3A_989 = arith.mulf %parallel_loop3A_585, %parallel_loop3A_988 : vector<16xf32>
        %parallel_loop3A_990 = arith.addf %parallel_loop3A_983, %parallel_loop3A_989 : vector<16xf32>
        %parallel_loop3A_991 = arith.constant 352 : i32
        %parallel_loop3A_992 = arith.addi %parallel_loop3A_991, %parallel_loop3A_565 : i32
        %parallel_loop3A_993 = arith.index_cast %parallel_loop3A_992 : i32 to index
        %parallel_loop3A_994 = arith.constant 96 : index
        %parallel_loop3A_995 = tpu.vector_load %arg12[%parallel_loop3A_993, %parallel_loop3A_994] {strides = array<i32>} : memref<512x128xf32, #tpu.memory_space<vmem>>, vector<16xf32>,
        %parallel_loop3A_996 = arith.mulf %parallel_loop3A_590, %parallel_loop3A_995 : vector<16xf32>
        %parallel_loop3A_997 = arith.addf %parallel_loop3A_990, %parallel_loop3A_996 : vector<16xf32>
        %parallel_loop3A_998 = arith.constant 384 : i32
        %parallel_loop3A_999 = arith.addi %parallel_loop3A_998, %parallel_loop3A_565 : i32
        %parallel_loop3A_1000 = arith.index_cast %parallel_loop3A_999 : i32 to index
        %parallel_loop3A_1001 = arith.constant 96 : index
        %parallel_loop3A_1002 = tpu.vector_load %arg12[%parallel_loop3A_1000, %parallel_loop3A_1001] {strides = array<i32>} : memref<512x128xf32, #tpu.memory_space<vmem>>, vector<16xf32>,
        %parallel_loop3A_1003 = arith.mulf %parallel_loop3A_595, %parallel_loop3A_1002 : vector<16xf32>
        %parallel_loop3A_1004 = arith.addf %parallel_loop3A_997, %parallel_loop3A_1003 : vector<16xf32>
        %parallel_loop3A_1005 = arith.constant 416 : i32
        %parallel_loop3A_1006 = arith.addi %parallel_loop3A_1005, %parallel_loop3A_565 : i32
        %parallel_loop3A_1007 = arith.index_cast %parallel_loop3A_1006 : i32 to index
        %parallel_loop3A_1008 = arith.constant 96 : index
        %parallel_loop3A_1009 = tpu.vector_load %arg12[%parallel_loop3A_1007, %parallel_loop3A_1008] {strides = array<i32>} : memref<512x128xf32, #tpu.memory_space<vmem>>, vector<16xf32>,
        %parallel_loop3A_1010 = arith.mulf %parallel_loop3A_600, %parallel_loop3A_1009 : vector<16xf32>
        %parallel_loop3A_1011 = arith.addf %parallel_loop3A_1004, %parallel_loop3A_1010 : vector<16xf32>
        %parallel_loop3A_1012 = arith.constant 448 : i32
        %parallel_loop3A_1013 = arith.addi %parallel_loop3A_1012, %parallel_loop3A_565 : i32
        %parallel_loop3A_1014 = arith.index_cast %parallel_loop3A_1013 : i32 to index
        %parallel_loop3A_1015 = arith.constant 96 : index
        %parallel_loop3A_1016 = tpu.vector_load %arg12[%parallel_loop3A_1014, %parallel_loop3A_1015] {strides = array<i32>} : memref<512x128xf32, #tpu.memory_space<vmem>>, vector<16xf32>,
        %parallel_loop3A_1017 = arith.mulf %parallel_loop3A_605, %parallel_loop3A_1016 : vector<16xf32>
        %parallel_loop3A_1018 = arith.addf %parallel_loop3A_1011, %parallel_loop3A_1017 : vector<16xf32>
        %parallel_loop3A_1019 = arith.constant 480 : i32
        %parallel_loop3A_1020 = arith.addi %parallel_loop3A_1019, %parallel_loop3A_565 : i32
        %parallel_loop3A_1021 = arith.index_cast %parallel_loop3A_1020 : i32 to index
        %parallel_loop3A_1022 = arith.constant 96 : index
        %parallel_loop3A_1023 = tpu.vector_load %arg12[%parallel_loop3A_1021, %parallel_loop3A_1022] {strides = array<i32>} : memref<512x128xf32, #tpu.memory_space<vmem>>, vector<16xf32>,
        %parallel_loop3A_1024 = arith.mulf %parallel_loop3A_610, %parallel_loop3A_1023 : vector<16xf32>
        %parallel_loop3A_1025 = arith.addf %parallel_loop3A_1018, %parallel_loop3A_1024 : vector<16xf32>
        %parallel_loop3A_1026 = arith.constant 32 : i32
        %parallel_loop3A_1027 = arith.addi %parallel_loop3A_1026, %parallel_loop3A_565 : i32
        %parallel_loop3A_1028 = arith.index_cast %parallel_loop3A_1027 : i32 to index
        %parallel_loop3A_1029 = arith.constant 96 : index
        %parallel_loop3A_1030 = tpu.vector_load %arg13[%parallel_loop3A_1028, %parallel_loop3A_1029] {strides = array<i32>} : memref<64x128xf32, #tpu.memory_space<vmem>>, vector<16xf32>,
        tpu.vector_store %arg13[%parallel_loop3A_1028, %parallel_loop3A_1029], %parallel_loop3A_1025 {strides = array<i32>} : memref<64x128xf32, #tpu.memory_space<vmem>>, vector<16xf32>,
        %parallel_loop3A_1031 = arith.constant 256 : i32
        %parallel_loop3A_1032 = arith.addi %parallel_loop3A_1031, %parallel_loop3A_565 : i32
        %parallel_loop3A_1033 = arith.index_cast %parallel_loop3A_1032 : i32 to index
        %parallel_loop3A_1034 = arith.constant 112 : index
        %parallel_loop3A_1035 = tpu.vector_load %arg12[%parallel_loop3A_1033, %parallel_loop3A_1034] {strides = array<i32>} : memref<512x128xf32, #tpu.memory_space<vmem>>, vector<16xf32>,
        %parallel_loop3A_1036 = arith.mulf %parallel_loop3A_575, %parallel_loop3A_1035 : vector<16xf32>
        %parallel_loop3A_1037 = arith.constant 288 : i32
        %parallel_loop3A_1038 = arith.addi %parallel_loop3A_1037, %parallel_loop3A_565 : i32
        %parallel_loop3A_1039 = arith.index_cast %parallel_loop3A_1038 : i32 to index
        %parallel_loop3A_1040 = arith.constant 112 : index
        %parallel_loop3A_1041 = tpu.vector_load %arg12[%parallel_loop3A_1039, %parallel_loop3A_1040] {strides = array<i32>} : memref<512x128xf32, #tpu.memory_space<vmem>>, vector<16xf32>,
        %parallel_loop3A_1042 = arith.mulf %parallel_loop3A_580, %parallel_loop3A_1041 : vector<16xf32>
        %parallel_loop3A_1043 = arith.addf %parallel_loop3A_1036, %parallel_loop3A_1042 : vector<16xf32>
        %parallel_loop3A_1044 = arith.constant 320 : i32
        %parallel_loop3A_1045 = arith.addi %parallel_loop3A_1044, %parallel_loop3A_565 : i32
        %parallel_loop3A_1046 = arith.index_cast %parallel_loop3A_1045 : i32 to index
        %parallel_loop3A_1047 = arith.constant 112 : index
        %parallel_loop3A_1048 = tpu.vector_load %arg12[%parallel_loop3A_1046, %parallel_loop3A_1047] {strides = array<i32>} : memref<512x128xf32, #tpu.memory_space<vmem>>, vector<16xf32>,
        %parallel_loop3A_1049 = arith.mulf %parallel_loop3A_585, %parallel_loop3A_1048 : vector<16xf32>
        %parallel_loop3A_1050 = arith.addf %parallel_loop3A_1043, %parallel_loop3A_1049 : vector<16xf32>
        %parallel_loop3A_1051 = arith.constant 352 : i32
        %parallel_loop3A_1052 = arith.addi %parallel_loop3A_1051, %parallel_loop3A_565 : i32
        %parallel_loop3A_1053 = arith.index_cast %parallel_loop3A_1052 : i32 to index
        %parallel_loop3A_1054 = arith.constant 112 : index
        %parallel_loop3A_1055 = tpu.vector_load %arg12[%parallel_loop3A_1053, %parallel_loop3A_1054] {strides = array<i32>} : memref<512x128xf32, #tpu.memory_space<vmem>>, vector<16xf32>,
        %parallel_loop3A_1056 = arith.mulf %parallel_loop3A_590, %parallel_loop3A_1055 : vector<16xf32>
        %parallel_loop3A_1057 = arith.addf %parallel_loop3A_1050, %parallel_loop3A_1056 : vector<16xf32>
        %parallel_loop3A_1058 = arith.constant 384 : i32
        %parallel_loop3A_1059 = arith.addi %parallel_loop3A_1058, %parallel_loop3A_565 : i32
        %parallel_loop3A_1060 = arith.index_cast %parallel_loop3A_1059 : i32 to index
        %parallel_loop3A_1061 = arith.constant 112 : index
        %parallel_loop3A_1062 = tpu.vector_load %arg12[%parallel_loop3A_1060, %parallel_loop3A_1061] {strides = array<i32>} : memref<512x128xf32, #tpu.memory_space<vmem>>, vector<16xf32>,
        %parallel_loop3A_1063 = arith.mulf %parallel_loop3A_595, %parallel_loop3A_1062 : vector<16xf32>
        %parallel_loop3A_1064 = arith.addf %parallel_loop3A_1057, %parallel_loop3A_1063 : vector<16xf32>
        %parallel_loop3A_1065 = arith.constant 416 : i32
        %parallel_loop3A_1066 = arith.addi %parallel_loop3A_1065, %parallel_loop3A_565 : i32
        %parallel_loop3A_1067 = arith.index_cast %parallel_loop3A_1066 : i32 to index
        %parallel_loop3A_1068 = arith.constant 112 : index
        %parallel_loop3A_1069 = tpu.vector_load %arg12[%parallel_loop3A_1067, %parallel_loop3A_1068] {strides = array<i32>} : memref<512x128xf32, #tpu.memory_space<vmem>>, vector<16xf32>,
        %parallel_loop3A_1070 = arith.mulf %parallel_loop3A_600, %parallel_loop3A_1069 : vector<16xf32>
        %parallel_loop3A_1071 = arith.addf %parallel_loop3A_1064, %parallel_loop3A_1070 : vector<16xf32>
        %parallel_loop3A_1072 = arith.constant 448 : i32
        %parallel_loop3A_1073 = arith.addi %parallel_loop3A_1072, %parallel_loop3A_565 : i32
        %parallel_loop3A_1074 = arith.index_cast %parallel_loop3A_1073 : i32 to index
        %parallel_loop3A_1075 = arith.constant 112 : index
        %parallel_loop3A_1076 = tpu.vector_load %arg12[%parallel_loop3A_1074, %parallel_loop3A_1075] {strides = array<i32>} : memref<512x128xf32, #tpu.memory_space<vmem>>, vector<16xf32>,
        %parallel_loop3A_1077 = arith.mulf %parallel_loop3A_605, %parallel_loop3A_1076 : vector<16xf32>
        %parallel_loop3A_1078 = arith.addf %parallel_loop3A_1071, %parallel_loop3A_1077 : vector<16xf32>
        %parallel_loop3A_1079 = arith.constant 480 : i32
        %parallel_loop3A_1080 = arith.addi %parallel_loop3A_1079, %parallel_loop3A_565 : i32
        %parallel_loop3A_1081 = arith.index_cast %parallel_loop3A_1080 : i32 to index
        %parallel_loop3A_1082 = arith.constant 112 : index
        %parallel_loop3A_1083 = tpu.vector_load %arg12[%parallel_loop3A_1081, %parallel_loop3A_1082] {strides = array<i32>} : memref<512x128xf32, #tpu.memory_space<vmem>>, vector<16xf32>,
        %parallel_loop3A_1084 = arith.mulf %parallel_loop3A_610, %parallel_loop3A_1083 : vector<16xf32>
        %parallel_loop3A_1085 = arith.addf %parallel_loop3A_1078, %parallel_loop3A_1084 : vector<16xf32>
        %parallel_loop3A_1086 = arith.constant 32 : i32
        %parallel_loop3A_1087 = arith.addi %parallel_loop3A_1086, %parallel_loop3A_565 : i32
        %parallel_loop3A_1088 = arith.index_cast %parallel_loop3A_1087 : i32 to index
        %parallel_loop3A_1089 = arith.constant 112 : index
        %parallel_loop3A_1090 = tpu.vector_load %arg13[%parallel_loop3A_1088, %parallel_loop3A_1089] {strides = array<i32>} : memref<64x128xf32, #tpu.memory_space<vmem>>, vector<16xf32>,
        tpu.vector_store %arg13[%parallel_loop3A_1088, %parallel_loop3A_1089], %parallel_loop3A_1085 {strides = array<i32>} : memref<64x128xf32, #tpu.memory_space<vmem>>, vector<16xf32>,
      } {sc.loop_unroll_factor = 2 : i64, sc.parallel_access}
      %mul3A_552 = arith.constant 32 : i32
      %mul3A_553 = arith.muli %add3A_516, %mul3A_552 : i32
      %add3A_554 = arith.addi %mul3A_2, %mul3A_553 : i32
      %dma_start3A_555 = arith.constant 32 : i32
      %dma_start3A_556 = arith.constant 0 : i32
      %dma_start3A_557 = tpu.memref_slice %arg13[%dma_start3A_555, %dma_start3A_556] : memref<64x128xf32, #tpu.memory_space<vmem>> -> memref<32x128xf32, #tpu.memory_space<vmem>>
      %dma_start3A_558 = arith.constant 0 : i32
      %dma_start3A_559 = tpu.memref_slice %arg6[%add3A_554, %dma_start3A_558] : memref<262144x128xf32, #tpu.memory_space<hbm>> -> memref<32x128xf32, #tpu.memory_space<hbm>>
      %dma_start3A_560 = arith.constant 0 : i32
      %dma_start3A_561 = tpu.memref_slice %arg6[%add3A_554, %dma_start3A_560] : memref<262144x128xf32, #tpu.memory_space<hbm>> -> memref<32x128xf32, #tpu.memory_space<hbm>>
      %dma_start3A_562 = arith.constant 32 : i32
      %dma_start3A_563 = arith.constant 0 : i32
      %dma_start3A_564 = tpu.memref_slice %arg13[%dma_start3A_562, %dma_start3A_563] : memref<64x128xf32, #tpu.memory_space<vmem>> -> memref<32x128xf32, #tpu.memory_space<vmem>>
      tpu.enqueue_dma source(%dma_start3A_564 : memref<32x128xf32, #tpu.memory_space<vmem>>) target(%dma_start3A_561 : memref<32x128xf32, #tpu.memory_space<hbm>>) target_semaphore(%arg17 : memref<!tpu.dma_semaphore, #tpu.memory_space<semaphore_mem>>)
    }
    %scan3A_440 = arith.constant 128 : i32
    %add3A_441 = arith.constant 8128 : i32
    %add3A_442 = arith.addi %mul3A_2, %add3A_441 : i32
    %dma_wait3A = arith.constant 0 : i32
    %dma_wait3A_443 = arith.constant 0 : i32
    %dma_wait3A_444 = tpu.memref_slice %arg13[%dma_wait3A, %dma_wait3A_443] : memref<64x128xf32, #tpu.memory_space<vmem>> -> memref<32x128xf32, #tpu.memory_space<vmem>>
    %dma_wait3A_445 = arith.constant 0 : i32
    %dma_wait3A_446 = tpu.memref_slice %arg6[%add3A_442, %dma_wait3A_445] : memref<262144x128xf32, #tpu.memory_space<hbm>> -> memref<32x128xf32, #tpu.memory_space<hbm>>
    %dma_wait3A_447 = arith.constant 0 : i32
    %dma_wait3A_448 = tpu.memref_slice %arg6[%add3A_442, %dma_wait3A_447] : memref<262144x128xf32, #tpu.memory_space<hbm>> -> memref<32x128xf32, #tpu.memory_space<hbm>>
    %dma_wait3A_449 = arith.constant 0 : i32
    %dma_wait3A_450 = arith.constant 0 : i32
    %dma_wait3A_451 = tpu.memref_slice %arg13[%dma_wait3A_449, %dma_wait3A_450] : memref<64x128xf32, #tpu.memory_space<vmem>> -> memref<32x128xf32, #tpu.memory_space<vmem>>
    tpu.wait_dma2 semaphore(%arg16 : memref<!tpu.dma_semaphore, #tpu.memory_space<semaphore_mem>>) src(%dma_wait3A_451 : memref<32x128xf32, #tpu.memory_space<vmem>>) dst(%dma_wait3A_448 : memref<32x128xf32, #tpu.memory_space<hbm>>)
    %add3A_452 = arith.constant 8160 : i32
    %add3A_453 = arith.addi %mul3A_2, %add3A_452 : i32
    %dma_wait3A_454 = arith.constant 32 : i32
    %dma_wait3A_455 = arith.constant 0 : i32
    %dma_wait3A_456 = tpu.memref_slice %arg13[%dma_wait3A_454, %dma_wait3A_455] : memref<64x128xf32, #tpu.memory_space<vmem>> -> memref<32x128xf32, #tpu.memory_space<vmem>>
    %dma_wait3A_457 = arith.constant 0 : i32
    %dma_wait3A_458 = tpu.memref_slice %arg6[%add3A_453, %dma_wait3A_457] : memref<262144x128xf32, #tpu.memory_space<hbm>> -> memref<32x128xf32, #tpu.memory_space<hbm>>
    %dma_wait3A_459 = arith.constant 0 : i32
    %dma_wait3A_460 = tpu.memref_slice %arg6[%add3A_453, %dma_wait3A_459] : memref<262144x128xf32, #tpu.memory_space<hbm>> -> memref<32x128xf32, #tpu.memory_space<hbm>>
    %dma_wait3A_461 = arith.constant 32 : i32
    %dma_wait3A_462 = arith.constant 0 : i32
    %dma_wait3A_463 = tpu.memref_slice %arg13[%dma_wait3A_461, %dma_wait3A_462] : memref<64x128xf32, #tpu.memory_space<vmem>> -> memref<32x128xf32, #tpu.memory_space<vmem>>
    tpu.wait_dma2 semaphore(%arg17 : memref<!tpu.dma_semaphore, #tpu.memory_space<semaphore_mem>>) src(%dma_wait3A_463 : memref<32x128xf32, #tpu.memory_space<vmem>>) dst(%dma_wait3A_460 : memref<32x128xf32, #tpu.memory_space<hbm>>)
    return
  }
}

</mosaic_0001>

<sc_bundles>
// kernel: kernel.3.cloned.1.call-start
scs
__scs_entry_jumppad:
0x0: {  	(pc) =	sbr.rel $0x88, $3  }
0x1: {  	(tag) =	ssettag $0x0;
	lr =	simm.s32 $0x1  }
0x2: {  	[smem:$0x3F9C] =	sst lr;
	_ =	strace $0xD0000000  }
0x3: {  	_ = 	snop  }
0x4: {  	_ = 	snop  }
0x5: {  	_ = 	snop  }
0x6: {  	_ = 	snop  }
0x7: {  	_ = 	snop  }
__scs_overlays_trampoline_lowered:
0x8: {  	[smem:$0x3FAB] =	sst s0  }
0x9: {  	[smem:$0x3FAC] =	sst s1  }
0xa: {  	[smem:$0x3FAD] =	sst s2  }
0xb: {  	[smem:$0x3FAE] =	sst s3  }
0xc: {  	[smem:$0x3FAF] =	sst s4  }
0xd: {  	[smem:$0x3FB0] =	sst s5  }
0xe: {  	[smem:$0x3FB1] =	sst s6  }
0xf: {  	[smem:$0x3FB2] =	sst s7  }
0x10: {  	[smem:$0x3FB3] =	sst s8  }
0x11: {  	[smem:$0x3FB4] =	sst s9;
	s0 =	simm.s32 @!p0 $0x0  }
0x12: {  	s1 =	sld [smem:$0x3F9A];
	s0 =	simm.s32 @p0 $0x1  }
0x13: {  	[smem:$0x3FB5] =	sst s0;
	s0 =	simm.s32 @!p1 $0x0  }
0x14: {  	s2 =	sld [smem:$0x3F99];
	s0 =	simm.s32 @p1 $0x1  }
0x15: {  	[smem:$0x3FB6] =	sst s0;
	s0 =	simm.s32 @!p2 $0x0  }
0x16: {  	s3 =	sld [smem:$0x3FDB];
	s0 =	simm.s32 @p2 $0x1  }
0x17: {  	s4 =	simm.s32 $0x1BF5;
	[smem:$0x3FB8] =	sst s0  }
0x18: {  	s0 =	sld [smem:$0x3F9B];
	_ =	swait.ge [sflag:s4], $0x0  }
0x19: {  	s7 =	sld [smem:$0x3F9C]  }
0x1a: {  	s8 =	sadd.s32 $0xFFFFE003, lr  }
0x1b: {  	s9 =	sadd.s32 $0xFFFFFEF7, lr;
	s5 =	simm.s32 $0xFFFFFFFF;
	p2 =	slt.u32 s8, $0xFFFFF086  }
0x1c: {  	p1 =	slt.u32 s9, $0xF7A;
	s5 =	simm.s32 @!p2 $0x0  }
0x1d: {  	s5 =	simm.s32 @p1 $0x1;
	p0 =	seq.s32 s7, s2  }
0x1e: {  	s7 =	smul.u32 @!p0 $0xF7A, s2;
	p2 =	seq.s32 @!p0 s5, $0x0  }
0x1f: {  	s9 =	smul.u32 $0xF7A, s1;
	s8 =	simm.s32 @!p0 $0x1BF5;
	p2 =	por !p2, p0  }
0x20: {  	[sflag:s8] =	ssyncset.s32 @!p0 $0xFFFFF086;
	s6 =	sadd.s32 @!p0 s3, s7;
	s7 =	simm.s32 @!p0 $0x108  }
0x21: {  	s3 =	sadd.s32 s3, s9;
	s6 =	sadd.s32 @!p0 $0x88, s6;
	s7 =	simm.s32 @p2 $0x1082  }
0x22: {  	[simem:s7], [sflag:s8] =	dma.local @!p0 [hbm:s6], $0xF7A  }
0x23: {  	s9 =	sor.u32 $0xD0000000, s2;
	s6 =	simm.s32 $0x108;
	_ =	swait.ge @!p0 [sflag:s8], $0x0  }
0x24: {  	s3 =	sadd.s32 $0x88, s3;
	s6 =	simm.s32 @!p1 $0x1082;
	[sflag:s4] =	ssyncset.s32 $0xFFFFF086  }
0x25: {  	[simem:s6], [sflag:s4] =	dma.local [hbm:s3], $0xF7A  }
0x26: {  	[smem:$0x3F9C] =	sst s1;
	(tag) =	ssettag s2;
	_ =	strace s9  }
0x27: {  	s1 =	sld [smem:$0x3FAC]  }
0x28: {  	s2 =	sld [smem:$0x3FAD]  }
0x29: {  	s4 =	sld [smem:$0x3FAF]  }
0x2a: {  	p0 =	seq.s32 s5, $0x0;
	s5 =	sld [smem:$0x3FB0]  }
0x2b: {  	s6 =	sld [smem:$0x3FB1]  }
0x2c: {  	s7 =	sld [smem:$0x3FB2]  }
0x2d: {  	s3 =	simm.s32 $0x108;
	s8 =	sld [smem:$0x3FB3]  }
0x2e: {  	s3 =	simm.s32 @!p0 $0x1082;
	s9 =	sld [smem:$0x3FB4]  }
0x2f: {  	lr =	sadd.s32 s0, s3;
	s0 =	sld [smem:$0x3FAB]  }
0x30: {  	s3 =	sld [smem:$0x3FAE]  }
0x31: {  	[smem:$0x3FB7] =	sst s10  }
0x32: {  	s10 =	sld [smem:$0x3FB5];
	_ =	sdelay $0x3  }
0x33: {  	p0 =	seq.s32 s10, $0x1;
	s10 =	sld [smem:$0x3FB7];
	_ =	sdelay $0x3  }
0x34: {  	[smem:$0x3FB7] =	sst s10  }
0x35: {  	s10 =	sld [smem:$0x3FB6];
	_ =	sdelay $0x3  }
0x36: {  	p1 =	seq.s32 s10, $0x1;
	s10 =	sld [smem:$0x3FB7];
	_ =	sdelay $0x3  }
0x37: {  	[smem:$0x3FB7] =	sst s10  }
0x38: {  	s10 =	sld [smem:$0x3FB8]  }
0x39: {  	_ = 	snop;
	(pc) =	sbr.ind lr, $3  }
0x3a: {  	_ = 	snop  }
0x3b: {  	_ = 	snop  }
0x3c: {  	p2 =	seq.s32 s10, $0x1;
	s10 =	sld [smem:$0x3FB7]  }
0x3d: {  	_ =	shalt  }
0x3e: {  	_ =	shalt  }
0x3f: {  	_ =	shalt  }
0x40: {  	_ =	shalt  }
0x41: {  	_ =	shalt  }
0x42: {  	_ =	shalt  }
0x43: {  	_ =	shalt  }
0x44: {  	_ =	shalt  }
0x45: {  	_ =	shalt  }
0x46: {  	_ =	shalt  }
0x47: {  	_ =	shalt  }
0x48: {  	_ =	shalt  }
0x49: {  	_ =	shalt  }
0x4a: {  	_ =	shalt  }
0x4b: {  	_ =	shalt  }
0x4c: {  	_ =	shalt  }
0x4d: {  	_ =	shalt  }
0x4e: {  	_ =	shalt  }
0x4f: {  	_ =	shalt  }
0x50: {  	_ =	shalt  }
0x51: {  	_ =	shalt  }
0x52: {  	_ =	shalt  }
0x53: {  	_ =	shalt  }
0x54: {  	_ =	shalt  }
0x55: {  	_ =	shalt  }
0x56: {  	_ =	shalt  }
0x57: {  	_ =	shalt  }
0x58: {  	_ =	shalt  }
0x59: {  	_ =	shalt  }
0x5a: {  	_ =	shalt  }
0x5b: {  	_ =	shalt  }
0x5c: {  	_ =	shalt  }
0x5d: {  	_ =	shalt  }
0x5e: {  	_ =	shalt  }
0x5f: {  	_ =	shalt  }
0x60: {  	_ =	shalt  }
0x61: {  	_ =	shalt  }
0x62: {  	_ =	shalt  }
0x63: {  	_ =	shalt  }
0x64: {  	_ =	shalt  }
0x65: {  	_ =	shalt  }
0x66: {  	_ =	shalt  }
0x67: {  	_ =	shalt  }
0x68: {  	_ =	shalt  }
0x69: {  	_ =	shalt  }
0x6a: {  	_ =	shalt  }
0x6b: {  	_ =	shalt  }
0x6c: {  	_ =	shalt  }
0x6d: {  	_ =	shalt  }
0x6e: {  	_ =	shalt  }
0x6f: {  	_ =	shalt  }
0x70: {  	_ =	shalt  }
0x71: {  	_ =	shalt  }
0x72: {  	_ =	shalt  }
0x73: {  	_ =	shalt  }
0x74: {  	_ =	shalt  }
0x75: {  	_ =	shalt  }
0x76: {  	_ =	shalt  }
0x77: {  	_ =	shalt  }
0x78: {  	_ =	shalt  }
0x79: {  	_ =	shalt  }
0x7a: {  	_ =	shalt  }
0x7b: {  	_ =	shalt  }
0x7c: {  	_ =	shalt  }
0x7d: {  	_ =	shalt  }
0x7e: {  	_ =	shalt  }
0x7f: {  	_ =	shalt  }
0x80: {  	_ =	shalt  }
0x81: {  	_ =	shalt  }
0x82: {  	_ =	shalt  }
0x83: {  	_ =	shalt  }
0x84: {  	_ =	shalt  }
0x85: {  	_ =	shalt  }
0x86: {  	_ =	shalt  }
0x87: {  	_ =	shalt  }
.Lfunc_end0:
.L_simem_size_0:
called_computation_lowered:
.L_overlay_start_0:
0x88: {  	s2 =	sld [smem:$0x3FD9]  }
0x89: {  	s3 =	sld [smem:$0x3FFE];
	_ =	sdelay $0x1  }
0x8a: {  	s1 =	srdreg.scid  }
0x8b: {  	s0 =	sand.u32 $0x1, s1  }
0x8c: {  	s17 =	sshll.u32 s0, $0xA;
	s2 =	sadd.s32 s3, s2  }
0x8d: {  	s2 =	sadd.s32 s2, s17  }
0x8e: {  	[smem:$0x3FC3] =	sst s2  }
0x8f: {  	_ = 	snop  }
0x90: {  	s2 =	sld [smem:$0x3FC8]  }
0x91: {  	s18 =	sld [smem:$0x3FD0];
	(tm) =	ssettm $0x1  }
0x92: {  	s4 =	sld [smem:$0x3FFB];
	_ =	sdelay $0x3  }
0x93: {  	_ =	strace s4  }
0x94: {  	s4 =	sld [smem:$0x3FFC];
	_ =	sdelay $0x3  }
0x95: {  	_ =	strace s4  }
0x96: {  	s4 =	sld [smem:$0x3FFD];
	_ =	sdelay $0x3  }
0x97: {  	_ =	strace s4  }
0x98: {  	_ =	strace $0x8FFFFFFF  }
0x99: {  	s19 =	sld [smem:$0x3FDB];
	_ =	sdelay $0x1  }
0x9a: {  	s5 =	simm.s32 $_scs_section_size  }
0x9b: {  	s6 =	simm.s32 $_size__tile_overlayer_lowered;
	s7 =	simm.s32 $_tile_overlayer_lowered  }
0x9c: {  	s22 =	simm.s32 $0x1BFF;
	s21 =	sshll.u32 s7, $0x1;
	s4 =	sadd.s32 s5, s19  }
0x9d: {  	s8 =	simm.s32 $0x0;
	s20 =	sshll.u32 s6, $0x1;
	s6 =	sadd.s32 s21, s4  }
0x9e: {  	[timem:s8], [sflag:s22] =	dma.local [hbm:s6], s20  }
0x9f: {  	_ =	swait.ge [sflag:s22], s20  }
0xa0: {  	s5 =	ssub.s32 $0x0, s20;
	[sflag:s22] =	ssyncset.done $0x0  }
0xa1: {  	[sflag:s22] =	ssyncadd.s32 s5;
	_ =	sdelay $0x1  }
0xa2: {  	s23 =	simm.s32 $0x1B8B  }
0xa3: {  	_ =	swait.ge [sflag:s23], $0x1  }
0xa4: {  	[sflag:s23] =	ssyncset.done $0x0  }
0xa5: {  	s25 =	simm.s32 $0x1B8E;
	s24 =	sld [smem:$0x3FFE];
	[sflag:s23] =	ssyncadd.s32 $0xFFFFFFFF  }
0xa6: {  	s26 =	simm.s32 $execute0_lowered;
	[smem:$0x3FD2] =	sst s25  }
0xa7: {  	s6 =	sshll.u32 s26, $0x1;
	_ =	strace $0x80000046;
	[dreg:$0x1] =	wrdreg $0xFFFFFFFF  }
0xa8: {  	s28 =	simm.s32 $_size_execute0_lowered;
	s4 =	sadd.s32 s4, s6;
	[dreg:$0x0] =	wrdreg $0x0  }
0xa9: {  	s6 =	sshll.u32 s28, $0x1;
	[dreg:$0x2] =	wrdreg s4  }
0xaa: {  	[dreg:$0x3] =	wrdreg s6  }
0xab: {  	[dreg:$0x4] =	wrdreg $0xC0  }
0xac: {  	_ =	task [dreg:s8], $0x5FFFF  }
0xad: {  	[dreg:$0x1] =	wrdreg $0xFFFFFFFF  }
0xae: {  	[dreg:$0x0] =	wrdreg $0x60  }
0xaf: {  	[dreg:$0x2] =	wrdreg s24  }
0xb0: {  	[dreg:$0x3] =	wrdreg s2  }
0xb1: {  	[dreg:$0x4] =	wrdreg s18  }
0xb2: {  	[dreg:$0x5] =	wrdreg $0x9  }
0xb3: {  	_ =	task.clear_ibuf [dreg:s8], $0x6FFFF;
	_ =	strace $0x90000046  }
0xb4: {  	s29 =	simm.s32 $0x9;
	_ =	strace $0x80000048  }
0xb5: {  	_ =	swait.ge [sflag:s29], $0x1  }
0xb6: {  	[sflag:s29] =	ssyncadd.s32 $0xFFFFFFFF  }
0xb7: {  	_ =	strace $0x90000048  }
0xb8: {  	_ =	sfence  }
0xb9: {  	s30 =	sld [smem:$0x0];
	_ =	sdelay $0x2  }
0xba: {  	s31 =	sshll.u32 s1, $0xD;
	s1 =	sshrl.u32 s1, $0x2  }
0xbb: {  	s3 =	sand.u32 $0x4000, s31;
	s1 =	sadd.s32 s1, s30  }
0xbc: {  	s0 =	sor.u32 s3, s0;
	s1 =	sshll.u32 s1, $0x11  }
0xbd: {  	s0 =	sor.u32 s1, s0  }
0xbe: {  	s0 =	sadd.s32 $0x8F2B, s0  }
0xbf: {  	[sflag:s0] =	ssyncadd.remote.s32 $0x1  }
0xc0: {  	_ =	sfence.sel $0xFFFF  }
0xc1: {  	[dreg:$0x0] =	wrdreg $0xFFFFFFFF;
	(pc) =	sbr.abs _section_cstart, $3  }
0xc2: {  	[dreg:$0x1] =	wrdreg $0xFFFFFFFF  }
0xc3: {  	_ =	task.clear_ibuf [dreg:s8], $0x2FFFF;
	_ =	strace $0x9FFFFFFF  }
0xc4: {  	(tm) =	ssettm $0x7FFFFFFF  }
0xc5: {  	_ =	shalt  }
tec
execute0_lowered:
.L_overlay_start_1:
0x0: {  	(tag) =	ssettag $0x1  }
0x1: {  	v0 =	vlaneseq.u32  }
0x2: {  	v0 =	vmul.u32 $0x80, v0;
	_ =	sdelay $0x1  }
0x3: {  	v1 =	vor.u32 $0x1, v0  }
0x4: {  	v35 =	vor.u32 $0x2, v0;
	[tilespmem:$0x1FE00] =	vst v1  }
0x5: {  	v36 =	vor.u32 $0x3, v0;
	[tilespmem:$0x1FE10] =	vst v35  }
0x6: {  	v37 =	vor.u32 $0x4, v0;
	[tilespmem:$0x1FE20] =	vst v36  }
0x7: {  	v38 =	vor.u32 $0x5, v0;
	[tilespmem:$0x1FE30] =	vst v37  }
0x8: {  	v39 =	vor.u32 $0x6, v0;
	[tilespmem:$0x1FE40] =	vst v38  }
0x9: {  	v40 =	vor.u32 $0x7, v0;
	[tilespmem:$0x1FE50] =	vst v39  }
0xa: {  	s0 =	rddreg [dreg:$0x0];
	s3 =	stileid.u32;
	v41 =	vor.u32 $0x800, v0;
	[tilespmem:$0x1FE60] =	vst v40  }
0xb: {  	s1 =	rddreg [dreg:$0x1];
	s4 =	sshll.u32 s3, $0xE;
	s3 =	simm.s32 $0x0;
	v42 =	vor.u32 $0x801, v0;
	[tilespmem:$0x1FE70] =	vst v41  }
0xc: {  	[smem:$0x7FF] =	sst s3;
	v43 =	vor.u32 $0x802, v0;
	[tilespmem:$0x1FE80] =	vst v42  }
0xd: {  	s7 =	rddreg [dreg:$0x2];
	v44 =	vor.u32 $0x803, v0;
	_ =	strace $0x80000047;
	[tilespmem:$0x1FE90] =	vst v43  }
0xe: {  	v45 =	vor.u32 $0x804, v0;
	[tilespmem:$0x1FEA0] =	vst v44  }
0xf: {  	v46 =	vor.u32 $0x805, v0;
	[tilespmem:$0x1FEB0] =	vst v45  }
0x10: {  	v47 =	vor.u32 $0x806, v0;
	[tilespmem:$0x1FEC0] =	vst v46  }
0x11: {  	v48 =	vor.u32 $0x807, v0;
	[tilespmem:$0x1FED0] =	vst v47  }
0x12: {  	v49 =	vor.u32 $0x1000, v0;
	[tilespmem:$0x1FEE0] =	vst v48  }
0x13: {  	v50 =	vor.u32 $0x1001, v0;
	[tilespmem:$0x1FEF0] =	vst v49  }
0x14: {  	v51 =	vor.u32 $0x1002, v0;
	[tilespmem:$0x1FF00] =	vst v50  }
0x15: {  	v52 =	vor.u32 $0x1003, v0;
	[tilespmem:$0x1FF10] =	vst v51  }
0x16: {  	v53 =	vor.u32 $0x1004, v0;
	[tilespmem:$0x1FF20] =	vst v52  }
0x17: {  	v54 =	vor.u32 $0x1005, v0;
	[tilespmem:$0x1FF30] =	vst v53  }
0x18: {  	v55 =	vor.u32 $0x1006, v0;
	[tilespmem:$0x1FF40] =	vst v54  }
0x19: {  	s2 =	srdreg.scid;
	s9 =	simm.s32 $0x5;
	s12 =	simm.s32 $0x6200;
	v56 =	vor.u32 $0x1007, v0;
	[tilespmem:$0x1FF50] =	vst v55  }
0x1a: {  	s13 =	simm.s32 $0x80;
	s14 =	simm.s32 $0x6000;
	s15 =	simm.s32 $0x8200;
	v57 =	vor.u32 $0x1800, v0;
	[tilespmem:$0x1FF60] =	vst v56  }
0x1b: {  	s16 =	simm.s32 $0x6080;
	s17 =	simm.s32 $0xC200;
	s18 =	simm.s32 $0x6100;
	v58 =	vor.u32 $0x1801, v0;
	[tilespmem:$0x1FF70] =	vst v57  }
0x1c: {  	s19 =	simm.s32 $0x10200;
	s20 =	simm.s32 $0x6180;
	s21 =	simm.s32 $0x14200;
	v59 =	vor.u32 $0x1802, v0;
	[tilespmem:$0x1FF80] =	vst v58  }
0x1d: {  	s22 =	simm.s32 $0x1;
	s23 =	simm.s32 $0x18200;
	s24 =	simm.s32 $0x2;
	v60 =	vor.u32 $0x1803, v0;
	[tilespmem:$0x1FF90] =	vst v59  }
0x1e: {  	s25 =	simm.s32 $0x19200;
	s26 =	simm.s32 $0x3;
	s2 =	sand.u32 $0x1, s2;
	v61 =	vor.u32 $0x1804, v0;
	[tilespmem:$0x1FFA0] =	vst v60  }
0x1f: {  	s28 =	simm.s32 $0x4;
	s5 =	sshll.u32 s2, $0xD;
	s2 =	ssub.s32 $0x2, s2;
	v62 =	vor.u32 $0x1805, v0;
	[tilespmem:$0x1FFB0] =	vst v61  }
0x20: {  	s29 =	simm.s32 $0x0;
	s5 =	sor.u32 s5, s4;
	s31 =	sshrl.u32 s2, $0x1;
	v63 =	vor.u32 $0x1806, v0;
	[tilespmem:$0x1FFC0] =	vst v62  }
0x21: {  	v32 =	vimm.s32 $0x0;
	v33 =	vimm.s32 $0x1;
	v34 =	vimm.s32 $0x2;
	s4 =	sshrl.u32 s5, $0x3;
	s2 =	ssub.s32 s2, s31;
	s8 =	sshll.u32 s5, $0x4;
	[tilespmem:$0x1FFD0] =	vst v63  }
0x22: {  	v35 =	vimm.s32 $0x3;
	v36 =	vimm.s32 $0x4;
	s0 =	sadd.s32 s4, s0;
	s7 =	sadd.s32 s7, s8;
	s8 =	smax.u32 s2, $0x1;
	[tilespmem:$0x1FFE0] =	vst v0;
	v0 =	vor.u32 $0x1807, v0  }
0x23: {  	v37 =	vimm.s32 $0x5;
	v38 =	vimm.s32 $0x6;
	v39 =	vimm.s32 $0x7;
	s4 =	sadd.s32 $0x10600, s0;
	s5 =	sadd.s32 $0x8600, s0;
	s6 =	sadd.s32 $0x600, s0;
	[tilespmem:$0x1FFF0] =	vst v0  }
.LBB2_1:
0x24: {  	[tilespmem:s3], [sflag:$0x5] =	stream.linear.gather [hbm4b:s4+s3], $0x2000, $0x38;
	[tilespmem:$0x1A200] =	vst v63  }
0x25: {  	_ =	swait.ge [sflag:s9], $0x2000  }
0x26: {  	[sflag:s9] =	ssyncset.done $0x0  }
0x27: {  	s0 =	simm.s32 $0x2000;
	[sflag:s9] =	ssyncadd.s32 $0xFFFFE000  }
0x28: {  	[tilespmem:s0], [sflag:$0x5] =	stream.linear.gather [hbm4b:s5+s3], $0x2000, $0x38;
	[tilespmem:$0x1A200] =	vst v63  }
0x29: {  	_ =	swait.ge [sflag:s9], $0x2000  }
0x2a: {  	[sflag:s9] =	ssyncset.done $0x0  }
0x2b: {  	s31 =	simm.s32 $0x4000;
	[sflag:s9] =	ssyncadd.s32 $0xFFFFE000  }
0x2c: {  	[tilespmem:s31], [sflag:$0x5] =	stream.linear.gather [hbm4b:s6+s3], $0x2000, $0x38;
	[tilespmem:$0x1A200] =	vst v63  }
0x2d: {  	_ =	swait.ge [sflag:s9], $0x2000  }
0x2e: {  	[sflag:s9] =	ssyncset.done $0x0  }
0x2f: {  	[sflag:s9] =	ssyncadd.s32 $0xFFFFE000  }
0x30: {  	v40 =	vld [tilespmem:$0x0]  }
0x31: {  	v41 =	vld [tilespmem:$0x2000]  }
0x32: {  	v42 =	vld [tilespmem:$0x4000];
	_ =	sdelay $0x3  }
0x33: {  	v40 =	vadd.f32 $1.000000000e+00, v40  }
0x34: {  	v41 =	vadd.f32 $1.000000000e+00, v41;
	v42 =	vadd.f32 $1.000000000e+00, v42  }
0x35: {  	v40 =	vmul.f32 $6.400000000e+01, v40  }
0x36: {  	v41 =	vmul.f32 $6.400000000e+01, v41;
	v42 =	vmul.f32 $6.400000000e+01, v42  }
0x37: {  	v40 =	vadd.f32 $-1.000000000e+00, v40  }
0x38: {  	v41 =	vadd.f32 $-1.000000000e+00, v41;
	v42 =	vadd.f32 $-1.000000000e+00, v42  }
0x39: {  	v40 =	vmul.f32 $5.000000000e-01, v40  }
0x3a: {  	v41 =	vmul.f32 $5.000000000e-01, v41;
	v42 =	vmul.f32 $5.000000000e-01, v42  }
0x3b: {  	v40 =	vmax.f32 v40, $0.0e+00  }
0x3c: {  	v41 =	vmax.f32 v41, $0.0e+00;
	v42 =	vmax.f32 v42, $0.0e+00;
	v40 =	vmin.f32 v40, $6.300000000e+01  }
0x3d: {  	v41 =	vmin.f32 v41, $6.300000000e+01;
	v42 =	vmin.f32 v42, $6.300000000e+01;
	v43 =	vtrunc.f32 v40  }
0x3e: {  	v44 =	vtrunc.f32 v41;
	v45 =	vtrunc.f32 v42  }
0x3f: {  	v44 =	vcvt.f32.s32 v44;
	v45 =	vcvt.f32.s32 v45  }
0x40: {  	v43 =	vcvt.f32.s32 v43  }
0x41: {  	vm0 =	vlt.s32 v44, $0x3E;
	vm1 =	vlt.s32 v45, $0x3E  }
0x42: {  	vm12 =	vlt.s32 v43, $0x3E;
	v44 =	vnsel vm0, $0x3E, v44;
	v45 =	vnsel vm1, $0x3E, v45  }
0x43: {  	v43 =	vnsel vm12, $0x3E, v43;
	v46 =	vcvt.s32.f32 v44;
	v47 =	vcvt.s32.f32 v45  }
0x44: {  	v48 =	vcvt.s32.f32 v43  }
0x45: {  	v0 =	vld [tilespmem:$0x1FFE0];
	v41 =	vsub.f32 v41, v46;
	v42 =	vsub.f32 v42, v47  }
0x46: {  	v40 =	vsub.f32 v40, v48  }
0x47: {  	v57 =	vld [tilespmem:$0x1FE00];
	v46 =	vsub.f32 $1.000000000e+00, v41;
	v47 =	vsub.f32 $1.000000000e+00, v42;
	_ =	sdelay $0x1  }
0x48: {  	v60 =	vld [tilespmem:$0x1FE10];
	v44 =	vshll.u32 v44, $0x6;
	v48 =	vsub.f32 $1.000000000e+00, v40;
	v49 =	vmul.f32 v47, v46  }
0x49: {  	v45 =	vshll.u32 v45, $0xC;
	v43 =	vadd.s32 v43, v44  }
0x4a: {  	v63 =	vld [tilespmem:$0x1FE20];
	v43 =	vadd.s32 v45, v43;
	v54 =	vmul.f32 v49, v48  }
0x4b: {  	[tilespmem:$0x6000] =	vst v43  }
0x4c: {  	v6 =	vld [tilespmem:$0x1FE30];
	v55 =	vadd.s32 $0x1, v43;
	v47 =	vmul.f32 v47, v41;
	v56 =	vmul.f32 v49, v40;
	[tilespmem:v0+s12+$0x0] =	vst.idx.msk $0xffff, v54  }
0x4d: {  	[tilespmem:$0x6020] =	vst v55  }
0x4e: {  	v9 =	vld [tilespmem:$0x1FE40];
	v58 =	vadd.s32 $0x40, v43;
	v59 =	vmul.f32 v47, v48;
	[tilespmem:v57+s12+$0x0] =	vst.idx.msk $0xffff, v56  }
0x4f: {  	[tilespmem:$0x6040] =	vst v58  }
0x50: {  	v12 =	vld [tilespmem:$0x1FE50];
	v61 =	vadd.s32 $0x41, v43;
	v46 =	vmul.f32 v46, v42;
	v62 =	vmul.f32 v47, v40;
	[tilespmem:v60+s12+$0x0] =	vst.idx.msk $0xffff, v59  }
0x51: {  	[tilespmem:$0x6060] =	vst v61  }
0x52: {  	v14 =	vld [tilespmem:$0x1FE60];
	v4 =	vadd.s32 $0x1000, v43;
	v5 =	vmul.f32 v46, v48;
	[tilespmem:v63+s12+$0x0] =	vst.idx.msk $0xffff, v62  }
0x53: {  	[tilespmem:$0x6080] =	vst v4  }
0x54: {  	v7 =	vadd.s32 $0x1001, v43;
	v41 =	vmul.f32 v42, v41;
	v8 =	vmul.f32 v46, v40;
	[tilespmem:v6+s12+$0x0] =	vst.idx.msk $0xffff, v5  }
0x55: {  	[tilespmem:$0x60A0] =	vst v7  }
0x56: {  	v10 =	vadd.s32 $0x1040, v43;
	v11 =	vmul.f32 v41, v48;
	[tilespmem:v9+s12+$0x0] =	vst.idx.msk $0xffff, v8  }
0x57: {  	[tilespmem:$0x60C0] =	vst v10  }
0x58: {  	v13 =	vadd.s32 $0x1041, v43;
	v40 =	vmul.f32 v41, v40;
	[tilespmem:v12+s12+$0x0] =	vst.idx.msk $0xffff, v11  }
0x59: {  	[tilespmem:$0x60E0] =	vst v13  }
0x5a: {  	[tilespmem:v14+s12+$0x0] =	vst.idx.msk $0xffff, v40  }
0x5b: {  	v40 =	vld [tilespmem:$0x10]  }
0x5c: {  	v15 =	vld [tilespmem:$0x2010]  }
0x5d: {  	v16 =	vld [tilespmem:$0x4010];
	_ =	sdelay $0x3  }
0x5e: {  	v40 =	vadd.f32 $1.000000000e+00, v40  }
0x5f: {  	v41 =	vadd.f32 $1.000000000e+00, v15;
	v42 =	vadd.f32 $1.000000000e+00, v16  }
0x60: {  	v40 =	vmul.f32 $6.400000000e+01, v40  }
0x61: {  	v41 =	vmul.f32 $6.400000000e+01, v41;
	v42 =	vmul.f32 $6.400000000e+01, v42  }
0x62: {  	v40 =	vadd.f32 $-1.000000000e+00, v40  }
0x63: {  	v41 =	vadd.f32 $-1.000000000e+00, v41;
	v42 =	vadd.f32 $-1.000000000e+00, v42  }
0x64: {  	v40 =	vmul.f32 $5.000000000e-01, v40  }
0x65: {  	v41 =	vmul.f32 $5.000000000e-01, v41;
	v42 =	vmul.f32 $5.000000000e-01, v42  }
0x66: {  	v40 =	vmax.f32 v40, $0.0e+00  }
0x67: {  	v41 =	vmax.f32 v41, $0.0e+00;
	v42 =	vmax.f32 v42, $0.0e+00;
	v40 =	vmin.f32 v40, $6.300000000e+01  }
0x68: {  	v41 =	vmin.f32 v41, $6.300000000e+01;
	v42 =	vmin.f32 v42, $6.300000000e+01;
	v17 =	vtrunc.f32 v40  }
0x69: {  	v18 =	vtrunc.f32 v41;
	v19 =	vtrunc.f32 v42  }
0x6a: {  	v44 =	vcvt.f32.s32 v18;
	v45 =	vcvt.f32.s32 v19  }
0x6b: {  	v43 =	vcvt.f32.s32 v17  }
0x6c: {  	vm13 =	vlt.s32 v44, $0x3E;
	vm14 =	vlt.s32 v45, $0x3E  }
0x6d: {  	vm15 =	vlt.s32 v43, $0x3E;
	v44 =	vnsel vm13, $0x3E, v44;
	v45 =	vnsel vm14, $0x3E, v45  }
0x6e: {  	v43 =	vnsel vm15, $0x3E, v43;
	v20 =	vcvt.s32.f32 v44;
	v21 =	vcvt.s32.f32 v45  }
0x6f: {  	v22 =	vcvt.s32.f32 v43  }
0x70: {  	v26 =	vld [tilespmem:$0x1FE70];
	v41 =	vsub.f32 v41, v20;
	v42 =	vsub.f32 v42, v21  }
0x71: {  	v40 =	vsub.f32 v40, v22  }
0x72: {  	v29 =	vld [tilespmem:$0x1FE80];
	v46 =	vsub.f32 $1.000000000e+00, v41;
	v47 =	vsub.f32 $1.000000000e+00, v42;
	_ =	sdelay $0x1  }
0x73: {  	v49 =	vld [tilespmem:$0x1FE90];
	v44 =	vshll.u32 v44, $0x6;
	v48 =	vsub.f32 $1.000000000e+00, v40;
	v23 =	vmul.f32 v47, v46  }
0x74: {  	v24 =	vshll.u32 v45, $0xC;
	v43 =	vadd.s32 v43, v44  }
0x75: {  	v52 =	vld [tilespmem:$0x1FEA0];
	v43 =	vadd.s32 v24, v43;
	v25 =	vmul.f32 v23, v48  }
0x76: {  	[tilespmem:$0x6010] =	vst v43  }
0x77: {  	v55 =	vld [tilespmem:$0x1FEB0];
	v27 =	vadd.s32 $0x1, v43;
	v47 =	vmul.f32 v47, v41;
	v28 =	vmul.f32 v23, v40;
	[tilespmem:v26+s12+$0x0] =	vst.idx.msk $0xffff, v25  }
0x78: {  	[tilespmem:$0x6030] =	vst v27  }
0x79: {  	v58 =	vld [tilespmem:$0x1FEC0];
	v30 =	vadd.s32 $0x40, v43;
	v31 =	vmul.f32 v47, v48;
	[tilespmem:v29+s12+$0x0] =	vst.idx.msk $0xffff, v28  }
0x7a: {  	[tilespmem:$0x6050] =	vst v30  }
0x7b: {  	v61 =	vld [tilespmem:$0x1FED0];
	v50 =	vadd.s32 $0x41, v43;
	v46 =	vmul.f32 v46, v42;
	v51 =	vmul.f32 v47, v40;
	[tilespmem:v49+s12+$0x0] =	vst.idx.msk $0xffff, v31  }
0x7c: {  	[tilespmem:$0x6070] =	vst v50  }
0x7d: {  	v63 =	vld [tilespmem:$0x1FEE0];
	v53 =	vadd.s32 $0x1000, v43;
	v54 =	vmul.f32 v46, v48;
	[tilespmem:v52+s12+$0x0] =	vst.idx.msk $0xffff, v51  }
0x7e: {  	[tilespmem:$0x6090] =	vst v53  }
0x7f: {  	v56 =	vadd.s32 $0x1001, v43;
	v41 =	vmul.f32 v42, v41;
	v57 =	vmul.f32 v46, v40;
	[tilespmem:v55+s12+$0x0] =	vst.idx.msk $0xffff, v54  }
0x80: {  	[tilespmem:$0x60B0] =	vst v56  }
0x81: {  	v59 =	vadd.s32 $0x1040, v43;
	v60 =	vmul.f32 v41, v48;
	[tilespmem:v58+s12+$0x0] =	vst.idx.msk $0xffff, v57  }
0x82: {  	[tilespmem:$0x60D0] =	vst v59  }
0x83: {  	v62 =	vadd.s32 $0x1041, v43;
	v40 =	vmul.f32 v41, v40;
	[tilespmem:v61+s12+$0x0] =	vst.idx.msk $0xffff, v60  }
0x84: {  	[tilespmem:$0x60F0] =	vst v62  }
0x85: {  	[tilespmem:v63+s12+$0x0] =	vst.idx.msk $0xffff, v40  }
0x86: {  	[tilespmem:s15], [sflag:$0x1] =	stream.indirect.gather [hbm4b:s1+s13], $0x80, s14, s13, $0xb8;
	[tilespmem:$0x1A200] =	vst v63  }
0x87: {  	s30 =	simm.s32 $0x0  }
0x88: {  	[tilespmem:s17], [sflag:$0x1] =	stream.indirect.gather [hbm4b:s1+s13], $0x80, s16, s13, $0xb8;
	[tilespmem:$0x1A200] =	vst v63  }
.LBB2_2:
0x89: {  	s31 =	sshllo.u32 s30, $0x1  }
0x8a: {  	s0 =	sshll.u32 s31, $0x5  }
0x8b: {  	v40 =	vld [tilespmem:s0+$0x0]  }
0x8c: {  	v41 =	vld [tilespmem:s0+$0x2000]  }
0x8d: {  	v42 =	vld [tilespmem:s0+$0x4000];
	_ =	sdelay $0x3  }
0x8e: {  	v40 =	vadd.f32 $1.000000000e+00, v40  }
0x8f: {  	v41 =	vadd.f32 $1.000000000e+00, v41;
	v42 =	vadd.f32 $1.000000000e+00, v42  }
0x90: {  	v40 =	vmul.f32 $6.400000000e+01, v40  }
0x91: {  	v41 =	vmul.f32 $6.400000000e+01, v41;
	v42 =	vmul.f32 $6.400000000e+01, v42  }
0x92: {  	v40 =	vadd.f32 $-1.000000000e+00, v40  }
0x93: {  	v41 =	vadd.f32 $-1.000000000e+00, v41;
	v42 =	vadd.f32 $-1.000000000e+00, v42  }
0x94: {  	v40 =	vmul.f32 $5.000000000e-01, v40  }
0x95: {  	v41 =	vmul.f32 $5.000000000e-01, v41;
	v42 =	vmul.f32 $5.000000000e-01, v42  }
0x96: {  	v40 =	vmax.f32 v40, $0.0e+00  }
0x97: {  	v41 =	vmax.f32 v41, $0.0e+00;
	v42 =	vmax.f32 v42, $0.0e+00;
	v40 =	vmin.f32 v40, $6.300000000e+01  }
0x98: {  	v41 =	vmin.f32 v41, $6.300000000e+01;
	v42 =	vmin.f32 v42, $6.300000000e+01;
	v43 =	vtrunc.f32 v40  }
0x99: {  	v44 =	vtrunc.f32 v41;
	v45 =	vtrunc.f32 v42  }
0x9a: {  	v44 =	vcvt.f32.s32 v44;
	v45 =	vcvt.f32.s32 v45  }
0x9b: {  	v43 =	vcvt.f32.s32 v43  }
0x9c: {  	vm0 =	vlt.s32 v44, $0x3E;
	vm1 =	vlt.s32 v45, $0x3E  }
0x9d: {  	vm12 =	vlt.s32 v43, $0x3E;
	v44 =	vnsel vm0, $0x3E, v44;
	v45 =	vnsel vm1, $0x3E, v45  }
0x9e: {  	v43 =	vnsel vm12, $0x3E, v43;
	v46 =	vcvt.s32.f32 v44;
	v47 =	vcvt.s32.f32 v45  }
0x9f: {  	v48 =	vcvt.s32.f32 v43  }
0xa0: {  	v0 =	vld [tilespmem:$0x1FEF0];
	v41 =	vsub.f32 v41, v46;
	v42 =	vsub.f32 v42, v47  }
0xa1: {  	v40 =	vsub.f32 v40, v48  }
0xa2: {  	v17 =	vld [tilespmem:$0x1FF00];
	v46 =	vsub.f32 $1.000000000e+00, v41;
	v47 =	vsub.f32 $1.000000000e+00, v42;
	_ =	sdelay $0x1  }
0xa3: {  	v20 =	vld [tilespmem:$0x1FF10];
	v44 =	vshll.u32 v44, $0x6;
	v48 =	vsub.f32 $1.000000000e+00, v40;
	v49 =	vmul.f32 v47, v46  }
0xa4: {  	v45 =	vshll.u32 v45, $0xC;
	v43 =	vadd.s32 v43, v44  }
0xa5: {  	v23 =	vld [tilespmem:$0x1FF20];
	v43 =	vadd.s32 v45, v43;
	v14 =	vmul.f32 v49, v48  }
0xa6: {  	[tilespmem:$0x6100] =	vst v43  }
0xa7: {  	v26 =	vld [tilespmem:$0x1FF30];
	v15 =	vadd.s32 $0x1, v43;
	v47 =	vmul.f32 v47, v41;
	v16 =	vmul.f32 v49, v40;
	[tilespmem:v0+s12+$0x0] =	vst.idx.msk $0xffff, v14  }
0xa8: {  	v46 =	vmul.f32 v46, v42;
	[tilespmem:$0x6120] =	vst v15  }
0xa9: {  	v29 =	vld [tilespmem:$0x1FF40];
	v18 =	vadd.s32 $0x40, v43;
	v41 =	vmul.f32 v42, v41;
	v19 =	vmul.f32 v47, v48;
	[tilespmem:v17+s12+$0x0] =	vst.idx.msk $0xffff, v16  }
0xaa: {  	v22 =	vmul.f32 v47, v40;
	[tilespmem:$0x6140] =	vst v18  }
0xab: {  	v21 =	vadd.s32 $0x41, v43;
	v25 =	vmul.f32 v46, v48;
	v31 =	vmul.f32 v41, v48;
	v48 =	vld [tilespmem:$0x1FF50];
	[tilespmem:v20+s12+$0x0] =	vst.idx.msk $0xffff, v19  }
0xac: {  	[tilespmem:$0x6160] =	vst v21  }
0xad: {  	v50 =	vld [tilespmem:$0x1FF60];
	v24 =	vadd.s32 $0x1000, v43;
	[tilespmem:v23+s12+$0x0] =	vst.idx.msk $0xffff, v22  }
0xae: {  	[tilespmem:$0x6180] =	vst v24  }
0xaf: {  	v27 =	vadd.s32 $0x1001, v43;
	v28 =	vmul.f32 v46, v40;
	[tilespmem:v26+s12+$0x0] =	vst.idx.msk $0xffff, v25  }
0xb0: {  	[tilespmem:$0x61A0] =	vst v27  }
0xb1: {  	v30 =	vadd.s32 $0x1040, v43;
	[tilespmem:v29+s12+$0x0] =	vst.idx.msk $0xffff, v28  }
0xb2: {  	[tilespmem:$0x61C0] =	vst v30  }
0xb3: {  	v49 =	vadd.s32 $0x1041, v43;
	v40 =	vmul.f32 v41, v40;
	[tilespmem:v48+s12+$0x0] =	vst.idx.msk $0xffff, v31  }
0xb4: {  	[tilespmem:$0x61E0] =	vst v49  }
0xb5: {  	[tilespmem:v50+s12+$0x0] =	vst.idx.msk $0xffff, v40  }
0xb6: {  	v40 =	vld [tilespmem:s0+$0x10]  }
0xb7: {  	v51 =	vld [tilespmem:s0+$0x2010]  }
0xb8: {  	v42 =	vld [tilespmem:s0+$0x4010];
	_ =	sdelay $0x3  }
0xb9: {  	v40 =	vadd.f32 $1.000000000e+00, v40  }
0xba: {  	v41 =	vadd.f32 $1.000000000e+00, v51;
	v42 =	vadd.f32 $1.000000000e+00, v42  }
0xbb: {  	v40 =	vmul.f32 $6.400000000e+01, v40  }
0xbc: {  	v41 =	vmul.f32 $6.400000000e+01, v41;
	v42 =	vmul.f32 $6.400000000e+01, v42  }
0xbd: {  	v40 =	vadd.f32 $-1.000000000e+00, v40  }
0xbe: {  	v41 =	vadd.f32 $-1.000000000e+00, v41;
	v42 =	vadd.f32 $-1.000000000e+00, v42  }
0xbf: {  	v40 =	vmul.f32 $5.000000000e-01, v40  }
0xc0: {  	v41 =	vmul.f32 $5.000000000e-01, v41;
	v42 =	vmul.f32 $5.000000000e-01, v42  }
0xc1: {  	v40 =	vmax.f32 v40, $0.0e+00  }
0xc2: {  	v41 =	vmax.f32 v41, $0.0e+00;
	v42 =	vmax.f32 v42, $0.0e+00;
	v40 =	vmin.f32 v40, $6.300000000e+01  }
0xc3: {  	v41 =	vmin.f32 v41, $6.300000000e+01;
	v42 =	vmin.f32 v42, $6.300000000e+01;
	v52 =	vtrunc.f32 v40  }
0xc4: {  	v53 =	vtrunc.f32 v41;
	v54 =	vtrunc.f32 v42  }
0xc5: {  	v44 =	vcvt.f32.s32 v53;
	v45 =	vcvt.f32.s32 v54  }
0xc6: {  	v43 =	vcvt.f32.s32 v52  }
0xc7: {  	vm13 =	vlt.s32 v44, $0x3E;
	vm14 =	vlt.s32 v45, $0x3E  }
0xc8: {  	vm15 =	vlt.s32 v43, $0x3E;
	v44 =	vnsel vm13, $0x3E, v44;
	v45 =	vnsel vm14, $0x3E, v45  }
0xc9: {  	v43 =	vnsel vm15, $0x3E, v43;
	v55 =	vcvt.s32.f32 v44;
	v56 =	vcvt.s32.f32 v45  }
0xca: {  	v57 =	vcvt.s32.f32 v43  }
0xcb: {  	v60 =	vld [tilespmem:$0x1FF70];
	v41 =	vsub.f32 v41, v55;
	v42 =	vsub.f32 v42, v56  }
0xcc: {  	v40 =	vsub.f32 v40, v57  }
0xcd: {  	v63 =	vld [tilespmem:$0x1FF80];
	v46 =	vsub.f32 $1.000000000e+00, v41;
	v47 =	vsub.f32 $1.000000000e+00, v42;
	_ =	sdelay $0x1  }
0xce: {  	v6 =	vld [tilespmem:$0x1FF90];
	v44 =	vshll.u32 v44, $0x6;
	v48 =	vsub.f32 $1.000000000e+00, v40;
	v58 =	vmul.f32 v47, v46  }
0xcf: {  	v45 =	vshll.u32 v45, $0xC;
	v43 =	vadd.s32 v43, v44  }
0xd0: {  	v9 =	vld [tilespmem:$0x1FFA0];
	v43 =	vadd.s32 v45, v43;
	v59 =	vmul.f32 v58, v48  }
0xd1: {  	[tilespmem:$0x6110] =	vst v43  }
0xd2: {  	v12 =	vld [tilespmem:$0x1FFB0];
	v61 =	vadd.s32 $0x1, v43;
	v47 =	vmul.f32 v47, v41;
	v62 =	vmul.f32 v58, v40;
	[tilespmem:v60+s12+$0x0] =	vst.idx.msk $0xffff, v59  }
0xd3: {  	[tilespmem:$0x6130] =	vst v61  }
0xd4: {  	v15 =	vld [tilespmem:$0x1FFC0];
	v4 =	vadd.s32 $0x40, v43;
	v5 =	vmul.f32 v47, v48;
	[tilespmem:v63+s12+$0x0] =	vst.idx.msk $0xffff, v62  }
0xd5: {  	[tilespmem:$0x6150] =	vst v4  }
0xd6: {  	v18 =	vld [tilespmem:$0x1FFD0];
	v7 =	vadd.s32 $0x41, v43;
	v46 =	vmul.f32 v46, v42;
	v8 =	vmul.f32 v47, v40;
	[tilespmem:v6+s12+$0x0] =	vst.idx.msk $0xffff, v5  }
0xd7: {  	[tilespmem:$0x6170] =	vst v7  }
0xd8: {  	v20 =	vld [tilespmem:$0x1FFF0];
	v10 =	vadd.s32 $0x1000, v43;
	v11 =	vmul.f32 v46, v48;
	[tilespmem:v9+s12+$0x0] =	vst.idx.msk $0xffff, v8  }
0xd9: {  	[tilespmem:$0x6190] =	vst v10  }
0xda: {  	v13 =	vadd.s32 $0x1001, v43;
	v41 =	vmul.f32 v42, v41;
	v14 =	vmul.f32 v46, v40;
	[tilespmem:v12+s12+$0x0] =	vst.idx.msk $0xffff, v11  }
0xdb: {  	[tilespmem:$0x61B0] =	vst v13  }
0xdc: {  	v16 =	vadd.s32 $0x1040, v43;
	v17 =	vmul.f32 v41, v48;
	[tilespmem:v15+s12+$0x0] =	vst.idx.msk $0xffff, v14  }
0xdd: {  	[tilespmem:$0x61D0] =	vst v16  }
0xde: {  	v19 =	vadd.s32 $0x1041, v43;
	v40 =	vmul.f32 v41, v40;
	[tilespmem:v18+s12+$0x0] =	vst.idx.msk $0xffff, v17  }
0xdf: {  	[tilespmem:$0x61F0] =	vst v19  }
0xe0: {  	[tilespmem:v20+s12+$0x0] =	vst.idx.msk $0xffff, v40  }
0xe1: {  	[tilespmem:s19], [sflag:$0x2] =	stream.indirect.gather [hbm4b:s1+s13], $0x80, s18, s13, $0xb8;
	[tilespmem:$0x1A200] =	vst v63  }
0xe2: {  	_ = 	snop  }
0xe3: {  	[tilespmem:s21], [sflag:$0x2] =	stream.indirect.gather [hbm4b:s1+s13], $0x80, s20, s13, $0xb8;
	[tilespmem:$0x1A200] =	vst v63  }
0xe4: {  	_ =	swait.ge [sflag:s22], $0x4000  }
0xe5: {  	[sflag:s22] =	ssyncset.done $0x0  }
0xe6: {  	[sflag:s22] =	ssyncadd.s32 $0xFFFFC000  }
0xe7: {  	_ =	swait.ge [sflag:s22], $0x4000  }
0xe8: {  	p0 =	seq.s32 s30, $0x0;
	[sflag:s22] =	ssyncset.done $0x0  }
0xe9: {  	s0 =	simm.s32 @!p0 $0x3;
	[sflag:s22] =	ssyncadd.s32 $0xFFFFC000  }
0xea: {  	_ =	swait.ge @!p0 [sflag:s0], $0x1000  }
0xeb: {  	[sflag:s0] =	ssyncset.done @!p0 $0x0  }
0xec: {  	s2 =	simm.s32 $0x0;
	[sflag:s0] =	ssyncadd.s32 @!p0 $0xFFFFF000  }
0xed: {  	v21 =	vld [tilespmem:s2+$0x6280]  }
0xee: {  	v22 =	vld [tilespmem:s2+$0x82F0]  }
0xef: {  	v23 =	vld [tilespmem:s2+$0x92F0]  }
0xf0: {  	v42 =	vld [tilespmem:s2+$0x6200]  }
0xf1: {  	v24 =	vld [tilespmem:s2+$0xA2F0]  }
0xf2: {  	v49 =	vld [tilespmem:s2+$0x8200]  }
0xf3: {  	v50 =	vld [tilespmem:s2+$0xB2F0]  }
0xf4: {  	v51 =	vld [tilespmem:s2+$0x9200]  }
0xf5: {  	v52 =	vld [tilespmem:s2+$0xC2F0]  }
0xf6: {  	v53 =	vld [tilespmem:s2+$0x8210]  }
0xf7: {  	v54 =	vld [tilespmem:s2+$0xD2F0]  }
0xf8: {  	v55 =	vld [tilespmem:s2+$0x9210]  }
0xf9: {  	v56 =	vld [tilespmem:s2+$0xE2F0]  }
0xfa: {  	v57 =	vld [tilespmem:s2+$0x8220]  }
0xfb: {  	v58 =	vld [tilespmem:s2+$0xF2F0]  }
0xfc: {  	v59 =	vld [tilespmem:s2+$0x9220]  }
0xfd: {  	v60 =	vld [tilespmem:s2+$0x8230]  }
0xfe: {  	v61 =	vld [tilespmem:s2+$0x8240]  }
0xff: {  	v62 =	vld [tilespmem:s2+$0x8250]  }
0x100: {  	v63 =	vld [tilespmem:s2+$0x8260]  }
0x101: {  	v1 =	vld [tilespmem:s2+$0x8270]  }
0x102: {  	v2 =	vld [tilespmem:s2+$0x8280]  }
0x103: {  	v3 =	vld [tilespmem:s2+$0x9280]  }
0x104: {  	v4 =	vld [tilespmem:s2+$0x8290]  }
0x105: {  	v5 =	vld [tilespmem:s2+$0x9290]  }
0x106: {  	v6 =	vld [tilespmem:s2+$0x82A0]  }
0x107: {  	v7 =	vld [tilespmem:s2+$0x92A0]  }
0x108: {  	v8 =	vld [tilespmem:s2+$0x82B0]  }
0x109: {  	v9 =	vld [tilespmem:s2+$0x92B0]  }
0x10a: {  	v10 =	vld [tilespmem:s2+$0x82C0]  }
0x10b: {  	v11 =	vld [tilespmem:s2+$0x92C0]  }
0x10c: {  	v12 =	vld [tilespmem:s2+$0x82D0]  }
0x10d: {  	v13 =	vld [tilespmem:s2+$0x92D0]  }
0x10e: {  	v14 =	vld [tilespmem:s2+$0x82E0];
	v47 =	vperm.xlane v21, v32;
	v48 =	vperm.xlane v21, v33  }
0x10f: {  	v15 =	vld [tilespmem:s2+$0x92E0];
	v46 =	vperm.xlane v21, v34  }
0x110: {  	v0 =	vld [tilespmem:s2+$0xA200];
	v41 =	vmul.f32 v22, v47;
	v43 =	vmul.f32 v23, v48  }
0x111: {  	v16 =	vld [tilespmem:s2+$0xA210]  }
0x112: {  	v17 =	vld [tilespmem:s2+$0xA220];
	v45 =	vperm.xlane v21, v35;
	v25 =	vmul.f32 v24, v46;
	v41 =	vadd.f32 v43, v41  }
0x113: {  	v18 =	vld [tilespmem:s2+$0xA230];
	v44 =	vperm.xlane v21, v36  }
0x114: {  	v19 =	vld [tilespmem:s2+$0xA240];
	v40 =	vperm.xlane v21, v39;
	v50 =	vmul.f32 v50, v45;
	v41 =	vadd.f32 v25, v41  }
0x115: {  	v20 =	vld [tilespmem:s2+$0xA250];
	v52 =	vmul.f32 v52, v44  }
0x116: {  	v28 =	vmul.f32 v58, v40;
	v58 =	vld [tilespmem:s2+$0x9250];
	v43 =	vperm.xlane v21, v37;
	v50 =	vadd.f32 v50, v41  }
0x117: {  	v22 =	vld [tilespmem:s2+$0xA270]  }
0x118: {  	v23 =	vld [tilespmem:s2+$0xA280];
	v26 =	vmul.f32 v54, v43;
	v41 =	vperm.xlane v21, v38;
	v50 =	vadd.f32 v52, v50  }
0x119: {  	v24 =	vld [tilespmem:s2+$0xA290]  }
0x11a: {  	v54 =	vld [tilespmem:s2+$0x9230];
	v27 =	vmul.f32 v56, v41;
	v50 =	vadd.f32 v26, v50  }
0x11b: {  	v25 =	vld [tilespmem:s2+$0xA2A0]  }
0x11c: {  	v50 =	vadd.f32 v27, v50;
	v27 =	vld [tilespmem:s2+$0xA2C0]  }
0x11d: {  	v21 =	vld [tilespmem:s2+$0xA260]  }
0x11e: {  	v56 =	vld [tilespmem:s2+$0x9240];
	v50 =	vadd.f32 v28, v50  }
0x11f: {  	v52 =	vld [tilespmem:s2+$0x9260]  }
0x120: {  	v26 =	vld [tilespmem:s2+$0xA2B0];
	[tilespmem:s2+$0x182F0] =	vst v50  }
0x121: {  	v50 =	vld [tilespmem:s2+$0x9270];
	[tilespmem:$0x1FDC0] =	vst v27  }
0x122: {  	v27 =	vld [tilespmem:s2+$0xA2D0];
	_ =	sdelay $0x4  }
0x123: {  	[tilespmem:$0x1FDD0] =	vst v27  }
0x124: {  	v27 =	vld [tilespmem:s2+$0xB200];
	_ =	sdelay $0x3  }
0x125: {  	v30 =	vperm.xlane v42, v33  }
0x126: {  	v31 =	vld [tilespmem:s2+$0xA2E0];
	[tilespmem:$0x1FDE0] =	vst v27  }
0x127: {  	v51 =	vmul.f32 v51, v30;
	v29 =	vld [tilespmem:s2+$0xB220]  }
0x128: {  	v55 =	vmul.f32 v55, v30;
	v2 =	vmul.f32 v2, v47  }
0x129: {  	v3 =	vmul.f32 v3, v48;
	v28 =	vperm.xlane v42, v32  }
0x12a: {  	v4 =	vmul.f32 v4, v47;
	v5 =	vmul.f32 v5, v48  }
0x12b: {  	v58 =	vmul.f32 v58, v30;
	v49 =	vmul.f32 v49, v28  }
0x12c: {  	v54 =	vmul.f32 v54, v30;
	v57 =	vmul.f32 v57, v28;
	v27 =	vld [tilespmem:s2+$0xB210];
	[tilespmem:$0x1FDF0] =	vst v29  }
0x12d: {  	v49 =	vadd.f32 v51, v49;
	v51 =	vmul.f32 v59, v30;
	v59 =	vmul.f32 v60, v28;
	v60 =	vld [tilespmem:s2+$0xB230]  }
0x12e: {  	v56 =	vmul.f32 v56, v30;
	v29 =	vmul.f32 v61, v28;
	v61 =	vld [tilespmem:s2+$0xB240]  }
0x12f: {  	v52 =	vmul.f32 v52, v30;
	v51 =	vadd.f32 v51, v57;
	v57 =	vmul.f32 v62, v28;
	v62 =	vld [tilespmem:s2+$0xB250]  }
0x130: {  	v53 =	vmul.f32 v53, v28;
	v54 =	vadd.f32 v54, v59;
	v59 =	vmul.f32 v63, v28;
	v63 =	vld [tilespmem:s2+$0xB260]  }
0x131: {  	v1 =	vmul.f32 v1, v28;
	v30 =	vmul.f32 v50, v30;
	v28 =	vld [tilespmem:s2+$0xB270]  }
0x132: {  	v2 =	vadd.f32 v3, v2;
	v3 =	vmul.f32 v6, v47;
	v6 =	vmul.f32 v7, v48;
	v50 =	vld [tilespmem:s2+$0xB280]  }
0x133: {  	v4 =	vadd.f32 v5, v4;
	v24 =	vmul.f32 v24, v46;
	v1 =	vadd.f32 v30, v1;
	v30 =	vld [tilespmem:s2+$0xB2A0]  }
0x134: {  	v3 =	vadd.f32 v6, v3;
	v7 =	vld [tilespmem:s2+$0xB2B0]  }
0x135: {  	v6 =	vmul.f32 v10, v47;
	v10 =	vmul.f32 v11, v48;
	v4 =	vadd.f32 v24, v4;
	v11 =	vld [tilespmem:s2+$0xB2D0]  }
0x136: {  	v53 =	vadd.f32 v55, v53;
	v52 =	vadd.f32 v52, v59;
	v59 =	vmul.f32 v8, v47;
	v24 =	vld [tilespmem:s2+$0xC280]  }
0x137: {  	v55 =	vadd.f32 v56, v29;
	v56 =	vadd.f32 v58, v57;
	v58 =	vld [tilespmem:s2+$0xB290];
	v29 =	vmul.f32 v9, v48  }
0x138: {  	v57 =	vperm.xlane v42, v34;
	v9 =	vld [tilespmem:s2+$0xB2C0]  }
0x139: {  	v5 =	vadd.f32 v29, v59;
	v59 =	vmul.f32 v12, v47;
	v29 =	vmul.f32 v13, v48;
	v13 =	vld [tilespmem:s2+$0xB2E0]  }
0x13a: {  	v47 =	vmul.f32 v14, v47;
	v48 =	vmul.f32 v15, v48;
	v15 =	vld [tilespmem:s2+$0xC200]  }
0x13b: {  	v6 =	vadd.f32 v10, v6;
	v8 =	vadd.f32 v29, v59;
	v59 =	vmul.f32 v16, v57;
	v16 =	vld [tilespmem:s2+$0xC210]  }
0x13c: {  	v0 =	vmul.f32 v0, v57;
	v10 =	vadd.f32 v48, v47;
	v48 =	vmul.f32 v18, v57;
	v18 =	vld [tilespmem:s2+$0xC220]  }
0x13d: {  	v19 =	vmul.f32 v19, v57;
	v47 =	vld [tilespmem:s2+$0xC230]  }
0x13e: {  	v20 =	vmul.f32 v20, v57;
	v0 =	vadd.f32 v0, v49;
	v49 =	vld [tilespmem:s2+$0xC250]  }
0x13f: {  	v19 =	vadd.f32 v19, v55;
	v55 =	vld [tilespmem:$0x1FDC0]  }
0x140: {  	v21 =	vmul.f32 v21, v57;
	v20 =	vadd.f32 v20, v56;
	v56 =	vld [tilespmem:$0x1FDD0]  }
0x141: {  	v22 =	vmul.f32 v22, v57;
	v29 =	vmul.f32 v17, v57;
	v57 =	vld [tilespmem:$0x1FDE0]  }
0x142: {  	v21 =	vadd.f32 v21, v52;
	v52 =	vld [tilespmem:s2+$0xC2B0]  }
0x143: {  	v17 =	vadd.f32 v48, v54;
	v48 =	vld [tilespmem:s2+$0xC240]  }
0x144: {  	v23 =	vmul.f32 v23, v46;
	v31 =	vmul.f32 v31, v46;
	v14 =	vadd.f32 v29, v51;
	v51 =	vld [tilespmem:s2+$0xC260]  }
0x145: {  	v7 =	vmul.f32 v7, v45;
	v12 =	vadd.f32 v59, v53;
	v53 =	vmul.f32 v25, v46;
	v25 =	vld [tilespmem:s2+$0xC270]  }
0x146: {  	v2 =	vadd.f32 v23, v2;
	v54 =	vmul.f32 v26, v46;
	v26 =	vperm.xlane v42, v35;
	v29 =	vld [tilespmem:s2+$0xC290]  }
0x147: {  	v1 =	vadd.f32 v22, v1;
	v24 =	vmul.f32 v24, v44;
	v58 =	vmul.f32 v58, v45;
	v59 =	vld [tilespmem:$0x1FDF0]  }
0x148: {  	v9 =	vmul.f32 v9, v45;
	v10 =	vadd.f32 v31, v10;
	v31 =	vld [tilespmem:s2+$0xC2C0];
	v27 =	vmul.f32 v27, v26  }
0x149: {  	v5 =	vadd.f32 v54, v5;
	v60 =	vmul.f32 v60, v26;
	v61 =	vmul.f32 v61, v26;
	v54 =	vld [tilespmem:s2+$0xC2E0]  }
0x14a: {  	v4 =	vadd.f32 v58, v4;
	v22 =	vmul.f32 v55, v46;
	v23 =	vmul.f32 v56, v46;
	v46 =	vld [tilespmem:s2+$0xC2A0]  }
0x14b: {  	v62 =	vmul.f32 v62, v26;
	v58 =	vmul.f32 v52, v44;
	v52 =	vld [tilespmem:s2+$0xE240];
	v12 =	vadd.f32 v27, v12  }
0x14c: {  	v56 =	vmul.f32 v63, v26;
	v27 =	vld [tilespmem:s2+$0xC2D0];
	v17 =	vadd.f32 v60, v17;
	v19 =	vadd.f32 v61, v19  }
0x14d: {  	v20 =	vadd.f32 v62, v20;
	v60 =	vperm.xlane v42, v36;
	v61 =	vmul.f32 v11, v45;
	v11 =	vld [tilespmem:s2+$0xD250]  }
0x14e: {  	v62 =	vmul.f32 v13, v45;
	v13 =	vld [tilespmem:s2+$0xD280];
	v6 =	vadd.f32 v22, v6;
	v22 =	vmul.f32 v57, v26  }
0x14f: {  	v8 =	vadd.f32 v23, v8;
	v23 =	vmul.f32 v59, v26;
	v26 =	vmul.f32 v28, v26;
	v28 =	vld [tilespmem:s2+$0xD200]  }
0x150: {  	v5 =	vadd.f32 v7, v5;
	v57 =	vmul.f32 v50, v45;
	v50 =	vld [tilespmem:s2+$0xD210];
	v59 =	vmul.f32 v30, v45  }
0x151: {  	v21 =	vadd.f32 v56, v21;
	v30 =	vld [tilespmem:s2+$0xD230];
	v56 =	vmul.f32 v29, v44;
	v63 =	vmul.f32 v15, v60  }
0x152: {  	v3 =	vadd.f32 v53, v3;
	v29 =	vld [tilespmem:s2+$0xE210];
	v45 =	vmul.f32 v18, v60;
	v47 =	vmul.f32 v47, v60  }
0x153: {  	v15 =	vld [tilespmem:s2+$0xD260];
	v48 =	vmul.f32 v48, v60;
	v5 =	vadd.f32 v58, v5;
	v0 =	vadd.f32 v22, v0  }
0x154: {  	v18 =	vld [tilespmem:s2+$0xD270];
	v49 =	vmul.f32 v49, v60;
	v14 =	vadd.f32 v23, v14;
	v1 =	vadd.f32 v26, v1  }
0x155: {  	v53 =	vmul.f32 v25, v60;
	v25 =	vld [tilespmem:s2+$0xD2B0];
	v2 =	vadd.f32 v57, v2;
	v3 =	vadd.f32 v59, v3  }
0x156: {  	v51 =	vmul.f32 v51, v60;
	v58 =	vld [tilespmem:s2+$0xE290];
	v6 =	vadd.f32 v9, v6;
	v7 =	vadd.f32 v61, v8  }
0x157: {  	v26 =	vld [tilespmem:s2+$0xD220];
	v23 =	vmul.f32 v16, v60;
	v9 =	vadd.f32 v62, v10;
	v4 =	vadd.f32 v56, v4  }
0x158: {  	v22 =	vld [tilespmem:s2+$0xD240];
	v59 =	vmul.f32 v31, v44;
	v10 =	vadd.f32 v47, v17;
	v17 =	vadd.f32 v49, v20  }
0x159: {  	v16 =	vld [tilespmem:s2+$0xD290];
	v60 =	vperm.xlane v42, v37;
	v55 =	vadd.f32 v51, v21;
	v0 =	vadd.f32 v63, v0  }
0x15a: {  	v31 =	vld [tilespmem:s2+$0xD2E0];
	v62 =	vmul.f32 v54, v44;
	v8 =	vadd.f32 v23, v12;
	v12 =	vadd.f32 v45, v14  }
0x15b: {  	v54 =	vld [tilespmem:s2+$0xE260];
	v57 =	vmul.f32 v46, v44;
	v14 =	vadd.f32 v48, v19;
	v1 =	vadd.f32 v53, v1  }
0x15c: {  	v56 =	vld [tilespmem:s2+$0xE280];
	v2 =	vadd.f32 v24, v2;
	v61 =	vmul.f32 v27, v44;
	v6 =	vadd.f32 v59, v6  }
0x15d: {  	v46 =	vld [tilespmem:s2+$0xE270];
	v9 =	vadd.f32 v62, v9;
	v11 =	vmul.f32 v11, v60;
	v13 =	vmul.f32 v13, v43  }
0x15e: {  	v45 =	vld [tilespmem:s2+$0xD2A0];
	v59 =	vperm.xlane v42, v38;
	v3 =	vadd.f32 v57, v3;
	v28 =	vmul.f32 v28, v60  }
0x15f: {  	v23 =	vld [tilespmem:s2+$0xD2C0];
	v63 =	vmul.f32 v50, v60;
	v49 =	vmul.f32 v30, v60;
	v7 =	vadd.f32 v61, v7  }
0x160: {  	v24 =	vld [tilespmem:s2+$0xD2D0];
	v15 =	vmul.f32 v15, v60;
	v18 =	vmul.f32 v18, v60;
	v11 =	vadd.f32 v11, v17  }
0x161: {  	v27 =	vld [tilespmem:s2+$0xE200];
	v2 =	vadd.f32 v13, v2;
	v57 =	vmul.f32 v25, v43;
	v48 =	vmul.f32 v26, v60  }
0x162: {  	v44 =	vld [tilespmem:s2+$0xE220];
	v0 =	vadd.f32 v28, v0;
	v8 =	vadd.f32 v63, v8;
	v51 =	vmul.f32 v22, v60  }
0x163: {  	v53 =	vld [tilespmem:s2+$0xE250];
	v10 =	vadd.f32 v49, v10;
	v16 =	vmul.f32 v16, v43;
	v26 =	vperm.xlane v42, v39  }
0x164: {  	v50 =	vld [tilespmem:s2+$0xE230];
	v47 =	vmul.f32 v31, v43;
	v19 =	vmul.f32 v54, v59;
	v15 =	vadd.f32 v15, v55  }
0x165: {  	v61 =	vld [tilespmem:s2+$0xE2A0];
	v56 =	vmul.f32 v56, v41;
	v1 =	vadd.f32 v18, v1;
	v5 =	vadd.f32 v57, v5  }
0x166: {  	v63 =	vld [tilespmem:s2+$0xE2B0];
	v12 =	vadd.f32 v48, v12;
	v55 =	vmul.f32 v45, v43;
	v60 =	vmul.f32 v23, v43  }
0x167: {  	v28 =	vld [tilespmem:s2+$0xE2C0];
	v14 =	vadd.f32 v51, v14;
	v62 =	vmul.f32 v24, v43;
	v27 =	vmul.f32 v27, v59  }
0x168: {  	v31 =	vld [tilespmem:s2+$0xE2D0];
	v4 =	vadd.f32 v16, v4;
	v48 =	vmul.f32 v29, v59;
	v49 =	vmul.f32 v44, v59  }
0x169: {  	v54 =	vld [tilespmem:s2+$0xF210];
	v9 =	vadd.f32 v47, v9;
	v51 =	vmul.f32 v52, v59;
	v15 =	vadd.f32 v19, v15  }
0x16a: {  	v57 =	vld [tilespmem:s2+$0xF220];
	v53 =	vmul.f32 v53, v59;
	v3 =	vadd.f32 v55, v3;
	v6 =	vadd.f32 v60, v6  }
0x16b: {  	v52 =	vld [tilespmem:s2+$0xF200];
	v16 =	vmul.f32 v58, v41;
	v7 =	vadd.f32 v62, v7;
	v0 =	vadd.f32 v27, v0  }
0x16c: {  	v58 =	vld [tilespmem:s2+$0xF230];
	v50 =	vmul.f32 v50, v59;
	v8 =	vadd.f32 v48, v8;
	v12 =	vadd.f32 v49, v12  }
0x16d: {  	v24 =	vld [tilespmem:s2+$0xF260];
	v13 =	vadd.f32 v51, v14;
	v55 =	vmul.f32 v46, v59;
	v11 =	vadd.f32 v53, v11  }
0x16e: {  	v46 =	vadd.f32 v56, v2;
	v59 =	vmul.f32 v61, v41;
	v60 =	vld [tilespmem:s2+$0xF240];
	v61 =	vmul.f32 v63, v41  }
0x16f: {  	v43 =	vadd.f32 v16, v4;
	v63 =	vld [tilespmem:s2+$0xF250];
	v22 =	vmul.f32 v28, v41;
	v23 =	vmul.f32 v54, v26  }
0x170: {  	v27 =	vld [tilespmem:s2+$0xE2E0];
	v10 =	vadd.f32 v50, v10;
	v29 =	vmul.f32 v31, v41;
	v25 =	vmul.f32 v57, v26  }
0x171: {  	v28 =	vld [tilespmem:s2+$0xF270];
	v44 =	vadd.f32 v59, v3;
	v62 =	vmul.f32 v52, v26;
	v3 =	vadd.f32 v23, v8  }
0x172: {  	v31 =	vld [tilespmem:s2+$0xF280];
	v48 =	vadd.f32 v55, v1;
	v30 =	vmul.f32 v58, v26;
	v57 =	vadd.f32 v25, v12  }
0x173: {  	v51 =	vld [tilespmem:s2+$0xF290];
	v45 =	vadd.f32 v61, v5;
	v0 =	vadd.f32 v62, v0;
	v58 =	vmul.f32 v60, v26;
	[tilespmem:s2+$0x18210] =	vst v3  }
0x174: {  	v50 =	vld [tilespmem:s2+$0xF2A0];
	v47 =	vadd.f32 v22, v6;
	v60 =	vadd.f32 v30, v10;
	v61 =	vmul.f32 v63, v26;
	[tilespmem:s2+$0x18220] =	vst v57  }
0x175: {  	v52 =	vld [tilespmem:s2+$0xF2B0];
	v59 =	vmul.f32 v27, v41;
	v63 =	vmul.f32 v24, v26;
	[tilespmem:s2+$0x18200] =	vst v0;
	v62 =	vadd.f32 v58, v13  }
0x176: {  	v42 =	vadd.f32 v29, v7;
	v41 =	vld [tilespmem:s2+$0xF2C0];
	v57 =	vmul.f32 v28, v26;
	[tilespmem:s2+$0x18230] =	vst v60;
	v56 =	vadd.f32 v61, v11  }
0x177: {  	s10 =	simm.s32 $0x400;
	s0 =	simm.s32 $0x0;
	v53 =	vld [tilespmem:s2+$0xF2D0];
	v55 =	vmul.f32 v31, v40;
	v49 =	vadd.f32 v59, v9;
	v54 =	vadd.f32 v63, v15;
	[tilespmem:s2+$0x18240] =	vst v62  }
.LBB2_3:
0x178: {  	s11 =	sshra.s32 s10, $0x2;
	s0 =	sadd.s32 $0x2, s0;
	[tilespmem:s2+$0x18250] =	vst v56;
	v0 =	vadd.f32 v57, v48;
	v1 =	vmul.f32 v51, v40;
	v2 =	vld [tilespmem:s2+$0xF2E0]  }
0x179: {  	v3 =	vld [tilespmem:s11+$0x6280];
	p1 =	slt.u32 s0, $0x1E;
	[tilespmem:s2+$0x18260] =	vst v54;
	v4 =	vadd.f32 v55, v46;
	v5 =	vmul.f32 v50, v40  }
0x17a: {  	v6 =	vld [tilespmem:s11+$0x82F0];
	[tilespmem:s2+$0x18270] =	vst v0;
	v0 =	vadd.f32 v1, v43;
	v1 =	vmul.f32 v52, v40  }
0x17b: {  	v7 =	vld [tilespmem:s11+$0x92F0];
	[tilespmem:s2+$0x18280] =	vst v4;
	v4 =	vadd.f32 v5, v44;
	v5 =	vmul.f32 v41, v40  }
0x17c: {  	v8 =	vld [tilespmem:s11+$0x6200];
	[tilespmem:s2+$0x18290] =	vst v0;
	v0 =	vadd.f32 v1, v45;
	v1 =	vmul.f32 v53, v40  }
0x17d: {  	v9 =	vld [tilespmem:s11+$0xA2F0];
	[tilespmem:s2+$0x182A0] =	vst v4;
	v4 =	vadd.f32 v5, v47;
	v2 =	vmul.f32 v2, v40  }
0x17e: {  	v5 =	vld [tilespmem:s11+$0x8200];
	v53 =	vperm.xlane v3, v32;
	v52 =	vperm.xlane v3, v33;
	[tilespmem:s2+$0x182B0] =	vst v0;
	v0 =	vadd.f32 v1, v42  }
0x17f: {  	v50 =	vperm.xlane v3, v34;
	v1 =	vld [tilespmem:s11+$0xB2F0];
	[tilespmem:s2+$0x182C0] =	vst v4;
	v2 =	vadd.f32 v2, v49  }
0x180: {  	v4 =	vld [tilespmem:s11+$0x9200];
	v6 =	vmul.f32 v6, v53;
	v7 =	vmul.f32 v7, v52;
	[tilespmem:s2+$0x182D0] =	vst v0  }
0x181: {  	v0 =	vperm.xlane v8, v32;
	v10 =	vperm.xlane v8, v33;
	v11 =	vld [tilespmem:s11+$0xC2F0];
	[tilespmem:s2+$0x182E0] =	vst v2;
	s2 =	smov.u32 s11  }
0x182: {  	v48 =	vperm.xlane v3, v35;
	v2 =	vld [tilespmem:s2+$0x8210];
	v6 =	vadd.f32 v7, v6;
	v7 =	vmul.f32 v9, v50  }
0x183: {  	v51 =	vperm.xlane v8, v34;
	v5 =	vmul.f32 v5, v0;
	v9 =	vld [tilespmem:s2+$0xD2F0]  }
0x184: {  	v46 =	vperm.xlane v3, v36;
	v12 =	vld [tilespmem:s2+$0x9210];
	v6 =	vadd.f32 v7, v6;
	v1 =	vmul.f32 v1, v48  }
0x185: {  	v49 =	vperm.xlane v8, v35;
	v4 =	vmul.f32 v4, v10;
	v7 =	vld [tilespmem:s2+$0xE2F0]  }
0x186: {  	v44 =	vperm.xlane v3, v37;
	v13 =	vld [tilespmem:s2+$0x8220];
	v1 =	vadd.f32 v1, v6;
	v6 =	vmul.f32 v11, v46  }
0x187: {  	v47 =	vperm.xlane v8, v36;
	v4 =	vadd.f32 v4, v5;
	v2 =	vmul.f32 v2, v0;
	v5 =	vld [tilespmem:s2+$0xF2F0]  }
0x188: {  	v42 =	vperm.xlane v3, v38;
	v11 =	vld [tilespmem:s2+$0x9220];
	v1 =	vadd.f32 v6, v1;
	v6 =	vmul.f32 v9, v44  }
0x189: {  	v45 =	vperm.xlane v8, v37;
	v9 =	vmul.f32 v12, v10;
	v12 =	vld [tilespmem:s2+$0x8230]  }
0x18a: {  	v40 =	vperm.xlane v3, v39;
	v14 =	vld [tilespmem:s2+$0x9230];
	v1 =	vadd.f32 v6, v1;
	v3 =	vmul.f32 v7, v42  }
0x18b: {  	v43 =	vperm.xlane v8, v38;
	v2 =	vadd.f32 v9, v2;
	v6 =	vmul.f32 v13, v0;
	v7 =	vld [tilespmem:s2+$0x8240]  }
0x18c: {  	v41 =	vperm.xlane v8, v39;
	v8 =	vld [tilespmem:s2+$0x9240];
	v1 =	vadd.f32 v3, v1;
	v3 =	vmul.f32 v5, v40  }
0x18d: {  	v5 =	vmul.f32 v11, v10;
	v9 =	vld [tilespmem:s2+$0x8250]  }
0x18e: {  	v11 =	vmul.f32 v12, v0;
	v12 =	vld [tilespmem:s2+$0x9250];
	v1 =	vadd.f32 v3, v1  }
0x18f: {  	v3 =	vadd.f32 v5, v6;
	v5 =	vmul.f32 v14, v10;
	v6 =	vld [tilespmem:s2+$0x8260]  }
0x190: {  	v7 =	vmul.f32 v7, v0;
	v13 =	vld [tilespmem:s2+$0x9260];
	[tilespmem:s2+$0x182F0] =	vst v1  }
0x191: {  	v1 =	vadd.f32 v5, v11;
	v5 =	vmul.f32 v8, v10;
	v8 =	vld [tilespmem:s2+$0x8270]  }
0x192: {  	v9 =	vmul.f32 v9, v0;
	v11 =	vld [tilespmem:s2+$0x9270]  }
0x193: {  	v5 =	vadd.f32 v5, v7;
	v7 =	vmul.f32 v12, v10;
	v12 =	vld [tilespmem:s2+$0x8280]  }
0x194: {  	v6 =	vmul.f32 v6, v0;
	v14 =	vld [tilespmem:s2+$0x9280]  }
0x195: {  	v7 =	vadd.f32 v7, v9;
	v9 =	vmul.f32 v13, v10;
	v13 =	vld [tilespmem:s2+$0x8290]  }
0x196: {  	v0 =	vmul.f32 v8, v0;
	v8 =	vld [tilespmem:s2+$0x9290]  }
0x197: {  	v6 =	vadd.f32 v9, v6;
	v9 =	vmul.f32 v11, v10;
	v10 =	vld [tilespmem:s2+$0x82A0]  }
0x198: {  	v11 =	vmul.f32 v12, v53;
	v12 =	vld [tilespmem:s2+$0x92A0]  }
0x199: {  	v0 =	vadd.f32 v9, v0;
	v9 =	vmul.f32 v14, v52;
	v14 =	vld [tilespmem:s2+$0x82B0]  }
0x19a: {  	v13 =	vmul.f32 v13, v53;
	v15 =	vld [tilespmem:s2+$0x92B0]  }
0x19b: {  	v9 =	vadd.f32 v9, v11;
	v8 =	vmul.f32 v8, v52;
	v11 =	vld [tilespmem:s2+$0x82C0]  }
0x19c: {  	v10 =	vmul.f32 v10, v53;
	v16 =	vld [tilespmem:s2+$0x92C0]  }
0x19d: {  	v8 =	vadd.f32 v8, v13;
	v12 =	vmul.f32 v12, v52;
	v13 =	vld [tilespmem:s2+$0x82D0]  }
0x19e: {  	v14 =	vmul.f32 v14, v53;
	v17 =	vld [tilespmem:s2+$0x92D0]  }
0x19f: {  	v10 =	vadd.f32 v12, v10;
	v12 =	vmul.f32 v15, v52;
	v15 =	vld [tilespmem:s2+$0x82E0]  }
0x1a0: {  	v11 =	vmul.f32 v11, v53;
	v18 =	vld [tilespmem:s2+$0x92E0]  }
0x1a1: {  	v19 =	vld [tilespmem:s2+$0xA200];
	v12 =	vadd.f32 v12, v14;
	v14 =	vmul.f32 v16, v52  }
0x1a2: {  	v16 =	vld [tilespmem:s2+$0xA210];
	v13 =	vmul.f32 v13, v53  }
0x1a3: {  	v20 =	vld [tilespmem:s2+$0xA220];
	v11 =	vadd.f32 v14, v11;
	v14 =	vmul.f32 v17, v52  }
0x1a4: {  	v17 =	vld [tilespmem:s2+$0xA230];
	v15 =	vmul.f32 v15, v53  }
0x1a5: {  	v21 =	vld [tilespmem:s2+$0xA240];
	v13 =	vadd.f32 v14, v13;
	v14 =	vmul.f32 v18, v52  }
0x1a6: {  	v18 =	vmul.f32 v19, v51;
	v19 =	vld [tilespmem:s2+$0xA250]  }
0x1a7: {  	v16 =	vmul.f32 v16, v51;
	v22 =	vld [tilespmem:s2+$0xA260];
	v14 =	vadd.f32 v14, v15  }
0x1a8: {  	v4 =	vadd.f32 v18, v4;
	v15 =	vmul.f32 v20, v51;
	v18 =	vld [tilespmem:s2+$0xA270]  }
0x1a9: {  	v2 =	vadd.f32 v16, v2;
	v16 =	vmul.f32 v17, v51;
	v17 =	vld [tilespmem:s2+$0xA280]  }
0x1aa: {  	v3 =	vadd.f32 v15, v3;
	v15 =	vmul.f32 v21, v51;
	v20 =	vld [tilespmem:s2+$0xA290]  }
0x1ab: {  	v1 =	vadd.f32 v16, v1;
	v16 =	vmul.f32 v19, v51;
	v19 =	vld [tilespmem:s2+$0xA2A0]  }
0x1ac: {  	v5 =	vadd.f32 v15, v5;
	v15 =	vmul.f32 v22, v51;
	v21 =	vld [tilespmem:s2+$0xA2B0]  }
0x1ad: {  	v7 =	vadd.f32 v16, v7;
	v16 =	vmul.f32 v18, v51;
	v18 =	vld [tilespmem:s2+$0xA2C0]  }
0x1ae: {  	v6 =	vadd.f32 v15, v6;
	v15 =	vmul.f32 v17, v50;
	v17 =	vld [tilespmem:s2+$0xA2D0]  }
0x1af: {  	v0 =	vadd.f32 v16, v0;
	v16 =	vmul.f32 v20, v50;
	v20 =	vld [tilespmem:s2+$0xA2E0]  }
0x1b0: {  	v22 =	vld [tilespmem:s2+$0xB200];
	v9 =	vadd.f32 v15, v9;
	v15 =	vmul.f32 v19, v50  }
0x1b1: {  	v19 =	vld [tilespmem:s2+$0xB210];
	v8 =	vadd.f32 v16, v8;
	v16 =	vmul.f32 v21, v50  }
0x1b2: {  	v21 =	vld [tilespmem:s2+$0xB220];
	v10 =	vadd.f32 v15, v10;
	v15 =	vmul.f32 v18, v50  }
0x1b3: {  	v18 =	vld [tilespmem:s2+$0xB230];
	v12 =	vadd.f32 v16, v12;
	v16 =	vmul.f32 v17, v50  }
0x1b4: {  	v17 =	vld [tilespmem:s2+$0xB240];
	v11 =	vadd.f32 v15, v11;
	v15 =	vmul.f32 v20, v50  }
0x1b5: {  	v20 =	vmul.f32 v22, v49;
	v22 =	vld [tilespmem:s2+$0xB250];
	v13 =	vadd.f32 v16, v13  }
0x1b6: {  	v16 =	vmul.f32 v19, v49;
	v19 =	vld [tilespmem:s2+$0xB260];
	v14 =	vadd.f32 v15, v14  }
0x1b7: {  	v4 =	vadd.f32 v20, v4;
	v15 =	vmul.f32 v21, v49;
	v20 =	vld [tilespmem:s2+$0xB270]  }
0x1b8: {  	v2 =	vadd.f32 v16, v2;
	v16 =	vmul.f32 v18, v49;
	v18 =	vld [tilespmem:s2+$0xB280]  }
0x1b9: {  	v3 =	vadd.f32 v15, v3;
	v15 =	vmul.f32 v17, v49;
	v17 =	vld [tilespmem:s2+$0xB290]  }
0x1ba: {  	v1 =	vadd.f32 v16, v1;
	v16 =	vmul.f32 v22, v49;
	v21 =	vld [tilespmem:s2+$0xB2A0]  }
0x1bb: {  	v5 =	vadd.f32 v15, v5;
	v15 =	vmul.f32 v19, v49;
	v19 =	vld [tilespmem:s2+$0xB2B0]  }
0x1bc: {  	v7 =	vadd.f32 v16, v7;
	v16 =	vmul.f32 v20, v49;
	v20 =	vld [tilespmem:s2+$0xB2C0]  }
0x1bd: {  	v6 =	vadd.f32 v15, v6;
	v15 =	vmul.f32 v18, v48;
	v18 =	vld [tilespmem:s2+$0xB2D0]  }
0x1be: {  	v0 =	vadd.f32 v16, v0;
	v16 =	vmul.f32 v17, v48;
	v17 =	vld [tilespmem:s2+$0xB2E0]  }
0x1bf: {  	v22 =	vld [tilespmem:s2+$0xC200];
	v9 =	vadd.f32 v15, v9;
	v15 =	vmul.f32 v21, v48  }
0x1c0: {  	v21 =	vld [tilespmem:s2+$0xC210];
	v8 =	vadd.f32 v16, v8;
	v16 =	vmul.f32 v19, v48  }
0x1c1: {  	v19 =	vld [tilespmem:s2+$0xC220];
	v10 =	vadd.f32 v15, v10;
	v15 =	vmul.f32 v20, v48  }
0x1c2: {  	v20 =	vld [tilespmem:s2+$0xC230];
	v12 =	vadd.f32 v16, v12;
	v16 =	vmul.f32 v18, v48  }
0x1c3: {  	v18 =	vld [tilespmem:s2+$0xC240];
	v11 =	vadd.f32 v15, v11;
	v15 =	vmul.f32 v17, v48  }
0x1c4: {  	v17 =	vmul.f32 v22, v47;
	v22 =	vld [tilespmem:s2+$0xC250];
	v13 =	vadd.f32 v16, v13  }
0x1c5: {  	v16 =	vmul.f32 v21, v47;
	v21 =	vld [tilespmem:s2+$0xC260];
	v14 =	vadd.f32 v15, v14  }
0x1c6: {  	v4 =	vadd.f32 v17, v4;
	v15 =	vmul.f32 v19, v47;
	v17 =	vld [tilespmem:s2+$0xC270]  }
0x1c7: {  	v2 =	vadd.f32 v16, v2;
	v16 =	vmul.f32 v20, v47;
	v19 =	vld [tilespmem:s2+$0xC280]  }
0x1c8: {  	v3 =	vadd.f32 v15, v3;
	v15 =	vmul.f32 v18, v47;
	v18 =	vld [tilespmem:s2+$0xC290]  }
0x1c9: {  	v1 =	vadd.f32 v16, v1;
	v16 =	vmul.f32 v22, v47;
	v20 =	vld [tilespmem:s2+$0xC2A0]  }
0x1ca: {  	v5 =	vadd.f32 v15, v5;
	v15 =	vmul.f32 v21, v47;
	v21 =	vld [tilespmem:s2+$0xC2B0]  }
0x1cb: {  	v7 =	vadd.f32 v16, v7;
	v16 =	vmul.f32 v17, v47;
	v17 =	vld [tilespmem:s2+$0xC2C0]  }
0x1cc: {  	v6 =	vadd.f32 v15, v6;
	v15 =	vmul.f32 v19, v46;
	v19 =	vld [tilespmem:s2+$0xC2D0]  }
0x1cd: {  	v0 =	vadd.f32 v16, v0;
	v16 =	vmul.f32 v18, v46;
	v18 =	vld [tilespmem:s2+$0xC2E0]  }
0x1ce: {  	v22 =	vld [tilespmem:s2+$0xD200];
	v9 =	vadd.f32 v15, v9;
	v15 =	vmul.f32 v20, v46  }
0x1cf: {  	v20 =	vld [tilespmem:s2+$0xD210];
	v8 =	vadd.f32 v16, v8;
	v16 =	vmul.f32 v21, v46  }
0x1d0: {  	v21 =	vld [tilespmem:s2+$0xD220];
	v10 =	vadd.f32 v15, v10;
	v15 =	vmul.f32 v17, v46  }
0x1d1: {  	v17 =	vld [tilespmem:s2+$0xD230];
	v12 =	vadd.f32 v16, v12;
	v16 =	vmul.f32 v19, v46  }
0x1d2: {  	v19 =	vld [tilespmem:s2+$0xD240];
	v11 =	vadd.f32 v15, v11;
	v15 =	vmul.f32 v18, v46  }
0x1d3: {  	v18 =	vmul.f32 v22, v45;
	v22 =	vld [tilespmem:s2+$0xD250];
	v13 =	vadd.f32 v16, v13  }
0x1d4: {  	v16 =	vmul.f32 v20, v45;
	v20 =	vld [tilespmem:s2+$0xD260];
	v14 =	vadd.f32 v15, v14  }
0x1d5: {  	v4 =	vadd.f32 v18, v4;
	v15 =	vmul.f32 v21, v45;
	v18 =	vld [tilespmem:s2+$0xD270]  }
0x1d6: {  	v2 =	vadd.f32 v16, v2;
	v16 =	vmul.f32 v17, v45;
	v17 =	vld [tilespmem:s2+$0xD280]  }
0x1d7: {  	v3 =	vadd.f32 v15, v3;
	v15 =	vmul.f32 v19, v45;
	v19 =	vld [tilespmem:s2+$0xD290]  }
0x1d8: {  	v1 =	vadd.f32 v16, v1;
	v16 =	vmul.f32 v22, v45;
	v21 =	vld [tilespmem:s2+$0xD2A0]  }
0x1d9: {  	v5 =	vadd.f32 v15, v5;
	v15 =	vmul.f32 v20, v45;
	v20 =	vld [tilespmem:s2+$0xD2B0]  }
0x1da: {  	v7 =	vadd.f32 v16, v7;
	v16 =	vmul.f32 v18, v45;
	v18 =	vld [tilespmem:s2+$0xD2C0]  }
0x1db: {  	v6 =	vadd.f32 v15, v6;
	v15 =	vmul.f32 v17, v44;
	v17 =	vld [tilespmem:s2+$0xD2D0]  }
0x1dc: {  	v0 =	vadd.f32 v16, v0;
	v16 =	vmul.f32 v19, v44;
	v19 =	vld [tilespmem:s2+$0xD2E0]  }
0x1dd: {  	v22 =	vld [tilespmem:s2+$0xE200];
	v9 =	vadd.f32 v15, v9;
	v15 =	vmul.f32 v21, v44  }
0x1de: {  	v21 =	vld [tilespmem:s2+$0xE210];
	v8 =	vadd.f32 v16, v8;
	v16 =	vmul.f32 v20, v44  }
0x1df: {  	v20 =	vld [tilespmem:s2+$0xE220];
	v10 =	vadd.f32 v15, v10;
	v15 =	vmul.f32 v18, v44  }
0x1e0: {  	v18 =	vld [tilespmem:s2+$0xE230];
	v12 =	vadd.f32 v16, v12;
	v16 =	vmul.f32 v17, v44  }
0x1e1: {  	v17 =	vld [tilespmem:s2+$0xE240];
	v11 =	vadd.f32 v15, v11;
	v15 =	vmul.f32 v19, v44  }
0x1e2: {  	v19 =	vmul.f32 v22, v43;
	v22 =	vld [tilespmem:s2+$0xE250];
	v13 =	vadd.f32 v16, v13  }
0x1e3: {  	v16 =	vmul.f32 v21, v43;
	v21 =	vld [tilespmem:s2+$0xE260];
	v14 =	vadd.f32 v15, v14  }
0x1e4: {  	v4 =	vadd.f32 v19, v4;
	v15 =	vmul.f32 v20, v43;
	v19 =	vld [tilespmem:s2+$0xE270]  }
0x1e5: {  	v2 =	vadd.f32 v16, v2;
	v16 =	vmul.f32 v18, v43;
	v18 =	vld [tilespmem:s2+$0xE280]  }
0x1e6: {  	v3 =	vadd.f32 v15, v3;
	v15 =	vmul.f32 v17, v43;
	v17 =	vld [tilespmem:s2+$0xE290]  }
0x1e7: {  	v1 =	vadd.f32 v16, v1;
	v16 =	vmul.f32 v22, v43;
	v20 =	vld [tilespmem:s2+$0xE2A0]  }
0x1e8: {  	v5 =	vadd.f32 v15, v5;
	v15 =	vmul.f32 v21, v43;
	v21 =	vld [tilespmem:s2+$0xE2B0]  }
0x1e9: {  	v7 =	vadd.f32 v16, v7;
	v16 =	vmul.f32 v19, v43;
	v19 =	vld [tilespmem:s2+$0xE2C0]  }
0x1ea: {  	v6 =	vadd.f32 v15, v6;
	v15 =	vmul.f32 v18, v42;
	v18 =	vld [tilespmem:s2+$0xE2D0]  }
0x1eb: {  	v48 =	vadd.f32 v16, v0;
	v0 =	vmul.f32 v17, v42;
	v16 =	vld [tilespmem:s2+$0xE2E0]  }
0x1ec: {  	v17 =	vld [tilespmem:s2+$0xF200];
	v46 =	vadd.f32 v15, v9;
	v9 =	vmul.f32 v20, v42  }
0x1ed: {  	v15 =	vld [tilespmem:s2+$0xF210];
	v43 =	vadd.f32 v0, v8;
	v0 =	vmul.f32 v21, v42  }
0x1ee: {  	v8 =	vld [tilespmem:s2+$0xF220];
	v44 =	vadd.f32 v9, v10;
	v9 =	vmul.f32 v19, v42  }
0x1ef: {  	v10 =	vld [tilespmem:s2+$0xF230];
	v45 =	vadd.f32 v0, v12;
	v0 =	vmul.f32 v18, v42  }
0x1f0: {  	v12 =	vld [tilespmem:s2+$0xF240];
	v47 =	vadd.f32 v9, v11;
	v9 =	vmul.f32 v16, v42  }
0x1f1: {  	v11 =	vmul.f32 v17, v41;
	v16 =	vld [tilespmem:s2+$0xF250];
	v42 =	vadd.f32 v0, v13  }
0x1f2: {  	v0 =	vmul.f32 v15, v41;
	v13 =	vld [tilespmem:s2+$0xF260];
	v49 =	vadd.f32 v9, v14  }
0x1f3: {  	v4 =	vadd.f32 v11, v4;
	v8 =	vmul.f32 v8, v41;
	v9 =	vld [tilespmem:s2+$0xF270]  }
0x1f4: {  	v0 =	vadd.f32 v0, v2;
	v2 =	vmul.f32 v10, v41;
	v10 =	vld [tilespmem:s2+$0xF280]  }
.Ltmp0:
0x1f5: {  	[tilespmem:s2+$0x18200] =	vst v4;
	v3 =	vadd.f32 v8, v3;
	v4 =	vmul.f32 v12, v41;
	v51 =	vld [tilespmem:s2+$0xF290];
	(pc) =	sbr.rel @p1 .LBB2_3-.Ltmp0, $4  }
0x1f6: {  	[tilespmem:s2+$0x18210] =	vst v0;
	v0 =	vadd.f32 v2, v1;
	v1 =	vmul.f32 v16, v41;
	v50 =	vld [tilespmem:s2+$0xF2A0]  }
0x1f7: {  	[tilespmem:s2+$0x18220] =	vst v3;
	v2 =	vadd.f32 v4, v5;
	v3 =	vmul.f32 v13, v41;
	v52 =	vld [tilespmem:s2+$0xF2B0]  }
0x1f8: {  	[tilespmem:s2+$0x18230] =	vst v0;
	v56 =	vadd.f32 v1, v7;
	v57 =	vmul.f32 v9, v41;
	v41 =	vld [tilespmem:s2+$0xF2C0]  }
0x1f9: {  	s10 =	sadd.s32 $0x400, s10;
	[tilespmem:s2+$0x18240] =	vst v2;
	v54 =	vadd.f32 v3, v6;
	v55 =	vmul.f32 v10, v40;
	v53 =	vld [tilespmem:s2+$0xF2D0]  }
0x1fa: {  	[tilespmem:s2+$0x18250] =	vst v56;
	v0 =	vadd.f32 v57, v48;
	v1 =	vmul.f32 v51, v40;
	v2 =	vld [tilespmem:s2+$0xF2E0]  }
0x1fb: {  	[tilespmem:s2+$0x18260] =	vst v54;
	v3 =	vadd.f32 v55, v46;
	v4 =	vmul.f32 v50, v40  }
0x1fc: {  	[tilespmem:s2+$0x18270] =	vst v0;
	v55 =	vadd.f32 v1, v43;
	v56 =	vmul.f32 v52, v40  }
0x1fd: {  	[tilespmem:s2+$0x18280] =	vst v3;
	v57 =	vadd.f32 v4, v44;
	v58 =	vmul.f32 v41, v40  }
0x1fe: {  	[tilespmem:s2+$0x18290] =	vst v55;
	v59 =	vadd.f32 v56, v45;
	v60 =	vmul.f32 v53, v40  }
0x1ff: {  	p1 =	seq.s32 s30, $0x7F;
	[tilespmem:s2+$0x182A0] =	vst v57;
	v61 =	vadd.f32 v58, v47;
	v2 =	vmul.f32 v2, v40  }
.Ltmp1:
0x200: {  	[tilespmem:s2+$0x182B0] =	vst v59;
	v62 =	vadd.f32 v60, v42;
	(pc) =	sbr.rel @p1 .LBB2_6-.Ltmp1, $4  }
0x201: {  	[tilespmem:s2+$0x182C0] =	vst v61;
	v63 =	vadd.f32 v2, v49  }
0x202: {  	s0 =	sshll.u32 s30, $0xA;
	[tilespmem:s2+$0x182D0] =	vst v62  }
0x203: {  	s0 =	sadd.s32 s0, s7;
	[tilespmem:s2+$0x182E0] =	vst v63  }
0x204: {  	[hbm4b:s0+s3] =	stream.linear.scatter [tilespmem:s23], [sflag:$0x3], $0x1000, $0x38;
	[tilespmem:$0x1A200] =	vst v63  }
0x205: {  	s0 =	sshll.u32 s30, $0x6  }
0x206: {  	v0 =	vld [tilespmem:s0+$0x40]  }
0x207: {  	v1 =	vld [tilespmem:s0+$0x2040]  }
0x208: {  	v2 =	vld [tilespmem:s0+$0x4040];
	_ =	sdelay $0x3  }
0x209: {  	v0 =	vadd.f32 $1.000000000e+00, v0  }
0x20a: {  	v1 =	vadd.f32 $1.000000000e+00, v1;
	v2 =	vadd.f32 $1.000000000e+00, v2  }
0x20b: {  	v0 =	vmul.f32 $6.400000000e+01, v0  }
0x20c: {  	v1 =	vmul.f32 $6.400000000e+01, v1;
	v2 =	vmul.f32 $6.400000000e+01, v2  }
0x20d: {  	v0 =	vadd.f32 $-1.000000000e+00, v0  }
0x20e: {  	v1 =	vadd.f32 $-1.000000000e+00, v1;
	v2 =	vadd.f32 $-1.000000000e+00, v2  }
0x20f: {  	v0 =	vmul.f32 $5.000000000e-01, v0  }
0x210: {  	v1 =	vmul.f32 $5.000000000e-01, v1;
	v2 =	vmul.f32 $5.000000000e-01, v2  }
0x211: {  	v0 =	vmax.f32 v0, $0.0e+00  }
0x212: {  	v1 =	vmax.f32 v1, $0.0e+00;
	v2 =	vmax.f32 v2, $0.0e+00;
	v0 =	vmin.f32 v0, $6.300000000e+01  }
0x213: {  	v1 =	vmin.f32 v1, $6.300000000e+01;
	v2 =	vmin.f32 v2, $6.300000000e+01;
	v3 =	vtrunc.f32 v0  }
0x214: {  	v4 =	vtrunc.f32 v1;
	v5 =	vtrunc.f32 v2  }
0x215: {  	v4 =	vcvt.f32.s32 v4;
	v5 =	vcvt.f32.s32 v5  }
0x216: {  	v3 =	vcvt.f32.s32 v3  }
0x217: {  	vm0 =	vlt.s32 v4, $0x3E;
	vm1 =	vlt.s32 v5, $0x3E  }
0x218: {  	vm12 =	vlt.s32 v3, $0x3E;
	v4 =	vnsel vm0, $0x3E, v4;
	v5 =	vnsel vm1, $0x3E, v5  }
0x219: {  	v3 =	vnsel vm12, $0x3E, v3;
	v6 =	vcvt.s32.f32 v4;
	v7 =	vcvt.s32.f32 v5  }
0x21a: {  	v8 =	vcvt.s32.f32 v3  }
0x21b: {  	v60 =	vld [tilespmem:$0x1FFE0];
	v1 =	vsub.f32 v1, v6;
	v2 =	vsub.f32 v2, v7  }
0x21c: {  	v0 =	vsub.f32 v0, v8  }
0x21d: {  	v63 =	vld [tilespmem:$0x1FE00];
	v6 =	vsub.f32 $1.000000000e+00, v1;
	v7 =	vsub.f32 $1.000000000e+00, v2;
	_ =	sdelay $0x1  }
0x21e: {  	v11 =	vld [tilespmem:$0x1FE10];
	v4 =	vshll.u32 v4, $0x6;
	v8 =	vsub.f32 $1.000000000e+00, v0;
	v9 =	vmul.f32 v7, v6  }
0x21f: {  	v5 =	vshll.u32 v5, $0xC;
	v3 =	vadd.s32 v3, v4  }
0x220: {  	v14 =	vld [tilespmem:$0x1FE20];
	v3 =	vadd.s32 v5, v3;
	v59 =	vmul.f32 v9, v8  }
0x221: {  	[tilespmem:$0x6000] =	vst v3  }
0x222: {  	v17 =	vld [tilespmem:$0x1FE30];
	v61 =	vadd.s32 $0x1, v3;
	v7 =	vmul.f32 v7, v1;
	v62 =	vmul.f32 v9, v0;
	[tilespmem:v60+s12+$0x0] =	vst.idx.msk $0xffff, v59  }
0x223: {  	[tilespmem:$0x6020] =	vst v61  }
0x224: {  	v20 =	vld [tilespmem:$0x1FE40];
	v9 =	vadd.s32 $0x40, v3;
	v10 =	vmul.f32 v7, v8;
	[tilespmem:v63+s12+$0x0] =	vst.idx.msk $0xffff, v62  }
0x225: {  	[tilespmem:$0x6040] =	vst v9  }
0x226: {  	v23 =	vld [tilespmem:$0x1FE50];
	v12 =	vadd.s32 $0x41, v3;
	v6 =	vmul.f32 v6, v2;
	v13 =	vmul.f32 v7, v0;
	[tilespmem:v11+s12+$0x0] =	vst.idx.msk $0xffff, v10  }
0x227: {  	[tilespmem:$0x6060] =	vst v12  }
0x228: {  	v25 =	vld [tilespmem:$0x1FE60];
	v15 =	vadd.s32 $0x1000, v3;
	v16 =	vmul.f32 v6, v8;
	[tilespmem:v14+s12+$0x0] =	vst.idx.msk $0xffff, v13  }
0x229: {  	[tilespmem:$0x6080] =	vst v15  }
0x22a: {  	v18 =	vadd.s32 $0x1001, v3;
	v1 =	vmul.f32 v2, v1;
	v19 =	vmul.f32 v6, v0;
	[tilespmem:v17+s12+$0x0] =	vst.idx.msk $0xffff, v16  }
0x22b: {  	[tilespmem:$0x60A0] =	vst v18  }
0x22c: {  	v21 =	vadd.s32 $0x1040, v3;
	v22 =	vmul.f32 v1, v8;
	[tilespmem:v20+s12+$0x0] =	vst.idx.msk $0xffff, v19  }
0x22d: {  	[tilespmem:$0x60C0] =	vst v21  }
0x22e: {  	v24 =	vadd.s32 $0x1041, v3;
	v0 =	vmul.f32 v1, v0;
	[tilespmem:v23+s12+$0x0] =	vst.idx.msk $0xffff, v22  }
0x22f: {  	[tilespmem:$0x60E0] =	vst v24  }
0x230: {  	[tilespmem:v25+s12+$0x0] =	vst.idx.msk $0xffff, v0  }
0x231: {  	v0 =	vld [tilespmem:s0+$0x50]  }
0x232: {  	v1 =	vld [tilespmem:s0+$0x2050]  }
0x233: {  	v2 =	vld [tilespmem:s0+$0x4050];
	_ =	sdelay $0x3  }
0x234: {  	v0 =	vadd.f32 $1.000000000e+00, v0  }
0x235: {  	v1 =	vadd.f32 $1.000000000e+00, v1;
	v2 =	vadd.f32 $1.000000000e+00, v2  }
0x236: {  	v0 =	vmul.f32 $6.400000000e+01, v0  }
0x237: {  	v1 =	vmul.f32 $6.400000000e+01, v1;
	v2 =	vmul.f32 $6.400000000e+01, v2  }
0x238: {  	v0 =	vadd.f32 $-1.000000000e+00, v0  }
0x239: {  	v1 =	vadd.f32 $-1.000000000e+00, v1;
	v2 =	vadd.f32 $-1.000000000e+00, v2  }
0x23a: {  	v0 =	vmul.f32 $5.000000000e-01, v0  }
0x23b: {  	v1 =	vmul.f32 $5.000000000e-01, v1;
	v2 =	vmul.f32 $5.000000000e-01, v2  }
0x23c: {  	v0 =	vmax.f32 v0, $0.0e+00  }
0x23d: {  	v1 =	vmax.f32 v1, $0.0e+00;
	v2 =	vmax.f32 v2, $0.0e+00;
	v0 =	vmin.f32 v0, $6.300000000e+01  }
0x23e: {  	v1 =	vmin.f32 v1, $6.300000000e+01;
	v2 =	vmin.f32 v2, $6.300000000e+01;
	v26 =	vtrunc.f32 v0  }
0x23f: {  	v27 =	vtrunc.f32 v1;
	v28 =	vtrunc.f32 v2  }
0x240: {  	v4 =	vcvt.f32.s32 v27;
	v5 =	vcvt.f32.s32 v28  }
0x241: {  	v3 =	vcvt.f32.s32 v26  }
0x242: {  	vm13 =	vlt.s32 v4, $0x3E;
	vm14 =	vlt.s32 v5, $0x3E  }
0x243: {  	vm15 =	vlt.s32 v3, $0x3E;
	v4 =	vnsel vm13, $0x3E, v4;
	v5 =	vnsel vm14, $0x3E, v5  }
0x244: {  	v3 =	vnsel vm15, $0x3E, v3;
	v29 =	vcvt.s32.f32 v4;
	v30 =	vcvt.s32.f32 v5  }
0x245: {  	v31 =	vcvt.s32.f32 v3  }
0x246: {  	v43 =	vld [tilespmem:$0x1FE70];
	v1 =	vsub.f32 v1, v29;
	v2 =	vsub.f32 v2, v30  }
0x247: {  	v0 =	vsub.f32 v0, v31  }
0x248: {  	v46 =	vld [tilespmem:$0x1FE80];
	v6 =	vsub.f32 $1.000000000e+00, v1;
	v7 =	vsub.f32 $1.000000000e+00, v2;
	_ =	sdelay $0x1  }
0x249: {  	v49 =	vld [tilespmem:$0x1FE90];
	v4 =	vshll.u32 v4, $0x6;
	v8 =	vsub.f32 $1.000000000e+00, v0;
	v40 =	vmul.f32 v7, v6  }
0x24a: {  	v41 =	vshll.u32 v5, $0xC;
	v3 =	vadd.s32 v3, v4  }
0x24b: {  	v52 =	vld [tilespmem:$0x1FEA0];
	v3 =	vadd.s32 v41, v3;
	v42 =	vmul.f32 v40, v8  }
0x24c: {  	[tilespmem:$0x6010] =	vst v3  }
0x24d: {  	v55 =	vld [tilespmem:$0x1FEB0];
	v44 =	vadd.s32 $0x1, v3;
	v7 =	vmul.f32 v7, v1;
	v45 =	vmul.f32 v40, v0;
	[tilespmem:v43+s12+$0x0] =	vst.idx.msk $0xffff, v42  }
0x24e: {  	[tilespmem:$0x6030] =	vst v44  }
0x24f: {  	v58 =	vld [tilespmem:$0x1FEC0];
	v47 =	vadd.s32 $0x40, v3;
	v48 =	vmul.f32 v7, v8;
	[tilespmem:v46+s12+$0x0] =	vst.idx.msk $0xffff, v45  }
0x250: {  	[tilespmem:$0x6050] =	vst v47  }
0x251: {  	v61 =	vld [tilespmem:$0x1FED0];
	v50 =	vadd.s32 $0x41, v3;
	v6 =	vmul.f32 v6, v2;
	v51 =	vmul.f32 v7, v0;
	[tilespmem:v49+s12+$0x0] =	vst.idx.msk $0xffff, v48  }
0x252: {  	[tilespmem:$0x6070] =	vst v50  }
0x253: {  	v63 =	vld [tilespmem:$0x1FEE0];
	v53 =	vadd.s32 $0x1000, v3;
	v54 =	vmul.f32 v6, v8;
	[tilespmem:v52+s12+$0x0] =	vst.idx.msk $0xffff, v51  }
0x254: {  	[tilespmem:$0x6090] =	vst v53  }
0x255: {  	v56 =	vadd.s32 $0x1001, v3;
	v1 =	vmul.f32 v2, v1;
	v57 =	vmul.f32 v6, v0;
	[tilespmem:v55+s12+$0x0] =	vst.idx.msk $0xffff, v54  }
0x256: {  	[tilespmem:$0x60B0] =	vst v56  }
0x257: {  	v59 =	vadd.s32 $0x1040, v3;
	v60 =	vmul.f32 v1, v8;
	[tilespmem:v58+s12+$0x0] =	vst.idx.msk $0xffff, v57  }
0x258: {  	[tilespmem:$0x60D0] =	vst v59  }
0x259: {  	v62 =	vadd.s32 $0x1041, v3;
	v0 =	vmul.f32 v1, v0;
	[tilespmem:v61+s12+$0x0] =	vst.idx.msk $0xffff, v60  }
0x25a: {  	[tilespmem:$0x60F0] =	vst v62  }
0x25b: {  	[tilespmem:v63+s12+$0x0] =	vst.idx.msk $0xffff, v0  }
0x25c: {  	[tilespmem:s15], [sflag:$0x1] =	stream.indirect.gather [hbm4b:s1+s13], $0x80, s14, s13, $0xb8;
	[tilespmem:$0x1A200] =	vst v63  }
0x25d: {  	_ = 	snop  }
0x25e: {  	[tilespmem:s17], [sflag:$0x1] =	stream.indirect.gather [hbm4b:s1+s13], $0x80, s16, s13, $0xb8;
	[tilespmem:$0x1A200] =	vst v63  }
.LBB2_6:
0x25f: {  	_ =	swait.ge [sflag:s24], $0x4000  }
0x260: {  	[sflag:s24] =	ssyncset.done $0x0  }
0x261: {  	[sflag:s24] =	ssyncadd.s32 $0xFFFFC000  }
0x262: {  	_ =	swait.ge [sflag:s24], $0x4000  }
0x263: {  	[sflag:s24] =	ssyncset.done $0x0  }
0x264: {  	s0 =	simm.s32 @!p0 $0x4;
	[sflag:s24] =	ssyncadd.s32 $0xFFFFC000  }
0x265: {  	_ =	swait.ge @!p0 [sflag:s0], $0x1000  }
0x266: {  	[sflag:s0] =	ssyncset.done @!p0 $0x0  }
0x267: {  	s2 =	simm.s32 $0x0;
	[sflag:s0] =	ssyncadd.s32 @!p0 $0xFFFFF000  }
0x268: {  	v0 =	vld [tilespmem:s2+$0x7280]  }
0x269: {  	v1 =	vld [tilespmem:s2+$0x102F0]  }
0x26a: {  	v2 =	vld [tilespmem:s2+$0x112F0]  }
0x26b: {  	v42 =	vld [tilespmem:s2+$0x7200]  }
0x26c: {  	v3 =	vld [tilespmem:s2+$0x122F0]  }
0x26d: {  	v4 =	vld [tilespmem:s2+$0x10200]  }
0x26e: {  	v5 =	vld [tilespmem:s2+$0x132F0]  }
0x26f: {  	v6 =	vld [tilespmem:s2+$0x11200]  }
0x270: {  	v7 =	vld [tilespmem:s2+$0x142F0]  }
0x271: {  	v8 =	vld [tilespmem:s2+$0x10210]  }
0x272: {  	v9 =	vld [tilespmem:s2+$0x152F0]  }
0x273: {  	v10 =	vld [tilespmem:s2+$0x162F0]  }
0x274: {  	v11 =	vld [tilespmem:s2+$0x172F0]  }
0x275: {  	v12 =	vld [tilespmem:s2+$0x10230]  }
0x276: {  	v13 =	vld [tilespmem:s2+$0x10240]  }
0x277: {  	v14 =	vld [tilespmem:s2+$0x10260]  }
0x278: {  	v15 =	vld [tilespmem:s2+$0x10270]  }
0x279: {  	v16 =	vld [tilespmem:s2+$0x10280]  }
0x27a: {  	v17 =	vld [tilespmem:s2+$0x11280]  }
0x27b: {  	v18 =	vld [tilespmem:s2+$0x10290]  }
0x27c: {  	v19 =	vld [tilespmem:s2+$0x11290]  }
0x27d: {  	v20 =	vld [tilespmem:s2+$0x102A0]  }
0x27e: {  	v21 =	vld [tilespmem:s2+$0x112A0]  }
0x27f: {  	v22 =	vld [tilespmem:s2+$0x102B0]  }
0x280: {  	v23 =	vld [tilespmem:s2+$0x112B0]  }
0x281: {  	v24 =	vld [tilespmem:s2+$0x102C0]  }
0x282: {  	v25 =	vld [tilespmem:s2+$0x112C0]  }
0x283: {  	v26 =	vld [tilespmem:s2+$0x102D0]  }
0x284: {  	v27 =	vld [tilespmem:s2+$0x112D0]  }
0x285: {  	v28 =	vld [tilespmem:s2+$0x102E0]  }
0x286: {  	v29 =	vld [tilespmem:s2+$0x112E0]  }
0x287: {  	v30 =	vld [tilespmem:s2+$0x12200]  }
0x288: {  	v31 =	vld [tilespmem:s2+$0x12210]  }
0x289: {  	v49 =	vld [tilespmem:s2+$0x12220];
	v47 =	vperm.xlane v0, v32;
	v48 =	vperm.xlane v0, v33  }
0x28a: {  	v50 =	vld [tilespmem:s2+$0x12230];
	v46 =	vperm.xlane v0, v34  }
0x28b: {  	v51 =	vld [tilespmem:s2+$0x12240];
	v1 =	vmul.f32 v1, v47;
	v2 =	vmul.f32 v2, v48  }
0x28c: {  	v52 =	vld [tilespmem:s2+$0x12250]  }
0x28d: {  	v53 =	vld [tilespmem:s2+$0x12260];
	v45 =	vperm.xlane v0, v35;
	v54 =	vmul.f32 v3, v46;
	v1 =	vadd.f32 v2, v1  }
0x28e: {  	v44 =	vperm.xlane v0, v36;
	v3 =	vld [tilespmem:s2+$0x11210]  }
0x28f: {  	v43 =	vperm.xlane v0, v37;
	v55 =	vmul.f32 v5, v45;
	v5 =	vld [tilespmem:s2+$0x10220];
	v1 =	vadd.f32 v54, v1  }
0x290: {  	v41 =	vperm.xlane v0, v38;
	v56 =	vmul.f32 v7, v44;
	v7 =	vld [tilespmem:s2+$0x11220]  }
0x291: {  	v40 =	vperm.xlane v0, v39;
	v57 =	vmul.f32 v9, v43;
	v9 =	vld [tilespmem:s2+$0x11230];
	v1 =	vadd.f32 v55, v1  }
0x292: {  	v59 =	vmul.f32 v10, v41;
	v10 =	vld [tilespmem:s2+$0x10250]  }
0x293: {  	v60 =	vmul.f32 v11, v40;
	v11 =	vld [tilespmem:s2+$0x11250];
	v1 =	vadd.f32 v56, v1  }
0x294: {  	v2 =	vld [tilespmem:s2+$0x11240]  }
0x295: {  	v54 =	vld [tilespmem:s2+$0x12270];
	v58 =	vadd.f32 v57, v1  }
0x296: {  	v55 =	vld [tilespmem:s2+$0x12280]  }
0x297: {  	v0 =	vadd.f32 v59, v58;
	v59 =	vld [tilespmem:s2+$0x122C0]  }
0x298: {  	v56 =	vld [tilespmem:s2+$0x12290]  }
0x299: {  	v1 =	vld [tilespmem:s2+$0x11260];
	v0 =	vadd.f32 v60, v0  }
0x29a: {  	v57 =	vld [tilespmem:s2+$0x122A0]  }
0x29b: {  	v58 =	vld [tilespmem:s2+$0x122B0];
	[tilespmem:s2+$0x192F0] =	vst v0  }
0x29c: {  	v0 =	vld [tilespmem:s2+$0x11270];
	[tilespmem:$0x1FD80] =	vst v59  }
0x29d: {  	v59 =	vld [tilespmem:s2+$0x122D0];
	_ =	sdelay $0x4  }
0x29e: {  	[tilespmem:$0x1FD90] =	vst v59  }
0x29f: {  	v59 =	vld [tilespmem:s2+$0x13200];
	_ =	sdelay $0x4  }
0x2a0: {  	v63 =	vld [tilespmem:s2+$0x122E0];
	[tilespmem:$0x1FDA0] =	vst v59  }
0x2a1: {  	v61 =	vld [tilespmem:s2+$0x13220]  }
0x2a2: {  	v62 =	vperm.xlane v42, v33  }
0x2a3: {  	v60 =	vperm.xlane v42, v32  }
0x2a4: {  	v6 =	vmul.f32 v6, v62;
	v3 =	vmul.f32 v3, v62  }
0x2a5: {  	v2 =	vmul.f32 v2, v62;
	v4 =	vmul.f32 v4, v60  }
0x2a6: {  	v8 =	vmul.f32 v8, v60;
	v5 =	vmul.f32 v5, v60;
	v59 =	vld [tilespmem:s2+$0x13210];
	[tilespmem:$0x1FDB0] =	vst v61  }
0x2a7: {  	v4 =	vadd.f32 v6, v4;
	v6 =	vmul.f32 v7, v62;
	v7 =	vmul.f32 v12, v60;
	v12 =	vld [tilespmem:s2+$0x13230]  }
0x2a8: {  	v3 =	vadd.f32 v3, v8;
	v61 =	vmul.f32 v9, v62;
	v9 =	vmul.f32 v13, v60;
	v13 =	vld [tilespmem:s2+$0x13240]  }
0x2a9: {  	v8 =	vperm.xlane v42, v34;
	v5 =	vadd.f32 v6, v5;
	v6 =	vmul.f32 v10, v60;
	v10 =	vld [tilespmem:s2+$0x13250]  }
0x2aa: {  	v7 =	vadd.f32 v61, v7;
	v61 =	vmul.f32 v11, v62;
	v11 =	vmul.f32 v14, v60;
	v14 =	vld [tilespmem:s2+$0x13260]  }
0x2ab: {  	v2 =	vadd.f32 v2, v9;
	v9 =	vmul.f32 v15, v60;
	v15 =	vld [tilespmem:s2+$0x13270]  }
0x2ac: {  	v1 =	vmul.f32 v1, v62;
	v51 =	vmul.f32 v51, v8;
	v60 =	vld [tilespmem:s2+$0x13280]  }
0x2ad: {  	v0 =	vmul.f32 v0, v62;
	v62 =	vmul.f32 v19, v48;
	v19 =	vld [tilespmem:s2+$0x132A0];
	v6 =	vadd.f32 v61, v6  }
0x2ae: {  	v1 =	vadd.f32 v1, v11;
	v11 =	vmul.f32 v16, v47;
	v16 =	vmul.f32 v17, v48;
	v17 =	vld [tilespmem:s2+$0x13290]  }
0x2af: {  	v0 =	vadd.f32 v0, v9;
	v61 =	vmul.f32 v18, v47;
	v2 =	vadd.f32 v51, v2;
	v51 =	vld [tilespmem:s2+$0x14260]  }
0x2b0: {  	v11 =	vadd.f32 v16, v11;
	v16 =	vmul.f32 v20, v47;
	v20 =	vmul.f32 v21, v48;
	v21 =	vld [tilespmem:s2+$0x132B0]  }
0x2b1: {  	v9 =	vadd.f32 v62, v61;
	v61 =	vmul.f32 v22, v47;
	v62 =	vmul.f32 v23, v48;
	v23 =	vld [tilespmem:s2+$0x132C0]  }
0x2b2: {  	v16 =	vadd.f32 v20, v16;
	v20 =	vmul.f32 v24, v47;
	v24 =	vmul.f32 v25, v48;
	v25 =	vld [tilespmem:s2+$0x132D0]  }
0x2b3: {  	v18 =	vadd.f32 v62, v61;
	v61 =	vmul.f32 v26, v47;
	v62 =	vmul.f32 v27, v48;
	v27 =	vld [tilespmem:s2+$0x132E0]  }
0x2b4: {  	v47 =	vmul.f32 v28, v47;
	v48 =	vmul.f32 v29, v48;
	v29 =	vld [tilespmem:s2+$0x14200]  }
0x2b5: {  	v26 =	vmul.f32 v30, v8;
	v30 =	vmul.f32 v31, v8;
	v31 =	vld [tilespmem:s2+$0x14210]  }
0x2b6: {  	v20 =	vadd.f32 v24, v20;
	v24 =	vadd.f32 v48, v47;
	v48 =	vld [tilespmem:s2+$0x14220]  }
0x2b7: {  	v22 =	vadd.f32 v62, v61;
	v61 =	vmul.f32 v49, v8;
	v3 =	vadd.f32 v30, v3;
	v30 =	vld [tilespmem:s2+$0x14230]  }
0x2b8: {  	v62 =	vmul.f32 v50, v8;
	v47 =	vld [tilespmem:s2+$0x14240]  }
0x2b9: {  	v4 =	vadd.f32 v26, v4;
	v49 =	vld [tilespmem:s2+$0x14250];
	v5 =	vadd.f32 v61, v5;
	v61 =	vmul.f32 v52, v8  }
0x2ba: {  	v26 =	vld [tilespmem:s2+$0x14270];
	v7 =	vadd.f32 v62, v7;
	v62 =	vmul.f32 v53, v8;
	v8 =	vmul.f32 v54, v8  }
0x2bb: {  	v50 =	vld [tilespmem:s2+$0x14280];
	v54 =	vmul.f32 v55, v46;
	v55 =	vmul.f32 v56, v46  }
0x2bc: {  	v56 =	vmul.f32 v57, v46;
	v57 =	vmul.f32 v58, v46;
	v58 =	vld [tilespmem:$0x1FD80]  }
0x2bd: {  	v52 =	vperm.xlane v42, v35;
	v53 =	vld [tilespmem:s2+$0x14290]  }
0x2be: {  	v6 =	vadd.f32 v61, v6;
	v1 =	vadd.f32 v62, v1;
	v61 =	vld [tilespmem:$0x1FD90]  }
0x2bf: {  	v0 =	vadd.f32 v8, v0;
	v11 =	vadd.f32 v54, v11;
	v54 =	vld [tilespmem:s2+$0x142A0];
	v13 =	vmul.f32 v13, v52  }
0x2c0: {  	v18 =	vadd.f32 v57, v18;
	v62 =	vld [tilespmem:$0x1FDA0];
	v10 =	vmul.f32 v10, v52;
	v57 =	vperm.xlane v42, v36  }
0x2c1: {  	v9 =	vadd.f32 v55, v9;
	v8 =	vadd.f32 v56, v16;
	v56 =	vld [tilespmem:s2+$0x142B0];
	v55 =	vmul.f32 v21, v45  }
0x2c2: {  	v2 =	vadd.f32 v13, v2;
	v6 =	vadd.f32 v10, v6;
	v13 =	vld [tilespmem:s2+$0x15210];
	v49 =	vmul.f32 v49, v57  }
0x2c3: {  	v21 =	vmul.f32 v26, v57;
	v26 =	vld [tilespmem:s2+$0x152B0];
	v16 =	vmul.f32 v58, v46  }
0x2c4: {  	v12 =	vmul.f32 v12, v52;
	v58 =	vld [tilespmem:$0x1FDB0];
	v6 =	vadd.f32 v49, v6;
	v28 =	vmul.f32 v61, v46  }
0x2c5: {  	v49 =	vld [tilespmem:s2+$0x16280];
	v46 =	vmul.f32 v63, v46;
	v16 =	vadd.f32 v16, v20;
	v20 =	vmul.f32 v62, v52  }
0x2c6: {  	v63 =	vmul.f32 v59, v52;
	v61 =	vmul.f32 v15, v52;
	v15 =	vld [tilespmem:s2+$0x15200]  }
0x2c7: {  	v59 =	vmul.f32 v14, v52;
	v62 =	vmul.f32 v60, v45;
	v14 =	vld [tilespmem:s2+$0x15220];
	v24 =	vadd.f32 v46, v24  }
0x2c8: {  	v60 =	vmul.f32 v27, v45;
	v27 =	vld [tilespmem:s2+$0x15260];
	v4 =	vadd.f32 v20, v4;
	v3 =	vadd.f32 v63, v3  }
0x2c9: {  	v46 =	vld [tilespmem:s2+$0x142C0];
	v1 =	vadd.f32 v59, v1;
	v0 =	vadd.f32 v61, v0;
	v63 =	vmul.f32 v17, v45  }
0x2ca: {  	v20 =	vld [tilespmem:s2+$0x142D0];
	v10 =	vadd.f32 v62, v11;
	v59 =	vmul.f32 v25, v45;
	v61 =	vmul.f32 v29, v57  }
0x2cb: {  	v11 =	vadd.f32 v55, v18;
	v18 =	vld [tilespmem:s2+$0x15250];
	v62 =	vmul.f32 v31, v57;
	v55 =	vmul.f32 v50, v44  }
0x2cc: {  	v22 =	vadd.f32 v28, v22;
	v31 =	vld [tilespmem:s2+$0x15270];
	v50 =	vmul.f32 v26, v43;
	v28 =	vmul.f32 v58, v52  }
0x2cd: {  	v7 =	vadd.f32 v12, v7;
	v25 =	vld [tilespmem:s2+$0x15280];
	v52 =	vmul.f32 v19, v45;
	v58 =	vmul.f32 v23, v45  }
0x2ce: {  	v29 =	vld [tilespmem:s2+$0x15290];
	v45 =	vmul.f32 v30, v57;
	v9 =	vadd.f32 v63, v9;
	v17 =	vadd.f32 v59, v22  }
0x2cf: {  	v19 =	vld [tilespmem:s2+$0x15230];
	v63 =	vmul.f32 v48, v57;
	v4 =	vadd.f32 v61, v4;
	v3 =	vadd.f32 v62, v3  }
0x2d0: {  	v23 =	vld [tilespmem:s2+$0x15240];
	v48 =	vmul.f32 v47, v57;
	v0 =	vadd.f32 v21, v0;
	v10 =	vadd.f32 v55, v10  }
0x2d1: {  	v30 =	vld [tilespmem:s2+$0x152C0];
	v59 =	vmul.f32 v56, v44;
	v5 =	vadd.f32 v28, v5;
	v8 =	vadd.f32 v52, v8  }
0x2d2: {  	v22 =	vld [tilespmem:s2+$0x152D0];
	v12 =	vadd.f32 v58, v16;
	v16 =	vadd.f32 v60, v24;
	v52 =	vmul.f32 v51, v57  }
0x2d3: {  	v47 =	vld [tilespmem:s2+$0x152E0];
	v7 =	vadd.f32 v45, v7;
	v57 =	vmul.f32 v53, v44;
	v58 =	vmul.f32 v54, v44  }
0x2d4: {  	v21 =	vld [tilespmem:s2+$0x16200];
	v60 =	vperm.xlane v42, v37;
	v2 =	vadd.f32 v48, v2;
	v11 =	vadd.f32 v59, v11  }
0x2d5: {  	v62 =	vld [tilespmem:s2+$0x16210];
	v5 =	vadd.f32 v63, v5;
	v46 =	vmul.f32 v46, v44;
	v20 =	vmul.f32 v20, v44  }
0x2d6: {  	v56 =	vld [tilespmem:s2+$0x16260];
	v1 =	vadd.f32 v52, v1;
	v15 =	vmul.f32 v15, v60;
	v13 =	vmul.f32 v13, v60  }
0x2d7: {  	v28 =	vld [tilespmem:s2+$0x142E0];
	v9 =	vadd.f32 v57, v9;
	v14 =	vmul.f32 v14, v60;
	v52 =	vmul.f32 v18, v60  }
0x2d8: {  	v45 =	vld [tilespmem:s2+$0x152A0];
	v8 =	vadd.f32 v58, v8;
	v54 =	vmul.f32 v27, v60;
	v55 =	vmul.f32 v31, v60  }
0x2d9: {  	v53 =	vld [tilespmem:s2+$0x16250];
	v31 =	vmul.f32 v25, v43;
	v57 =	vperm.xlane v42, v38;
	v11 =	vadd.f32 v50, v11  }
0x2da: {  	v24 =	vld [tilespmem:s2+$0x17200];
	v19 =	vmul.f32 v19, v60;
	v12 =	vadd.f32 v46, v12;
	v17 =	vadd.f32 v20, v17  }
0x2db: {  	v59 =	vld [tilespmem:s2+$0x162A0];
	v51 =	vmul.f32 v23, v60;
	v4 =	vadd.f32 v15, v4;
	v3 =	vadd.f32 v13, v3  }
0x2dc: {  	v63 =	vld [tilespmem:s2+$0x16230];
	v58 =	vmul.f32 v30, v43;
	v5 =	vadd.f32 v14, v5;
	v6 =	vadd.f32 v52, v6  }
0x2dd: {  	v25 =	vld [tilespmem:s2+$0x17260];
	v30 =	vperm.xlane v42, v39;
	v1 =	vadd.f32 v54, v1;
	v0 =	vadd.f32 v55, v0  }
0x2de: {  	v20 =	vld [tilespmem:s2+$0x16220];
	v10 =	vadd.f32 v31, v10;
	v60 =	vmul.f32 v22, v43;
	v21 =	vmul.f32 v21, v57  }
0x2df: {  	v15 =	vld [tilespmem:s2+$0x16240];
	v62 =	vmul.f32 v62, v57;
	v61 =	vmul.f32 v28, v44;
	v7 =	vadd.f32 v19, v7  }
0x2e0: {  	v46 =	vld [tilespmem:s2+$0x16270];
	v2 =	vadd.f32 v51, v2;
	v44 =	vmul.f32 v29, v43;
	v48 =	vmul.f32 v45, v43  }
0x2e1: {  	v22 =	vld [tilespmem:s2+$0x162B0];
	v52 =	vmul.f32 v53, v57;
	v53 =	vmul.f32 v56, v57;
	v12 =	vadd.f32 v58, v12  }
0x2e2: {  	v31 =	vld [tilespmem:s2+$0x162C0];
	v19 =	vmul.f32 v49, v41;
	v14 =	vadd.f32 v60, v17;
	v4 =	vadd.f32 v21, v4  }
0x2e3: {  	v54 =	vld [tilespmem:s2+$0x17210];
	v3 =	vadd.f32 v62, v3;
	v59 =	vmul.f32 v59, v41;
	v16 =	vadd.f32 v61, v16  }
0x2e4: {  	v51 =	vld [tilespmem:s2+$0x16290];
	v62 =	vmul.f32 v24, v30;
	v9 =	vadd.f32 v44, v9;
	v8 =	vadd.f32 v48, v8  }
0x2e5: {  	v56 =	vld [tilespmem:s2+$0x17220];
	v61 =	vmul.f32 v47, v43;
	v63 =	vmul.f32 v63, v57;
	v6 =	vadd.f32 v52, v6  }
0x2e6: {  	v28 =	vld [tilespmem:s2+$0x162D0];
	v1 =	vadd.f32 v53, v1;
	v4 =	vadd.f32 v62, v4;
	v20 =	vmul.f32 v20, v57  }
0x2e7: {  	v58 =	vld [tilespmem:s2+$0x17230];
	v13 =	vadd.f32 v61, v16;
	v15 =	vmul.f32 v15, v57;
	v7 =	vadd.f32 v63, v7  }
0x2e8: {  	v60 =	vld [tilespmem:s2+$0x17240];
	v55 =	vmul.f32 v46, v57;
	v46 =	vadd.f32 v19, v10;
	v61 =	vmul.f32 v22, v41  }
0x2e9: {  	v63 =	vld [tilespmem:s2+$0x17250];
	v44 =	vadd.f32 v59, v8;
	v22 =	vmul.f32 v31, v41;
	v24 =	vmul.f32 v54, v30  }
0x2ea: {  	v21 =	vld [tilespmem:s2+$0x162E0];
	v57 =	vmul.f32 v51, v41;
	v26 =	vmul.f32 v56, v30;
	v5 =	vadd.f32 v20, v5  }
0x2eb: {  	v27 =	vld [tilespmem:s2+$0x17270];
	v28 =	vmul.f32 v28, v41;
	v2 =	vadd.f32 v15, v2;
	v48 =	vadd.f32 v55, v0  }
0x2ec: {  	v31 =	vld [tilespmem:s2+$0x17280];
	v45 =	vadd.f32 v61, v11;
	v3 =	vadd.f32 v24, v3;
	v29 =	vmul.f32 v58, v30  }
0x2ed: {  	[tilespmem:s2+$0x19200] =	vst v4;
	v51 =	vld [tilespmem:s2+$0x17290];
	v58 =	vmul.f32 v60, v30;
	v43 =	vadd.f32 v57, v9;
	v57 =	vadd.f32 v26, v5  }
0x2ee: {  	v50 =	vld [tilespmem:s2+$0x172A0];
	v47 =	vadd.f32 v22, v12;
	[tilespmem:s2+$0x19210] =	vst v3;
	v60 =	vadd.f32 v29, v7;
	v61 =	vmul.f32 v63, v30  }
0x2ef: {  	v52 =	vld [tilespmem:s2+$0x172B0];
	v59 =	vmul.f32 v21, v41;
	v62 =	vadd.f32 v58, v2;
	v63 =	vmul.f32 v25, v30;
	[tilespmem:s2+$0x19220] =	vst v57  }
0x2f0: {  	v41 =	vld [tilespmem:s2+$0x172C0];
	v42 =	vadd.f32 v28, v14;
	[tilespmem:s2+$0x19230] =	vst v60;
	v57 =	vmul.f32 v27, v30;
	v56 =	vadd.f32 v61, v6  }
0x2f1: {  	s10 =	simm.s32 $0x400;
	s0 =	simm.s32 $0x0;
	v53 =	vld [tilespmem:s2+$0x172D0];
	v49 =	vadd.f32 v59, v13;
	v55 =	vmul.f32 v31, v40;
	[tilespmem:s2+$0x19240] =	vst v62;
	v54 =	vadd.f32 v63, v1  }
.LBB2_7:
0x2f2: {  	s11 =	sshra.s32 s10, $0x2;
	s0 =	sadd.s32 $0x2, s0;
	[tilespmem:s2+$0x19250] =	vst v56;
	v0 =	vadd.f32 v57, v48;
	v1 =	vmul.f32 v51, v40;
	v2 =	vld [tilespmem:s2+$0x172E0]  }
0x2f3: {  	v3 =	vld [tilespmem:s11+$0x7280];
	p0 =	slt.u32 s0, $0x1E;
	[tilespmem:s2+$0x19260] =	vst v54;
	v4 =	vadd.f32 v55, v46;
	v5 =	vmul.f32 v50, v40  }
0x2f4: {  	v6 =	vld [tilespmem:s11+$0x102F0];
	[tilespmem:s2+$0x19270] =	vst v0;
	v0 =	vadd.f32 v1, v43;
	v1 =	vmul.f32 v52, v40  }
0x2f5: {  	v7 =	vld [tilespmem:s11+$0x112F0];
	[tilespmem:s2+$0x19280] =	vst v4;
	v4 =	vadd.f32 v5, v44;
	v5 =	vmul.f32 v41, v40  }
0x2f6: {  	v8 =	vld [tilespmem:s11+$0x7200];
	[tilespmem:s2+$0x19290] =	vst v0;
	v0 =	vadd.f32 v1, v45;
	v1 =	vmul.f32 v53, v40  }
0x2f7: {  	v9 =	vld [tilespmem:s11+$0x122F0];
	[tilespmem:s2+$0x192A0] =	vst v4;
	v4 =	vadd.f32 v5, v47;
	v2 =	vmul.f32 v2, v40  }
0x2f8: {  	v5 =	vld [tilespmem:s11+$0x10200];
	v53 =	vperm.xlane v3, v32;
	v52 =	vperm.xlane v3, v33;
	[tilespmem:s2+$0x192B0] =	vst v0;
	v0 =	vadd.f32 v1, v42  }
0x2f9: {  	v50 =	vperm.xlane v3, v34;
	v1 =	vld [tilespmem:s11+$0x132F0];
	[tilespmem:s2+$0x192C0] =	vst v4;
	v2 =	vadd.f32 v2, v49  }
0x2fa: {  	v4 =	vld [tilespmem:s11+$0x11200];
	v6 =	vmul.f32 v6, v53;
	v7 =	vmul.f32 v7, v52;
	[tilespmem:s2+$0x192D0] =	vst v0  }
0x2fb: {  	v0 =	vperm.xlane v8, v32;
	v10 =	vperm.xlane v8, v33;
	v11 =	vld [tilespmem:s11+$0x142F0];
	[tilespmem:s2+$0x192E0] =	vst v2;
	s2 =	smov.u32 s11  }
0x2fc: {  	v48 =	vperm.xlane v3, v35;
	v2 =	vld [tilespmem:s2+$0x10210];
	v6 =	vadd.f32 v7, v6;
	v7 =	vmul.f32 v9, v50  }
0x2fd: {  	v51 =	vperm.xlane v8, v34;
	v5 =	vmul.f32 v5, v0;
	v9 =	vld [tilespmem:s2+$0x152F0]  }
0x2fe: {  	v46 =	vperm.xlane v3, v36;
	v12 =	vld [tilespmem:s2+$0x11210];
	v6 =	vadd.f32 v7, v6;
	v1 =	vmul.f32 v1, v48  }
0x2ff: {  	v49 =	vperm.xlane v8, v35;
	v4 =	vmul.f32 v4, v10;
	v7 =	vld [tilespmem:s2+$0x162F0]  }
0x300: {  	v44 =	vperm.xlane v3, v37;
	v13 =	vld [tilespmem:s2+$0x10220];
	v1 =	vadd.f32 v1, v6;
	v6 =	vmul.f32 v11, v46  }
0x301: {  	v47 =	vperm.xlane v8, v36;
	v4 =	vadd.f32 v4, v5;
	v2 =	vmul.f32 v2, v0;
	v5 =	vld [tilespmem:s2+$0x172F0]  }
0x302: {  	v42 =	vperm.xlane v3, v38;
	v11 =	vld [tilespmem:s2+$0x11220];
	v1 =	vadd.f32 v6, v1;
	v6 =	vmul.f32 v9, v44  }
0x303: {  	v45 =	vperm.xlane v8, v37;
	v9 =	vmul.f32 v12, v10;
	v12 =	vld [tilespmem:s2+$0x10230]  }
0x304: {  	v40 =	vperm.xlane v3, v39;
	v14 =	vld [tilespmem:s2+$0x11230];
	v1 =	vadd.f32 v6, v1;
	v3 =	vmul.f32 v7, v42  }
0x305: {  	v43 =	vperm.xlane v8, v38;
	v2 =	vadd.f32 v9, v2;
	v6 =	vmul.f32 v13, v0;
	v7 =	vld [tilespmem:s2+$0x10240]  }
0x306: {  	v41 =	vperm.xlane v8, v39;
	v8 =	vld [tilespmem:s2+$0x11240];
	v1 =	vadd.f32 v3, v1;
	v3 =	vmul.f32 v5, v40  }
0x307: {  	v5 =	vmul.f32 v11, v10;
	v9 =	vld [tilespmem:s2+$0x10250]  }
0x308: {  	v11 =	vmul.f32 v12, v0;
	v12 =	vld [tilespmem:s2+$0x11250];
	v1 =	vadd.f32 v3, v1  }
0x309: {  	v3 =	vadd.f32 v5, v6;
	v5 =	vmul.f32 v14, v10;
	v6 =	vld [tilespmem:s2+$0x10260]  }
0x30a: {  	v7 =	vmul.f32 v7, v0;
	v13 =	vld [tilespmem:s2+$0x11260];
	[tilespmem:s2+$0x192F0] =	vst v1  }
0x30b: {  	v1 =	vadd.f32 v5, v11;
	v5 =	vmul.f32 v8, v10;
	v8 =	vld [tilespmem:s2+$0x10270]  }
0x30c: {  	v9 =	vmul.f32 v9, v0;
	v11 =	vld [tilespmem:s2+$0x11270]  }
0x30d: {  	v5 =	vadd.f32 v5, v7;
	v7 =	vmul.f32 v12, v10;
	v12 =	vld [tilespmem:s2+$0x10280]  }
0x30e: {  	v6 =	vmul.f32 v6, v0;
	v14 =	vld [tilespmem:s2+$0x11280]  }
0x30f: {  	v7 =	vadd.f32 v7, v9;
	v9 =	vmul.f32 v13, v10;
	v13 =	vld [tilespmem:s2+$0x10290]  }
0x310: {  	v0 =	vmul.f32 v8, v0;
	v8 =	vld [tilespmem:s2+$0x11290]  }
0x311: {  	v6 =	vadd.f32 v9, v6;
	v9 =	vmul.f32 v11, v10;
	v10 =	vld [tilespmem:s2+$0x102A0]  }
0x312: {  	v11 =	vmul.f32 v12, v53;
	v12 =	vld [tilespmem:s2+$0x112A0]  }
0x313: {  	v0 =	vadd.f32 v9, v0;
	v9 =	vmul.f32 v14, v52;
	v14 =	vld [tilespmem:s2+$0x102B0]  }
0x314: {  	v13 =	vmul.f32 v13, v53;
	v15 =	vld [tilespmem:s2+$0x112B0]  }
0x315: {  	v9 =	vadd.f32 v9, v11;
	v8 =	vmul.f32 v8, v52;
	v11 =	vld [tilespmem:s2+$0x102C0]  }
0x316: {  	v10 =	vmul.f32 v10, v53;
	v16 =	vld [tilespmem:s2+$0x112C0]  }
0x317: {  	v8 =	vadd.f32 v8, v13;
	v12 =	vmul.f32 v12, v52;
	v13 =	vld [tilespmem:s2+$0x102D0]  }
0x318: {  	v14 =	vmul.f32 v14, v53;
	v17 =	vld [tilespmem:s2+$0x112D0]  }
0x319: {  	v10 =	vadd.f32 v12, v10;
	v12 =	vmul.f32 v15, v52;
	v15 =	vld [tilespmem:s2+$0x102E0]  }
0x31a: {  	v11 =	vmul.f32 v11, v53;
	v18 =	vld [tilespmem:s2+$0x112E0]  }
0x31b: {  	v19 =	vld [tilespmem:s2+$0x12200];
	v12 =	vadd.f32 v12, v14;
	v14 =	vmul.f32 v16, v52  }
0x31c: {  	v16 =	vld [tilespmem:s2+$0x12210];
	v13 =	vmul.f32 v13, v53  }
0x31d: {  	v20 =	vld [tilespmem:s2+$0x12220];
	v11 =	vadd.f32 v14, v11;
	v14 =	vmul.f32 v17, v52  }
0x31e: {  	v17 =	vld [tilespmem:s2+$0x12230];
	v15 =	vmul.f32 v15, v53  }
0x31f: {  	v21 =	vld [tilespmem:s2+$0x12240];
	v13 =	vadd.f32 v14, v13;
	v14 =	vmul.f32 v18, v52  }
0x320: {  	v18 =	vmul.f32 v19, v51;
	v19 =	vld [tilespmem:s2+$0x12250]  }
0x321: {  	v16 =	vmul.f32 v16, v51;
	v22 =	vld [tilespmem:s2+$0x12260];
	v14 =	vadd.f32 v14, v15  }
0x322: {  	v4 =	vadd.f32 v18, v4;
	v15 =	vmul.f32 v20, v51;
	v18 =	vld [tilespmem:s2+$0x12270]  }
0x323: {  	v2 =	vadd.f32 v16, v2;
	v16 =	vmul.f32 v17, v51;
	v17 =	vld [tilespmem:s2+$0x12280]  }
0x324: {  	v3 =	vadd.f32 v15, v3;
	v15 =	vmul.f32 v21, v51;
	v20 =	vld [tilespmem:s2+$0x12290]  }
0x325: {  	v1 =	vadd.f32 v16, v1;
	v16 =	vmul.f32 v19, v51;
	v19 =	vld [tilespmem:s2+$0x122A0]  }
0x326: {  	v5 =	vadd.f32 v15, v5;
	v15 =	vmul.f32 v22, v51;
	v21 =	vld [tilespmem:s2+$0x122B0]  }
0x327: {  	v7 =	vadd.f32 v16, v7;
	v16 =	vmul.f32 v18, v51;
	v18 =	vld [tilespmem:s2+$0x122C0]  }
0x328: {  	v6 =	vadd.f32 v15, v6;
	v15 =	vmul.f32 v17, v50;
	v17 =	vld [tilespmem:s2+$0x122D0]  }
0x329: {  	v0 =	vadd.f32 v16, v0;
	v16 =	vmul.f32 v20, v50;
	v20 =	vld [tilespmem:s2+$0x122E0]  }
0x32a: {  	v22 =	vld [tilespmem:s2+$0x13200];
	v9 =	vadd.f32 v15, v9;
	v15 =	vmul.f32 v19, v50  }
0x32b: {  	v19 =	vld [tilespmem:s2+$0x13210];
	v8 =	vadd.f32 v16, v8;
	v16 =	vmul.f32 v21, v50  }
0x32c: {  	v21 =	vld [tilespmem:s2+$0x13220];
	v10 =	vadd.f32 v15, v10;
	v15 =	vmul.f32 v18, v50  }
0x32d: {  	v18 =	vld [tilespmem:s2+$0x13230];
	v12 =	vadd.f32 v16, v12;
	v16 =	vmul.f32 v17, v50  }
0x32e: {  	v17 =	vld [tilespmem:s2+$0x13240];
	v11 =	vadd.f32 v15, v11;
	v15 =	vmul.f32 v20, v50  }
0x32f: {  	v20 =	vmul.f32 v22, v49;
	v22 =	vld [tilespmem:s2+$0x13250];
	v13 =	vadd.f32 v16, v13  }
0x330: {  	v16 =	vmul.f32 v19, v49;
	v19 =	vld [tilespmem:s2+$0x13260];
	v14 =	vadd.f32 v15, v14  }
0x331: {  	v4 =	vadd.f32 v20, v4;
	v15 =	vmul.f32 v21, v49;
	v20 =	vld [tilespmem:s2+$0x13270]  }
0x332: {  	v2 =	vadd.f32 v16, v2;
	v16 =	vmul.f32 v18, v49;
	v18 =	vld [tilespmem:s2+$0x13280]  }
0x333: {  	v3 =	vadd.f32 v15, v3;
	v15 =	vmul.f32 v17, v49;
	v17 =	vld [tilespmem:s2+$0x13290]  }
0x334: {  	v1 =	vadd.f32 v16, v1;
	v16 =	vmul.f32 v22, v49;
	v21 =	vld [tilespmem:s2+$0x132A0]  }
0x335: {  	v5 =	vadd.f32 v15, v5;
	v15 =	vmul.f32 v19, v49;
	v19 =	vld [tilespmem:s2+$0x132B0]  }
0x336: {  	v7 =	vadd.f32 v16, v7;
	v16 =	vmul.f32 v20, v49;
	v20 =	vld [tilespmem:s2+$0x132C0]  }
0x337: {  	v6 =	vadd.f32 v15, v6;
	v15 =	vmul.f32 v18, v48;
	v18 =	vld [tilespmem:s2+$0x132D0]  }
0x338: {  	v0 =	vadd.f32 v16, v0;
	v16 =	vmul.f32 v17, v48;
	v17 =	vld [tilespmem:s2+$0x132E0]  }
0x339: {  	v22 =	vld [tilespmem:s2+$0x14200];
	v9 =	vadd.f32 v15, v9;
	v15 =	vmul.f32 v21, v48  }
0x33a: {  	v21 =	vld [tilespmem:s2+$0x14210];
	v8 =	vadd.f32 v16, v8;
	v16 =	vmul.f32 v19, v48  }
0x33b: {  	v19 =	vld [tilespmem:s2+$0x14220];
	v10 =	vadd.f32 v15, v10;
	v15 =	vmul.f32 v20, v48  }
0x33c: {  	v20 =	vld [tilespmem:s2+$0x14230];
	v12 =	vadd.f32 v16, v12;
	v16 =	vmul.f32 v18, v48  }
0x33d: {  	v18 =	vld [tilespmem:s2+$0x14240];
	v11 =	vadd.f32 v15, v11;
	v15 =	vmul.f32 v17, v48  }
0x33e: {  	v17 =	vmul.f32 v22, v47;
	v22 =	vld [tilespmem:s2+$0x14250];
	v13 =	vadd.f32 v16, v13  }
0x33f: {  	v16 =	vmul.f32 v21, v47;
	v21 =	vld [tilespmem:s2+$0x14260];
	v14 =	vadd.f32 v15, v14  }
0x340: {  	v4 =	vadd.f32 v17, v4;
	v15 =	vmul.f32 v19, v47;
	v17 =	vld [tilespmem:s2+$0x14270]  }
0x341: {  	v2 =	vadd.f32 v16, v2;
	v16 =	vmul.f32 v20, v47;
	v19 =	vld [tilespmem:s2+$0x14280]  }
0x342: {  	v3 =	vadd.f32 v15, v3;
	v15 =	vmul.f32 v18, v47;
	v18 =	vld [tilespmem:s2+$0x14290]  }
0x343: {  	v1 =	vadd.f32 v16, v1;
	v16 =	vmul.f32 v22, v47;
	v20 =	vld [tilespmem:s2+$0x142A0]  }
0x344: {  	v5 =	vadd.f32 v15, v5;
	v15 =	vmul.f32 v21, v47;
	v21 =	vld [tilespmem:s2+$0x142B0]  }
0x345: {  	v7 =	vadd.f32 v16, v7;
	v16 =	vmul.f32 v17, v47;
	v17 =	vld [tilespmem:s2+$0x142C0]  }
0x346: {  	v6 =	vadd.f32 v15, v6;
	v15 =	vmul.f32 v19, v46;
	v19 =	vld [tilespmem:s2+$0x142D0]  }
0x347: {  	v0 =	vadd.f32 v16, v0;
	v16 =	vmul.f32 v18, v46;
	v18 =	vld [tilespmem:s2+$0x142E0]  }
0x348: {  	v22 =	vld [tilespmem:s2+$0x15200];
	v9 =	vadd.f32 v15, v9;
	v15 =	vmul.f32 v20, v46  }
0x349: {  	v20 =	vld [tilespmem:s2+$0x15210];
	v8 =	vadd.f32 v16, v8;
	v16 =	vmul.f32 v21, v46  }
0x34a: {  	v21 =	vld [tilespmem:s2+$0x15220];
	v10 =	vadd.f32 v15, v10;
	v15 =	vmul.f32 v17, v46  }
0x34b: {  	v17 =	vld [tilespmem:s2+$0x15230];
	v12 =	vadd.f32 v16, v12;
	v16 =	vmul.f32 v19, v46  }
0x34c: {  	v19 =	vld [tilespmem:s2+$0x15240];
	v11 =	vadd.f32 v15, v11;
	v15 =	vmul.f32 v18, v46  }
0x34d: {  	v18 =	vmul.f32 v22, v45;
	v22 =	vld [tilespmem:s2+$0x15250];
	v13 =	vadd.f32 v16, v13  }
0x34e: {  	v16 =	vmul.f32 v20, v45;
	v20 =	vld [tilespmem:s2+$0x15260];
	v14 =	vadd.f32 v15, v14  }
0x34f: {  	v4 =	vadd.f32 v18, v4;
	v15 =	vmul.f32 v21, v45;
	v18 =	vld [tilespmem:s2+$0x15270]  }
0x350: {  	v2 =	vadd.f32 v16, v2;
	v16 =	vmul.f32 v17, v45;
	v17 =	vld [tilespmem:s2+$0x15280]  }
0x351: {  	v3 =	vadd.f32 v15, v3;
	v15 =	vmul.f32 v19, v45;
	v19 =	vld [tilespmem:s2+$0x15290]  }
0x352: {  	v1 =	vadd.f32 v16, v1;
	v16 =	vmul.f32 v22, v45;
	v21 =	vld [tilespmem:s2+$0x152A0]  }
0x353: {  	v5 =	vadd.f32 v15, v5;
	v15 =	vmul.f32 v20, v45;
	v20 =	vld [tilespmem:s2+$0x152B0]  }
0x354: {  	v7 =	vadd.f32 v16, v7;
	v16 =	vmul.f32 v18, v45;
	v18 =	vld [tilespmem:s2+$0x152C0]  }
0x355: {  	v6 =	vadd.f32 v15, v6;
	v15 =	vmul.f32 v17, v44;
	v17 =	vld [tilespmem:s2+$0x152D0]  }
0x356: {  	v0 =	vadd.f32 v16, v0;
	v16 =	vmul.f32 v19, v44;
	v19 =	vld [tilespmem:s2+$0x152E0]  }
0x357: {  	v22 =	vld [tilespmem:s2+$0x16200];
	v9 =	vadd.f32 v15, v9;
	v15 =	vmul.f32 v21, v44  }
0x358: {  	v21 =	vld [tilespmem:s2+$0x16210];
	v8 =	vadd.f32 v16, v8;
	v16 =	vmul.f32 v20, v44  }
0x359: {  	v20 =	vld [tilespmem:s2+$0x16220];
	v10 =	vadd.f32 v15, v10;
	v15 =	vmul.f32 v18, v44  }
0x35a: {  	v18 =	vld [tilespmem:s2+$0x16230];
	v12 =	vadd.f32 v16, v12;
	v16 =	vmul.f32 v17, v44  }
0x35b: {  	v17 =	vld [tilespmem:s2+$0x16240];
	v11 =	vadd.f32 v15, v11;
	v15 =	vmul.f32 v19, v44  }
0x35c: {  	v19 =	vmul.f32 v22, v43;
	v22 =	vld [tilespmem:s2+$0x16250];
	v13 =	vadd.f32 v16, v13  }
0x35d: {  	v16 =	vmul.f32 v21, v43;
	v21 =	vld [tilespmem:s2+$0x16260];
	v14 =	vadd.f32 v15, v14  }
0x35e: {  	v4 =	vadd.f32 v19, v4;
	v15 =	vmul.f32 v20, v43;
	v19 =	vld [tilespmem:s2+$0x16270]  }
0x35f: {  	v2 =	vadd.f32 v16, v2;
	v16 =	vmul.f32 v18, v43;
	v18 =	vld [tilespmem:s2+$0x16280]  }
0x360: {  	v3 =	vadd.f32 v15, v3;
	v15 =	vmul.f32 v17, v43;
	v17 =	vld [tilespmem:s2+$0x16290]  }
0x361: {  	v1 =	vadd.f32 v16, v1;
	v16 =	vmul.f32 v22, v43;
	v20 =	vld [tilespmem:s2+$0x162A0]  }
0x362: {  	v5 =	vadd.f32 v15, v5;
	v15 =	vmul.f32 v21, v43;
	v21 =	vld [tilespmem:s2+$0x162B0]  }
0x363: {  	v7 =	vadd.f32 v16, v7;
	v16 =	vmul.f32 v19, v43;
	v19 =	vld [tilespmem:s2+$0x162C0]  }
0x364: {  	v6 =	vadd.f32 v15, v6;
	v15 =	vmul.f32 v18, v42;
	v18 =	vld [tilespmem:s2+$0x162D0]  }
0x365: {  	v48 =	vadd.f32 v16, v0;
	v0 =	vmul.f32 v17, v42;
	v16 =	vld [tilespmem:s2+$0x162E0]  }
0x366: {  	v17 =	vld [tilespmem:s2+$0x17200];
	v46 =	vadd.f32 v15, v9;
	v9 =	vmul.f32 v20, v42  }
0x367: {  	v15 =	vld [tilespmem:s2+$0x17210];
	v43 =	vadd.f32 v0, v8;
	v0 =	vmul.f32 v21, v42  }
0x368: {  	v8 =	vld [tilespmem:s2+$0x17220];
	v44 =	vadd.f32 v9, v10;
	v9 =	vmul.f32 v19, v42  }
0x369: {  	v10 =	vld [tilespmem:s2+$0x17230];
	v45 =	vadd.f32 v0, v12;
	v0 =	vmul.f32 v18, v42  }
0x36a: {  	v12 =	vld [tilespmem:s2+$0x17240];
	v47 =	vadd.f32 v9, v11;
	v9 =	vmul.f32 v16, v42  }
0x36b: {  	v11 =	vmul.f32 v17, v41;
	v16 =	vld [tilespmem:s2+$0x17250];
	v42 =	vadd.f32 v0, v13  }
0x36c: {  	v0 =	vmul.f32 v15, v41;
	v13 =	vld [tilespmem:s2+$0x17260];
	v49 =	vadd.f32 v9, v14  }
0x36d: {  	v4 =	vadd.f32 v11, v4;
	v8 =	vmul.f32 v8, v41;
	v9 =	vld [tilespmem:s2+$0x17270]  }
0x36e: {  	v0 =	vadd.f32 v0, v2;
	v2 =	vmul.f32 v10, v41;
	v10 =	vld [tilespmem:s2+$0x17280]  }
.Ltmp2:
0x36f: {  	[tilespmem:s2+$0x19200] =	vst v4;
	v3 =	vadd.f32 v8, v3;
	v4 =	vmul.f32 v12, v41;
	v51 =	vld [tilespmem:s2+$0x17290];
	(pc) =	sbr.rel @p0 .LBB2_7-.Ltmp2, $4  }
0x370: {  	[tilespmem:s2+$0x19210] =	vst v0;
	v0 =	vadd.f32 v2, v1;
	v1 =	vmul.f32 v16, v41;
	v50 =	vld [tilespmem:s2+$0x172A0]  }
0x371: {  	[tilespmem:s2+$0x19220] =	vst v3;
	v2 =	vadd.f32 v4, v5;
	v3 =	vmul.f32 v13, v41;
	v52 =	vld [tilespmem:s2+$0x172B0]  }
0x372: {  	[tilespmem:s2+$0x19230] =	vst v0;
	v56 =	vadd.f32 v1, v7;
	v57 =	vmul.f32 v9, v41;
	v41 =	vld [tilespmem:s2+$0x172C0]  }
0x373: {  	s10 =	sadd.s32 $0x400, s10;
	[tilespmem:s2+$0x19240] =	vst v2;
	v54 =	vadd.f32 v3, v6;
	v55 =	vmul.f32 v10, v40;
	v53 =	vld [tilespmem:s2+$0x172D0]  }
0x374: {  	[tilespmem:s2+$0x19250] =	vst v56;
	v0 =	vadd.f32 v57, v48;
	v1 =	vmul.f32 v51, v40;
	v2 =	vld [tilespmem:s2+$0x172E0]  }
0x375: {  	[tilespmem:s2+$0x19260] =	vst v54;
	v3 =	vadd.f32 v55, v46;
	v4 =	vmul.f32 v50, v40  }
0x376: {  	[tilespmem:s2+$0x19270] =	vst v0;
	v55 =	vadd.f32 v1, v43;
	v56 =	vmul.f32 v52, v40  }
0x377: {  	[tilespmem:s2+$0x19280] =	vst v3;
	v57 =	vadd.f32 v4, v44;
	v58 =	vmul.f32 v41, v40  }
0x378: {  	s30 =	sadd.s32 $0x1, s30;
	[tilespmem:s2+$0x19290] =	vst v55;
	v59 =	vadd.f32 v56, v45;
	v60 =	vmul.f32 v53, v40  }
0x379: {  	p0 =	sne.s32 s30, $0x80;
	[tilespmem:s2+$0x192A0] =	vst v57;
	v61 =	vadd.f32 v58, v47;
	v2 =	vmul.f32 v2, v40  }
.Ltmp3:
0x37a: {  	[tilespmem:s2+$0x192B0] =	vst v59;
	v62 =	vadd.f32 v60, v42;
	(pc) =	sbr.rel @p0 .LBB2_2-.Ltmp3, $4  }
0x37b: {  	[tilespmem:s2+$0x192C0] =	vst v61;
	v63 =	vadd.f32 v2, v49  }
0x37c: {  	s0 =	sshll.u32 s31, $0x9;
	[tilespmem:s2+$0x192D0] =	vst v62  }
0x37d: {  	s0 =	sadd.s32 s0, s7;
	[tilespmem:s2+$0x192E0] =	vst v63  }
0x37e: {  	[hbm4b:s0+s3] =	stream.linear.scatter [tilespmem:s25], [sflag:$0x4], $0x1000, $0x38;
	[tilespmem:$0x1A200] =	vst v63  }
0x37f: {  	s29 =	sadd.s32 $0x1, s29  }
0x380: {  	_ =	swait.ge [sflag:s26], $0x1000;
	p0 =	sne.s32 s29, s8  }
.Ltmp4:
0x381: {  	[sflag:s26] =	ssyncset.done $0x0;
	(pc) =	sbr.rel @p0 .LBB2_1-.Ltmp4, $4  }
0x382: {  	[sflag:s26] =	ssyncadd.s32 $0xFFFFF000  }
0x383: {  	_ =	swait.ge [sflag:s28], $0x1000  }
0x384: {  	[sflag:s28] =	ssyncset.done $0x0  }
0x385: {  	[sflag:s28] =	ssyncadd.s32 $0xFFFFF000  }
0x386: {  	_ =	sfence.sel $0x180000  }
0x387: {  	[bflag:$0x0] =	sbarrier.arrive $0xFFFF  }
0x388: {  	_ =	strace $0x90000047  }
0x389: {  	s0 =	stileid.u32;
	[bflag:$0x2] =	sbarrier.arrive $0xFFFF  }
0x38a: {  	p0 =	sne.s32 s0, $0x0;
	s0 =	rddreg [dreg:$0x3]  }
0x38b: {  	s0 =	sadd.s32 @!p0 $0x100000, s0  }
0x38c: {  	[sflag:s0] =	ssyncadd.tile.s32 @!p0 $0x1;
	_ =	shalt  }
.Lfunc_end2:
_tile_overlayer_lowered:
.L_overlay_start_2:
0x38d: {  	(tag) =	ssettag $0x2  }
0x38e: {  	s0 =	rddreg [dreg:$0x0];
	s2 =	stileid.u32  }
0x38f: {  	s1 =	rddreg [dreg:$0x1];
	p0 =	sne.s32 s2, $0x0  }
0x390: {  	s3 =	rddreg [dreg:$0x2];
	[bflag:$0x3] =	sbarrier.arrive $0xFFFF;
	s2 =	simm.s32 @!p0 $0x1C05  }
0x391: {  	[timem:s3], [sflag:s2] =	dma.local @!p0 [hbm:s0], s1  }
0x392: {  	s0 =	simm.s32 @!p0 $0x5  }
0x393: {  	_ =	swait.ge @!p0 [sflag:s0], s1  }
0x394: {  	s1 =	ssub.s32 @!p0 $0x0, s1;
	[sflag:s0] =	ssyncset.done @!p0 $0x0  }
0x395: {  	[sflag:s0] =	ssyncadd.s32 @!p0 s1  }
0x396: {  	[bflag:$0x3] =	sbarrier.arrive $0xFFFF  }
0x397: {  	_ =	shalt  }

</sc_bundles>
